<compile_context>
chip_gen: v7x
topology: tpu7x:2x2x1
jax: 0.10.2.dev20260603
libtpu: 0.0.44.dev20260713+nightly
codegen_flags: <defaults>
</compile_context>

<pallas_src>
import functools

import jax
import jax.numpy as jnp
from jax import lax
from jax.experimental import pallas as pl
from jax.experimental.pallas import tpu as pltpu
from jax.experimental.pallas import tpu_sc as plsc

_NC = 2
_NS = 16
_NW = _NC * _NS
_LANES = 16
_NB = 3
_NO = 2
_NI = 6
_C = 40


@jax.jit
def _u_mul_e(h, src, affine):
    E, D = affine.shape
    N = h.shape[0]
    assert E % (_NW * _C) == 0
    ew = E // _NW
    n_chunks = ew // _C
    n_steady = (n_chunks - _NI) // _NI
    n_tail = n_chunks - _NI * (1 + n_steady)
    vregs_per_row = D // _LANES

    mesh = plsc.VectorSubcoreMesh(core_axis_name="c", subcore_axis_name="s")

    scratch = (
        [pltpu.VMEM_SHARED((N, D), jnp.float32)]
        + [pltpu.VMEM((ew,), jnp.int32)]
        + [pltpu.VMEM((_C, D), jnp.float32) for _ in range(_NB)]
        + [pltpu.VMEM((_C, D), jnp.float32) for _ in range(_NB)]
        + [pltpu.VMEM((_C, D), jnp.float32) for _ in range(_NO)]
        + [pltpu.SemaphoreType.DMA for _ in range(2 * _NB + _NO)]
    )

    @functools.partial(
        pl.kernel,
        mesh=mesh,
        out_type=jax.ShapeDtypeStruct((E, D), jnp.float32),
        scratch_types=scratch,
    )
    def run(h_hbm, src_hbm, aff_hbm, out_hbm, h_sh, idx_v, *rest):
        pos = 0
        rows = rest[pos:pos + _NB]; pos += _NB
        aff = rest[pos:pos + _NB]; pos += _NB
        outb = rest[pos:pos + _NO]; pos += _NO
        gsem = rest[pos:pos + _NB]; pos += _NB
        asem = rest[pos:pos + _NB]; pos += _NB
        ssem = rest[pos:pos + _NO]; pos += _NO

        sid = lax.axis_index("s")
        wid = sid * _NC + lax.axis_index("c")
        base_w = wid * ew

        rpt = (N // _NS) // 8 * 8
        last = N - rpt * (_NS - 1)

        @pl.when(sid < _NS - 1)
        def _():
            pltpu.sync_copy(h_hbm.at[pl.ds(sid * rpt, rpt)],
                            h_sh.at[pl.ds(sid * rpt, rpt)])

        @pl.when(sid == _NS - 1)
        def _():
            pltpu.sync_copy(h_hbm.at[pl.ds((_NS - 1) * rpt, last)],
                            h_sh.at[pl.ds((_NS - 1) * rpt, last)])

        pltpu.sync_copy(src_hbm.at[pl.ds(base_w, ew)], idx_v)
        plsc.subcore_barrier()

        def issue_loads(i, b):
            pltpu.async_copy(
                h_sh.at[idx_v.at[pl.ds(i * _C, _C)]], rows[b], gsem[b])
            pltpu.async_copy(
                aff_hbm.at[pl.ds(base_w + i * _C, _C)], aff[b], asem[b])

        def wait_loads(b):
            pltpu.make_async_copy(
                aff_hbm.at[pl.ds(0, _C)], rows[b], gsem[b]).wait()
            pltpu.make_async_copy(
                aff_hbm.at[pl.ds(0, _C)], aff[b], asem[b]).wait()

        def issue_store(i, o):
            pltpu.async_copy(
                outb[o], out_hbm.at[pl.ds(base_w + i * _C, _C)], ssem[o])

        def wait_store(o):
            pltpu.make_async_copy(
                outb[o], out_hbm.at[pl.ds(0, _C)], ssem[o]).wait()

        def compute(b, o):
            def row(r, rc):
                for v in range(vregs_per_row):
                    sl = pl.ds(v * _LANES, _LANES)
                    outb[o][r, sl] = rows[b][r, sl] * aff[b][r, sl]
                return rc

            lax.fori_loop(0, _C, row, 0)

        def body(i, k, store_wait, la2):
            b = k % _NB
            o = k % _NO
            if la2:
                issue_loads(i + 2, (k + 2) % _NB)
            wait_loads(b)
            if store_wait:
                wait_store(o)
            compute(b, o)
            issue_store(i, o)

        for j in range(2):
            issue_loads(j, j)

        for k in range(_NI):
            body(k, k, store_wait=(k >= _NO), la2=True)

        def group(g, carry):
            i0 = g * _NI
            for k in range(_NI):
                body(i0 + k, k, store_wait=True, la2=True)
            return carry

        lax.fori_loop(1, 1 + n_steady, group, 0)

        i0 = (1 + n_steady) * _NI
        for t in range(n_tail):
            i = i0 + t
            body(i, t, store_wait=True, la2=(i + 2 < n_chunks))

        for i in range(n_chunks - _NO, n_chunks):
            wait_store(i % _NO)

    return run(h, src, affine)


def kernel(h, affine, edge_index):
    return _u_mul_e(h, edge_index[0], affine)

# --- scband reference (transcript-rebuilt; emitter-appended) ---
"""Pipeline reference for scband-u-mul-e-ele-79388175499438 (READ-ONLY COPY).

The authoritative reference and input builder live on the scoring server;
editing this copy changes nothing except your own understanding.
"""

import jax, jax.numpy as jnp
import numpy as np

N_NODES = 10000
N_EDGES = 320000
D_FEAT = 128


def setup_inputs(seed: int = 0) -> dict:
    key = jax.random.key(seed)
    k1, k2, k3 = jax.random.split(key, 3)
    h = jax.random.normal(k1, (N_NODES, D_FEAT), dtype=jnp.float32)
    affine = jax.random.normal(k2, (N_EDGES, D_FEAT), dtype=jnp.float32)
    edge_index = jax.random.randint(k3, (2, N_EDGES), 0, N_NODES, dtype=jnp.int32)
    return {"h": h, "affine": affine, "edge_index": edge_index}


def reference(h, affine, edge_index):
    # DGL edge function: m = edges.src['h'] * edges.data['affine']
    # edges.src['h'] is a gather of source-node features along edge_index[0].
    src_h = jnp.take(h, edge_index[0], axis=0)  # [E, d]
    m = src_h * affine  # elementwise multiply with per-edge data
    return m

if __name__ == "__main__":
    import jax
    _d = setup_inputs()
    print(jax.jit(kernel)(*tuple(_d.values())))

</pallas_src>

<mosaic_0001>
#map = affine_map<(d0, d1) -> (0, 0)>
#map1 = affine_map<(d0, d1) -> (0)>
module attributes {stable_mosaic.version = 14 : i64} {
  func.func @run(%arg0: i32, %arg1: i32, %arg2: memref<10000x128xf32, #tpu.memory_space<hbm>>, %arg3: memref<320000xi32, #tpu.memory_space<hbm>>, %arg4: memref<320000x128xf32, #tpu.memory_space<hbm>>, %arg5: memref<320000x128xf32, #tpu.memory_space<hbm>>, %arg6: memref<10000x128xf32, #tpu.memory_space<vmem_shared>>, %arg7: memref<10000xi32, #tpu.memory_space<vmem>>, %arg8: memref<40x128xf32, #tpu.memory_space<vmem>>, %arg9: memref<40x128xf32, #tpu.memory_space<vmem>>, %arg10: memref<40x128xf32, #tpu.memory_space<vmem>>, %arg11: memref<40x128xf32, #tpu.memory_space<vmem>>, %arg12: memref<40x128xf32, #tpu.memory_space<vmem>>, %arg13: memref<40x128xf32, #tpu.memory_space<vmem>>, %arg14: memref<40x128xf32, #tpu.memory_space<vmem>>, %arg15: memref<40x128xf32, #tpu.memory_space<vmem>>, %arg16: memref<!tpu.dma_semaphore, #tpu.memory_space<semaphore_mem>>, %arg17: memref<!tpu.dma_semaphore, #tpu.memory_space<semaphore_mem>>, %arg18: memref<!tpu.dma_semaphore, #tpu.memory_space<semaphore_mem>>, %arg19: memref<!tpu.dma_semaphore, #tpu.memory_space<semaphore_mem>>, %arg20: memref<!tpu.dma_semaphore, #tpu.memory_space<semaphore_mem>>, %arg21: memref<!tpu.dma_semaphore, #tpu.memory_space<semaphore_mem>>, %arg22: memref<!tpu.dma_semaphore, #tpu.memory_space<semaphore_mem>>, %arg23: memref<!tpu.dma_semaphore, #tpu.memory_space<semaphore_mem>>) attributes {dimension_semantics = [#tpu.dimension_semantics<core_parallel>, #tpu.dimension_semantics<subcore_parallel>], iteration_bounds = array<i64: 2, 16>, scalar_prefetch = 0 : i64, scratch_operands = 18 : i64, tpu.core_type = #tpu.core_type<sc_vector_subcore>, window_params = [{transform_indices = #map}, {transform_indices = #map1}, {transform_indices = #map}, {transform_indices = #map}]} {
    %mul3A = arith.constant 2 : i32
    %mul3A_0 = arith.muli %arg1, %mul3A : i32
    %add3A = arith.addi %mul3A_0, %arg0 : i32
    %mul3A_1 = arith.constant 10000 : i32
    %mul3A_2 = arith.muli %add3A, %mul3A_1 : i32
    %lt3A = arith.constant 15 : i32
    %lt3A_3 = arith.cmpi slt, %arg1, %lt3A : i32
    %convert_element_type3A = arith.extui %lt3A_3 : i1 to i32
    %cond3A = arith.constant 0 : i32
    %cond3A_4 = arith.cmpi ne, %convert_element_type3A, %cond3A : i32
    scf.if %cond3A_4 {
      %mul3A_422 = arith.constant 624 : i32
      %mul3A_423 = arith.muli %arg1, %mul3A_422 : i32
      %mul3A_424 = arith.constant 624 : i32
      %mul3A_425 = arith.muli %arg1, %mul3A_424 : i32
      "tpu.region"() ({
        %run_scoped3A = tpu.sem_alloc : memref<!tpu.dma_semaphore, #tpu.memory_space<semaphore_mem>>
        %dma_start3A_426 = arith.constant 0 : i32
        %dma_start3A_427 = tpu.memref_slice %arg6[%mul3A_425, %dma_start3A_426] : memref<10000x128xf32, #tpu.memory_space<vmem_shared>> -> memref<624x128xf32, #tpu.memory_space<vmem_shared>>
        %dma_start3A_428 = arith.constant 0 : i32
        %dma_start3A_429 = tpu.memref_slice %arg2[%mul3A_423, %dma_start3A_428] : memref<10000x128xf32, #tpu.memory_space<hbm>> -> memref<624x128xf32, #tpu.memory_space<hbm>>
        tpu.enqueue_dma source(%dma_start3A_429 : memref<624x128xf32, #tpu.memory_space<hbm>>) target(%dma_start3A_427 : memref<624x128xf32, #tpu.memory_space<vmem_shared>>) target_semaphore(%run_scoped3A : memref<!tpu.dma_semaphore, #tpu.memory_space<semaphore_mem>>)
        %dma_wait3A_430 = arith.constant 0 : i32
        %dma_wait3A_431 = tpu.memref_slice %arg6[%mul3A_425, %dma_wait3A_430] : memref<10000x128xf32, #tpu.memory_space<vmem_shared>> -> memref<624x128xf32, #tpu.memory_space<vmem_shared>>
        %dma_wait3A_432 = arith.constant 0 : i32
        %dma_wait3A_433 = tpu.memref_slice %arg2[%mul3A_423, %dma_wait3A_432] : memref<10000x128xf32, #tpu.memory_space<hbm>> -> memref<624x128xf32, #tpu.memory_space<hbm>>
        tpu.wait_dma2 semaphore(%run_scoped3A : memref<!tpu.dma_semaphore, #tpu.memory_space<semaphore_mem>>) src(%dma_wait3A_433 : memref<624x128xf32, #tpu.memory_space<hbm>>) dst(%dma_wait3A_431 : memref<624x128xf32, #tpu.memory_space<vmem_shared>>)
        tpu.yield
      }) : () -> ()
    } else {
    }
    %eq3A = arith.constant 15 : i32
    %eq3A_5 = arith.cmpi eq, %arg1, %eq3A : i32
    %convert_element_type3A_6 = arith.extui %eq3A_5 : i1 to i32
    %cond3A_7 = arith.constant 0 : i32
    %cond3A_8 = arith.cmpi ne, %convert_element_type3A_6, %cond3A_7 : i32
    scf.if %cond3A_8 {
      "tpu.region"() ({
        %run_scoped3A = tpu.sem_alloc : memref<!tpu.dma_semaphore, #tpu.memory_space<semaphore_mem>>
        %dma_start3A_422 = arith.constant 9360 : i32
        %dma_start3A_423 = arith.constant 0 : i32
        %dma_start3A_424 = tpu.memref_slice %arg6[%dma_start3A_422, %dma_start3A_423] : memref<10000x128xf32, #tpu.memory_space<vmem_shared>> -> memref<640x128xf32, #tpu.memory_space<vmem_shared>>
        %dma_start3A_425 = arith.constant 9360 : i32
        %dma_start3A_426 = arith.constant 0 : i32
        %dma_start3A_427 = tpu.memref_slice %arg2[%dma_start3A_425, %dma_start3A_426] : memref<10000x128xf32, #tpu.memory_space<hbm>> -> memref<640x128xf32, #tpu.memory_space<hbm>>
        tpu.enqueue_dma source(%dma_start3A_427 : memref<640x128xf32, #tpu.memory_space<hbm>>) target(%dma_start3A_424 : memref<640x128xf32, #tpu.memory_space<vmem_shared>>) target_semaphore(%run_scoped3A : memref<!tpu.dma_semaphore, #tpu.memory_space<semaphore_mem>>)
        %dma_wait3A_428 = arith.constant 9360 : i32
        %dma_wait3A_429 = arith.constant 0 : i32
        %dma_wait3A_430 = tpu.memref_slice %arg6[%dma_wait3A_428, %dma_wait3A_429] : memref<10000x128xf32, #tpu.memory_space<vmem_shared>> -> memref<640x128xf32, #tpu.memory_space<vmem_shared>>
        %dma_wait3A_431 = arith.constant 9360 : i32
        %dma_wait3A_432 = arith.constant 0 : i32
        %dma_wait3A_433 = tpu.memref_slice %arg2[%dma_wait3A_431, %dma_wait3A_432] : memref<10000x128xf32, #tpu.memory_space<hbm>> -> memref<640x128xf32, #tpu.memory_space<hbm>>
        tpu.wait_dma2 semaphore(%run_scoped3A : memref<!tpu.dma_semaphore, #tpu.memory_space<semaphore_mem>>) src(%dma_wait3A_433 : memref<640x128xf32, #tpu.memory_space<hbm>>) dst(%dma_wait3A_430 : memref<640x128xf32, #tpu.memory_space<vmem_shared>>)
        tpu.yield
      }) : () -> ()
    } else {
    }
    "tpu.region"() ({
      %run_scoped3A = tpu.sem_alloc : memref<!tpu.dma_semaphore, #tpu.memory_space<semaphore_mem>>
      %dma_start3A_422 = tpu.memref_slice %arg3[%mul3A_2] : memref<320000xi32, #tpu.memory_space<hbm>> -> memref<10000xi32, #tpu.memory_space<hbm>>
      %dma_start3A_423 = tpu.memref_slice %arg3[%mul3A_2] : memref<320000xi32, #tpu.memory_space<hbm>> -> memref<10000xi32, #tpu.memory_space<hbm>>
      tpu.enqueue_dma source(%dma_start3A_423 : memref<10000xi32, #tpu.memory_space<hbm>>) target(%arg7 : memref<10000xi32, #tpu.memory_space<vmem>>) target_semaphore(%run_scoped3A : memref<!tpu.dma_semaphore, #tpu.memory_space<semaphore_mem>>)
      %dma_wait3A_424 = tpu.memref_slice %arg3[%mul3A_2] : memref<320000xi32, #tpu.memory_space<hbm>> -> memref<10000xi32, #tpu.memory_space<hbm>>
      %dma_wait3A_425 = tpu.memref_slice %arg3[%mul3A_2] : memref<320000xi32, #tpu.memory_space<hbm>> -> memref<10000xi32, #tpu.memory_space<hbm>>
      tpu.wait_dma2 semaphore(%run_scoped3A : memref<!tpu.dma_semaphore, #tpu.memory_space<semaphore_mem>>) src(%dma_wait3A_425 : memref<10000xi32, #tpu.memory_space<hbm>>) dst(%arg7 : memref<10000xi32, #tpu.memory_space<vmem>>)
      tpu.yield
    }) : () -> ()
    %barrier3A = arith.constant 0 : index
    tpu.barrier barrier_id(%barrier3A)
    %dma_start3A = arith.constant 0 : i32
    %dma_start3A_9 = tpu.memref_slice %arg7[%dma_start3A] : memref<10000xi32, #tpu.memory_space<vmem>> -> memref<40xi32, #tpu.memory_space<vmem>>
    %dma_start3A_10 = arith.constant 0 : i32
    %dma_start3A_11 = arith.constant 0 : i32
    %dma_start3A_12 = tpu.memref_slice %arg6[%dma_start3A_10, %dma_start3A_11] : memref<10000x128xf32, #tpu.memory_space<vmem_shared>> -> memref<10000x128xf32, #tpu.memory_space<vmem_shared>>
    tpu.enqueue_indirect_dma source(%dma_start3A_12 : memref<10000x128xf32, #tpu.memory_space<vmem_shared>>) target(%arg8 : memref<40x128xf32, #tpu.memory_space<vmem>>) offsets(%dma_start3A_9 : memref<40xi32, #tpu.memory_space<vmem>>) semaphore(%arg16 : memref<!tpu.dma_semaphore, #tpu.memory_space<semaphore_mem>>)
    %add3A_13 = arith.constant 0 : i32
    %add3A_14 = arith.addi %mul3A_2, %add3A_13 : i32
    %dma_start3A_15 = arith.constant 0 : i32
    %dma_start3A_16 = tpu.memref_slice %arg4[%add3A_14, %dma_start3A_15] : memref<320000x128xf32, #tpu.memory_space<hbm>> -> memref<40x128xf32, #tpu.memory_space<hbm>>
    %dma_start3A_17 = arith.constant 0 : i32
    %dma_start3A_18 = tpu.memref_slice %arg4[%add3A_14, %dma_start3A_17] : memref<320000x128xf32, #tpu.memory_space<hbm>> -> memref<40x128xf32, #tpu.memory_space<hbm>>
    tpu.enqueue_dma source(%dma_start3A_18 : memref<40x128xf32, #tpu.memory_space<hbm>>) target(%arg11 : memref<40x128xf32, #tpu.memory_space<vmem>>) target_semaphore(%arg19 : memref<!tpu.dma_semaphore, #tpu.memory_space<semaphore_mem>>)
    %dma_start3A_19 = arith.constant 40 : i32
    %dma_start3A_20 = tpu.memref_slice %arg7[%dma_start3A_19] : memref<10000xi32, #tpu.memory_space<vmem>> -> memref<40xi32, #tpu.memory_space<vmem>>
    %dma_start3A_21 = arith.constant 0 : i32
    %dma_start3A_22 = arith.constant 0 : i32
    %dma_start3A_23 = tpu.memref_slice %arg6[%dma_start3A_21, %dma_start3A_22] : memref<10000x128xf32, #tpu.memory_space<vmem_shared>> -> memref<10000x128xf32, #tpu.memory_space<vmem_shared>>
    tpu.enqueue_indirect_dma source(%dma_start3A_23 : memref<10000x128xf32, #tpu.memory_space<vmem_shared>>) target(%arg9 : memref<40x128xf32, #tpu.memory_space<vmem>>) offsets(%dma_start3A_20 : memref<40xi32, #tpu.memory_space<vmem>>) semaphore(%arg17 : memref<!tpu.dma_semaphore, #tpu.memory_space<semaphore_mem>>)
    %add3A_24 = arith.constant 40 : i32
    %add3A_25 = arith.addi %mul3A_2, %add3A_24 : i32
    %dma_start3A_26 = arith.constant 0 : i32
    %dma_start3A_27 = tpu.memref_slice %arg4[%add3A_25, %dma_start3A_26] : memref<320000x128xf32, #tpu.memory_space<hbm>> -> memref<40x128xf32, #tpu.memory_space<hbm>>
    %dma_start3A_28 = arith.constant 0 : i32
    %dma_start3A_29 = tpu.memref_slice %arg4[%add3A_25, %dma_start3A_28] : memref<320000x128xf32, #tpu.memory_space<hbm>> -> memref<40x128xf32, #tpu.memory_space<hbm>>
    tpu.enqueue_dma source(%dma_start3A_29 : memref<40x128xf32, #tpu.memory_space<hbm>>) target(%arg12 : memref<40x128xf32, #tpu.memory_space<vmem>>) target_semaphore(%arg20 : memref<!tpu.dma_semaphore, #tpu.memory_space<semaphore_mem>>)
    %dma_start3A_30 = arith.constant 80 : i32
    %dma_start3A_31 = tpu.memref_slice %arg7[%dma_start3A_30] : memref<10000xi32, #tpu.memory_space<vmem>> -> memref<40xi32, #tpu.memory_space<vmem>>
    %dma_start3A_32 = arith.constant 0 : i32
    %dma_start3A_33 = arith.constant 0 : i32
    %dma_start3A_34 = tpu.memref_slice %arg6[%dma_start3A_32, %dma_start3A_33] : memref<10000x128xf32, #tpu.memory_space<vmem_shared>> -> memref<10000x128xf32, #tpu.memory_space<vmem_shared>>
    tpu.enqueue_indirect_dma source(%dma_start3A_34 : memref<10000x128xf32, #tpu.memory_space<vmem_shared>>) target(%arg10 : memref<40x128xf32, #tpu.memory_space<vmem>>) offsets(%dma_start3A_31 : memref<40xi32, #tpu.memory_space<vmem>>) semaphore(%arg18 : memref<!tpu.dma_semaphore, #tpu.memory_space<semaphore_mem>>)
    %add3A_35 = arith.constant 80 : i32
    %add3A_36 = arith.addi %mul3A_2, %add3A_35 : i32
    %dma_start3A_37 = arith.constant 0 : i32
    %dma_start3A_38 = tpu.memref_slice %arg4[%add3A_36, %dma_start3A_37] : memref<320000x128xf32, #tpu.memory_space<hbm>> -> memref<40x128xf32, #tpu.memory_space<hbm>>
    %dma_start3A_39 = arith.constant 0 : i32
    %dma_start3A_40 = tpu.memref_slice %arg4[%add3A_36, %dma_start3A_39] : memref<320000x128xf32, #tpu.memory_space<hbm>> -> memref<40x128xf32, #tpu.memory_space<hbm>>
    tpu.enqueue_dma source(%dma_start3A_40 : memref<40x128xf32, #tpu.memory_space<hbm>>) target(%arg13 : memref<40x128xf32, #tpu.memory_space<vmem>>) target_semaphore(%arg21 : memref<!tpu.dma_semaphore, #tpu.memory_space<semaphore_mem>>)
    %dma_wait3A = arith.constant 0 : i32
    %dma_wait3A_41 = arith.constant 0 : i32
    %dma_wait3A_42 = tpu.memref_slice %arg4[%dma_wait3A, %dma_wait3A_41] : memref<320000x128xf32, #tpu.memory_space<hbm>> -> memref<40x128xf32, #tpu.memory_space<hbm>>
    %dma_wait3A_43 = arith.constant 0 : i32
    %dma_wait3A_44 = arith.constant 0 : i32
    %dma_wait3A_45 = tpu.memref_slice %arg4[%dma_wait3A_43, %dma_wait3A_44] : memref<320000x128xf32, #tpu.memory_space<hbm>> -> memref<40x128xf32, #tpu.memory_space<hbm>>
    tpu.wait_dma2 semaphore(%arg16 : memref<!tpu.dma_semaphore, #tpu.memory_space<semaphore_mem>>) src(%dma_wait3A_45 : memref<40x128xf32, #tpu.memory_space<hbm>>) dst(%arg8 : memref<40x128xf32, #tpu.memory_space<vmem>>)
    %dma_wait3A_46 = arith.constant 0 : i32
    %dma_wait3A_47 = arith.constant 0 : i32
    %dma_wait3A_48 = tpu.memref_slice %arg4[%dma_wait3A_46, %dma_wait3A_47] : memref<320000x128xf32, #tpu.memory_space<hbm>> -> memref<40x128xf32, #tpu.memory_space<hbm>>
    %dma_wait3A_49 = arith.constant 0 : i32
    %dma_wait3A_50 = arith.constant 0 : i32
    %dma_wait3A_51 = tpu.memref_slice %arg4[%dma_wait3A_49, %dma_wait3A_50] : memref<320000x128xf32, #tpu.memory_space<hbm>> -> memref<40x128xf32, #tpu.memory_space<hbm>>
    tpu.wait_dma2 semaphore(%arg19 : memref<!tpu.dma_semaphore, #tpu.memory_space<semaphore_mem>>) src(%dma_wait3A_51 : memref<40x128xf32, #tpu.memory_space<hbm>>) dst(%arg11 : memref<40x128xf32, #tpu.memory_space<vmem>>)
    %scan3A = arith.constant 0 : i32
    %scan3A_52 = arith.constant 0 : i32
    %scan3A_53 = arith.constant 40 : i32
    %scan3A_54 = arith.addi %scan3A_52, %scan3A_53 : i32
    %scan3A_55 = arith.constant 1 : i32
    scf.for %scan3A_422 = %scan3A_52 to %scan3A_54 step %scan3A_55  : i32 {
      %get3A = arith.index_cast %scan3A_422 : i32 to index
      %get3A_423 = arith.constant 0 : index
      %get3A_424 = tpu.vector_load %arg8[%get3A, %get3A_423] {strides = array<i32>} : memref<40x128xf32, #tpu.memory_space<vmem>>, vector<1x16xf32>,
      %get3A_425 = vector.shape_cast %get3A_424 : vector<1x16xf32> to vector<16xf32>
      %get3A_426 = arith.index_cast %scan3A_422 : i32 to index
      %get3A_427 = arith.constant 0 : index
      %get3A_428 = tpu.vector_load %arg11[%get3A_426, %get3A_427] {strides = array<i32>} : memref<40x128xf32, #tpu.memory_space<vmem>>, vector<1x16xf32>,
      %get3A_429 = vector.shape_cast %get3A_428 : vector<1x16xf32> to vector<16xf32>
      %mul3A_430 = arith.mulf %get3A_425, %get3A_429 : vector<16xf32>
      %swap3A = arith.index_cast %scan3A_422 : i32 to index
      %swap3A_431 = arith.constant 0 : index
      %swap3A_432 = tpu.vector_load %arg14[%swap3A, %swap3A_431] {strides = array<i32>} : memref<40x128xf32, #tpu.memory_space<vmem>>, vector<1x16xf32>,
      %swap3A_433 = vector.shape_cast %swap3A_432 : vector<1x16xf32> to vector<16xf32>
      %swap3A_434 = vector.shape_cast %mul3A_430 : vector<16xf32> to vector<1x16xf32>
      tpu.vector_store %arg14[%swap3A, %swap3A_431], %swap3A_434 {strides = array<i32>} : memref<40x128xf32, #tpu.memory_space<vmem>>, vector<1x16xf32>,
      %get3A_435 = arith.index_cast %scan3A_422 : i32 to index
      %get3A_436 = arith.constant 16 : index
      %get3A_437 = tpu.vector_load %arg8[%get3A_435, %get3A_436] {strides = array<i32>} : memref<40x128xf32, #tpu.memory_space<vmem>>, vector<1x16xf32>,
      %get3A_438 = vector.shape_cast %get3A_437 : vector<1x16xf32> to vector<16xf32>
      %get3A_439 = arith.index_cast %scan3A_422 : i32 to index
      %get3A_440 = arith.constant 16 : index
      %get3A_441 = tpu.vector_load %arg11[%get3A_439, %get3A_440] {strides = array<i32>} : memref<40x128xf32, #tpu.memory_space<vmem>>, vector<1x16xf32>,
      %get3A_442 = vector.shape_cast %get3A_441 : vector<1x16xf32> to vector<16xf32>
      %mul3A_443 = arith.mulf %get3A_438, %get3A_442 : vector<16xf32>
      %swap3A_444 = arith.index_cast %scan3A_422 : i32 to index
      %swap3A_445 = arith.constant 16 : index
      %swap3A_446 = tpu.vector_load %arg14[%swap3A_444, %swap3A_445] {strides = array<i32>} : memref<40x128xf32, #tpu.memory_space<vmem>>, vector<1x16xf32>,
      %swap3A_447 = vector.shape_cast %swap3A_446 : vector<1x16xf32> to vector<16xf32>
      %swap3A_448 = vector.shape_cast %mul3A_443 : vector<16xf32> to vector<1x16xf32>
      tpu.vector_store %arg14[%swap3A_444, %swap3A_445], %swap3A_448 {strides = array<i32>} : memref<40x128xf32, #tpu.memory_space<vmem>>, vector<1x16xf32>,
      %get3A_449 = arith.index_cast %scan3A_422 : i32 to index
      %get3A_450 = arith.constant 32 : index
      %get3A_451 = tpu.vector_load %arg8[%get3A_449, %get3A_450] {strides = array<i32>} : memref<40x128xf32, #tpu.memory_space<vmem>>, vector<1x16xf32>,
      %get3A_452 = vector.shape_cast %get3A_451 : vector<1x16xf32> to vector<16xf32>
      %get3A_453 = arith.index_cast %scan3A_422 : i32 to index
      %get3A_454 = arith.constant 32 : index
      %get3A_455 = tpu.vector_load %arg11[%get3A_453, %get3A_454] {strides = array<i32>} : memref<40x128xf32, #tpu.memory_space<vmem>>, vector<1x16xf32>,
      %get3A_456 = vector.shape_cast %get3A_455 : vector<1x16xf32> to vector<16xf32>
      %mul3A_457 = arith.mulf %get3A_452, %get3A_456 : vector<16xf32>
      %swap3A_458 = arith.index_cast %scan3A_422 : i32 to index
      %swap3A_459 = arith.constant 32 : index
      %swap3A_460 = tpu.vector_load %arg14[%swap3A_458, %swap3A_459] {strides = array<i32>} : memref<40x128xf32, #tpu.memory_space<vmem>>, vector<1x16xf32>,
      %swap3A_461 = vector.shape_cast %swap3A_460 : vector<1x16xf32> to vector<16xf32>
      %swap3A_462 = vector.shape_cast %mul3A_457 : vector<16xf32> to vector<1x16xf32>
      tpu.vector_store %arg14[%swap3A_458, %swap3A_459], %swap3A_462 {strides = array<i32>} : memref<40x128xf32, #tpu.memory_space<vmem>>, vector<1x16xf32>,
      %get3A_463 = arith.index_cast %scan3A_422 : i32 to index
      %get3A_464 = arith.constant 48 : index
      %get3A_465 = tpu.vector_load %arg8[%get3A_463, %get3A_464] {strides = array<i32>} : memref<40x128xf32, #tpu.memory_space<vmem>>, vector<1x16xf32>,
      %get3A_466 = vector.shape_cast %get3A_465 : vector<1x16xf32> to vector<16xf32>
      %get3A_467 = arith.index_cast %scan3A_422 : i32 to index
      %get3A_468 = arith.constant 48 : index
      %get3A_469 = tpu.vector_load %arg11[%get3A_467, %get3A_468] {strides = array<i32>} : memref<40x128xf32, #tpu.memory_space<vmem>>, vector<1x16xf32>,
      %get3A_470 = vector.shape_cast %get3A_469 : vector<1x16xf32> to vector<16xf32>
      %mul3A_471 = arith.mulf %get3A_466, %get3A_470 : vector<16xf32>
      %swap3A_472 = arith.index_cast %scan3A_422 : i32 to index
      %swap3A_473 = arith.constant 48 : index
      %swap3A_474 = tpu.vector_load %arg14[%swap3A_472, %swap3A_473] {strides = array<i32>} : memref<40x128xf32, #tpu.memory_space<vmem>>, vector<1x16xf32>,
      %swap3A_475 = vector.shape_cast %swap3A_474 : vector<1x16xf32> to vector<16xf32>
      %swap3A_476 = vector.shape_cast %mul3A_471 : vector<16xf32> to vector<1x16xf32>
      tpu.vector_store %arg14[%swap3A_472, %swap3A_473], %swap3A_476 {strides = array<i32>} : memref<40x128xf32, #tpu.memory_space<vmem>>, vector<1x16xf32>,
      %get3A_477 = arith.index_cast %scan3A_422 : i32 to index
      %get3A_478 = arith.constant 64 : index
      %get3A_479 = tpu.vector_load %arg8[%get3A_477, %get3A_478] {strides = array<i32>} : memref<40x128xf32, #tpu.memory_space<vmem>>, vector<1x16xf32>,
      %get3A_480 = vector.shape_cast %get3A_479 : vector<1x16xf32> to vector<16xf32>
      %get3A_481 = arith.index_cast %scan3A_422 : i32 to index
      %get3A_482 = arith.constant 64 : index
      %get3A_483 = tpu.vector_load %arg11[%get3A_481, %get3A_482] {strides = array<i32>} : memref<40x128xf32, #tpu.memory_space<vmem>>, vector<1x16xf32>,
      %get3A_484 = vector.shape_cast %get3A_483 : vector<1x16xf32> to vector<16xf32>
      %mul3A_485 = arith.mulf %get3A_480, %get3A_484 : vector<16xf32>
      %swap3A_486 = arith.index_cast %scan3A_422 : i32 to index
      %swap3A_487 = arith.constant 64 : index
      %swap3A_488 = tpu.vector_load %arg14[%swap3A_486, %swap3A_487] {strides = array<i32>} : memref<40x128xf32, #tpu.memory_space<vmem>>, vector<1x16xf32>,
      %swap3A_489 = vector.shape_cast %swap3A_488 : vector<1x16xf32> to vector<16xf32>
      %swap3A_490 = vector.shape_cast %mul3A_485 : vector<16xf32> to vector<1x16xf32>
      tpu.vector_store %arg14[%swap3A_486, %swap3A_487], %swap3A_490 {strides = array<i32>} : memref<40x128xf32, #tpu.memory_space<vmem>>, vector<1x16xf32>,
      %get3A_491 = arith.index_cast %scan3A_422 : i32 to index
      %get3A_492 = arith.constant 80 : index
      %get3A_493 = tpu.vector_load %arg8[%get3A_491, %get3A_492] {strides = array<i32>} : memref<40x128xf32, #tpu.memory_space<vmem>>, vector<1x16xf32>,
      %get3A_494 = vector.shape_cast %get3A_493 : vector<1x16xf32> to vector<16xf32>
      %get3A_495 = arith.index_cast %scan3A_422 : i32 to index
      %get3A_496 = arith.constant 80 : index
      %get3A_497 = tpu.vector_load %arg11[%get3A_495, %get3A_496] {strides = array<i32>} : memref<40x128xf32, #tpu.memory_space<vmem>>, vector<1x16xf32>,
      %get3A_498 = vector.shape_cast %get3A_497 : vector<1x16xf32> to vector<16xf32>
      %mul3A_499 = arith.mulf %get3A_494, %get3A_498 : vector<16xf32>
      %swap3A_500 = arith.index_cast %scan3A_422 : i32 to index
      %swap3A_501 = arith.constant 80 : index
      %swap3A_502 = tpu.vector_load %arg14[%swap3A_500, %swap3A_501] {strides = array<i32>} : memref<40x128xf32, #tpu.memory_space<vmem>>, vector<1x16xf32>,
      %swap3A_503 = vector.shape_cast %swap3A_502 : vector<1x16xf32> to vector<16xf32>
      %swap3A_504 = vector.shape_cast %mul3A_499 : vector<16xf32> to vector<1x16xf32>
      tpu.vector_store %arg14[%swap3A_500, %swap3A_501], %swap3A_504 {strides = array<i32>} : memref<40x128xf32, #tpu.memory_space<vmem>>, vector<1x16xf32>,
      %get3A_505 = arith.index_cast %scan3A_422 : i32 to index
      %get3A_506 = arith.constant 96 : index
      %get3A_507 = tpu.vector_load %arg8[%get3A_505, %get3A_506] {strides = array<i32>} : memref<40x128xf32, #tpu.memory_space<vmem>>, vector<1x16xf32>,
      %get3A_508 = vector.shape_cast %get3A_507 : vector<1x16xf32> to vector<16xf32>
      %get3A_509 = arith.index_cast %scan3A_422 : i32 to index
      %get3A_510 = arith.constant 96 : index
      %get3A_511 = tpu.vector_load %arg11[%get3A_509, %get3A_510] {strides = array<i32>} : memref<40x128xf32, #tpu.memory_space<vmem>>, vector<1x16xf32>,
      %get3A_512 = vector.shape_cast %get3A_511 : vector<1x16xf32> to vector<16xf32>
      %mul3A_513 = arith.mulf %get3A_508, %get3A_512 : vector<16xf32>
      %swap3A_514 = arith.index_cast %scan3A_422 : i32 to index
      %swap3A_515 = arith.constant 96 : index
      %swap3A_516 = tpu.vector_load %arg14[%swap3A_514, %swap3A_515] {strides = array<i32>} : memref<40x128xf32, #tpu.memory_space<vmem>>, vector<1x16xf32>,
      %swap3A_517 = vector.shape_cast %swap3A_516 : vector<1x16xf32> to vector<16xf32>
      %swap3A_518 = vector.shape_cast %mul3A_513 : vector<16xf32> to vector<1x16xf32>
      tpu.vector_store %arg14[%swap3A_514, %swap3A_515], %swap3A_518 {strides = array<i32>} : memref<40x128xf32, #tpu.memory_space<vmem>>, vector<1x16xf32>,
      %get3A_519 = arith.index_cast %scan3A_422 : i32 to index
      %get3A_520 = arith.constant 112 : index
      %get3A_521 = tpu.vector_load %arg8[%get3A_519, %get3A_520] {strides = array<i32>} : memref<40x128xf32, #tpu.memory_space<vmem>>, vector<1x16xf32>,
      %get3A_522 = vector.shape_cast %get3A_521 : vector<1x16xf32> to vector<16xf32>
      %get3A_523 = arith.index_cast %scan3A_422 : i32 to index
      %get3A_524 = arith.constant 112 : index
      %get3A_525 = tpu.vector_load %arg11[%get3A_523, %get3A_524] {strides = array<i32>} : memref<40x128xf32, #tpu.memory_space<vmem>>, vector<1x16xf32>,
      %get3A_526 = vector.shape_cast %get3A_525 : vector<1x16xf32> to vector<16xf32>
      %mul3A_527 = arith.mulf %get3A_522, %get3A_526 : vector<16xf32>
      %swap3A_528 = arith.index_cast %scan3A_422 : i32 to index
      %swap3A_529 = arith.constant 112 : index
      %swap3A_530 = tpu.vector_load %arg14[%swap3A_528, %swap3A_529] {strides = array<i32>} : memref<40x128xf32, #tpu.memory_space<vmem>>, vector<1x16xf32>,
      %swap3A_531 = vector.shape_cast %swap3A_530 : vector<1x16xf32> to vector<16xf32>
      %swap3A_532 = vector.shape_cast %mul3A_527 : vector<16xf32> to vector<1x16xf32>
      tpu.vector_store %arg14[%swap3A_528, %swap3A_529], %swap3A_532 {strides = array<i32>} : memref<40x128xf32, #tpu.memory_space<vmem>>, vector<1x16xf32>,
    }
    %scan3A_56 = arith.constant 40 : i32
    %add3A_57 = arith.constant 0 : i32
    %add3A_58 = arith.addi %mul3A_2, %add3A_57 : i32
    %dma_start3A_59 = arith.constant 0 : i32
    %dma_start3A_60 = tpu.memref_slice %arg5[%add3A_58, %dma_start3A_59] : memref<320000x128xf32, #tpu.memory_space<hbm>> -> memref<40x128xf32, #tpu.memory_space<hbm>>
    %dma_start3A_61 = arith.constant 0 : i32
    %dma_start3A_62 = tpu.memref_slice %arg5[%add3A_58, %dma_start3A_61] : memref<320000x128xf32, #tpu.memory_space<hbm>> -> memref<40x128xf32, #tpu.memory_space<hbm>>
    tpu.enqueue_dma source(%arg14 : memref<40x128xf32, #tpu.memory_space<vmem>>) target(%dma_start3A_62 : memref<40x128xf32, #tpu.memory_space<hbm>>) target_semaphore(%arg22 : memref<!tpu.dma_semaphore, #tpu.memory_space<semaphore_mem>>)
    %dma_start3A_63 = arith.constant 120 : i32
    %dma_start3A_64 = tpu.memref_slice %arg7[%dma_start3A_63] : memref<10000xi32, #tpu.memory_space<vmem>> -> memref<40xi32, #tpu.memory_space<vmem>>
    %dma_start3A_65 = arith.constant 0 : i32
    %dma_start3A_66 = arith.constant 0 : i32
    %dma_start3A_67 = tpu.memref_slice %arg6[%dma_start3A_65, %dma_start3A_66] : memref<10000x128xf32, #tpu.memory_space<vmem_shared>> -> memref<10000x128xf32, #tpu.memory_space<vmem_shared>>
    tpu.enqueue_indirect_dma source(%dma_start3A_67 : memref<10000x128xf32, #tpu.memory_space<vmem_shared>>) target(%arg8 : memref<40x128xf32, #tpu.memory_space<vmem>>) offsets(%dma_start3A_64 : memref<40xi32, #tpu.memory_space<vmem>>) semaphore(%arg16 : memref<!tpu.dma_semaphore, #tpu.memory_space<semaphore_mem>>)
    %add3A_68 = arith.constant 120 : i32
    %add3A_69 = arith.addi %mul3A_2, %add3A_68 : i32
    %dma_start3A_70 = arith.constant 0 : i32
    %dma_start3A_71 = tpu.memref_slice %arg4[%add3A_69, %dma_start3A_70] : memref<320000x128xf32, #tpu.memory_space<hbm>> -> memref<40x128xf32, #tpu.memory_space<hbm>>
    %dma_start3A_72 = arith.constant 0 : i32
    %dma_start3A_73 = tpu.memref_slice %arg4[%add3A_69, %dma_start3A_72] : memref<320000x128xf32, #tpu.memory_space<hbm>> -> memref<40x128xf32, #tpu.memory_space<hbm>>
    tpu.enqueue_dma source(%dma_start3A_73 : memref<40x128xf32, #tpu.memory_space<hbm>>) target(%arg11 : memref<40x128xf32, #tpu.memory_space<vmem>>) target_semaphore(%arg19 : memref<!tpu.dma_semaphore, #tpu.memory_space<semaphore_mem>>)
    %dma_wait3A_74 = arith.constant 0 : i32
    %dma_wait3A_75 = arith.constant 0 : i32
    %dma_wait3A_76 = tpu.memref_slice %arg4[%dma_wait3A_74, %dma_wait3A_75] : memref<320000x128xf32, #tpu.memory_space<hbm>> -> memref<40x128xf32, #tpu.memory_space<hbm>>
    %dma_wait3A_77 = arith.constant 0 : i32
    %dma_wait3A_78 = arith.constant 0 : i32
    %dma_wait3A_79 = tpu.memref_slice %arg4[%dma_wait3A_77, %dma_wait3A_78] : memref<320000x128xf32, #tpu.memory_space<hbm>> -> memref<40x128xf32, #tpu.memory_space<hbm>>
    tpu.wait_dma2 semaphore(%arg17 : memref<!tpu.dma_semaphore, #tpu.memory_space<semaphore_mem>>) src(%dma_wait3A_79 : memref<40x128xf32, #tpu.memory_space<hbm>>) dst(%arg9 : memref<40x128xf32, #tpu.memory_space<vmem>>)
    %dma_wait3A_80 = arith.constant 0 : i32
    %dma_wait3A_81 = arith.constant 0 : i32
    %dma_wait3A_82 = tpu.memref_slice %arg4[%dma_wait3A_80, %dma_wait3A_81] : memref<320000x128xf32, #tpu.memory_space<hbm>> -> memref<40x128xf32, #tpu.memory_space<hbm>>
    %dma_wait3A_83 = arith.constant 0 : i32
    %dma_wait3A_84 = arith.constant 0 : i32
    %dma_wait3A_85 = tpu.memref_slice %arg4[%dma_wait3A_83, %dma_wait3A_84] : memref<320000x128xf32, #tpu.memory_space<hbm>> -> memref<40x128xf32, #tpu.memory_space<hbm>>
    tpu.wait_dma2 semaphore(%arg20 : memref<!tpu.dma_semaphore, #tpu.memory_space<semaphore_mem>>) src(%dma_wait3A_85 : memref<40x128xf32, #tpu.memory_space<hbm>>) dst(%arg12 : memref<40x128xf32, #tpu.memory_space<vmem>>)
    %scan3A_86 = arith.constant 0 : i32
    %scan3A_87 = arith.constant 0 : i32
    %scan3A_88 = arith.constant 40 : i32
    %scan3A_89 = arith.addi %scan3A_87, %scan3A_88 : i32
    %scan3A_90 = arith.constant 1 : i32
    scf.for %scan3A_422 = %scan3A_87 to %scan3A_89 step %scan3A_90  : i32 {
      %get3A = arith.index_cast %scan3A_422 : i32 to index
      %get3A_423 = arith.constant 0 : index
      %get3A_424 = tpu.vector_load %arg9[%get3A, %get3A_423] {strides = array<i32>} : memref<40x128xf32, #tpu.memory_space<vmem>>, vector<1x16xf32>,
      %get3A_425 = vector.shape_cast %get3A_424 : vector<1x16xf32> to vector<16xf32>
      %get3A_426 = arith.index_cast %scan3A_422 : i32 to index
      %get3A_427 = arith.constant 0 : index
      %get3A_428 = tpu.vector_load %arg12[%get3A_426, %get3A_427] {strides = array<i32>} : memref<40x128xf32, #tpu.memory_space<vmem>>, vector<1x16xf32>,
      %get3A_429 = vector.shape_cast %get3A_428 : vector<1x16xf32> to vector<16xf32>
      %mul3A_430 = arith.mulf %get3A_425, %get3A_429 : vector<16xf32>
      %swap3A = arith.index_cast %scan3A_422 : i32 to index
      %swap3A_431 = arith.constant 0 : index
      %swap3A_432 = tpu.vector_load %arg15[%swap3A, %swap3A_431] {strides = array<i32>} : memref<40x128xf32, #tpu.memory_space<vmem>>, vector<1x16xf32>,
      %swap3A_433 = vector.shape_cast %swap3A_432 : vector<1x16xf32> to vector<16xf32>
      %swap3A_434 = vector.shape_cast %mul3A_430 : vector<16xf32> to vector<1x16xf32>
      tpu.vector_store %arg15[%swap3A, %swap3A_431], %swap3A_434 {strides = array<i32>} : memref<40x128xf32, #tpu.memory_space<vmem>>, vector<1x16xf32>,
      %get3A_435 = arith.index_cast %scan3A_422 : i32 to index
      %get3A_436 = arith.constant 16 : index
      %get3A_437 = tpu.vector_load %arg9[%get3A_435, %get3A_436] {strides = array<i32>} : memref<40x128xf32, #tpu.memory_space<vmem>>, vector<1x16xf32>,
      %get3A_438 = vector.shape_cast %get3A_437 : vector<1x16xf32> to vector<16xf32>
      %get3A_439 = arith.index_cast %scan3A_422 : i32 to index
      %get3A_440 = arith.constant 16 : index
      %get3A_441 = tpu.vector_load %arg12[%get3A_439, %get3A_440] {strides = array<i32>} : memref<40x128xf32, #tpu.memory_space<vmem>>, vector<1x16xf32>,
      %get3A_442 = vector.shape_cast %get3A_441 : vector<1x16xf32> to vector<16xf32>
      %mul3A_443 = arith.mulf %get3A_438, %get3A_442 : vector<16xf32>
      %swap3A_444 = arith.index_cast %scan3A_422 : i32 to index
      %swap3A_445 = arith.constant 16 : index
      %swap3A_446 = tpu.vector_load %arg15[%swap3A_444, %swap3A_445] {strides = array<i32>} : memref<40x128xf32, #tpu.memory_space<vmem>>, vector<1x16xf32>,
      %swap3A_447 = vector.shape_cast %swap3A_446 : vector<1x16xf32> to vector<16xf32>
      %swap3A_448 = vector.shape_cast %mul3A_443 : vector<16xf32> to vector<1x16xf32>
      tpu.vector_store %arg15[%swap3A_444, %swap3A_445], %swap3A_448 {strides = array<i32>} : memref<40x128xf32, #tpu.memory_space<vmem>>, vector<1x16xf32>,
      %get3A_449 = arith.index_cast %scan3A_422 : i32 to index
      %get3A_450 = arith.constant 32 : index
      %get3A_451 = tpu.vector_load %arg9[%get3A_449, %get3A_450] {strides = array<i32>} : memref<40x128xf32, #tpu.memory_space<vmem>>, vector<1x16xf32>,
      %get3A_452 = vector.shape_cast %get3A_451 : vector<1x16xf32> to vector<16xf32>
      %get3A_453 = arith.index_cast %scan3A_422 : i32 to index
      %get3A_454 = arith.constant 32 : index
      %get3A_455 = tpu.vector_load %arg12[%get3A_453, %get3A_454] {strides = array<i32>} : memref<40x128xf32, #tpu.memory_space<vmem>>, vector<1x16xf32>,
      %get3A_456 = vector.shape_cast %get3A_455 : vector<1x16xf32> to vector<16xf32>
      %mul3A_457 = arith.mulf %get3A_452, %get3A_456 : vector<16xf32>
      %swap3A_458 = arith.index_cast %scan3A_422 : i32 to index
      %swap3A_459 = arith.constant 32 : index
      %swap3A_460 = tpu.vector_load %arg15[%swap3A_458, %swap3A_459] {strides = array<i32>} : memref<40x128xf32, #tpu.memory_space<vmem>>, vector<1x16xf32>,
      %swap3A_461 = vector.shape_cast %swap3A_460 : vector<1x16xf32> to vector<16xf32>
      %swap3A_462 = vector.shape_cast %mul3A_457 : vector<16xf32> to vector<1x16xf32>
      tpu.vector_store %arg15[%swap3A_458, %swap3A_459], %swap3A_462 {strides = array<i32>} : memref<40x128xf32, #tpu.memory_space<vmem>>, vector<1x16xf32>,
      %get3A_463 = arith.index_cast %scan3A_422 : i32 to index
      %get3A_464 = arith.constant 48 : index
      %get3A_465 = tpu.vector_load %arg9[%get3A_463, %get3A_464] {strides = array<i32>} : memref<40x128xf32, #tpu.memory_space<vmem>>, vector<1x16xf32>,
      %get3A_466 = vector.shape_cast %get3A_465 : vector<1x16xf32> to vector<16xf32>
      %get3A_467 = arith.index_cast %scan3A_422 : i32 to index
      %get3A_468 = arith.constant 48 : index
      %get3A_469 = tpu.vector_load %arg12[%get3A_467, %get3A_468] {strides = array<i32>} : memref<40x128xf32, #tpu.memory_space<vmem>>, vector<1x16xf32>,
      %get3A_470 = vector.shape_cast %get3A_469 : vector<1x16xf32> to vector<16xf32>
      %mul3A_471 = arith.mulf %get3A_466, %get3A_470 : vector<16xf32>
      %swap3A_472 = arith.index_cast %scan3A_422 : i32 to index
      %swap3A_473 = arith.constant 48 : index
      %swap3A_474 = tpu.vector_load %arg15[%swap3A_472, %swap3A_473] {strides = array<i32>} : memref<40x128xf32, #tpu.memory_space<vmem>>, vector<1x16xf32>,
      %swap3A_475 = vector.shape_cast %swap3A_474 : vector<1x16xf32> to vector<16xf32>
      %swap3A_476 = vector.shape_cast %mul3A_471 : vector<16xf32> to vector<1x16xf32>
      tpu.vector_store %arg15[%swap3A_472, %swap3A_473], %swap3A_476 {strides = array<i32>} : memref<40x128xf32, #tpu.memory_space<vmem>>, vector<1x16xf32>,
      %get3A_477 = arith.index_cast %scan3A_422 : i32 to index
      %get3A_478 = arith.constant 64 : index
      %get3A_479 = tpu.vector_load %arg9[%get3A_477, %get3A_478] {strides = array<i32>} : memref<40x128xf32, #tpu.memory_space<vmem>>, vector<1x16xf32>,
      %get3A_480 = vector.shape_cast %get3A_479 : vector<1x16xf32> to vector<16xf32>
      %get3A_481 = arith.index_cast %scan3A_422 : i32 to index
      %get3A_482 = arith.constant 64 : index
      %get3A_483 = tpu.vector_load %arg12[%get3A_481, %get3A_482] {strides = array<i32>} : memref<40x128xf32, #tpu.memory_space<vmem>>, vector<1x16xf32>,
      %get3A_484 = vector.shape_cast %get3A_483 : vector<1x16xf32> to vector<16xf32>
      %mul3A_485 = arith.mulf %get3A_480, %get3A_484 : vector<16xf32>
      %swap3A_486 = arith.index_cast %scan3A_422 : i32 to index
      %swap3A_487 = arith.constant 64 : index
      %swap3A_488 = tpu.vector_load %arg15[%swap3A_486, %swap3A_487] {strides = array<i32>} : memref<40x128xf32, #tpu.memory_space<vmem>>, vector<1x16xf32>,
      %swap3A_489 = vector.shape_cast %swap3A_488 : vector<1x16xf32> to vector<16xf32>
      %swap3A_490 = vector.shape_cast %mul3A_485 : vector<16xf32> to vector<1x16xf32>
      tpu.vector_store %arg15[%swap3A_486, %swap3A_487], %swap3A_490 {strides = array<i32>} : memref<40x128xf32, #tpu.memory_space<vmem>>, vector<1x16xf32>,
      %get3A_491 = arith.index_cast %scan3A_422 : i32 to index
      %get3A_492 = arith.constant 80 : index
      %get3A_493 = tpu.vector_load %arg9[%get3A_491, %get3A_492] {strides = array<i32>} : memref<40x128xf32, #tpu.memory_space<vmem>>, vector<1x16xf32>,
      %get3A_494 = vector.shape_cast %get3A_493 : vector<1x16xf32> to vector<16xf32>
      %get3A_495 = arith.index_cast %scan3A_422 : i32 to index
      %get3A_496 = arith.constant 80 : index
      %get3A_497 = tpu.vector_load %arg12[%get3A_495, %get3A_496] {strides = array<i32>} : memref<40x128xf32, #tpu.memory_space<vmem>>, vector<1x16xf32>,
      %get3A_498 = vector.shape_cast %get3A_497 : vector<1x16xf32> to vector<16xf32>
      %mul3A_499 = arith.mulf %get3A_494, %get3A_498 : vector<16xf32>
      %swap3A_500 = arith.index_cast %scan3A_422 : i32 to index
      %swap3A_501 = arith.constant 80 : index
      %swap3A_502 = tpu.vector_load %arg15[%swap3A_500, %swap3A_501] {strides = array<i32>} : memref<40x128xf32, #tpu.memory_space<vmem>>, vector<1x16xf32>,
      %swap3A_503 = vector.shape_cast %swap3A_502 : vector<1x16xf32> to vector<16xf32>
      %swap3A_504 = vector.shape_cast %mul3A_499 : vector<16xf32> to vector<1x16xf32>
      tpu.vector_store %arg15[%swap3A_500, %swap3A_501], %swap3A_504 {strides = array<i32>} : memref<40x128xf32, #tpu.memory_space<vmem>>, vector<1x16xf32>,
      %get3A_505 = arith.index_cast %scan3A_422 : i32 to index
      %get3A_506 = arith.constant 96 : index
      %get3A_507 = tpu.vector_load %arg9[%get3A_505, %get3A_506] {strides = array<i32>} : memref<40x128xf32, #tpu.memory_space<vmem>>, vector<1x16xf32>,
      %get3A_508 = vector.shape_cast %get3A_507 : vector<1x16xf32> to vector<16xf32>
      %get3A_509 = arith.index_cast %scan3A_422 : i32 to index
      %get3A_510 = arith.constant 96 : index
      %get3A_511 = tpu.vector_load %arg12[%get3A_509, %get3A_510] {strides = array<i32>} : memref<40x128xf32, #tpu.memory_space<vmem>>, vector<1x16xf32>,
      %get3A_512 = vector.shape_cast %get3A_511 : vector<1x16xf32> to vector<16xf32>
      %mul3A_513 = arith.mulf %get3A_508, %get3A_512 : vector<16xf32>
      %swap3A_514 = arith.index_cast %scan3A_422 : i32 to index
      %swap3A_515 = arith.constant 96 : index
      %swap3A_516 = tpu.vector_load %arg15[%swap3A_514, %swap3A_515] {strides = array<i32>} : memref<40x128xf32, #tpu.memory_space<vmem>>, vector<1x16xf32>,
      %swap3A_517 = vector.shape_cast %swap3A_516 : vector<1x16xf32> to vector<16xf32>
      %swap3A_518 = vector.shape_cast %mul3A_513 : vector<16xf32> to vector<1x16xf32>
      tpu.vector_store %arg15[%swap3A_514, %swap3A_515], %swap3A_518 {strides = array<i32>} : memref<40x128xf32, #tpu.memory_space<vmem>>, vector<1x16xf32>,
      %get3A_519 = arith.index_cast %scan3A_422 : i32 to index
      %get3A_520 = arith.constant 112 : index
      %get3A_521 = tpu.vector_load %arg9[%get3A_519, %get3A_520] {strides = array<i32>} : memref<40x128xf32, #tpu.memory_space<vmem>>, vector<1x16xf32>,
      %get3A_522 = vector.shape_cast %get3A_521 : vector<1x16xf32> to vector<16xf32>
      %get3A_523 = arith.index_cast %scan3A_422 : i32 to index
      %get3A_524 = arith.constant 112 : index
      %get3A_525 = tpu.vector_load %arg12[%get3A_523, %get3A_524] {strides = array<i32>} : memref<40x128xf32, #tpu.memory_space<vmem>>, vector<1x16xf32>,
      %get3A_526 = vector.shape_cast %get3A_525 : vector<1x16xf32> to vector<16xf32>
      %mul3A_527 = arith.mulf %get3A_522, %get3A_526 : vector<16xf32>
      %swap3A_528 = arith.index_cast %scan3A_422 : i32 to index
      %swap3A_529 = arith.constant 112 : index
      %swap3A_530 = tpu.vector_load %arg15[%swap3A_528, %swap3A_529] {strides = array<i32>} : memref<40x128xf32, #tpu.memory_space<vmem>>, vector<1x16xf32>,
      %swap3A_531 = vector.shape_cast %swap3A_530 : vector<1x16xf32> to vector<16xf32>
      %swap3A_532 = vector.shape_cast %mul3A_527 : vector<16xf32> to vector<1x16xf32>
      tpu.vector_store %arg15[%swap3A_528, %swap3A_529], %swap3A_532 {strides = array<i32>} : memref<40x128xf32, #tpu.memory_space<vmem>>, vector<1x16xf32>,
    }
    %scan3A_91 = arith.constant 40 : i32
    %add3A_92 = arith.constant 40 : i32
    %add3A_93 = arith.addi %mul3A_2, %add3A_92 : i32
    %dma_start3A_94 = arith.constant 0 : i32
    %dma_start3A_95 = tpu.memref_slice %arg5[%add3A_93, %dma_start3A_94] : memref<320000x128xf32, #tpu.memory_space<hbm>> -> memref<40x128xf32, #tpu.memory_space<hbm>>
    %dma_start3A_96 = arith.constant 0 : i32
    %dma_start3A_97 = tpu.memref_slice %arg5[%add3A_93, %dma_start3A_96] : memref<320000x128xf32, #tpu.memory_space<hbm>> -> memref<40x128xf32, #tpu.memory_space<hbm>>
    tpu.enqueue_dma source(%arg15 : memref<40x128xf32, #tpu.memory_space<vmem>>) target(%dma_start3A_97 : memref<40x128xf32, #tpu.memory_space<hbm>>) target_semaphore(%arg23 : memref<!tpu.dma_semaphore, #tpu.memory_space<semaphore_mem>>)
    %dma_start3A_98 = arith.constant 160 : i32
    %dma_start3A_99 = tpu.memref_slice %arg7[%dma_start3A_98] : memref<10000xi32, #tpu.memory_space<vmem>> -> memref<40xi32, #tpu.memory_space<vmem>>
    %dma_start3A_100 = arith.constant 0 : i32
    %dma_start3A_101 = arith.constant 0 : i32
    %dma_start3A_102 = tpu.memref_slice %arg6[%dma_start3A_100, %dma_start3A_101] : memref<10000x128xf32, #tpu.memory_space<vmem_shared>> -> memref<10000x128xf32, #tpu.memory_space<vmem_shared>>
    tpu.enqueue_indirect_dma source(%dma_start3A_102 : memref<10000x128xf32, #tpu.memory_space<vmem_shared>>) target(%arg9 : memref<40x128xf32, #tpu.memory_space<vmem>>) offsets(%dma_start3A_99 : memref<40xi32, #tpu.memory_space<vmem>>) semaphore(%arg17 : memref<!tpu.dma_semaphore, #tpu.memory_space<semaphore_mem>>)
    %add3A_103 = arith.constant 160 : i32
    %add3A_104 = arith.addi %mul3A_2, %add3A_103 : i32
    %dma_start3A_105 = arith.constant 0 : i32
    %dma_start3A_106 = tpu.memref_slice %arg4[%add3A_104, %dma_start3A_105] : memref<320000x128xf32, #tpu.memory_space<hbm>> -> memref<40x128xf32, #tpu.memory_space<hbm>>
    %dma_start3A_107 = arith.constant 0 : i32
    %dma_start3A_108 = tpu.memref_slice %arg4[%add3A_104, %dma_start3A_107] : memref<320000x128xf32, #tpu.memory_space<hbm>> -> memref<40x128xf32, #tpu.memory_space<hbm>>
    tpu.enqueue_dma source(%dma_start3A_108 : memref<40x128xf32, #tpu.memory_space<hbm>>) target(%arg12 : memref<40x128xf32, #tpu.memory_space<vmem>>) target_semaphore(%arg20 : memref<!tpu.dma_semaphore, #tpu.memory_space<semaphore_mem>>)
    %dma_wait3A_109 = arith.constant 0 : i32
    %dma_wait3A_110 = arith.constant 0 : i32
    %dma_wait3A_111 = tpu.memref_slice %arg4[%dma_wait3A_109, %dma_wait3A_110] : memref<320000x128xf32, #tpu.memory_space<hbm>> -> memref<40x128xf32, #tpu.memory_space<hbm>>
    %dma_wait3A_112 = arith.constant 0 : i32
    %dma_wait3A_113 = arith.constant 0 : i32
    %dma_wait3A_114 = tpu.memref_slice %arg4[%dma_wait3A_112, %dma_wait3A_113] : memref<320000x128xf32, #tpu.memory_space<hbm>> -> memref<40x128xf32, #tpu.memory_space<hbm>>
    tpu.wait_dma2 semaphore(%arg18 : memref<!tpu.dma_semaphore, #tpu.memory_space<semaphore_mem>>) src(%dma_wait3A_114 : memref<40x128xf32, #tpu.memory_space<hbm>>) dst(%arg10 : memref<40x128xf32, #tpu.memory_space<vmem>>)
    %dma_wait3A_115 = arith.constant 0 : i32
    %dma_wait3A_116 = arith.constant 0 : i32
    %dma_wait3A_117 = tpu.memref_slice %arg4[%dma_wait3A_115, %dma_wait3A_116] : memref<320000x128xf32, #tpu.memory_space<hbm>> -> memref<40x128xf32, #tpu.memory_space<hbm>>
    %dma_wait3A_118 = arith.constant 0 : i32
    %dma_wait3A_119 = arith.constant 0 : i32
    %dma_wait3A_120 = tpu.memref_slice %arg4[%dma_wait3A_118, %dma_wait3A_119] : memref<320000x128xf32, #tpu.memory_space<hbm>> -> memref<40x128xf32, #tpu.memory_space<hbm>>
    tpu.wait_dma2 semaphore(%arg21 : memref<!tpu.dma_semaphore, #tpu.memory_space<semaphore_mem>>) src(%dma_wait3A_120 : memref<40x128xf32, #tpu.memory_space<hbm>>) dst(%arg13 : memref<40x128xf32, #tpu.memory_space<vmem>>)
    %dma_wait3A_121 = arith.constant 0 : i32
    %dma_wait3A_122 = arith.constant 0 : i32
    %dma_wait3A_123 = tpu.memref_slice %arg5[%dma_wait3A_121, %dma_wait3A_122] : memref<320000x128xf32, #tpu.memory_space<hbm>> -> memref<40x128xf32, #tpu.memory_space<hbm>>
    %dma_wait3A_124 = arith.constant 0 : i32
    %dma_wait3A_125 = arith.constant 0 : i32
    %dma_wait3A_126 = tpu.memref_slice %arg5[%dma_wait3A_124, %dma_wait3A_125] : memref<320000x128xf32, #tpu.memory_space<hbm>> -> memref<40x128xf32, #tpu.memory_space<hbm>>
    tpu.wait_dma2 semaphore(%arg22 : memref<!tpu.dma_semaphore, #tpu.memory_space<semaphore_mem>>) src(%arg14 : memref<40x128xf32, #tpu.memory_space<vmem>>) dst(%dma_wait3A_126 : memref<40x128xf32, #tpu.memory_space<hbm>>)
    %scan3A_127 = arith.constant 0 : i32
    %scan3A_128 = arith.constant 0 : i32
    %scan3A_129 = arith.constant 40 : i32
    %scan3A_130 = arith.addi %scan3A_128, %scan3A_129 : i32
    %scan3A_131 = arith.constant 1 : i32
    scf.for %scan3A_422 = %scan3A_128 to %scan3A_130 step %scan3A_131  : i32 {
      %get3A = arith.index_cast %scan3A_422 : i32 to index
      %get3A_423 = arith.constant 0 : index
      %get3A_424 = tpu.vector_load %arg10[%get3A, %get3A_423] {strides = array<i32>} : memref<40x128xf32, #tpu.memory_space<vmem>>, vector<1x16xf32>,
      %get3A_425 = vector.shape_cast %get3A_424 : vector<1x16xf32> to vector<16xf32>
      %get3A_426 = arith.index_cast %scan3A_422 : i32 to index
      %get3A_427 = arith.constant 0 : index
      %get3A_428 = tpu.vector_load %arg13[%get3A_426, %get3A_427] {strides = array<i32>} : memref<40x128xf32, #tpu.memory_space<vmem>>, vector<1x16xf32>,
      %get3A_429 = vector.shape_cast %get3A_428 : vector<1x16xf32> to vector<16xf32>
      %mul3A_430 = arith.mulf %get3A_425, %get3A_429 : vector<16xf32>
      %swap3A = arith.index_cast %scan3A_422 : i32 to index
      %swap3A_431 = arith.constant 0 : index
      %swap3A_432 = tpu.vector_load %arg14[%swap3A, %swap3A_431] {strides = array<i32>} : memref<40x128xf32, #tpu.memory_space<vmem>>, vector<1x16xf32>,
      %swap3A_433 = vector.shape_cast %swap3A_432 : vector<1x16xf32> to vector<16xf32>
      %swap3A_434 = vector.shape_cast %mul3A_430 : vector<16xf32> to vector<1x16xf32>
      tpu.vector_store %arg14[%swap3A, %swap3A_431], %swap3A_434 {strides = array<i32>} : memref<40x128xf32, #tpu.memory_space<vmem>>, vector<1x16xf32>,
      %get3A_435 = arith.index_cast %scan3A_422 : i32 to index
      %get3A_436 = arith.constant 16 : index
      %get3A_437 = tpu.vector_load %arg10[%get3A_435, %get3A_436] {strides = array<i32>} : memref<40x128xf32, #tpu.memory_space<vmem>>, vector<1x16xf32>,
      %get3A_438 = vector.shape_cast %get3A_437 : vector<1x16xf32> to vector<16xf32>
      %get3A_439 = arith.index_cast %scan3A_422 : i32 to index
      %get3A_440 = arith.constant 16 : index
      %get3A_441 = tpu.vector_load %arg13[%get3A_439, %get3A_440] {strides = array<i32>} : memref<40x128xf32, #tpu.memory_space<vmem>>, vector<1x16xf32>,
      %get3A_442 = vector.shape_cast %get3A_441 : vector<1x16xf32> to vector<16xf32>
      %mul3A_443 = arith.mulf %get3A_438, %get3A_442 : vector<16xf32>
      %swap3A_444 = arith.index_cast %scan3A_422 : i32 to index
      %swap3A_445 = arith.constant 16 : index
      %swap3A_446 = tpu.vector_load %arg14[%swap3A_444, %swap3A_445] {strides = array<i32>} : memref<40x128xf32, #tpu.memory_space<vmem>>, vector<1x16xf32>,
      %swap3A_447 = vector.shape_cast %swap3A_446 : vector<1x16xf32> to vector<16xf32>
      %swap3A_448 = vector.shape_cast %mul3A_443 : vector<16xf32> to vector<1x16xf32>
      tpu.vector_store %arg14[%swap3A_444, %swap3A_445], %swap3A_448 {strides = array<i32>} : memref<40x128xf32, #tpu.memory_space<vmem>>, vector<1x16xf32>,
      %get3A_449 = arith.index_cast %scan3A_422 : i32 to index
      %get3A_450 = arith.constant 32 : index
      %get3A_451 = tpu.vector_load %arg10[%get3A_449, %get3A_450] {strides = array<i32>} : memref<40x128xf32, #tpu.memory_space<vmem>>, vector<1x16xf32>,
      %get3A_452 = vector.shape_cast %get3A_451 : vector<1x16xf32> to vector<16xf32>
      %get3A_453 = arith.index_cast %scan3A_422 : i32 to index
      %get3A_454 = arith.constant 32 : index
      %get3A_455 = tpu.vector_load %arg13[%get3A_453, %get3A_454] {strides = array<i32>} : memref<40x128xf32, #tpu.memory_space<vmem>>, vector<1x16xf32>,
      %get3A_456 = vector.shape_cast %get3A_455 : vector<1x16xf32> to vector<16xf32>
      %mul3A_457 = arith.mulf %get3A_452, %get3A_456 : vector<16xf32>
      %swap3A_458 = arith.index_cast %scan3A_422 : i32 to index
      %swap3A_459 = arith.constant 32 : index
      %swap3A_460 = tpu.vector_load %arg14[%swap3A_458, %swap3A_459] {strides = array<i32>} : memref<40x128xf32, #tpu.memory_space<vmem>>, vector<1x16xf32>,
      %swap3A_461 = vector.shape_cast %swap3A_460 : vector<1x16xf32> to vector<16xf32>
      %swap3A_462 = vector.shape_cast %mul3A_457 : vector<16xf32> to vector<1x16xf32>
      tpu.vector_store %arg14[%swap3A_458, %swap3A_459], %swap3A_462 {strides = array<i32>} : memref<40x128xf32, #tpu.memory_space<vmem>>, vector<1x16xf32>,
      %get3A_463 = arith.index_cast %scan3A_422 : i32 to index
      %get3A_464 = arith.constant 48 : index
      %get3A_465 = tpu.vector_load %arg10[%get3A_463, %get3A_464] {strides = array<i32>} : memref<40x128xf32, #tpu.memory_space<vmem>>, vector<1x16xf32>,
      %get3A_466 = vector.shape_cast %get3A_465 : vector<1x16xf32> to vector<16xf32>
      %get3A_467 = arith.index_cast %scan3A_422 : i32 to index
      %get3A_468 = arith.constant 48 : index
      %get3A_469 = tpu.vector_load %arg13[%get3A_467, %get3A_468] {strides = array<i32>} : memref<40x128xf32, #tpu.memory_space<vmem>>, vector<1x16xf32>,
      %get3A_470 = vector.shape_cast %get3A_469 : vector<1x16xf32> to vector<16xf32>
      %mul3A_471 = arith.mulf %get3A_466, %get3A_470 : vector<16xf32>
      %swap3A_472 = arith.index_cast %scan3A_422 : i32 to index
      %swap3A_473 = arith.constant 48 : index
      %swap3A_474 = tpu.vector_load %arg14[%swap3A_472, %swap3A_473] {strides = array<i32>} : memref<40x128xf32, #tpu.memory_space<vmem>>, vector<1x16xf32>,
      %swap3A_475 = vector.shape_cast %swap3A_474 : vector<1x16xf32> to vector<16xf32>
      %swap3A_476 = vector.shape_cast %mul3A_471 : vector<16xf32> to vector<1x16xf32>
      tpu.vector_store %arg14[%swap3A_472, %swap3A_473], %swap3A_476 {strides = array<i32>} : memref<40x128xf32, #tpu.memory_space<vmem>>, vector<1x16xf32>,
      %get3A_477 = arith.index_cast %scan3A_422 : i32 to index
      %get3A_478 = arith.constant 64 : index
      %get3A_479 = tpu.vector_load %arg10[%get3A_477, %get3A_478] {strides = array<i32>} : memref<40x128xf32, #tpu.memory_space<vmem>>, vector<1x16xf32>,
      %get3A_480 = vector.shape_cast %get3A_479 : vector<1x16xf32> to vector<16xf32>
      %get3A_481 = arith.index_cast %scan3A_422 : i32 to index
      %get3A_482 = arith.constant 64 : index
      %get3A_483 = tpu.vector_load %arg13[%get3A_481, %get3A_482] {strides = array<i32>} : memref<40x128xf32, #tpu.memory_space<vmem>>, vector<1x16xf32>,
      %get3A_484 = vector.shape_cast %get3A_483 : vector<1x16xf32> to vector<16xf32>
      %mul3A_485 = arith.mulf %get3A_480, %get3A_484 : vector<16xf32>
      %swap3A_486 = arith.index_cast %scan3A_422 : i32 to index
      %swap3A_487 = arith.constant 64 : index
      %swap3A_488 = tpu.vector_load %arg14[%swap3A_486, %swap3A_487] {strides = array<i32>} : memref<40x128xf32, #tpu.memory_space<vmem>>, vector<1x16xf32>,
      %swap3A_489 = vector.shape_cast %swap3A_488 : vector<1x16xf32> to vector<16xf32>
      %swap3A_490 = vector.shape_cast %mul3A_485 : vector<16xf32> to vector<1x16xf32>
      tpu.vector_store %arg14[%swap3A_486, %swap3A_487], %swap3A_490 {strides = array<i32>} : memref<40x128xf32, #tpu.memory_space<vmem>>, vector<1x16xf32>,
      %get3A_491 = arith.index_cast %scan3A_422 : i32 to index
      %get3A_492 = arith.constant 80 : index
      %get3A_493 = tpu.vector_load %arg10[%get3A_491, %get3A_492] {strides = array<i32>} : memref<40x128xf32, #tpu.memory_space<vmem>>, vector<1x16xf32>,
      %get3A_494 = vector.shape_cast %get3A_493 : vector<1x16xf32> to vector<16xf32>
      %get3A_495 = arith.index_cast %scan3A_422 : i32 to index
      %get3A_496 = arith.constant 80 : index
      %get3A_497 = tpu.vector_load %arg13[%get3A_495, %get3A_496] {strides = array<i32>} : memref<40x128xf32, #tpu.memory_space<vmem>>, vector<1x16xf32>,
      %get3A_498 = vector.shape_cast %get3A_497 : vector<1x16xf32> to vector<16xf32>
      %mul3A_499 = arith.mulf %get3A_494, %get3A_498 : vector<16xf32>
      %swap3A_500 = arith.index_cast %scan3A_422 : i32 to index
      %swap3A_501 = arith.constant 80 : index
      %swap3A_502 = tpu.vector_load %arg14[%swap3A_500, %swap3A_501] {strides = array<i32>} : memref<40x128xf32, #tpu.memory_space<vmem>>, vector<1x16xf32>,
      %swap3A_503 = vector.shape_cast %swap3A_502 : vector<1x16xf32> to vector<16xf32>
      %swap3A_504 = vector.shape_cast %mul3A_499 : vector<16xf32> to vector<1x16xf32>
      tpu.vector_store %arg14[%swap3A_500, %swap3A_501], %swap3A_504 {strides = array<i32>} : memref<40x128xf32, #tpu.memory_space<vmem>>, vector<1x16xf32>,
      %get3A_505 = arith.index_cast %scan3A_422 : i32 to index
      %get3A_506 = arith.constant 96 : index
      %get3A_507 = tpu.vector_load %arg10[%get3A_505, %get3A_506] {strides = array<i32>} : memref<40x128xf32, #tpu.memory_space<vmem>>, vector<1x16xf32>,
      %get3A_508 = vector.shape_cast %get3A_507 : vector<1x16xf32> to vector<16xf32>
      %get3A_509 = arith.index_cast %scan3A_422 : i32 to index
      %get3A_510 = arith.constant 96 : index
      %get3A_511 = tpu.vector_load %arg13[%get3A_509, %get3A_510] {strides = array<i32>} : memref<40x128xf32, #tpu.memory_space<vmem>>, vector<1x16xf32>,
      %get3A_512 = vector.shape_cast %get3A_511 : vector<1x16xf32> to vector<16xf32>
      %mul3A_513 = arith.mulf %get3A_508, %get3A_512 : vector<16xf32>
      %swap3A_514 = arith.index_cast %scan3A_422 : i32 to index
      %swap3A_515 = arith.constant 96 : index
      %swap3A_516 = tpu.vector_load %arg14[%swap3A_514, %swap3A_515] {strides = array<i32>} : memref<40x128xf32, #tpu.memory_space<vmem>>, vector<1x16xf32>,
      %swap3A_517 = vector.shape_cast %swap3A_516 : vector<1x16xf32> to vector<16xf32>
      %swap3A_518 = vector.shape_cast %mul3A_513 : vector<16xf32> to vector<1x16xf32>
      tpu.vector_store %arg14[%swap3A_514, %swap3A_515], %swap3A_518 {strides = array<i32>} : memref<40x128xf32, #tpu.memory_space<vmem>>, vector<1x16xf32>,
      %get3A_519 = arith.index_cast %scan3A_422 : i32 to index
      %get3A_520 = arith.constant 112 : index
      %get3A_521 = tpu.vector_load %arg10[%get3A_519, %get3A_520] {strides = array<i32>} : memref<40x128xf32, #tpu.memory_space<vmem>>, vector<1x16xf32>,
      %get3A_522 = vector.shape_cast %get3A_521 : vector<1x16xf32> to vector<16xf32>
      %get3A_523 = arith.index_cast %scan3A_422 : i32 to index
      %get3A_524 = arith.constant 112 : index
      %get3A_525 = tpu.vector_load %arg13[%get3A_523, %get3A_524] {strides = array<i32>} : memref<40x128xf32, #tpu.memory_space<vmem>>, vector<1x16xf32>,
      %get3A_526 = vector.shape_cast %get3A_525 : vector<1x16xf32> to vector<16xf32>
      %mul3A_527 = arith.mulf %get3A_522, %get3A_526 : vector<16xf32>
      %swap3A_528 = arith.index_cast %scan3A_422 : i32 to index
      %swap3A_529 = arith.constant 112 : index
      %swap3A_530 = tpu.vector_load %arg14[%swap3A_528, %swap3A_529] {strides = array<i32>} : memref<40x128xf32, #tpu.memory_space<vmem>>, vector<1x16xf32>,
      %swap3A_531 = vector.shape_cast %swap3A_530 : vector<1x16xf32> to vector<16xf32>
      %swap3A_532 = vector.shape_cast %mul3A_527 : vector<16xf32> to vector<1x16xf32>
      tpu.vector_store %arg14[%swap3A_528, %swap3A_529], %swap3A_532 {strides = array<i32>} : memref<40x128xf32, #tpu.memory_space<vmem>>, vector<1x16xf32>,
    }
    %scan3A_132 = arith.constant 40 : i32
    %add3A_133 = arith.constant 80 : i32
    %add3A_134 = arith.addi %mul3A_2, %add3A_133 : i32
    %dma_start3A_135 = arith.constant 0 : i32
    %dma_start3A_136 = tpu.memref_slice %arg5[%add3A_134, %dma_start3A_135] : memref<320000x128xf32, #tpu.memory_space<hbm>> -> memref<40x128xf32, #tpu.memory_space<hbm>>
    %dma_start3A_137 = arith.constant 0 : i32
    %dma_start3A_138 = tpu.memref_slice %arg5[%add3A_134, %dma_start3A_137] : memref<320000x128xf32, #tpu.memory_space<hbm>> -> memref<40x128xf32, #tpu.memory_space<hbm>>
    tpu.enqueue_dma source(%arg14 : memref<40x128xf32, #tpu.memory_space<vmem>>) target(%dma_start3A_138 : memref<40x128xf32, #tpu.memory_space<hbm>>) target_semaphore(%arg22 : memref<!tpu.dma_semaphore, #tpu.memory_space<semaphore_mem>>)
    %dma_start3A_139 = arith.constant 200 : i32
    %dma_start3A_140 = tpu.memref_slice %arg7[%dma_start3A_139] : memref<10000xi32, #tpu.memory_space<vmem>> -> memref<40xi32, #tpu.memory_space<vmem>>
    %dma_start3A_141 = arith.constant 0 : i32
    %dma_start3A_142 = arith.constant 0 : i32
    %dma_start3A_143 = tpu.memref_slice %arg6[%dma_start3A_141, %dma_start3A_142] : memref<10000x128xf32, #tpu.memory_space<vmem_shared>> -> memref<10000x128xf32, #tpu.memory_space<vmem_shared>>
    tpu.enqueue_indirect_dma source(%dma_start3A_143 : memref<10000x128xf32, #tpu.memory_space<vmem_shared>>) target(%arg10 : memref<40x128xf32, #tpu.memory_space<vmem>>) offsets(%dma_start3A_140 : memref<40xi32, #tpu.memory_space<vmem>>) semaphore(%arg18 : memref<!tpu.dma_semaphore, #tpu.memory_space<semaphore_mem>>)
    %add3A_144 = arith.constant 200 : i32
    %add3A_145 = arith.addi %mul3A_2, %add3A_144 : i32
    %dma_start3A_146 = arith.constant 0 : i32
    %dma_start3A_147 = tpu.memref_slice %arg4[%add3A_145, %dma_start3A_146] : memref<320000x128xf32, #tpu.memory_space<hbm>> -> memref<40x128xf32, #tpu.memory_space<hbm>>
    %dma_start3A_148 = arith.constant 0 : i32
    %dma_start3A_149 = tpu.memref_slice %arg4[%add3A_145, %dma_start3A_148] : memref<320000x128xf32, #tpu.memory_space<hbm>> -> memref<40x128xf32, #tpu.memory_space<hbm>>
    tpu.enqueue_dma source(%dma_start3A_149 : memref<40x128xf32, #tpu.memory_space<hbm>>) target(%arg13 : memref<40x128xf32, #tpu.memory_space<vmem>>) target_semaphore(%arg21 : memref<!tpu.dma_semaphore, #tpu.memory_space<semaphore_mem>>)
    %dma_wait3A_150 = arith.constant 0 : i32
    %dma_wait3A_151 = arith.constant 0 : i32
    %dma_wait3A_152 = tpu.memref_slice %arg4[%dma_wait3A_150, %dma_wait3A_151] : memref<320000x128xf32, #tpu.memory_space<hbm>> -> memref<40x128xf32, #tpu.memory_space<hbm>>
    %dma_wait3A_153 = arith.constant 0 : i32
    %dma_wait3A_154 = arith.constant 0 : i32
    %dma_wait3A_155 = tpu.memref_slice %arg4[%dma_wait3A_153, %dma_wait3A_154] : memref<320000x128xf32, #tpu.memory_space<hbm>> -> memref<40x128xf32, #tpu.memory_space<hbm>>
    tpu.wait_dma2 semaphore(%arg16 : memref<!tpu.dma_semaphore, #tpu.memory_space<semaphore_mem>>) src(%dma_wait3A_155 : memref<40x128xf32, #tpu.memory_space<hbm>>) dst(%arg8 : memref<40x128xf32, #tpu.memory_space<vmem>>)
    %dma_wait3A_156 = arith.constant 0 : i32
    %dma_wait3A_157 = arith.constant 0 : i32
    %dma_wait3A_158 = tpu.memref_slice %arg4[%dma_wait3A_156, %dma_wait3A_157] : memref<320000x128xf32, #tpu.memory_space<hbm>> -> memref<40x128xf32, #tpu.memory_space<hbm>>
    %dma_wait3A_159 = arith.constant 0 : i32
    %dma_wait3A_160 = arith.constant 0 : i32
    %dma_wait3A_161 = tpu.memref_slice %arg4[%dma_wait3A_159, %dma_wait3A_160] : memref<320000x128xf32, #tpu.memory_space<hbm>> -> memref<40x128xf32, #tpu.memory_space<hbm>>
    tpu.wait_dma2 semaphore(%arg19 : memref<!tpu.dma_semaphore, #tpu.memory_space<semaphore_mem>>) src(%dma_wait3A_161 : memref<40x128xf32, #tpu.memory_space<hbm>>) dst(%arg11 : memref<40x128xf32, #tpu.memory_space<vmem>>)
    %dma_wait3A_162 = arith.constant 0 : i32
    %dma_wait3A_163 = arith.constant 0 : i32
    %dma_wait3A_164 = tpu.memref_slice %arg5[%dma_wait3A_162, %dma_wait3A_163] : memref<320000x128xf32, #tpu.memory_space<hbm>> -> memref<40x128xf32, #tpu.memory_space<hbm>>
    %dma_wait3A_165 = arith.constant 0 : i32
    %dma_wait3A_166 = arith.constant 0 : i32
    %dma_wait3A_167 = tpu.memref_slice %arg5[%dma_wait3A_165, %dma_wait3A_166] : memref<320000x128xf32, #tpu.memory_space<hbm>> -> memref<40x128xf32, #tpu.memory_space<hbm>>
    tpu.wait_dma2 semaphore(%arg23 : memref<!tpu.dma_semaphore, #tpu.memory_space<semaphore_mem>>) src(%arg15 : memref<40x128xf32, #tpu.memory_space<vmem>>) dst(%dma_wait3A_167 : memref<40x128xf32, #tpu.memory_space<hbm>>)
    %scan3A_168 = arith.constant 0 : i32
    %scan3A_169 = arith.constant 0 : i32
    %scan3A_170 = arith.constant 40 : i32
    %scan3A_171 = arith.addi %scan3A_169, %scan3A_170 : i32
    %scan3A_172 = arith.constant 1 : i32
    scf.for %scan3A_422 = %scan3A_169 to %scan3A_171 step %scan3A_172  : i32 {
      %get3A = arith.index_cast %scan3A_422 : i32 to index
      %get3A_423 = arith.constant 0 : index
      %get3A_424 = tpu.vector_load %arg8[%get3A, %get3A_423] {strides = array<i32>} : memref<40x128xf32, #tpu.memory_space<vmem>>, vector<1x16xf32>,
      %get3A_425 = vector.shape_cast %get3A_424 : vector<1x16xf32> to vector<16xf32>
      %get3A_426 = arith.index_cast %scan3A_422 : i32 to index
      %get3A_427 = arith.constant 0 : index
      %get3A_428 = tpu.vector_load %arg11[%get3A_426, %get3A_427] {strides = array<i32>} : memref<40x128xf32, #tpu.memory_space<vmem>>, vector<1x16xf32>,
      %get3A_429 = vector.shape_cast %get3A_428 : vector<1x16xf32> to vector<16xf32>
      %mul3A_430 = arith.mulf %get3A_425, %get3A_429 : vector<16xf32>
      %swap3A = arith.index_cast %scan3A_422 : i32 to index
      %swap3A_431 = arith.constant 0 : index
      %swap3A_432 = tpu.vector_load %arg15[%swap3A, %swap3A_431] {strides = array<i32>} : memref<40x128xf32, #tpu.memory_space<vmem>>, vector<1x16xf32>,
      %swap3A_433 = vector.shape_cast %swap3A_432 : vector<1x16xf32> to vector<16xf32>
      %swap3A_434 = vector.shape_cast %mul3A_430 : vector<16xf32> to vector<1x16xf32>
      tpu.vector_store %arg15[%swap3A, %swap3A_431], %swap3A_434 {strides = array<i32>} : memref<40x128xf32, #tpu.memory_space<vmem>>, vector<1x16xf32>,
      %get3A_435 = arith.index_cast %scan3A_422 : i32 to index
      %get3A_436 = arith.constant 16 : index
      %get3A_437 = tpu.vector_load %arg8[%get3A_435, %get3A_436] {strides = array<i32>} : memref<40x128xf32, #tpu.memory_space<vmem>>, vector<1x16xf32>,
      %get3A_438 = vector.shape_cast %get3A_437 : vector<1x16xf32> to vector<16xf32>
      %get3A_439 = arith.index_cast %scan3A_422 : i32 to index
      %get3A_440 = arith.constant 16 : index
      %get3A_441 = tpu.vector_load %arg11[%get3A_439, %get3A_440] {strides = array<i32>} : memref<40x128xf32, #tpu.memory_space<vmem>>, vector<1x16xf32>,
      %get3A_442 = vector.shape_cast %get3A_441 : vector<1x16xf32> to vector<16xf32>
      %mul3A_443 = arith.mulf %get3A_438, %get3A_442 : vector<16xf32>
      %swap3A_444 = arith.index_cast %scan3A_422 : i32 to index
      %swap3A_445 = arith.constant 16 : index
      %swap3A_446 = tpu.vector_load %arg15[%swap3A_444, %swap3A_445] {strides = array<i32>} : memref<40x128xf32, #tpu.memory_space<vmem>>, vector<1x16xf32>,
      %swap3A_447 = vector.shape_cast %swap3A_446 : vector<1x16xf32> to vector<16xf32>
      %swap3A_448 = vector.shape_cast %mul3A_443 : vector<16xf32> to vector<1x16xf32>
      tpu.vector_store %arg15[%swap3A_444, %swap3A_445], %swap3A_448 {strides = array<i32>} : memref<40x128xf32, #tpu.memory_space<vmem>>, vector<1x16xf32>,
      %get3A_449 = arith.index_cast %scan3A_422 : i32 to index
      %get3A_450 = arith.constant 32 : index
      %get3A_451 = tpu.vector_load %arg8[%get3A_449, %get3A_450] {strides = array<i32>} : memref<40x128xf32, #tpu.memory_space<vmem>>, vector<1x16xf32>,
      %get3A_452 = vector.shape_cast %get3A_451 : vector<1x16xf32> to vector<16xf32>
      %get3A_453 = arith.index_cast %scan3A_422 : i32 to index
      %get3A_454 = arith.constant 32 : index
      %get3A_455 = tpu.vector_load %arg11[%get3A_453, %get3A_454] {strides = array<i32>} : memref<40x128xf32, #tpu.memory_space<vmem>>, vector<1x16xf32>,
      %get3A_456 = vector.shape_cast %get3A_455 : vector<1x16xf32> to vector<16xf32>
      %mul3A_457 = arith.mulf %get3A_452, %get3A_456 : vector<16xf32>
      %swap3A_458 = arith.index_cast %scan3A_422 : i32 to index
      %swap3A_459 = arith.constant 32 : index
      %swap3A_460 = tpu.vector_load %arg15[%swap3A_458, %swap3A_459] {strides = array<i32>} : memref<40x128xf32, #tpu.memory_space<vmem>>, vector<1x16xf32>,
      %swap3A_461 = vector.shape_cast %swap3A_460 : vector<1x16xf32> to vector<16xf32>
      %swap3A_462 = vector.shape_cast %mul3A_457 : vector<16xf32> to vector<1x16xf32>
      tpu.vector_store %arg15[%swap3A_458, %swap3A_459], %swap3A_462 {strides = array<i32>} : memref<40x128xf32, #tpu.memory_space<vmem>>, vector<1x16xf32>,
      %get3A_463 = arith.index_cast %scan3A_422 : i32 to index
      %get3A_464 = arith.constant 48 : index
      %get3A_465 = tpu.vector_load %arg8[%get3A_463, %get3A_464] {strides = array<i32>} : memref<40x128xf32, #tpu.memory_space<vmem>>, vector<1x16xf32>,
      %get3A_466 = vector.shape_cast %get3A_465 : vector<1x16xf32> to vector<16xf32>
      %get3A_467 = arith.index_cast %scan3A_422 : i32 to index
      %get3A_468 = arith.constant 48 : index
      %get3A_469 = tpu.vector_load %arg11[%get3A_467, %get3A_468] {strides = array<i32>} : memref<40x128xf32, #tpu.memory_space<vmem>>, vector<1x16xf32>,
      %get3A_470 = vector.shape_cast %get3A_469 : vector<1x16xf32> to vector<16xf32>
      %mul3A_471 = arith.mulf %get3A_466, %get3A_470 : vector<16xf32>
      %swap3A_472 = arith.index_cast %scan3A_422 : i32 to index
      %swap3A_473 = arith.constant 48 : index
      %swap3A_474 = tpu.vector_load %arg15[%swap3A_472, %swap3A_473] {strides = array<i32>} : memref<40x128xf32, #tpu.memory_space<vmem>>, vector<1x16xf32>,
      %swap3A_475 = vector.shape_cast %swap3A_474 : vector<1x16xf32> to vector<16xf32>
      %swap3A_476 = vector.shape_cast %mul3A_471 : vector<16xf32> to vector<1x16xf32>
      tpu.vector_store %arg15[%swap3A_472, %swap3A_473], %swap3A_476 {strides = array<i32>} : memref<40x128xf32, #tpu.memory_space<vmem>>, vector<1x16xf32>,
      %get3A_477 = arith.index_cast %scan3A_422 : i32 to index
      %get3A_478 = arith.constant 64 : index
      %get3A_479 = tpu.vector_load %arg8[%get3A_477, %get3A_478] {strides = array<i32>} : memref<40x128xf32, #tpu.memory_space<vmem>>, vector<1x16xf32>,
      %get3A_480 = vector.shape_cast %get3A_479 : vector<1x16xf32> to vector<16xf32>
      %get3A_481 = arith.index_cast %scan3A_422 : i32 to index
      %get3A_482 = arith.constant 64 : index
      %get3A_483 = tpu.vector_load %arg11[%get3A_481, %get3A_482] {strides = array<i32>} : memref<40x128xf32, #tpu.memory_space<vmem>>, vector<1x16xf32>,
      %get3A_484 = vector.shape_cast %get3A_483 : vector<1x16xf32> to vector<16xf32>
      %mul3A_485 = arith.mulf %get3A_480, %get3A_484 : vector<16xf32>
      %swap3A_486 = arith.index_cast %scan3A_422 : i32 to index
      %swap3A_487 = arith.constant 64 : index
      %swap3A_488 = tpu.vector_load %arg15[%swap3A_486, %swap3A_487] {strides = array<i32>} : memref<40x128xf32, #tpu.memory_space<vmem>>, vector<1x16xf32>,
      %swap3A_489 = vector.shape_cast %swap3A_488 : vector<1x16xf32> to vector<16xf32>
      %swap3A_490 = vector.shape_cast %mul3A_485 : vector<16xf32> to vector<1x16xf32>
      tpu.vector_store %arg15[%swap3A_486, %swap3A_487], %swap3A_490 {strides = array<i32>} : memref<40x128xf32, #tpu.memory_space<vmem>>, vector<1x16xf32>,
      %get3A_491 = arith.index_cast %scan3A_422 : i32 to index
      %get3A_492 = arith.constant 80 : index
      %get3A_493 = tpu.vector_load %arg8[%get3A_491, %get3A_492] {strides = array<i32>} : memref<40x128xf32, #tpu.memory_space<vmem>>, vector<1x16xf32>,
      %get3A_494 = vector.shape_cast %get3A_493 : vector<1x16xf32> to vector<16xf32>
      %get3A_495 = arith.index_cast %scan3A_422 : i32 to index
      %get3A_496 = arith.constant 80 : index
      %get3A_497 = tpu.vector_load %arg11[%get3A_495, %get3A_496] {strides = array<i32>} : memref<40x128xf32, #tpu.memory_space<vmem>>, vector<1x16xf32>,
      %get3A_498 = vector.shape_cast %get3A_497 : vector<1x16xf32> to vector<16xf32>
      %mul3A_499 = arith.mulf %get3A_494, %get3A_498 : vector<16xf32>
      %swap3A_500 = arith.index_cast %scan3A_422 : i32 to index
      %swap3A_501 = arith.constant 80 : index
      %swap3A_502 = tpu.vector_load %arg15[%swap3A_500, %swap3A_501] {strides = array<i32>} : memref<40x128xf32, #tpu.memory_space<vmem>>, vector<1x16xf32>,
      %swap3A_503 = vector.shape_cast %swap3A_502 : vector<1x16xf32> to vector<16xf32>
      %swap3A_504 = vector.shape_cast %mul3A_499 : vector<16xf32> to vector<1x16xf32>
      tpu.vector_store %arg15[%swap3A_500, %swap3A_501], %swap3A_504 {strides = array<i32>} : memref<40x128xf32, #tpu.memory_space<vmem>>, vector<1x16xf32>,
      %get3A_505 = arith.index_cast %scan3A_422 : i32 to index
      %get3A_506 = arith.constant 96 : index
      %get3A_507 = tpu.vector_load %arg8[%get3A_505, %get3A_506] {strides = array<i32>} : memref<40x128xf32, #tpu.memory_space<vmem>>, vector<1x16xf32>,
      %get3A_508 = vector.shape_cast %get3A_507 : vector<1x16xf32> to vector<16xf32>
      %get3A_509 = arith.index_cast %scan3A_422 : i32 to index
      %get3A_510 = arith.constant 96 : index
      %get3A_511 = tpu.vector_load %arg11[%get3A_509, %get3A_510] {strides = array<i32>} : memref<40x128xf32, #tpu.memory_space<vmem>>, vector<1x16xf32>,
      %get3A_512 = vector.shape_cast %get3A_511 : vector<1x16xf32> to vector<16xf32>
      %mul3A_513 = arith.mulf %get3A_508, %get3A_512 : vector<16xf32>
      %swap3A_514 = arith.index_cast %scan3A_422 : i32 to index
      %swap3A_515 = arith.constant 96 : index
      %swap3A_516 = tpu.vector_load %arg15[%swap3A_514, %swap3A_515] {strides = array<i32>} : memref<40x128xf32, #tpu.memory_space<vmem>>, vector<1x16xf32>,
      %swap3A_517 = vector.shape_cast %swap3A_516 : vector<1x16xf32> to vector<16xf32>
      %swap3A_518 = vector.shape_cast %mul3A_513 : vector<16xf32> to vector<1x16xf32>
      tpu.vector_store %arg15[%swap3A_514, %swap3A_515], %swap3A_518 {strides = array<i32>} : memref<40x128xf32, #tpu.memory_space<vmem>>, vector<1x16xf32>,
      %get3A_519 = arith.index_cast %scan3A_422 : i32 to index
      %get3A_520 = arith.constant 112 : index
      %get3A_521 = tpu.vector_load %arg8[%get3A_519, %get3A_520] {strides = array<i32>} : memref<40x128xf32, #tpu.memory_space<vmem>>, vector<1x16xf32>,
      %get3A_522 = vector.shape_cast %get3A_521 : vector<1x16xf32> to vector<16xf32>
      %get3A_523 = arith.index_cast %scan3A_422 : i32 to index
      %get3A_524 = arith.constant 112 : index
      %get3A_525 = tpu.vector_load %arg11[%get3A_523, %get3A_524] {strides = array<i32>} : memref<40x128xf32, #tpu.memory_space<vmem>>, vector<1x16xf32>,
      %get3A_526 = vector.shape_cast %get3A_525 : vector<1x16xf32> to vector<16xf32>
      %mul3A_527 = arith.mulf %get3A_522, %get3A_526 : vector<16xf32>
      %swap3A_528 = arith.index_cast %scan3A_422 : i32 to index
      %swap3A_529 = arith.constant 112 : index
      %swap3A_530 = tpu.vector_load %arg15[%swap3A_528, %swap3A_529] {strides = array<i32>} : memref<40x128xf32, #tpu.memory_space<vmem>>, vector<1x16xf32>,
      %swap3A_531 = vector.shape_cast %swap3A_530 : vector<1x16xf32> to vector<16xf32>
      %swap3A_532 = vector.shape_cast %mul3A_527 : vector<16xf32> to vector<1x16xf32>
      tpu.vector_store %arg15[%swap3A_528, %swap3A_529], %swap3A_532 {strides = array<i32>} : memref<40x128xf32, #tpu.memory_space<vmem>>, vector<1x16xf32>,
    }
    %scan3A_173 = arith.constant 40 : i32
    %add3A_174 = arith.constant 120 : i32
    %add3A_175 = arith.addi %mul3A_2, %add3A_174 : i32
    %dma_start3A_176 = arith.constant 0 : i32
    %dma_start3A_177 = tpu.memref_slice %arg5[%add3A_175, %dma_start3A_176] : memref<320000x128xf32, #tpu.memory_space<hbm>> -> memref<40x128xf32, #tpu.memory_space<hbm>>
    %dma_start3A_178 = arith.constant 0 : i32
    %dma_start3A_179 = tpu.memref_slice %arg5[%add3A_175, %dma_start3A_178] : memref<320000x128xf32, #tpu.memory_space<hbm>> -> memref<40x128xf32, #tpu.memory_space<hbm>>
    tpu.enqueue_dma source(%arg15 : memref<40x128xf32, #tpu.memory_space<vmem>>) target(%dma_start3A_179 : memref<40x128xf32, #tpu.memory_space<hbm>>) target_semaphore(%arg23 : memref<!tpu.dma_semaphore, #tpu.memory_space<semaphore_mem>>)
    %dma_start3A_180 = arith.constant 240 : i32
    %dma_start3A_181 = tpu.memref_slice %arg7[%dma_start3A_180] : memref<10000xi32, #tpu.memory_space<vmem>> -> memref<40xi32, #tpu.memory_space<vmem>>
    %dma_start3A_182 = arith.constant 0 : i32
    %dma_start3A_183 = arith.constant 0 : i32
    %dma_start3A_184 = tpu.memref_slice %arg6[%dma_start3A_182, %dma_start3A_183] : memref<10000x128xf32, #tpu.memory_space<vmem_shared>> -> memref<10000x128xf32, #tpu.memory_space<vmem_shared>>
    tpu.enqueue_indirect_dma source(%dma_start3A_184 : memref<10000x128xf32, #tpu.memory_space<vmem_shared>>) target(%arg8 : memref<40x128xf32, #tpu.memory_space<vmem>>) offsets(%dma_start3A_181 : memref<40xi32, #tpu.memory_space<vmem>>) semaphore(%arg16 : memref<!tpu.dma_semaphore, #tpu.memory_space<semaphore_mem>>)
    %add3A_185 = arith.constant 240 : i32
    %add3A_186 = arith.addi %mul3A_2, %add3A_185 : i32
    %dma_start3A_187 = arith.constant 0 : i32
    %dma_start3A_188 = tpu.memref_slice %arg4[%add3A_186, %dma_start3A_187] : memref<320000x128xf32, #tpu.memory_space<hbm>> -> memref<40x128xf32, #tpu.memory_space<hbm>>
    %dma_start3A_189 = arith.constant 0 : i32
    %dma_start3A_190 = tpu.memref_slice %arg4[%add3A_186, %dma_start3A_189] : memref<320000x128xf32, #tpu.memory_space<hbm>> -> memref<40x128xf32, #tpu.memory_space<hbm>>
    tpu.enqueue_dma source(%dma_start3A_190 : memref<40x128xf32, #tpu.memory_space<hbm>>) target(%arg11 : memref<40x128xf32, #tpu.memory_space<vmem>>) target_semaphore(%arg19 : memref<!tpu.dma_semaphore, #tpu.memory_space<semaphore_mem>>)
    %dma_wait3A_191 = arith.constant 0 : i32
    %dma_wait3A_192 = arith.constant 0 : i32
    %dma_wait3A_193 = tpu.memref_slice %arg4[%dma_wait3A_191, %dma_wait3A_192] : memref<320000x128xf32, #tpu.memory_space<hbm>> -> memref<40x128xf32, #tpu.memory_space<hbm>>
    %dma_wait3A_194 = arith.constant 0 : i32
    %dma_wait3A_195 = arith.constant 0 : i32
    %dma_wait3A_196 = tpu.memref_slice %arg4[%dma_wait3A_194, %dma_wait3A_195] : memref<320000x128xf32, #tpu.memory_space<hbm>> -> memref<40x128xf32, #tpu.memory_space<hbm>>
    tpu.wait_dma2 semaphore(%arg17 : memref<!tpu.dma_semaphore, #tpu.memory_space<semaphore_mem>>) src(%dma_wait3A_196 : memref<40x128xf32, #tpu.memory_space<hbm>>) dst(%arg9 : memref<40x128xf32, #tpu.memory_space<vmem>>)
    %dma_wait3A_197 = arith.constant 0 : i32
    %dma_wait3A_198 = arith.constant 0 : i32
    %dma_wait3A_199 = tpu.memref_slice %arg4[%dma_wait3A_197, %dma_wait3A_198] : memref<320000x128xf32, #tpu.memory_space<hbm>> -> memref<40x128xf32, #tpu.memory_space<hbm>>
    %dma_wait3A_200 = arith.constant 0 : i32
    %dma_wait3A_201 = arith.constant 0 : i32
    %dma_wait3A_202 = tpu.memref_slice %arg4[%dma_wait3A_200, %dma_wait3A_201] : memref<320000x128xf32, #tpu.memory_space<hbm>> -> memref<40x128xf32, #tpu.memory_space<hbm>>
    tpu.wait_dma2 semaphore(%arg20 : memref<!tpu.dma_semaphore, #tpu.memory_space<semaphore_mem>>) src(%dma_wait3A_202 : memref<40x128xf32, #tpu.memory_space<hbm>>) dst(%arg12 : memref<40x128xf32, #tpu.memory_space<vmem>>)
    %dma_wait3A_203 = arith.constant 0 : i32
    %dma_wait3A_204 = arith.constant 0 : i32
    %dma_wait3A_205 = tpu.memref_slice %arg5[%dma_wait3A_203, %dma_wait3A_204] : memref<320000x128xf32, #tpu.memory_space<hbm>> -> memref<40x128xf32, #tpu.memory_space<hbm>>
    %dma_wait3A_206 = arith.constant 0 : i32
    %dma_wait3A_207 = arith.constant 0 : i32
    %dma_wait3A_208 = tpu.memref_slice %arg5[%dma_wait3A_206, %dma_wait3A_207] : memref<320000x128xf32, #tpu.memory_space<hbm>> -> memref<40x128xf32, #tpu.memory_space<hbm>>
    tpu.wait_dma2 semaphore(%arg22 : memref<!tpu.dma_semaphore, #tpu.memory_space<semaphore_mem>>) src(%arg14 : memref<40x128xf32, #tpu.memory_space<vmem>>) dst(%dma_wait3A_208 : memref<40x128xf32, #tpu.memory_space<hbm>>)
    %scan3A_209 = arith.constant 0 : i32
    %scan3A_210 = arith.constant 0 : i32
    %scan3A_211 = arith.constant 40 : i32
    %scan3A_212 = arith.addi %scan3A_210, %scan3A_211 : i32
    %scan3A_213 = arith.constant 1 : i32
    scf.for %scan3A_422 = %scan3A_210 to %scan3A_212 step %scan3A_213  : i32 {
      %get3A = arith.index_cast %scan3A_422 : i32 to index
      %get3A_423 = arith.constant 0 : index
      %get3A_424 = tpu.vector_load %arg9[%get3A, %get3A_423] {strides = array<i32>} : memref<40x128xf32, #tpu.memory_space<vmem>>, vector<1x16xf32>,
      %get3A_425 = vector.shape_cast %get3A_424 : vector<1x16xf32> to vector<16xf32>
      %get3A_426 = arith.index_cast %scan3A_422 : i32 to index
      %get3A_427 = arith.constant 0 : index
      %get3A_428 = tpu.vector_load %arg12[%get3A_426, %get3A_427] {strides = array<i32>} : memref<40x128xf32, #tpu.memory_space<vmem>>, vector<1x16xf32>,
      %get3A_429 = vector.shape_cast %get3A_428 : vector<1x16xf32> to vector<16xf32>
      %mul3A_430 = arith.mulf %get3A_425, %get3A_429 : vector<16xf32>
      %swap3A = arith.index_cast %scan3A_422 : i32 to index
      %swap3A_431 = arith.constant 0 : index
      %swap3A_432 = tpu.vector_load %arg14[%swap3A, %swap3A_431] {strides = array<i32>} : memref<40x128xf32, #tpu.memory_space<vmem>>, vector<1x16xf32>,
      %swap3A_433 = vector.shape_cast %swap3A_432 : vector<1x16xf32> to vector<16xf32>
      %swap3A_434 = vector.shape_cast %mul3A_430 : vector<16xf32> to vector<1x16xf32>
      tpu.vector_store %arg14[%swap3A, %swap3A_431], %swap3A_434 {strides = array<i32>} : memref<40x128xf32, #tpu.memory_space<vmem>>, vector<1x16xf32>,
      %get3A_435 = arith.index_cast %scan3A_422 : i32 to index
      %get3A_436 = arith.constant 16 : index
      %get3A_437 = tpu.vector_load %arg9[%get3A_435, %get3A_436] {strides = array<i32>} : memref<40x128xf32, #tpu.memory_space<vmem>>, vector<1x16xf32>,
      %get3A_438 = vector.shape_cast %get3A_437 : vector<1x16xf32> to vector<16xf32>
      %get3A_439 = arith.index_cast %scan3A_422 : i32 to index
      %get3A_440 = arith.constant 16 : index
      %get3A_441 = tpu.vector_load %arg12[%get3A_439, %get3A_440] {strides = array<i32>} : memref<40x128xf32, #tpu.memory_space<vmem>>, vector<1x16xf32>,
      %get3A_442 = vector.shape_cast %get3A_441 : vector<1x16xf32> to vector<16xf32>
      %mul3A_443 = arith.mulf %get3A_438, %get3A_442 : vector<16xf32>
      %swap3A_444 = arith.index_cast %scan3A_422 : i32 to index
      %swap3A_445 = arith.constant 16 : index
      %swap3A_446 = tpu.vector_load %arg14[%swap3A_444, %swap3A_445] {strides = array<i32>} : memref<40x128xf32, #tpu.memory_space<vmem>>, vector<1x16xf32>,
      %swap3A_447 = vector.shape_cast %swap3A_446 : vector<1x16xf32> to vector<16xf32>
      %swap3A_448 = vector.shape_cast %mul3A_443 : vector<16xf32> to vector<1x16xf32>
      tpu.vector_store %arg14[%swap3A_444, %swap3A_445], %swap3A_448 {strides = array<i32>} : memref<40x128xf32, #tpu.memory_space<vmem>>, vector<1x16xf32>,
      %get3A_449 = arith.index_cast %scan3A_422 : i32 to index
      %get3A_450 = arith.constant 32 : index
      %get3A_451 = tpu.vector_load %arg9[%get3A_449, %get3A_450] {strides = array<i32>} : memref<40x128xf32, #tpu.memory_space<vmem>>, vector<1x16xf32>,
      %get3A_452 = vector.shape_cast %get3A_451 : vector<1x16xf32> to vector<16xf32>
      %get3A_453 = arith.index_cast %scan3A_422 : i32 to index
      %get3A_454 = arith.constant 32 : index
      %get3A_455 = tpu.vector_load %arg12[%get3A_453, %get3A_454] {strides = array<i32>} : memref<40x128xf32, #tpu.memory_space<vmem>>, vector<1x16xf32>,
      %get3A_456 = vector.shape_cast %get3A_455 : vector<1x16xf32> to vector<16xf32>
      %mul3A_457 = arith.mulf %get3A_452, %get3A_456 : vector<16xf32>
      %swap3A_458 = arith.index_cast %scan3A_422 : i32 to index
      %swap3A_459 = arith.constant 32 : index
      %swap3A_460 = tpu.vector_load %arg14[%swap3A_458, %swap3A_459] {strides = array<i32>} : memref<40x128xf32, #tpu.memory_space<vmem>>, vector<1x16xf32>,
      %swap3A_461 = vector.shape_cast %swap3A_460 : vector<1x16xf32> to vector<16xf32>
      %swap3A_462 = vector.shape_cast %mul3A_457 : vector<16xf32> to vector<1x16xf32>
      tpu.vector_store %arg14[%swap3A_458, %swap3A_459], %swap3A_462 {strides = array<i32>} : memref<40x128xf32, #tpu.memory_space<vmem>>, vector<1x16xf32>,
      %get3A_463 = arith.index_cast %scan3A_422 : i32 to index
      %get3A_464 = arith.constant 48 : index
      %get3A_465 = tpu.vector_load %arg9[%get3A_463, %get3A_464] {strides = array<i32>} : memref<40x128xf32, #tpu.memory_space<vmem>>, vector<1x16xf32>,
      %get3A_466 = vector.shape_cast %get3A_465 : vector<1x16xf32> to vector<16xf32>
      %get3A_467 = arith.index_cast %scan3A_422 : i32 to index
      %get3A_468 = arith.constant 48 : index
      %get3A_469 = tpu.vector_load %arg12[%get3A_467, %get3A_468] {strides = array<i32>} : memref<40x128xf32, #tpu.memory_space<vmem>>, vector<1x16xf32>,
      %get3A_470 = vector.shape_cast %get3A_469 : vector<1x16xf32> to vector<16xf32>
      %mul3A_471 = arith.mulf %get3A_466, %get3A_470 : vector<16xf32>
      %swap3A_472 = arith.index_cast %scan3A_422 : i32 to index
      %swap3A_473 = arith.constant 48 : index
      %swap3A_474 = tpu.vector_load %arg14[%swap3A_472, %swap3A_473] {strides = array<i32>} : memref<40x128xf32, #tpu.memory_space<vmem>>, vector<1x16xf32>,
      %swap3A_475 = vector.shape_cast %swap3A_474 : vector<1x16xf32> to vector<16xf32>
      %swap3A_476 = vector.shape_cast %mul3A_471 : vector<16xf32> to vector<1x16xf32>
      tpu.vector_store %arg14[%swap3A_472, %swap3A_473], %swap3A_476 {strides = array<i32>} : memref<40x128xf32, #tpu.memory_space<vmem>>, vector<1x16xf32>,
      %get3A_477 = arith.index_cast %scan3A_422 : i32 to index
      %get3A_478 = arith.constant 64 : index
      %get3A_479 = tpu.vector_load %arg9[%get3A_477, %get3A_478] {strides = array<i32>} : memref<40x128xf32, #tpu.memory_space<vmem>>, vector<1x16xf32>,
      %get3A_480 = vector.shape_cast %get3A_479 : vector<1x16xf32> to vector<16xf32>
      %get3A_481 = arith.index_cast %scan3A_422 : i32 to index
      %get3A_482 = arith.constant 64 : index
      %get3A_483 = tpu.vector_load %arg12[%get3A_481, %get3A_482] {strides = array<i32>} : memref<40x128xf32, #tpu.memory_space<vmem>>, vector<1x16xf32>,
      %get3A_484 = vector.shape_cast %get3A_483 : vector<1x16xf32> to vector<16xf32>
      %mul3A_485 = arith.mulf %get3A_480, %get3A_484 : vector<16xf32>
      %swap3A_486 = arith.index_cast %scan3A_422 : i32 to index
      %swap3A_487 = arith.constant 64 : index
      %swap3A_488 = tpu.vector_load %arg14[%swap3A_486, %swap3A_487] {strides = array<i32>} : memref<40x128xf32, #tpu.memory_space<vmem>>, vector<1x16xf32>,
      %swap3A_489 = vector.shape_cast %swap3A_488 : vector<1x16xf32> to vector<16xf32>
      %swap3A_490 = vector.shape_cast %mul3A_485 : vector<16xf32> to vector<1x16xf32>
      tpu.vector_store %arg14[%swap3A_486, %swap3A_487], %swap3A_490 {strides = array<i32>} : memref<40x128xf32, #tpu.memory_space<vmem>>, vector<1x16xf32>,
      %get3A_491 = arith.index_cast %scan3A_422 : i32 to index
      %get3A_492 = arith.constant 80 : index
      %get3A_493 = tpu.vector_load %arg9[%get3A_491, %get3A_492] {strides = array<i32>} : memref<40x128xf32, #tpu.memory_space<vmem>>, vector<1x16xf32>,
      %get3A_494 = vector.shape_cast %get3A_493 : vector<1x16xf32> to vector<16xf32>
      %get3A_495 = arith.index_cast %scan3A_422 : i32 to index
      %get3A_496 = arith.constant 80 : index
      %get3A_497 = tpu.vector_load %arg12[%get3A_495, %get3A_496] {strides = array<i32>} : memref<40x128xf32, #tpu.memory_space<vmem>>, vector<1x16xf32>,
      %get3A_498 = vector.shape_cast %get3A_497 : vector<1x16xf32> to vector<16xf32>
      %mul3A_499 = arith.mulf %get3A_494, %get3A_498 : vector<16xf32>
      %swap3A_500 = arith.index_cast %scan3A_422 : i32 to index
      %swap3A_501 = arith.constant 80 : index
      %swap3A_502 = tpu.vector_load %arg14[%swap3A_500, %swap3A_501] {strides = array<i32>} : memref<40x128xf32, #tpu.memory_space<vmem>>, vector<1x16xf32>,
      %swap3A_503 = vector.shape_cast %swap3A_502 : vector<1x16xf32> to vector<16xf32>
      %swap3A_504 = vector.shape_cast %mul3A_499 : vector<16xf32> to vector<1x16xf32>
      tpu.vector_store %arg14[%swap3A_500, %swap3A_501], %swap3A_504 {strides = array<i32>} : memref<40x128xf32, #tpu.memory_space<vmem>>, vector<1x16xf32>,
      %get3A_505 = arith.index_cast %scan3A_422 : i32 to index
      %get3A_506 = arith.constant 96 : index
      %get3A_507 = tpu.vector_load %arg9[%get3A_505, %get3A_506] {strides = array<i32>} : memref<40x128xf32, #tpu.memory_space<vmem>>, vector<1x16xf32>,
      %get3A_508 = vector.shape_cast %get3A_507 : vector<1x16xf32> to vector<16xf32>
      %get3A_509 = arith.index_cast %scan3A_422 : i32 to index
      %get3A_510 = arith.constant 96 : index
      %get3A_511 = tpu.vector_load %arg12[%get3A_509, %get3A_510] {strides = array<i32>} : memref<40x128xf32, #tpu.memory_space<vmem>>, vector<1x16xf32>,
      %get3A_512 = vector.shape_cast %get3A_511 : vector<1x16xf32> to vector<16xf32>
      %mul3A_513 = arith.mulf %get3A_508, %get3A_512 : vector<16xf32>
      %swap3A_514 = arith.index_cast %scan3A_422 : i32 to index
      %swap3A_515 = arith.constant 96 : index
      %swap3A_516 = tpu.vector_load %arg14[%swap3A_514, %swap3A_515] {strides = array<i32>} : memref<40x128xf32, #tpu.memory_space<vmem>>, vector<1x16xf32>,
      %swap3A_517 = vector.shape_cast %swap3A_516 : vector<1x16xf32> to vector<16xf32>
      %swap3A_518 = vector.shape_cast %mul3A_513 : vector<16xf32> to vector<1x16xf32>
      tpu.vector_store %arg14[%swap3A_514, %swap3A_515], %swap3A_518 {strides = array<i32>} : memref<40x128xf32, #tpu.memory_space<vmem>>, vector<1x16xf32>,
      %get3A_519 = arith.index_cast %scan3A_422 : i32 to index
      %get3A_520 = arith.constant 112 : index
      %get3A_521 = tpu.vector_load %arg9[%get3A_519, %get3A_520] {strides = array<i32>} : memref<40x128xf32, #tpu.memory_space<vmem>>, vector<1x16xf32>,
      %get3A_522 = vector.shape_cast %get3A_521 : vector<1x16xf32> to vector<16xf32>
      %get3A_523 = arith.index_cast %scan3A_422 : i32 to index
      %get3A_524 = arith.constant 112 : index
      %get3A_525 = tpu.vector_load %arg12[%get3A_523, %get3A_524] {strides = array<i32>} : memref<40x128xf32, #tpu.memory_space<vmem>>, vector<1x16xf32>,
      %get3A_526 = vector.shape_cast %get3A_525 : vector<1x16xf32> to vector<16xf32>
      %mul3A_527 = arith.mulf %get3A_522, %get3A_526 : vector<16xf32>
      %swap3A_528 = arith.index_cast %scan3A_422 : i32 to index
      %swap3A_529 = arith.constant 112 : index
      %swap3A_530 = tpu.vector_load %arg14[%swap3A_528, %swap3A_529] {strides = array<i32>} : memref<40x128xf32, #tpu.memory_space<vmem>>, vector<1x16xf32>,
      %swap3A_531 = vector.shape_cast %swap3A_530 : vector<1x16xf32> to vector<16xf32>
      %swap3A_532 = vector.shape_cast %mul3A_527 : vector<16xf32> to vector<1x16xf32>
      tpu.vector_store %arg14[%swap3A_528, %swap3A_529], %swap3A_532 {strides = array<i32>} : memref<40x128xf32, #tpu.memory_space<vmem>>, vector<1x16xf32>,
    }
    %scan3A_214 = arith.constant 40 : i32
    %add3A_215 = arith.constant 160 : i32
    %add3A_216 = arith.addi %mul3A_2, %add3A_215 : i32
    %dma_start3A_217 = arith.constant 0 : i32
    %dma_start3A_218 = tpu.memref_slice %arg5[%add3A_216, %dma_start3A_217] : memref<320000x128xf32, #tpu.memory_space<hbm>> -> memref<40x128xf32, #tpu.memory_space<hbm>>
    %dma_start3A_219 = arith.constant 0 : i32
    %dma_start3A_220 = tpu.memref_slice %arg5[%add3A_216, %dma_start3A_219] : memref<320000x128xf32, #tpu.memory_space<hbm>> -> memref<40x128xf32, #tpu.memory_space<hbm>>
    tpu.enqueue_dma source(%arg14 : memref<40x128xf32, #tpu.memory_space<vmem>>) target(%dma_start3A_220 : memref<40x128xf32, #tpu.memory_space<hbm>>) target_semaphore(%arg22 : memref<!tpu.dma_semaphore, #tpu.memory_space<semaphore_mem>>)
    %dma_start3A_221 = arith.constant 280 : i32
    %dma_start3A_222 = tpu.memref_slice %arg7[%dma_start3A_221] : memref<10000xi32, #tpu.memory_space<vmem>> -> memref<40xi32, #tpu.memory_space<vmem>>
    %dma_start3A_223 = arith.constant 0 : i32
    %dma_start3A_224 = arith.constant 0 : i32
    %dma_start3A_225 = tpu.memref_slice %arg6[%dma_start3A_223, %dma_start3A_224] : memref<10000x128xf32, #tpu.memory_space<vmem_shared>> -> memref<10000x128xf32, #tpu.memory_space<vmem_shared>>
    tpu.enqueue_indirect_dma source(%dma_start3A_225 : memref<10000x128xf32, #tpu.memory_space<vmem_shared>>) target(%arg9 : memref<40x128xf32, #tpu.memory_space<vmem>>) offsets(%dma_start3A_222 : memref<40xi32, #tpu.memory_space<vmem>>) semaphore(%arg17 : memref<!tpu.dma_semaphore, #tpu.memory_space<semaphore_mem>>)
    %add3A_226 = arith.constant 280 : i32
    %add3A_227 = arith.addi %mul3A_2, %add3A_226 : i32
    %dma_start3A_228 = arith.constant 0 : i32
    %dma_start3A_229 = tpu.memref_slice %arg4[%add3A_227, %dma_start3A_228] : memref<320000x128xf32, #tpu.memory_space<hbm>> -> memref<40x128xf32, #tpu.memory_space<hbm>>
    %dma_start3A_230 = arith.constant 0 : i32
    %dma_start3A_231 = tpu.memref_slice %arg4[%add3A_227, %dma_start3A_230] : memref<320000x128xf32, #tpu.memory_space<hbm>> -> memref<40x128xf32, #tpu.memory_space<hbm>>
    tpu.enqueue_dma source(%dma_start3A_231 : memref<40x128xf32, #tpu.memory_space<hbm>>) target(%arg12 : memref<40x128xf32, #tpu.memory_space<vmem>>) target_semaphore(%arg20 : memref<!tpu.dma_semaphore, #tpu.memory_space<semaphore_mem>>)
    %dma_wait3A_232 = arith.constant 0 : i32
    %dma_wait3A_233 = arith.constant 0 : i32
    %dma_wait3A_234 = tpu.memref_slice %arg4[%dma_wait3A_232, %dma_wait3A_233] : memref<320000x128xf32, #tpu.memory_space<hbm>> -> memref<40x128xf32, #tpu.memory_space<hbm>>
    %dma_wait3A_235 = arith.constant 0 : i32
    %dma_wait3A_236 = arith.constant 0 : i32
    %dma_wait3A_237 = tpu.memref_slice %arg4[%dma_wait3A_235, %dma_wait3A_236] : memref<320000x128xf32, #tpu.memory_space<hbm>> -> memref<40x128xf32, #tpu.memory_space<hbm>>
    tpu.wait_dma2 semaphore(%arg18 : memref<!tpu.dma_semaphore, #tpu.memory_space<semaphore_mem>>) src(%dma_wait3A_237 : memref<40x128xf32, #tpu.memory_space<hbm>>) dst(%arg10 : memref<40x128xf32, #tpu.memory_space<vmem>>)
    %dma_wait3A_238 = arith.constant 0 : i32
    %dma_wait3A_239 = arith.constant 0 : i32
    %dma_wait3A_240 = tpu.memref_slice %arg4[%dma_wait3A_238, %dma_wait3A_239] : memref<320000x128xf32, #tpu.memory_space<hbm>> -> memref<40x128xf32, #tpu.memory_space<hbm>>
    %dma_wait3A_241 = arith.constant 0 : i32
    %dma_wait3A_242 = arith.constant 0 : i32
    %dma_wait3A_243 = tpu.memref_slice %arg4[%dma_wait3A_241, %dma_wait3A_242] : memref<320000x128xf32, #tpu.memory_space<hbm>> -> memref<40x128xf32, #tpu.memory_space<hbm>>
    tpu.wait_dma2 semaphore(%arg21 : memref<!tpu.dma_semaphore, #tpu.memory_space<semaphore_mem>>) src(%dma_wait3A_243 : memref<40x128xf32, #tpu.memory_space<hbm>>) dst(%arg13 : memref<40x128xf32, #tpu.memory_space<vmem>>)
    %dma_wait3A_244 = arith.constant 0 : i32
    %dma_wait3A_245 = arith.constant 0 : i32
    %dma_wait3A_246 = tpu.memref_slice %arg5[%dma_wait3A_244, %dma_wait3A_245] : memref<320000x128xf32, #tpu.memory_space<hbm>> -> memref<40x128xf32, #tpu.memory_space<hbm>>
    %dma_wait3A_247 = arith.constant 0 : i32
    %dma_wait3A_248 = arith.constant 0 : i32
    %dma_wait3A_249 = tpu.memref_slice %arg5[%dma_wait3A_247, %dma_wait3A_248] : memref<320000x128xf32, #tpu.memory_space<hbm>> -> memref<40x128xf32, #tpu.memory_space<hbm>>
    tpu.wait_dma2 semaphore(%arg23 : memref<!tpu.dma_semaphore, #tpu.memory_space<semaphore_mem>>) src(%arg15 : memref<40x128xf32, #tpu.memory_space<vmem>>) dst(%dma_wait3A_249 : memref<40x128xf32, #tpu.memory_space<hbm>>)
    %scan3A_250 = arith.constant 0 : i32
    %scan3A_251 = arith.constant 0 : i32
    %scan3A_252 = arith.constant 40 : i32
    %scan3A_253 = arith.addi %scan3A_251, %scan3A_252 : i32
    %scan3A_254 = arith.constant 1 : i32
    scf.for %scan3A_422 = %scan3A_251 to %scan3A_253 step %scan3A_254  : i32 {
      %get3A = arith.index_cast %scan3A_422 : i32 to index
      %get3A_423 = arith.constant 0 : index
      %get3A_424 = tpu.vector_load %arg10[%get3A, %get3A_423] {strides = array<i32>} : memref<40x128xf32, #tpu.memory_space<vmem>>, vector<1x16xf32>,
      %get3A_425 = vector.shape_cast %get3A_424 : vector<1x16xf32> to vector<16xf32>
      %get3A_426 = arith.index_cast %scan3A_422 : i32 to index
      %get3A_427 = arith.constant 0 : index
      %get3A_428 = tpu.vector_load %arg13[%get3A_426, %get3A_427] {strides = array<i32>} : memref<40x128xf32, #tpu.memory_space<vmem>>, vector<1x16xf32>,
      %get3A_429 = vector.shape_cast %get3A_428 : vector<1x16xf32> to vector<16xf32>
      %mul3A_430 = arith.mulf %get3A_425, %get3A_429 : vector<16xf32>
      %swap3A = arith.index_cast %scan3A_422 : i32 to index
      %swap3A_431 = arith.constant 0 : index
      %swap3A_432 = tpu.vector_load %arg15[%swap3A, %swap3A_431] {strides = array<i32>} : memref<40x128xf32, #tpu.memory_space<vmem>>, vector<1x16xf32>,
      %swap3A_433 = vector.shape_cast %swap3A_432 : vector<1x16xf32> to vector<16xf32>
      %swap3A_434 = vector.shape_cast %mul3A_430 : vector<16xf32> to vector<1x16xf32>
      tpu.vector_store %arg15[%swap3A, %swap3A_431], %swap3A_434 {strides = array<i32>} : memref<40x128xf32, #tpu.memory_space<vmem>>, vector<1x16xf32>,
      %get3A_435 = arith.index_cast %scan3A_422 : i32 to index
      %get3A_436 = arith.constant 16 : index
      %get3A_437 = tpu.vector_load %arg10[%get3A_435, %get3A_436] {strides = array<i32>} : memref<40x128xf32, #tpu.memory_space<vmem>>, vector<1x16xf32>,
      %get3A_438 = vector.shape_cast %get3A_437 : vector<1x16xf32> to vector<16xf32>
      %get3A_439 = arith.index_cast %scan3A_422 : i32 to index
      %get3A_440 = arith.constant 16 : index
      %get3A_441 = tpu.vector_load %arg13[%get3A_439, %get3A_440] {strides = array<i32>} : memref<40x128xf32, #tpu.memory_space<vmem>>, vector<1x16xf32>,
      %get3A_442 = vector.shape_cast %get3A_441 : vector<1x16xf32> to vector<16xf32>
      %mul3A_443 = arith.mulf %get3A_438, %get3A_442 : vector<16xf32>
      %swap3A_444 = arith.index_cast %scan3A_422 : i32 to index
      %swap3A_445 = arith.constant 16 : index
      %swap3A_446 = tpu.vector_load %arg15[%swap3A_444, %swap3A_445] {strides = array<i32>} : memref<40x128xf32, #tpu.memory_space<vmem>>, vector<1x16xf32>,
      %swap3A_447 = vector.shape_cast %swap3A_446 : vector<1x16xf32> to vector<16xf32>
      %swap3A_448 = vector.shape_cast %mul3A_443 : vector<16xf32> to vector<1x16xf32>
      tpu.vector_store %arg15[%swap3A_444, %swap3A_445], %swap3A_448 {strides = array<i32>} : memref<40x128xf32, #tpu.memory_space<vmem>>, vector<1x16xf32>,
      %get3A_449 = arith.index_cast %scan3A_422 : i32 to index
      %get3A_450 = arith.constant 32 : index
      %get3A_451 = tpu.vector_load %arg10[%get3A_449, %get3A_450] {strides = array<i32>} : memref<40x128xf32, #tpu.memory_space<vmem>>, vector<1x16xf32>,
      %get3A_452 = vector.shape_cast %get3A_451 : vector<1x16xf32> to vector<16xf32>
      %get3A_453 = arith.index_cast %scan3A_422 : i32 to index
      %get3A_454 = arith.constant 32 : index
      %get3A_455 = tpu.vector_load %arg13[%get3A_453, %get3A_454] {strides = array<i32>} : memref<40x128xf32, #tpu.memory_space<vmem>>, vector<1x16xf32>,
      %get3A_456 = vector.shape_cast %get3A_455 : vector<1x16xf32> to vector<16xf32>
      %mul3A_457 = arith.mulf %get3A_452, %get3A_456 : vector<16xf32>
      %swap3A_458 = arith.index_cast %scan3A_422 : i32 to index
      %swap3A_459 = arith.constant 32 : index
      %swap3A_460 = tpu.vector_load %arg15[%swap3A_458, %swap3A_459] {strides = array<i32>} : memref<40x128xf32, #tpu.memory_space<vmem>>, vector<1x16xf32>,
      %swap3A_461 = vector.shape_cast %swap3A_460 : vector<1x16xf32> to vector<16xf32>
      %swap3A_462 = vector.shape_cast %mul3A_457 : vector<16xf32> to vector<1x16xf32>
      tpu.vector_store %arg15[%swap3A_458, %swap3A_459], %swap3A_462 {strides = array<i32>} : memref<40x128xf32, #tpu.memory_space<vmem>>, vector<1x16xf32>,
      %get3A_463 = arith.index_cast %scan3A_422 : i32 to index
      %get3A_464 = arith.constant 48 : index
      %get3A_465 = tpu.vector_load %arg10[%get3A_463, %get3A_464] {strides = array<i32>} : memref<40x128xf32, #tpu.memory_space<vmem>>, vector<1x16xf32>,
      %get3A_466 = vector.shape_cast %get3A_465 : vector<1x16xf32> to vector<16xf32>
      %get3A_467 = arith.index_cast %scan3A_422 : i32 to index
      %get3A_468 = arith.constant 48 : index
      %get3A_469 = tpu.vector_load %arg13[%get3A_467, %get3A_468] {strides = array<i32>} : memref<40x128xf32, #tpu.memory_space<vmem>>, vector<1x16xf32>,
      %get3A_470 = vector.shape_cast %get3A_469 : vector<1x16xf32> to vector<16xf32>
      %mul3A_471 = arith.mulf %get3A_466, %get3A_470 : vector<16xf32>
      %swap3A_472 = arith.index_cast %scan3A_422 : i32 to index
      %swap3A_473 = arith.constant 48 : index
      %swap3A_474 = tpu.vector_load %arg15[%swap3A_472, %swap3A_473] {strides = array<i32>} : memref<40x128xf32, #tpu.memory_space<vmem>>, vector<1x16xf32>,
      %swap3A_475 = vector.shape_cast %swap3A_474 : vector<1x16xf32> to vector<16xf32>
      %swap3A_476 = vector.shape_cast %mul3A_471 : vector<16xf32> to vector<1x16xf32>
      tpu.vector_store %arg15[%swap3A_472, %swap3A_473], %swap3A_476 {strides = array<i32>} : memref<40x128xf32, #tpu.memory_space<vmem>>, vector<1x16xf32>,
      %get3A_477 = arith.index_cast %scan3A_422 : i32 to index
      %get3A_478 = arith.constant 64 : index
      %get3A_479 = tpu.vector_load %arg10[%get3A_477, %get3A_478] {strides = array<i32>} : memref<40x128xf32, #tpu.memory_space<vmem>>, vector<1x16xf32>,
      %get3A_480 = vector.shape_cast %get3A_479 : vector<1x16xf32> to vector<16xf32>
      %get3A_481 = arith.index_cast %scan3A_422 : i32 to index
      %get3A_482 = arith.constant 64 : index
      %get3A_483 = tpu.vector_load %arg13[%get3A_481, %get3A_482] {strides = array<i32>} : memref<40x128xf32, #tpu.memory_space<vmem>>, vector<1x16xf32>,
      %get3A_484 = vector.shape_cast %get3A_483 : vector<1x16xf32> to vector<16xf32>
      %mul3A_485 = arith.mulf %get3A_480, %get3A_484 : vector<16xf32>
      %swap3A_486 = arith.index_cast %scan3A_422 : i32 to index
      %swap3A_487 = arith.constant 64 : index
      %swap3A_488 = tpu.vector_load %arg15[%swap3A_486, %swap3A_487] {strides = array<i32>} : memref<40x128xf32, #tpu.memory_space<vmem>>, vector<1x16xf32>,
      %swap3A_489 = vector.shape_cast %swap3A_488 : vector<1x16xf32> to vector<16xf32>
      %swap3A_490 = vector.shape_cast %mul3A_485 : vector<16xf32> to vector<1x16xf32>
      tpu.vector_store %arg15[%swap3A_486, %swap3A_487], %swap3A_490 {strides = array<i32>} : memref<40x128xf32, #tpu.memory_space<vmem>>, vector<1x16xf32>,
      %get3A_491 = arith.index_cast %scan3A_422 : i32 to index
      %get3A_492 = arith.constant 80 : index
      %get3A_493 = tpu.vector_load %arg10[%get3A_491, %get3A_492] {strides = array<i32>} : memref<40x128xf32, #tpu.memory_space<vmem>>, vector<1x16xf32>,
      %get3A_494 = vector.shape_cast %get3A_493 : vector<1x16xf32> to vector<16xf32>
      %get3A_495 = arith.index_cast %scan3A_422 : i32 to index
      %get3A_496 = arith.constant 80 : index
      %get3A_497 = tpu.vector_load %arg13[%get3A_495, %get3A_496] {strides = array<i32>} : memref<40x128xf32, #tpu.memory_space<vmem>>, vector<1x16xf32>,
      %get3A_498 = vector.shape_cast %get3A_497 : vector<1x16xf32> to vector<16xf32>
      %mul3A_499 = arith.mulf %get3A_494, %get3A_498 : vector<16xf32>
      %swap3A_500 = arith.index_cast %scan3A_422 : i32 to index
      %swap3A_501 = arith.constant 80 : index
      %swap3A_502 = tpu.vector_load %arg15[%swap3A_500, %swap3A_501] {strides = array<i32>} : memref<40x128xf32, #tpu.memory_space<vmem>>, vector<1x16xf32>,
      %swap3A_503 = vector.shape_cast %swap3A_502 : vector<1x16xf32> to vector<16xf32>
      %swap3A_504 = vector.shape_cast %mul3A_499 : vector<16xf32> to vector<1x16xf32>
      tpu.vector_store %arg15[%swap3A_500, %swap3A_501], %swap3A_504 {strides = array<i32>} : memref<40x128xf32, #tpu.memory_space<vmem>>, vector<1x16xf32>,
      %get3A_505 = arith.index_cast %scan3A_422 : i32 to index
      %get3A_506 = arith.constant 96 : index
      %get3A_507 = tpu.vector_load %arg10[%get3A_505, %get3A_506] {strides = array<i32>} : memref<40x128xf32, #tpu.memory_space<vmem>>, vector<1x16xf32>,
      %get3A_508 = vector.shape_cast %get3A_507 : vector<1x16xf32> to vector<16xf32>
      %get3A_509 = arith.index_cast %scan3A_422 : i32 to index
      %get3A_510 = arith.constant 96 : index
      %get3A_511 = tpu.vector_load %arg13[%get3A_509, %get3A_510] {strides = array<i32>} : memref<40x128xf32, #tpu.memory_space<vmem>>, vector<1x16xf32>,
      %get3A_512 = vector.shape_cast %get3A_511 : vector<1x16xf32> to vector<16xf32>
      %mul3A_513 = arith.mulf %get3A_508, %get3A_512 : vector<16xf32>
      %swap3A_514 = arith.index_cast %scan3A_422 : i32 to index
      %swap3A_515 = arith.constant 96 : index
      %swap3A_516 = tpu.vector_load %arg15[%swap3A_514, %swap3A_515] {strides = array<i32>} : memref<40x128xf32, #tpu.memory_space<vmem>>, vector<1x16xf32>,
      %swap3A_517 = vector.shape_cast %swap3A_516 : vector<1x16xf32> to vector<16xf32>
      %swap3A_518 = vector.shape_cast %mul3A_513 : vector<16xf32> to vector<1x16xf32>
      tpu.vector_store %arg15[%swap3A_514, %swap3A_515], %swap3A_518 {strides = array<i32>} : memref<40x128xf32, #tpu.memory_space<vmem>>, vector<1x16xf32>,
      %get3A_519 = arith.index_cast %scan3A_422 : i32 to index
      %get3A_520 = arith.constant 112 : index
      %get3A_521 = tpu.vector_load %arg10[%get3A_519, %get3A_520] {strides = array<i32>} : memref<40x128xf32, #tpu.memory_space<vmem>>, vector<1x16xf32>,
      %get3A_522 = vector.shape_cast %get3A_521 : vector<1x16xf32> to vector<16xf32>
      %get3A_523 = arith.index_cast %scan3A_422 : i32 to index
      %get3A_524 = arith.constant 112 : index
      %get3A_525 = tpu.vector_load %arg13[%get3A_523, %get3A_524] {strides = array<i32>} : memref<40x128xf32, #tpu.memory_space<vmem>>, vector<1x16xf32>,
      %get3A_526 = vector.shape_cast %get3A_525 : vector<1x16xf32> to vector<16xf32>
      %mul3A_527 = arith.mulf %get3A_522, %get3A_526 : vector<16xf32>
      %swap3A_528 = arith.index_cast %scan3A_422 : i32 to index
      %swap3A_529 = arith.constant 112 : index
      %swap3A_530 = tpu.vector_load %arg15[%swap3A_528, %swap3A_529] {strides = array<i32>} : memref<40x128xf32, #tpu.memory_space<vmem>>, vector<1x16xf32>,
      %swap3A_531 = vector.shape_cast %swap3A_530 : vector<1x16xf32> to vector<16xf32>
      %swap3A_532 = vector.shape_cast %mul3A_527 : vector<16xf32> to vector<1x16xf32>
      tpu.vector_store %arg15[%swap3A_528, %swap3A_529], %swap3A_532 {strides = array<i32>} : memref<40x128xf32, #tpu.memory_space<vmem>>, vector<1x16xf32>,
    }
    %scan3A_255 = arith.constant 40 : i32
    %add3A_256 = arith.constant 200 : i32
    %add3A_257 = arith.addi %mul3A_2, %add3A_256 : i32
    %dma_start3A_258 = arith.constant 0 : i32
    %dma_start3A_259 = tpu.memref_slice %arg5[%add3A_257, %dma_start3A_258] : memref<320000x128xf32, #tpu.memory_space<hbm>> -> memref<40x128xf32, #tpu.memory_space<hbm>>
    %dma_start3A_260 = arith.constant 0 : i32
    %dma_start3A_261 = tpu.memref_slice %arg5[%add3A_257, %dma_start3A_260] : memref<320000x128xf32, #tpu.memory_space<hbm>> -> memref<40x128xf32, #tpu.memory_space<hbm>>
    tpu.enqueue_dma source(%arg15 : memref<40x128xf32, #tpu.memory_space<vmem>>) target(%dma_start3A_261 : memref<40x128xf32, #tpu.memory_space<hbm>>) target_semaphore(%arg23 : memref<!tpu.dma_semaphore, #tpu.memory_space<semaphore_mem>>)
    %scan3A_262 = arith.constant 0 : i32
    %scan3A_263 = arith.constant 1 : i32
    %scan3A_264 = arith.constant 40 : i32
    %scan3A_265 = arith.addi %scan3A_263, %scan3A_264 : i32
    %scan3A_266 = arith.constant 1 : i32
    scf.for %scan3A_422 = %scan3A_263 to %scan3A_265 step %scan3A_266  : i32 {
      %mul3A_423 = arith.constant 6 : i32
      %mul3A_424 = arith.muli %scan3A_422, %mul3A_423 : i32
      %add3A_425 = arith.constant 0 : i32
      %add3A_426 = arith.addi %mul3A_424, %add3A_425 : i32
      %add3A_427 = arith.constant 2 : i32
      %add3A_428 = arith.addi %add3A_426, %add3A_427 : i32
      %mul3A_429 = arith.constant 40 : i32
      %mul3A_430 = arith.muli %add3A_428, %mul3A_429 : i32
      %dma_start3A_431 = tpu.memref_slice %arg7[%mul3A_430] : memref<10000xi32, #tpu.memory_space<vmem>> -> memref<40xi32, #tpu.memory_space<vmem>>
      %dma_start3A_432 = arith.constant 0 : i32
      %dma_start3A_433 = arith.constant 0 : i32
      %dma_start3A_434 = tpu.memref_slice %arg6[%dma_start3A_432, %dma_start3A_433] : memref<10000x128xf32, #tpu.memory_space<vmem_shared>> -> memref<10000x128xf32, #tpu.memory_space<vmem_shared>>
      tpu.enqueue_indirect_dma source(%dma_start3A_434 : memref<10000x128xf32, #tpu.memory_space<vmem_shared>>) target(%arg10 : memref<40x128xf32, #tpu.memory_space<vmem>>) offsets(%dma_start3A_431 : memref<40xi32, #tpu.memory_space<vmem>>) semaphore(%arg18 : memref<!tpu.dma_semaphore, #tpu.memory_space<semaphore_mem>>)
      %mul3A_435 = arith.constant 40 : i32
      %mul3A_436 = arith.muli %add3A_428, %mul3A_435 : i32
      %add3A_437 = arith.addi %mul3A_2, %mul3A_436 : i32
      %dma_start3A_438 = arith.constant 0 : i32
      %dma_start3A_439 = tpu.memref_slice %arg4[%add3A_437, %dma_start3A_438] : memref<320000x128xf32, #tpu.memory_space<hbm>> -> memref<40x128xf32, #tpu.memory_space<hbm>>
      %dma_start3A_440 = arith.constant 0 : i32
      %dma_start3A_441 = tpu.memref_slice %arg4[%add3A_437, %dma_start3A_440] : memref<320000x128xf32, #tpu.memory_space<hbm>> -> memref<40x128xf32, #tpu.memory_space<hbm>>
      tpu.enqueue_dma source(%dma_start3A_441 : memref<40x128xf32, #tpu.memory_space<hbm>>) target(%arg13 : memref<40x128xf32, #tpu.memory_space<vmem>>) target_semaphore(%arg21 : memref<!tpu.dma_semaphore, #tpu.memory_space<semaphore_mem>>)
      %dma_wait3A_442 = arith.constant 0 : i32
      %dma_wait3A_443 = arith.constant 0 : i32
      %dma_wait3A_444 = tpu.memref_slice %arg4[%dma_wait3A_442, %dma_wait3A_443] : memref<320000x128xf32, #tpu.memory_space<hbm>> -> memref<40x128xf32, #tpu.memory_space<hbm>>
      %dma_wait3A_445 = arith.constant 0 : i32
      %dma_wait3A_446 = arith.constant 0 : i32
      %dma_wait3A_447 = tpu.memref_slice %arg4[%dma_wait3A_445, %dma_wait3A_446] : memref<320000x128xf32, #tpu.memory_space<hbm>> -> memref<40x128xf32, #tpu.memory_space<hbm>>
      tpu.wait_dma2 semaphore(%arg16 : memref<!tpu.dma_semaphore, #tpu.memory_space<semaphore_mem>>) src(%dma_wait3A_447 : memref<40x128xf32, #tpu.memory_space<hbm>>) dst(%arg8 : memref<40x128xf32, #tpu.memory_space<vmem>>)
      %dma_wait3A_448 = arith.constant 0 : i32
      %dma_wait3A_449 = arith.constant 0 : i32
      %dma_wait3A_450 = tpu.memref_slice %arg4[%dma_wait3A_448, %dma_wait3A_449] : memref<320000x128xf32, #tpu.memory_space<hbm>> -> memref<40x128xf32, #tpu.memory_space<hbm>>
      %dma_wait3A_451 = arith.constant 0 : i32
      %dma_wait3A_452 = arith.constant 0 : i32
      %dma_wait3A_453 = tpu.memref_slice %arg4[%dma_wait3A_451, %dma_wait3A_452] : memref<320000x128xf32, #tpu.memory_space<hbm>> -> memref<40x128xf32, #tpu.memory_space<hbm>>
      tpu.wait_dma2 semaphore(%arg19 : memref<!tpu.dma_semaphore, #tpu.memory_space<semaphore_mem>>) src(%dma_wait3A_453 : memref<40x128xf32, #tpu.memory_space<hbm>>) dst(%arg11 : memref<40x128xf32, #tpu.memory_space<vmem>>)
      %dma_wait3A_454 = arith.constant 0 : i32
      %dma_wait3A_455 = arith.constant 0 : i32
      %dma_wait3A_456 = tpu.memref_slice %arg5[%dma_wait3A_454, %dma_wait3A_455] : memref<320000x128xf32, #tpu.memory_space<hbm>> -> memref<40x128xf32, #tpu.memory_space<hbm>>
      %dma_wait3A_457 = arith.constant 0 : i32
      %dma_wait3A_458 = arith.constant 0 : i32
      %dma_wait3A_459 = tpu.memref_slice %arg5[%dma_wait3A_457, %dma_wait3A_458] : memref<320000x128xf32, #tpu.memory_space<hbm>> -> memref<40x128xf32, #tpu.memory_space<hbm>>
      tpu.wait_dma2 semaphore(%arg22 : memref<!tpu.dma_semaphore, #tpu.memory_space<semaphore_mem>>) src(%arg14 : memref<40x128xf32, #tpu.memory_space<vmem>>) dst(%dma_wait3A_459 : memref<40x128xf32, #tpu.memory_space<hbm>>)
      %scan3A_460 = arith.constant 0 : i32
      %scan3A_461 = arith.constant 0 : i32
      %scan3A_462 = arith.constant 40 : i32
      %scan3A_463 = arith.addi %scan3A_461, %scan3A_462 : i32
      %scan3A_464 = arith.constant 1 : i32
      scf.for %scan3A_713 = %scan3A_461 to %scan3A_463 step %scan3A_464  : i32 {
        %get3A = arith.index_cast %scan3A_713 : i32 to index
        %get3A_714 = arith.constant 0 : index
        %get3A_715 = tpu.vector_load %arg8[%get3A, %get3A_714] {strides = array<i32>} : memref<40x128xf32, #tpu.memory_space<vmem>>, vector<1x16xf32>,
        %get3A_716 = vector.shape_cast %get3A_715 : vector<1x16xf32> to vector<16xf32>
        %get3A_717 = arith.index_cast %scan3A_713 : i32 to index
        %get3A_718 = arith.constant 0 : index
        %get3A_719 = tpu.vector_load %arg11[%get3A_717, %get3A_718] {strides = array<i32>} : memref<40x128xf32, #tpu.memory_space<vmem>>, vector<1x16xf32>,
        %get3A_720 = vector.shape_cast %get3A_719 : vector<1x16xf32> to vector<16xf32>
        %mul3A_721 = arith.mulf %get3A_716, %get3A_720 : vector<16xf32>
        %swap3A = arith.index_cast %scan3A_713 : i32 to index
        %swap3A_722 = arith.constant 0 : index
        %swap3A_723 = tpu.vector_load %arg14[%swap3A, %swap3A_722] {strides = array<i32>} : memref<40x128xf32, #tpu.memory_space<vmem>>, vector<1x16xf32>,
        %swap3A_724 = vector.shape_cast %swap3A_723 : vector<1x16xf32> to vector<16xf32>
        %swap3A_725 = vector.shape_cast %mul3A_721 : vector<16xf32> to vector<1x16xf32>
        tpu.vector_store %arg14[%swap3A, %swap3A_722], %swap3A_725 {strides = array<i32>} : memref<40x128xf32, #tpu.memory_space<vmem>>, vector<1x16xf32>,
        %get3A_726 = arith.index_cast %scan3A_713 : i32 to index
        %get3A_727 = arith.constant 16 : index
        %get3A_728 = tpu.vector_load %arg8[%get3A_726, %get3A_727] {strides = array<i32>} : memref<40x128xf32, #tpu.memory_space<vmem>>, vector<1x16xf32>,
        %get3A_729 = vector.shape_cast %get3A_728 : vector<1x16xf32> to vector<16xf32>
        %get3A_730 = arith.index_cast %scan3A_713 : i32 to index
        %get3A_731 = arith.constant 16 : index
        %get3A_732 = tpu.vector_load %arg11[%get3A_730, %get3A_731] {strides = array<i32>} : memref<40x128xf32, #tpu.memory_space<vmem>>, vector<1x16xf32>,
        %get3A_733 = vector.shape_cast %get3A_732 : vector<1x16xf32> to vector<16xf32>
        %mul3A_734 = arith.mulf %get3A_729, %get3A_733 : vector<16xf32>
        %swap3A_735 = arith.index_cast %scan3A_713 : i32 to index
        %swap3A_736 = arith.constant 16 : index
        %swap3A_737 = tpu.vector_load %arg14[%swap3A_735, %swap3A_736] {strides = array<i32>} : memref<40x128xf32, #tpu.memory_space<vmem>>, vector<1x16xf32>,
        %swap3A_738 = vector.shape_cast %swap3A_737 : vector<1x16xf32> to vector<16xf32>
        %swap3A_739 = vector.shape_cast %mul3A_734 : vector<16xf32> to vector<1x16xf32>
        tpu.vector_store %arg14[%swap3A_735, %swap3A_736], %swap3A_739 {strides = array<i32>} : memref<40x128xf32, #tpu.memory_space<vmem>>, vector<1x16xf32>,
        %get3A_740 = arith.index_cast %scan3A_713 : i32 to index
        %get3A_741 = arith.constant 32 : index
        %get3A_742 = tpu.vector_load %arg8[%get3A_740, %get3A_741] {strides = array<i32>} : memref<40x128xf32, #tpu.memory_space<vmem>>, vector<1x16xf32>,
        %get3A_743 = vector.shape_cast %get3A_742 : vector<1x16xf32> to vector<16xf32>
        %get3A_744 = arith.index_cast %scan3A_713 : i32 to index
        %get3A_745 = arith.constant 32 : index
        %get3A_746 = tpu.vector_load %arg11[%get3A_744, %get3A_745] {strides = array<i32>} : memref<40x128xf32, #tpu.memory_space<vmem>>, vector<1x16xf32>,
        %get3A_747 = vector.shape_cast %get3A_746 : vector<1x16xf32> to vector<16xf32>
        %mul3A_748 = arith.mulf %get3A_743, %get3A_747 : vector<16xf32>
        %swap3A_749 = arith.index_cast %scan3A_713 : i32 to index
        %swap3A_750 = arith.constant 32 : index
        %swap3A_751 = tpu.vector_load %arg14[%swap3A_749, %swap3A_750] {strides = array<i32>} : memref<40x128xf32, #tpu.memory_space<vmem>>, vector<1x16xf32>,
        %swap3A_752 = vector.shape_cast %swap3A_751 : vector<1x16xf32> to vector<16xf32>
        %swap3A_753 = vector.shape_cast %mul3A_748 : vector<16xf32> to vector<1x16xf32>
        tpu.vector_store %arg14[%swap3A_749, %swap3A_750], %swap3A_753 {strides = array<i32>} : memref<40x128xf32, #tpu.memory_space<vmem>>, vector<1x16xf32>,
        %get3A_754 = arith.index_cast %scan3A_713 : i32 to index
        %get3A_755 = arith.constant 48 : index
        %get3A_756 = tpu.vector_load %arg8[%get3A_754, %get3A_755] {strides = array<i32>} : memref<40x128xf32, #tpu.memory_space<vmem>>, vector<1x16xf32>,
        %get3A_757 = vector.shape_cast %get3A_756 : vector<1x16xf32> to vector<16xf32>
        %get3A_758 = arith.index_cast %scan3A_713 : i32 to index
        %get3A_759 = arith.constant 48 : index
        %get3A_760 = tpu.vector_load %arg11[%get3A_758, %get3A_759] {strides = array<i32>} : memref<40x128xf32, #tpu.memory_space<vmem>>, vector<1x16xf32>,
        %get3A_761 = vector.shape_cast %get3A_760 : vector<1x16xf32> to vector<16xf32>
        %mul3A_762 = arith.mulf %get3A_757, %get3A_761 : vector<16xf32>
        %swap3A_763 = arith.index_cast %scan3A_713 : i32 to index
        %swap3A_764 = arith.constant 48 : index
        %swap3A_765 = tpu.vector_load %arg14[%swap3A_763, %swap3A_764] {strides = array<i32>} : memref<40x128xf32, #tpu.memory_space<vmem>>, vector<1x16xf32>,
        %swap3A_766 = vector.shape_cast %swap3A_765 : vector<1x16xf32> to vector<16xf32>
        %swap3A_767 = vector.shape_cast %mul3A_762 : vector<16xf32> to vector<1x16xf32>
        tpu.vector_store %arg14[%swap3A_763, %swap3A_764], %swap3A_767 {strides = array<i32>} : memref<40x128xf32, #tpu.memory_space<vmem>>, vector<1x16xf32>,
        %get3A_768 = arith.index_cast %scan3A_713 : i32 to index
        %get3A_769 = arith.constant 64 : index
        %get3A_770 = tpu.vector_load %arg8[%get3A_768, %get3A_769] {strides = array<i32>} : memref<40x128xf32, #tpu.memory_space<vmem>>, vector<1x16xf32>,
        %get3A_771 = vector.shape_cast %get3A_770 : vector<1x16xf32> to vector<16xf32>
        %get3A_772 = arith.index_cast %scan3A_713 : i32 to index
        %get3A_773 = arith.constant 64 : index
        %get3A_774 = tpu.vector_load %arg11[%get3A_772, %get3A_773] {strides = array<i32>} : memref<40x128xf32, #tpu.memory_space<vmem>>, vector<1x16xf32>,
        %get3A_775 = vector.shape_cast %get3A_774 : vector<1x16xf32> to vector<16xf32>
        %mul3A_776 = arith.mulf %get3A_771, %get3A_775 : vector<16xf32>
        %swap3A_777 = arith.index_cast %scan3A_713 : i32 to index
        %swap3A_778 = arith.constant 64 : index
        %swap3A_779 = tpu.vector_load %arg14[%swap3A_777, %swap3A_778] {strides = array<i32>} : memref<40x128xf32, #tpu.memory_space<vmem>>, vector<1x16xf32>,
        %swap3A_780 = vector.shape_cast %swap3A_779 : vector<1x16xf32> to vector<16xf32>
        %swap3A_781 = vector.shape_cast %mul3A_776 : vector<16xf32> to vector<1x16xf32>
        tpu.vector_store %arg14[%swap3A_777, %swap3A_778], %swap3A_781 {strides = array<i32>} : memref<40x128xf32, #tpu.memory_space<vmem>>, vector<1x16xf32>,
        %get3A_782 = arith.index_cast %scan3A_713 : i32 to index
        %get3A_783 = arith.constant 80 : index
        %get3A_784 = tpu.vector_load %arg8[%get3A_782, %get3A_783] {strides = array<i32>} : memref<40x128xf32, #tpu.memory_space<vmem>>, vector<1x16xf32>,
        %get3A_785 = vector.shape_cast %get3A_784 : vector<1x16xf32> to vector<16xf32>
        %get3A_786 = arith.index_cast %scan3A_713 : i32 to index
        %get3A_787 = arith.constant 80 : index
        %get3A_788 = tpu.vector_load %arg11[%get3A_786, %get3A_787] {strides = array<i32>} : memref<40x128xf32, #tpu.memory_space<vmem>>, vector<1x16xf32>,
        %get3A_789 = vector.shape_cast %get3A_788 : vector<1x16xf32> to vector<16xf32>
        %mul3A_790 = arith.mulf %get3A_785, %get3A_789 : vector<16xf32>
        %swap3A_791 = arith.index_cast %scan3A_713 : i32 to index
        %swap3A_792 = arith.constant 80 : index
        %swap3A_793 = tpu.vector_load %arg14[%swap3A_791, %swap3A_792] {strides = array<i32>} : memref<40x128xf32, #tpu.memory_space<vmem>>, vector<1x16xf32>,
        %swap3A_794 = vector.shape_cast %swap3A_793 : vector<1x16xf32> to vector<16xf32>
        %swap3A_795 = vector.shape_cast %mul3A_790 : vector<16xf32> to vector<1x16xf32>
        tpu.vector_store %arg14[%swap3A_791, %swap3A_792], %swap3A_795 {strides = array<i32>} : memref<40x128xf32, #tpu.memory_space<vmem>>, vector<1x16xf32>,
        %get3A_796 = arith.index_cast %scan3A_713 : i32 to index
        %get3A_797 = arith.constant 96 : index
        %get3A_798 = tpu.vector_load %arg8[%get3A_796, %get3A_797] {strides = array<i32>} : memref<40x128xf32, #tpu.memory_space<vmem>>, vector<1x16xf32>,
        %get3A_799 = vector.shape_cast %get3A_798 : vector<1x16xf32> to vector<16xf32>
        %get3A_800 = arith.index_cast %scan3A_713 : i32 to index
        %get3A_801 = arith.constant 96 : index
        %get3A_802 = tpu.vector_load %arg11[%get3A_800, %get3A_801] {strides = array<i32>} : memref<40x128xf32, #tpu.memory_space<vmem>>, vector<1x16xf32>,
        %get3A_803 = vector.shape_cast %get3A_802 : vector<1x16xf32> to vector<16xf32>
        %mul3A_804 = arith.mulf %get3A_799, %get3A_803 : vector<16xf32>
        %swap3A_805 = arith.index_cast %scan3A_713 : i32 to index
        %swap3A_806 = arith.constant 96 : index
        %swap3A_807 = tpu.vector_load %arg14[%swap3A_805, %swap3A_806] {strides = array<i32>} : memref<40x128xf32, #tpu.memory_space<vmem>>, vector<1x16xf32>,
        %swap3A_808 = vector.shape_cast %swap3A_807 : vector<1x16xf32> to vector<16xf32>
        %swap3A_809 = vector.shape_cast %mul3A_804 : vector<16xf32> to vector<1x16xf32>
        tpu.vector_store %arg14[%swap3A_805, %swap3A_806], %swap3A_809 {strides = array<i32>} : memref<40x128xf32, #tpu.memory_space<vmem>>, vector<1x16xf32>,
        %get3A_810 = arith.index_cast %scan3A_713 : i32 to index
        %get3A_811 = arith.constant 112 : index
        %get3A_812 = tpu.vector_load %arg8[%get3A_810, %get3A_811] {strides = array<i32>} : memref<40x128xf32, #tpu.memory_space<vmem>>, vector<1x16xf32>,
        %get3A_813 = vector.shape_cast %get3A_812 : vector<1x16xf32> to vector<16xf32>
        %get3A_814 = arith.index_cast %scan3A_713 : i32 to index
        %get3A_815 = arith.constant 112 : index
        %get3A_816 = tpu.vector_load %arg11[%get3A_814, %get3A_815] {strides = array<i32>} : memref<40x128xf32, #tpu.memory_space<vmem>>, vector<1x16xf32>,
        %get3A_817 = vector.shape_cast %get3A_816 : vector<1x16xf32> to vector<16xf32>
        %mul3A_818 = arith.mulf %get3A_813, %get3A_817 : vector<16xf32>
        %swap3A_819 = arith.index_cast %scan3A_713 : i32 to index
        %swap3A_820 = arith.constant 112 : index
        %swap3A_821 = tpu.vector_load %arg14[%swap3A_819, %swap3A_820] {strides = array<i32>} : memref<40x128xf32, #tpu.memory_space<vmem>>, vector<1x16xf32>,
        %swap3A_822 = vector.shape_cast %swap3A_821 : vector<1x16xf32> to vector<16xf32>
        %swap3A_823 = vector.shape_cast %mul3A_818 : vector<16xf32> to vector<1x16xf32>
        tpu.vector_store %arg14[%swap3A_819, %swap3A_820], %swap3A_823 {strides = array<i32>} : memref<40x128xf32, #tpu.memory_space<vmem>>, vector<1x16xf32>,
      }
      %scan3A_465 = arith.constant 40 : i32
      %mul3A_466 = arith.constant 40 : i32
      %mul3A_467 = arith.muli %add3A_426, %mul3A_466 : i32
      %add3A_468 = arith.addi %mul3A_2, %mul3A_467 : i32
      %dma_start3A_469 = arith.constant 0 : i32
      %dma_start3A_470 = tpu.memref_slice %arg5[%add3A_468, %dma_start3A_469] : memref<320000x128xf32, #tpu.memory_space<hbm>> -> memref<40x128xf32, #tpu.memory_space<hbm>>
      %dma_start3A_471 = arith.constant 0 : i32
      %dma_start3A_472 = tpu.memref_slice %arg5[%add3A_468, %dma_start3A_471] : memref<320000x128xf32, #tpu.memory_space<hbm>> -> memref<40x128xf32, #tpu.memory_space<hbm>>
      tpu.enqueue_dma source(%arg14 : memref<40x128xf32, #tpu.memory_space<vmem>>) target(%dma_start3A_472 : memref<40x128xf32, #tpu.memory_space<hbm>>) target_semaphore(%arg22 : memref<!tpu.dma_semaphore, #tpu.memory_space<semaphore_mem>>)
      %add3A_473 = arith.constant 1 : i32
      %add3A_474 = arith.addi %mul3A_424, %add3A_473 : i32
      %add3A_475 = arith.constant 2 : i32
      %add3A_476 = arith.addi %add3A_474, %add3A_475 : i32
      %mul3A_477 = arith.constant 40 : i32
      %mul3A_478 = arith.muli %add3A_476, %mul3A_477 : i32
      %dma_start3A_479 = tpu.memref_slice %arg7[%mul3A_478] : memref<10000xi32, #tpu.memory_space<vmem>> -> memref<40xi32, #tpu.memory_space<vmem>>
      %dma_start3A_480 = arith.constant 0 : i32
      %dma_start3A_481 = arith.constant 0 : i32
      %dma_start3A_482 = tpu.memref_slice %arg6[%dma_start3A_480, %dma_start3A_481] : memref<10000x128xf32, #tpu.memory_space<vmem_shared>> -> memref<10000x128xf32, #tpu.memory_space<vmem_shared>>
      tpu.enqueue_indirect_dma source(%dma_start3A_482 : memref<10000x128xf32, #tpu.memory_space<vmem_shared>>) target(%arg8 : memref<40x128xf32, #tpu.memory_space<vmem>>) offsets(%dma_start3A_479 : memref<40xi32, #tpu.memory_space<vmem>>) semaphore(%arg16 : memref<!tpu.dma_semaphore, #tpu.memory_space<semaphore_mem>>)
      %mul3A_483 = arith.constant 40 : i32
      %mul3A_484 = arith.muli %add3A_476, %mul3A_483 : i32
      %add3A_485 = arith.addi %mul3A_2, %mul3A_484 : i32
      %dma_start3A_486 = arith.constant 0 : i32
      %dma_start3A_487 = tpu.memref_slice %arg4[%add3A_485, %dma_start3A_486] : memref<320000x128xf32, #tpu.memory_space<hbm>> -> memref<40x128xf32, #tpu.memory_space<hbm>>
      %dma_start3A_488 = arith.constant 0 : i32
      %dma_start3A_489 = tpu.memref_slice %arg4[%add3A_485, %dma_start3A_488] : memref<320000x128xf32, #tpu.memory_space<hbm>> -> memref<40x128xf32, #tpu.memory_space<hbm>>
      tpu.enqueue_dma source(%dma_start3A_489 : memref<40x128xf32, #tpu.memory_space<hbm>>) target(%arg11 : memref<40x128xf32, #tpu.memory_space<vmem>>) target_semaphore(%arg19 : memref<!tpu.dma_semaphore, #tpu.memory_space<semaphore_mem>>)
      %dma_wait3A_490 = arith.constant 0 : i32
      %dma_wait3A_491 = arith.constant 0 : i32
      %dma_wait3A_492 = tpu.memref_slice %arg4[%dma_wait3A_490, %dma_wait3A_491] : memref<320000x128xf32, #tpu.memory_space<hbm>> -> memref<40x128xf32, #tpu.memory_space<hbm>>
      %dma_wait3A_493 = arith.constant 0 : i32
      %dma_wait3A_494 = arith.constant 0 : i32
      %dma_wait3A_495 = tpu.memref_slice %arg4[%dma_wait3A_493, %dma_wait3A_494] : memref<320000x128xf32, #tpu.memory_space<hbm>> -> memref<40x128xf32, #tpu.memory_space<hbm>>
      tpu.wait_dma2 semaphore(%arg17 : memref<!tpu.dma_semaphore, #tpu.memory_space<semaphore_mem>>) src(%dma_wait3A_495 : memref<40x128xf32, #tpu.memory_space<hbm>>) dst(%arg9 : memref<40x128xf32, #tpu.memory_space<vmem>>)
      %dma_wait3A_496 = arith.constant 0 : i32
      %dma_wait3A_497 = arith.constant 0 : i32
      %dma_wait3A_498 = tpu.memref_slice %arg4[%dma_wait3A_496, %dma_wait3A_497] : memref<320000x128xf32, #tpu.memory_space<hbm>> -> memref<40x128xf32, #tpu.memory_space<hbm>>
      %dma_wait3A_499 = arith.constant 0 : i32
      %dma_wait3A_500 = arith.constant 0 : i32
      %dma_wait3A_501 = tpu.memref_slice %arg4[%dma_wait3A_499, %dma_wait3A_500] : memref<320000x128xf32, #tpu.memory_space<hbm>> -> memref<40x128xf32, #tpu.memory_space<hbm>>
      tpu.wait_dma2 semaphore(%arg20 : memref<!tpu.dma_semaphore, #tpu.memory_space<semaphore_mem>>) src(%dma_wait3A_501 : memref<40x128xf32, #tpu.memory_space<hbm>>) dst(%arg12 : memref<40x128xf32, #tpu.memory_space<vmem>>)
      %dma_wait3A_502 = arith.constant 0 : i32
      %dma_wait3A_503 = arith.constant 0 : i32
      %dma_wait3A_504 = tpu.memref_slice %arg5[%dma_wait3A_502, %dma_wait3A_503] : memref<320000x128xf32, #tpu.memory_space<hbm>> -> memref<40x128xf32, #tpu.memory_space<hbm>>
      %dma_wait3A_505 = arith.constant 0 : i32
      %dma_wait3A_506 = arith.constant 0 : i32
      %dma_wait3A_507 = tpu.memref_slice %arg5[%dma_wait3A_505, %dma_wait3A_506] : memref<320000x128xf32, #tpu.memory_space<hbm>> -> memref<40x128xf32, #tpu.memory_space<hbm>>
      tpu.wait_dma2 semaphore(%arg23 : memref<!tpu.dma_semaphore, #tpu.memory_space<semaphore_mem>>) src(%arg15 : memref<40x128xf32, #tpu.memory_space<vmem>>) dst(%dma_wait3A_507 : memref<40x128xf32, #tpu.memory_space<hbm>>)
      %scan3A_508 = arith.constant 0 : i32
      %scan3A_509 = arith.constant 0 : i32
      %scan3A_510 = arith.constant 40 : i32
      %scan3A_511 = arith.addi %scan3A_509, %scan3A_510 : i32
      %scan3A_512 = arith.constant 1 : i32
      scf.for %scan3A_713 = %scan3A_509 to %scan3A_511 step %scan3A_512  : i32 {
        %get3A = arith.index_cast %scan3A_713 : i32 to index
        %get3A_714 = arith.constant 0 : index
        %get3A_715 = tpu.vector_load %arg9[%get3A, %get3A_714] {strides = array<i32>} : memref<40x128xf32, #tpu.memory_space<vmem>>, vector<1x16xf32>,
        %get3A_716 = vector.shape_cast %get3A_715 : vector<1x16xf32> to vector<16xf32>
        %get3A_717 = arith.index_cast %scan3A_713 : i32 to index
        %get3A_718 = arith.constant 0 : index
        %get3A_719 = tpu.vector_load %arg12[%get3A_717, %get3A_718] {strides = array<i32>} : memref<40x128xf32, #tpu.memory_space<vmem>>, vector<1x16xf32>,
        %get3A_720 = vector.shape_cast %get3A_719 : vector<1x16xf32> to vector<16xf32>
        %mul3A_721 = arith.mulf %get3A_716, %get3A_720 : vector<16xf32>
        %swap3A = arith.index_cast %scan3A_713 : i32 to index
        %swap3A_722 = arith.constant 0 : index
        %swap3A_723 = tpu.vector_load %arg15[%swap3A, %swap3A_722] {strides = array<i32>} : memref<40x128xf32, #tpu.memory_space<vmem>>, vector<1x16xf32>,
        %swap3A_724 = vector.shape_cast %swap3A_723 : vector<1x16xf32> to vector<16xf32>
        %swap3A_725 = vector.shape_cast %mul3A_721 : vector<16xf32> to vector<1x16xf32>
        tpu.vector_store %arg15[%swap3A, %swap3A_722], %swap3A_725 {strides = array<i32>} : memref<40x128xf32, #tpu.memory_space<vmem>>, vector<1x16xf32>,
        %get3A_726 = arith.index_cast %scan3A_713 : i32 to index
        %get3A_727 = arith.constant 16 : index
        %get3A_728 = tpu.vector_load %arg9[%get3A_726, %get3A_727] {strides = array<i32>} : memref<40x128xf32, #tpu.memory_space<vmem>>, vector<1x16xf32>,
        %get3A_729 = vector.shape_cast %get3A_728 : vector<1x16xf32> to vector<16xf32>
        %get3A_730 = arith.index_cast %scan3A_713 : i32 to index
        %get3A_731 = arith.constant 16 : index
        %get3A_732 = tpu.vector_load %arg12[%get3A_730, %get3A_731] {strides = array<i32>} : memref<40x128xf32, #tpu.memory_space<vmem>>, vector<1x16xf32>,
        %get3A_733 = vector.shape_cast %get3A_732 : vector<1x16xf32> to vector<16xf32>
        %mul3A_734 = arith.mulf %get3A_729, %get3A_733 : vector<16xf32>
        %swap3A_735 = arith.index_cast %scan3A_713 : i32 to index
        %swap3A_736 = arith.constant 16 : index
        %swap3A_737 = tpu.vector_load %arg15[%swap3A_735, %swap3A_736] {strides = array<i32>} : memref<40x128xf32, #tpu.memory_space<vmem>>, vector<1x16xf32>,
        %swap3A_738 = vector.shape_cast %swap3A_737 : vector<1x16xf32> to vector<16xf32>
        %swap3A_739 = vector.shape_cast %mul3A_734 : vector<16xf32> to vector<1x16xf32>
        tpu.vector_store %arg15[%swap3A_735, %swap3A_736], %swap3A_739 {strides = array<i32>} : memref<40x128xf32, #tpu.memory_space<vmem>>, vector<1x16xf32>,
        %get3A_740 = arith.index_cast %scan3A_713 : i32 to index
        %get3A_741 = arith.constant 32 : index
        %get3A_742 = tpu.vector_load %arg9[%get3A_740, %get3A_741] {strides = array<i32>} : memref<40x128xf32, #tpu.memory_space<vmem>>, vector<1x16xf32>,
        %get3A_743 = vector.shape_cast %get3A_742 : vector<1x16xf32> to vector<16xf32>
        %get3A_744 = arith.index_cast %scan3A_713 : i32 to index
        %get3A_745 = arith.constant 32 : index
        %get3A_746 = tpu.vector_load %arg12[%get3A_744, %get3A_745] {strides = array<i32>} : memref<40x128xf32, #tpu.memory_space<vmem>>, vector<1x16xf32>,
        %get3A_747 = vector.shape_cast %get3A_746 : vector<1x16xf32> to vector<16xf32>
        %mul3A_748 = arith.mulf %get3A_743, %get3A_747 : vector<16xf32>
        %swap3A_749 = arith.index_cast %scan3A_713 : i32 to index
        %swap3A_750 = arith.constant 32 : index
        %swap3A_751 = tpu.vector_load %arg15[%swap3A_749, %swap3A_750] {strides = array<i32>} : memref<40x128xf32, #tpu.memory_space<vmem>>, vector<1x16xf32>,
        %swap3A_752 = vector.shape_cast %swap3A_751 : vector<1x16xf32> to vector<16xf32>
        %swap3A_753 = vector.shape_cast %mul3A_748 : vector<16xf32> to vector<1x16xf32>
        tpu.vector_store %arg15[%swap3A_749, %swap3A_750], %swap3A_753 {strides = array<i32>} : memref<40x128xf32, #tpu.memory_space<vmem>>, vector<1x16xf32>,
        %get3A_754 = arith.index_cast %scan3A_713 : i32 to index
        %get3A_755 = arith.constant 48 : index
        %get3A_756 = tpu.vector_load %arg9[%get3A_754, %get3A_755] {strides = array<i32>} : memref<40x128xf32, #tpu.memory_space<vmem>>, vector<1x16xf32>,
        %get3A_757 = vector.shape_cast %get3A_756 : vector<1x16xf32> to vector<16xf32>
        %get3A_758 = arith.index_cast %scan3A_713 : i32 to index
        %get3A_759 = arith.constant 48 : index
        %get3A_760 = tpu.vector_load %arg12[%get3A_758, %get3A_759] {strides = array<i32>} : memref<40x128xf32, #tpu.memory_space<vmem>>, vector<1x16xf32>,
        %get3A_761 = vector.shape_cast %get3A_760 : vector<1x16xf32> to vector<16xf32>
        %mul3A_762 = arith.mulf %get3A_757, %get3A_761 : vector<16xf32>
        %swap3A_763 = arith.index_cast %scan3A_713 : i32 to index
        %swap3A_764 = arith.constant 48 : index
        %swap3A_765 = tpu.vector_load %arg15[%swap3A_763, %swap3A_764] {strides = array<i32>} : memref<40x128xf32, #tpu.memory_space<vmem>>, vector<1x16xf32>,
        %swap3A_766 = vector.shape_cast %swap3A_765 : vector<1x16xf32> to vector<16xf32>
        %swap3A_767 = vector.shape_cast %mul3A_762 : vector<16xf32> to vector<1x16xf32>
        tpu.vector_store %arg15[%swap3A_763, %swap3A_764], %swap3A_767 {strides = array<i32>} : memref<40x128xf32, #tpu.memory_space<vmem>>, vector<1x16xf32>,
        %get3A_768 = arith.index_cast %scan3A_713 : i32 to index
        %get3A_769 = arith.constant 64 : index
        %get3A_770 = tpu.vector_load %arg9[%get3A_768, %get3A_769] {strides = array<i32>} : memref<40x128xf32, #tpu.memory_space<vmem>>, vector<1x16xf32>,
        %get3A_771 = vector.shape_cast %get3A_770 : vector<1x16xf32> to vector<16xf32>
        %get3A_772 = arith.index_cast %scan3A_713 : i32 to index
        %get3A_773 = arith.constant 64 : index
        %get3A_774 = tpu.vector_load %arg12[%get3A_772, %get3A_773] {strides = array<i32>} : memref<40x128xf32, #tpu.memory_space<vmem>>, vector<1x16xf32>,
        %get3A_775 = vector.shape_cast %get3A_774 : vector<1x16xf32> to vector<16xf32>
        %mul3A_776 = arith.mulf %get3A_771, %get3A_775 : vector<16xf32>
        %swap3A_777 = arith.index_cast %scan3A_713 : i32 to index
        %swap3A_778 = arith.constant 64 : index
        %swap3A_779 = tpu.vector_load %arg15[%swap3A_777, %swap3A_778] {strides = array<i32>} : memref<40x128xf32, #tpu.memory_space<vmem>>, vector<1x16xf32>,
        %swap3A_780 = vector.shape_cast %swap3A_779 : vector<1x16xf32> to vector<16xf32>
        %swap3A_781 = vector.shape_cast %mul3A_776 : vector<16xf32> to vector<1x16xf32>
        tpu.vector_store %arg15[%swap3A_777, %swap3A_778], %swap3A_781 {strides = array<i32>} : memref<40x128xf32, #tpu.memory_space<vmem>>, vector<1x16xf32>,
        %get3A_782 = arith.index_cast %scan3A_713 : i32 to index
        %get3A_783 = arith.constant 80 : index
        %get3A_784 = tpu.vector_load %arg9[%get3A_782, %get3A_783] {strides = array<i32>} : memref<40x128xf32, #tpu.memory_space<vmem>>, vector<1x16xf32>,
        %get3A_785 = vector.shape_cast %get3A_784 : vector<1x16xf32> to vector<16xf32>
        %get3A_786 = arith.index_cast %scan3A_713 : i32 to index
        %get3A_787 = arith.constant 80 : index
        %get3A_788 = tpu.vector_load %arg12[%get3A_786, %get3A_787] {strides = array<i32>} : memref<40x128xf32, #tpu.memory_space<vmem>>, vector<1x16xf32>,
        %get3A_789 = vector.shape_cast %get3A_788 : vector<1x16xf32> to vector<16xf32>
        %mul3A_790 = arith.mulf %get3A_785, %get3A_789 : vector<16xf32>
        %swap3A_791 = arith.index_cast %scan3A_713 : i32 to index
        %swap3A_792 = arith.constant 80 : index
        %swap3A_793 = tpu.vector_load %arg15[%swap3A_791, %swap3A_792] {strides = array<i32>} : memref<40x128xf32, #tpu.memory_space<vmem>>, vector<1x16xf32>,
        %swap3A_794 = vector.shape_cast %swap3A_793 : vector<1x16xf32> to vector<16xf32>
        %swap3A_795 = vector.shape_cast %mul3A_790 : vector<16xf32> to vector<1x16xf32>
        tpu.vector_store %arg15[%swap3A_791, %swap3A_792], %swap3A_795 {strides = array<i32>} : memref<40x128xf32, #tpu.memory_space<vmem>>, vector<1x16xf32>,
        %get3A_796 = arith.index_cast %scan3A_713 : i32 to index
        %get3A_797 = arith.constant 96 : index
        %get3A_798 = tpu.vector_load %arg9[%get3A_796, %get3A_797] {strides = array<i32>} : memref<40x128xf32, #tpu.memory_space<vmem>>, vector<1x16xf32>,
        %get3A_799 = vector.shape_cast %get3A_798 : vector<1x16xf32> to vector<16xf32>
        %get3A_800 = arith.index_cast %scan3A_713 : i32 to index
        %get3A_801 = arith.constant 96 : index
        %get3A_802 = tpu.vector_load %arg12[%get3A_800, %get3A_801] {strides = array<i32>} : memref<40x128xf32, #tpu.memory_space<vmem>>, vector<1x16xf32>,
        %get3A_803 = vector.shape_cast %get3A_802 : vector<1x16xf32> to vector<16xf32>
        %mul3A_804 = arith.mulf %get3A_799, %get3A_803 : vector<16xf32>
        %swap3A_805 = arith.index_cast %scan3A_713 : i32 to index
        %swap3A_806 = arith.constant 96 : index
        %swap3A_807 = tpu.vector_load %arg15[%swap3A_805, %swap3A_806] {strides = array<i32>} : memref<40x128xf32, #tpu.memory_space<vmem>>, vector<1x16xf32>,
        %swap3A_808 = vector.shape_cast %swap3A_807 : vector<1x16xf32> to vector<16xf32>
        %swap3A_809 = vector.shape_cast %mul3A_804 : vector<16xf32> to vector<1x16xf32>
        tpu.vector_store %arg15[%swap3A_805, %swap3A_806], %swap3A_809 {strides = array<i32>} : memref<40x128xf32, #tpu.memory_space<vmem>>, vector<1x16xf32>,
        %get3A_810 = arith.index_cast %scan3A_713 : i32 to index
        %get3A_811 = arith.constant 112 : index
        %get3A_812 = tpu.vector_load %arg9[%get3A_810, %get3A_811] {strides = array<i32>} : memref<40x128xf32, #tpu.memory_space<vmem>>, vector<1x16xf32>,
        %get3A_813 = vector.shape_cast %get3A_812 : vector<1x16xf32> to vector<16xf32>
        %get3A_814 = arith.index_cast %scan3A_713 : i32 to index
        %get3A_815 = arith.constant 112 : index
        %get3A_816 = tpu.vector_load %arg12[%get3A_814, %get3A_815] {strides = array<i32>} : memref<40x128xf32, #tpu.memory_space<vmem>>, vector<1x16xf32>,
        %get3A_817 = vector.shape_cast %get3A_816 : vector<1x16xf32> to vector<16xf32>
        %mul3A_818 = arith.mulf %get3A_813, %get3A_817 : vector<16xf32>
        %swap3A_819 = arith.index_cast %scan3A_713 : i32 to index
        %swap3A_820 = arith.constant 112 : index
        %swap3A_821 = tpu.vector_load %arg15[%swap3A_819, %swap3A_820] {strides = array<i32>} : memref<40x128xf32, #tpu.memory_space<vmem>>, vector<1x16xf32>,
        %swap3A_822 = vector.shape_cast %swap3A_821 : vector<1x16xf32> to vector<16xf32>
        %swap3A_823 = vector.shape_cast %mul3A_818 : vector<16xf32> to vector<1x16xf32>
        tpu.vector_store %arg15[%swap3A_819, %swap3A_820], %swap3A_823 {strides = array<i32>} : memref<40x128xf32, #tpu.memory_space<vmem>>, vector<1x16xf32>,
      }
      %scan3A_513 = arith.constant 40 : i32
      %mul3A_514 = arith.constant 40 : i32
      %mul3A_515 = arith.muli %add3A_474, %mul3A_514 : i32
      %add3A_516 = arith.addi %mul3A_2, %mul3A_515 : i32
      %dma_start3A_517 = arith.constant 0 : i32
      %dma_start3A_518 = tpu.memref_slice %arg5[%add3A_516, %dma_start3A_517] : memref<320000x128xf32, #tpu.memory_space<hbm>> -> memref<40x128xf32, #tpu.memory_space<hbm>>
      %dma_start3A_519 = arith.constant 0 : i32
      %dma_start3A_520 = tpu.memref_slice %arg5[%add3A_516, %dma_start3A_519] : memref<320000x128xf32, #tpu.memory_space<hbm>> -> memref<40x128xf32, #tpu.memory_space<hbm>>
      tpu.enqueue_dma source(%arg15 : memref<40x128xf32, #tpu.memory_space<vmem>>) target(%dma_start3A_520 : memref<40x128xf32, #tpu.memory_space<hbm>>) target_semaphore(%arg23 : memref<!tpu.dma_semaphore, #tpu.memory_space<semaphore_mem>>)
      %add3A_521 = arith.constant 2 : i32
      %add3A_522 = arith.addi %mul3A_424, %add3A_521 : i32
      %add3A_523 = arith.constant 2 : i32
      %add3A_524 = arith.addi %add3A_522, %add3A_523 : i32
      %mul3A_525 = arith.constant 40 : i32
      %mul3A_526 = arith.muli %add3A_524, %mul3A_525 : i32
      %dma_start3A_527 = tpu.memref_slice %arg7[%mul3A_526] : memref<10000xi32, #tpu.memory_space<vmem>> -> memref<40xi32, #tpu.memory_space<vmem>>
      %dma_start3A_528 = arith.constant 0 : i32
      %dma_start3A_529 = arith.constant 0 : i32
      %dma_start3A_530 = tpu.memref_slice %arg6[%dma_start3A_528, %dma_start3A_529] : memref<10000x128xf32, #tpu.memory_space<vmem_shared>> -> memref<10000x128xf32, #tpu.memory_space<vmem_shared>>
      tpu.enqueue_indirect_dma source(%dma_start3A_530 : memref<10000x128xf32, #tpu.memory_space<vmem_shared>>) target(%arg9 : memref<40x128xf32, #tpu.memory_space<vmem>>) offsets(%dma_start3A_527 : memref<40xi32, #tpu.memory_space<vmem>>) semaphore(%arg17 : memref<!tpu.dma_semaphore, #tpu.memory_space<semaphore_mem>>)
      %mul3A_531 = arith.constant 40 : i32
      %mul3A_532 = arith.muli %add3A_524, %mul3A_531 : i32
      %add3A_533 = arith.addi %mul3A_2, %mul3A_532 : i32
      %dma_start3A_534 = arith.constant 0 : i32
      %dma_start3A_535 = tpu.memref_slice %arg4[%add3A_533, %dma_start3A_534] : memref<320000x128xf32, #tpu.memory_space<hbm>> -> memref<40x128xf32, #tpu.memory_space<hbm>>
      %dma_start3A_536 = arith.constant 0 : i32
      %dma_start3A_537 = tpu.memref_slice %arg4[%add3A_533, %dma_start3A_536] : memref<320000x128xf32, #tpu.memory_space<hbm>> -> memref<40x128xf32, #tpu.memory_space<hbm>>
      tpu.enqueue_dma source(%dma_start3A_537 : memref<40x128xf32, #tpu.memory_space<hbm>>) target(%arg12 : memref<40x128xf32, #tpu.memory_space<vmem>>) target_semaphore(%arg20 : memref<!tpu.dma_semaphore, #tpu.memory_space<semaphore_mem>>)
      %dma_wait3A_538 = arith.constant 0 : i32
      %dma_wait3A_539 = arith.constant 0 : i32
      %dma_wait3A_540 = tpu.memref_slice %arg4[%dma_wait3A_538, %dma_wait3A_539] : memref<320000x128xf32, #tpu.memory_space<hbm>> -> memref<40x128xf32, #tpu.memory_space<hbm>>
      %dma_wait3A_541 = arith.constant 0 : i32
      %dma_wait3A_542 = arith.constant 0 : i32
      %dma_wait3A_543 = tpu.memref_slice %arg4[%dma_wait3A_541, %dma_wait3A_542] : memref<320000x128xf32, #tpu.memory_space<hbm>> -> memref<40x128xf32, #tpu.memory_space<hbm>>
      tpu.wait_dma2 semaphore(%arg18 : memref<!tpu.dma_semaphore, #tpu.memory_space<semaphore_mem>>) src(%dma_wait3A_543 : memref<40x128xf32, #tpu.memory_space<hbm>>) dst(%arg10 : memref<40x128xf32, #tpu.memory_space<vmem>>)
      %dma_wait3A_544 = arith.constant 0 : i32
      %dma_wait3A_545 = arith.constant 0 : i32
      %dma_wait3A_546 = tpu.memref_slice %arg4[%dma_wait3A_544, %dma_wait3A_545] : memref<320000x128xf32, #tpu.memory_space<hbm>> -> memref<40x128xf32, #tpu.memory_space<hbm>>
      %dma_wait3A_547 = arith.constant 0 : i32
      %dma_wait3A_548 = arith.constant 0 : i32
      %dma_wait3A_549 = tpu.memref_slice %arg4[%dma_wait3A_547, %dma_wait3A_548] : memref<320000x128xf32, #tpu.memory_space<hbm>> -> memref<40x128xf32, #tpu.memory_space<hbm>>
      tpu.wait_dma2 semaphore(%arg21 : memref<!tpu.dma_semaphore, #tpu.memory_space<semaphore_mem>>) src(%dma_wait3A_549 : memref<40x128xf32, #tpu.memory_space<hbm>>) dst(%arg13 : memref<40x128xf32, #tpu.memory_space<vmem>>)
      %dma_wait3A_550 = arith.constant 0 : i32
      %dma_wait3A_551 = arith.constant 0 : i32
      %dma_wait3A_552 = tpu.memref_slice %arg5[%dma_wait3A_550, %dma_wait3A_551] : memref<320000x128xf32, #tpu.memory_space<hbm>> -> memref<40x128xf32, #tpu.memory_space<hbm>>
      %dma_wait3A_553 = arith.constant 0 : i32
      %dma_wait3A_554 = arith.constant 0 : i32
      %dma_wait3A_555 = tpu.memref_slice %arg5[%dma_wait3A_553, %dma_wait3A_554] : memref<320000x128xf32, #tpu.memory_space<hbm>> -> memref<40x128xf32, #tpu.memory_space<hbm>>
      tpu.wait_dma2 semaphore(%arg22 : memref<!tpu.dma_semaphore, #tpu.memory_space<semaphore_mem>>) src(%arg14 : memref<40x128xf32, #tpu.memory_space<vmem>>) dst(%dma_wait3A_555 : memref<40x128xf32, #tpu.memory_space<hbm>>)
      %scan3A_556 = arith.constant 0 : i32
      %scan3A_557 = arith.constant 0 : i32
      %scan3A_558 = arith.constant 40 : i32
      %scan3A_559 = arith.addi %scan3A_557, %scan3A_558 : i32
      %scan3A_560 = arith.constant 1 : i32
      scf.for %scan3A_713 = %scan3A_557 to %scan3A_559 step %scan3A_560  : i32 {
        %get3A = arith.index_cast %scan3A_713 : i32 to index
        %get3A_714 = arith.constant 0 : index
        %get3A_715 = tpu.vector_load %arg10[%get3A, %get3A_714] {strides = array<i32>} : memref<40x128xf32, #tpu.memory_space<vmem>>, vector<1x16xf32>,
        %get3A_716 = vector.shape_cast %get3A_715 : vector<1x16xf32> to vector<16xf32>
        %get3A_717 = arith.index_cast %scan3A_713 : i32 to index
        %get3A_718 = arith.constant 0 : index
        %get3A_719 = tpu.vector_load %arg13[%get3A_717, %get3A_718] {strides = array<i32>} : memref<40x128xf32, #tpu.memory_space<vmem>>, vector<1x16xf32>,
        %get3A_720 = vector.shape_cast %get3A_719 : vector<1x16xf32> to vector<16xf32>
        %mul3A_721 = arith.mulf %get3A_716, %get3A_720 : vector<16xf32>
        %swap3A = arith.index_cast %scan3A_713 : i32 to index
        %swap3A_722 = arith.constant 0 : index
        %swap3A_723 = tpu.vector_load %arg14[%swap3A, %swap3A_722] {strides = array<i32>} : memref<40x128xf32, #tpu.memory_space<vmem>>, vector<1x16xf32>,
        %swap3A_724 = vector.shape_cast %swap3A_723 : vector<1x16xf32> to vector<16xf32>
        %swap3A_725 = vector.shape_cast %mul3A_721 : vector<16xf32> to vector<1x16xf32>
        tpu.vector_store %arg14[%swap3A, %swap3A_722], %swap3A_725 {strides = array<i32>} : memref<40x128xf32, #tpu.memory_space<vmem>>, vector<1x16xf32>,
        %get3A_726 = arith.index_cast %scan3A_713 : i32 to index
        %get3A_727 = arith.constant 16 : index
        %get3A_728 = tpu.vector_load %arg10[%get3A_726, %get3A_727] {strides = array<i32>} : memref<40x128xf32, #tpu.memory_space<vmem>>, vector<1x16xf32>,
        %get3A_729 = vector.shape_cast %get3A_728 : vector<1x16xf32> to vector<16xf32>
        %get3A_730 = arith.index_cast %scan3A_713 : i32 to index
        %get3A_731 = arith.constant 16 : index
        %get3A_732 = tpu.vector_load %arg13[%get3A_730, %get3A_731] {strides = array<i32>} : memref<40x128xf32, #tpu.memory_space<vmem>>, vector<1x16xf32>,
        %get3A_733 = vector.shape_cast %get3A_732 : vector<1x16xf32> to vector<16xf32>
        %mul3A_734 = arith.mulf %get3A_729, %get3A_733 : vector<16xf32>
        %swap3A_735 = arith.index_cast %scan3A_713 : i32 to index
        %swap3A_736 = arith.constant 16 : index
        %swap3A_737 = tpu.vector_load %arg14[%swap3A_735, %swap3A_736] {strides = array<i32>} : memref<40x128xf32, #tpu.memory_space<vmem>>, vector<1x16xf32>,
        %swap3A_738 = vector.shape_cast %swap3A_737 : vector<1x16xf32> to vector<16xf32>
        %swap3A_739 = vector.shape_cast %mul3A_734 : vector<16xf32> to vector<1x16xf32>
        tpu.vector_store %arg14[%swap3A_735, %swap3A_736], %swap3A_739 {strides = array<i32>} : memref<40x128xf32, #tpu.memory_space<vmem>>, vector<1x16xf32>,
        %get3A_740 = arith.index_cast %scan3A_713 : i32 to index
        %get3A_741 = arith.constant 32 : index
        %get3A_742 = tpu.vector_load %arg10[%get3A_740, %get3A_741] {strides = array<i32>} : memref<40x128xf32, #tpu.memory_space<vmem>>, vector<1x16xf32>,
        %get3A_743 = vector.shape_cast %get3A_742 : vector<1x16xf32> to vector<16xf32>
        %get3A_744 = arith.index_cast %scan3A_713 : i32 to index
        %get3A_745 = arith.constant 32 : index
        %get3A_746 = tpu.vector_load %arg13[%get3A_744, %get3A_745] {strides = array<i32>} : memref<40x128xf32, #tpu.memory_space<vmem>>, vector<1x16xf32>,
        %get3A_747 = vector.shape_cast %get3A_746 : vector<1x16xf32> to vector<16xf32>
        %mul3A_748 = arith.mulf %get3A_743, %get3A_747 : vector<16xf32>
        %swap3A_749 = arith.index_cast %scan3A_713 : i32 to index
        %swap3A_750 = arith.constant 32 : index
        %swap3A_751 = tpu.vector_load %arg14[%swap3A_749, %swap3A_750] {strides = array<i32>} : memref<40x128xf32, #tpu.memory_space<vmem>>, vector<1x16xf32>,
        %swap3A_752 = vector.shape_cast %swap3A_751 : vector<1x16xf32> to vector<16xf32>
        %swap3A_753 = vector.shape_cast %mul3A_748 : vector<16xf32> to vector<1x16xf32>
        tpu.vector_store %arg14[%swap3A_749, %swap3A_750], %swap3A_753 {strides = array<i32>} : memref<40x128xf32, #tpu.memory_space<vmem>>, vector<1x16xf32>,
        %get3A_754 = arith.index_cast %scan3A_713 : i32 to index
        %get3A_755 = arith.constant 48 : index
        %get3A_756 = tpu.vector_load %arg10[%get3A_754, %get3A_755] {strides = array<i32>} : memref<40x128xf32, #tpu.memory_space<vmem>>, vector<1x16xf32>,
        %get3A_757 = vector.shape_cast %get3A_756 : vector<1x16xf32> to vector<16xf32>
        %get3A_758 = arith.index_cast %scan3A_713 : i32 to index
        %get3A_759 = arith.constant 48 : index
        %get3A_760 = tpu.vector_load %arg13[%get3A_758, %get3A_759] {strides = array<i32>} : memref<40x128xf32, #tpu.memory_space<vmem>>, vector<1x16xf32>,
        %get3A_761 = vector.shape_cast %get3A_760 : vector<1x16xf32> to vector<16xf32>
        %mul3A_762 = arith.mulf %get3A_757, %get3A_761 : vector<16xf32>
        %swap3A_763 = arith.index_cast %scan3A_713 : i32 to index
        %swap3A_764 = arith.constant 48 : index
        %swap3A_765 = tpu.vector_load %arg14[%swap3A_763, %swap3A_764] {strides = array<i32>} : memref<40x128xf32, #tpu.memory_space<vmem>>, vector<1x16xf32>,
        %swap3A_766 = vector.shape_cast %swap3A_765 : vector<1x16xf32> to vector<16xf32>
        %swap3A_767 = vector.shape_cast %mul3A_762 : vector<16xf32> to vector<1x16xf32>
        tpu.vector_store %arg14[%swap3A_763, %swap3A_764], %swap3A_767 {strides = array<i32>} : memref<40x128xf32, #tpu.memory_space<vmem>>, vector<1x16xf32>,
        %get3A_768 = arith.index_cast %scan3A_713 : i32 to index
        %get3A_769 = arith.constant 64 : index
        %get3A_770 = tpu.vector_load %arg10[%get3A_768, %get3A_769] {strides = array<i32>} : memref<40x128xf32, #tpu.memory_space<vmem>>, vector<1x16xf32>,
        %get3A_771 = vector.shape_cast %get3A_770 : vector<1x16xf32> to vector<16xf32>
        %get3A_772 = arith.index_cast %scan3A_713 : i32 to index
        %get3A_773 = arith.constant 64 : index
        %get3A_774 = tpu.vector_load %arg13[%get3A_772, %get3A_773] {strides = array<i32>} : memref<40x128xf32, #tpu.memory_space<vmem>>, vector<1x16xf32>,
        %get3A_775 = vector.shape_cast %get3A_774 : vector<1x16xf32> to vector<16xf32>
        %mul3A_776 = arith.mulf %get3A_771, %get3A_775 : vector<16xf32>
        %swap3A_777 = arith.index_cast %scan3A_713 : i32 to index
        %swap3A_778 = arith.constant 64 : index
        %swap3A_779 = tpu.vector_load %arg14[%swap3A_777, %swap3A_778] {strides = array<i32>} : memref<40x128xf32, #tpu.memory_space<vmem>>, vector<1x16xf32>,
        %swap3A_780 = vector.shape_cast %swap3A_779 : vector<1x16xf32> to vector<16xf32>
        %swap3A_781 = vector.shape_cast %mul3A_776 : vector<16xf32> to vector<1x16xf32>
        tpu.vector_store %arg14[%swap3A_777, %swap3A_778], %swap3A_781 {strides = array<i32>} : memref<40x128xf32, #tpu.memory_space<vmem>>, vector<1x16xf32>,
        %get3A_782 = arith.index_cast %scan3A_713 : i32 to index
        %get3A_783 = arith.constant 80 : index
        %get3A_784 = tpu.vector_load %arg10[%get3A_782, %get3A_783] {strides = array<i32>} : memref<40x128xf32, #tpu.memory_space<vmem>>, vector<1x16xf32>,
        %get3A_785 = vector.shape_cast %get3A_784 : vector<1x16xf32> to vector<16xf32>
        %get3A_786 = arith.index_cast %scan3A_713 : i32 to index
        %get3A_787 = arith.constant 80 : index
        %get3A_788 = tpu.vector_load %arg13[%get3A_786, %get3A_787] {strides = array<i32>} : memref<40x128xf32, #tpu.memory_space<vmem>>, vector<1x16xf32>,
        %get3A_789 = vector.shape_cast %get3A_788 : vector<1x16xf32> to vector<16xf32>
        %mul3A_790 = arith.mulf %get3A_785, %get3A_789 : vector<16xf32>
        %swap3A_791 = arith.index_cast %scan3A_713 : i32 to index
        %swap3A_792 = arith.constant 80 : index
        %swap3A_793 = tpu.vector_load %arg14[%swap3A_791, %swap3A_792] {strides = array<i32>} : memref<40x128xf32, #tpu.memory_space<vmem>>, vector<1x16xf32>,
        %swap3A_794 = vector.shape_cast %swap3A_793 : vector<1x16xf32> to vector<16xf32>
        %swap3A_795 = vector.shape_cast %mul3A_790 : vector<16xf32> to vector<1x16xf32>
        tpu.vector_store %arg14[%swap3A_791, %swap3A_792], %swap3A_795 {strides = array<i32>} : memref<40x128xf32, #tpu.memory_space<vmem>>, vector<1x16xf32>,
        %get3A_796 = arith.index_cast %scan3A_713 : i32 to index
        %get3A_797 = arith.constant 96 : index
        %get3A_798 = tpu.vector_load %arg10[%get3A_796, %get3A_797] {strides = array<i32>} : memref<40x128xf32, #tpu.memory_space<vmem>>, vector<1x16xf32>,
        %get3A_799 = vector.shape_cast %get3A_798 : vector<1x16xf32> to vector<16xf32>
        %get3A_800 = arith.index_cast %scan3A_713 : i32 to index
        %get3A_801 = arith.constant 96 : index
        %get3A_802 = tpu.vector_load %arg13[%get3A_800, %get3A_801] {strides = array<i32>} : memref<40x128xf32, #tpu.memory_space<vmem>>, vector<1x16xf32>,
        %get3A_803 = vector.shape_cast %get3A_802 : vector<1x16xf32> to vector<16xf32>
        %mul3A_804 = arith.mulf %get3A_799, %get3A_803 : vector<16xf32>
        %swap3A_805 = arith.index_cast %scan3A_713 : i32 to index
        %swap3A_806 = arith.constant 96 : index
        %swap3A_807 = tpu.vector_load %arg14[%swap3A_805, %swap3A_806] {strides = array<i32>} : memref<40x128xf32, #tpu.memory_space<vmem>>, vector<1x16xf32>,
        %swap3A_808 = vector.shape_cast %swap3A_807 : vector<1x16xf32> to vector<16xf32>
        %swap3A_809 = vector.shape_cast %mul3A_804 : vector<16xf32> to vector<1x16xf32>
        tpu.vector_store %arg14[%swap3A_805, %swap3A_806], %swap3A_809 {strides = array<i32>} : memref<40x128xf32, #tpu.memory_space<vmem>>, vector<1x16xf32>,
        %get3A_810 = arith.index_cast %scan3A_713 : i32 to index
        %get3A_811 = arith.constant 112 : index
        %get3A_812 = tpu.vector_load %arg10[%get3A_810, %get3A_811] {strides = array<i32>} : memref<40x128xf32, #tpu.memory_space<vmem>>, vector<1x16xf32>,
        %get3A_813 = vector.shape_cast %get3A_812 : vector<1x16xf32> to vector<16xf32>
        %get3A_814 = arith.index_cast %scan3A_713 : i32 to index
        %get3A_815 = arith.constant 112 : index
        %get3A_816 = tpu.vector_load %arg13[%get3A_814, %get3A_815] {strides = array<i32>} : memref<40x128xf32, #tpu.memory_space<vmem>>, vector<1x16xf32>,
        %get3A_817 = vector.shape_cast %get3A_816 : vector<1x16xf32> to vector<16xf32>
        %mul3A_818 = arith.mulf %get3A_813, %get3A_817 : vector<16xf32>
        %swap3A_819 = arith.index_cast %scan3A_713 : i32 to index
        %swap3A_820 = arith.constant 112 : index
        %swap3A_821 = tpu.vector_load %arg14[%swap3A_819, %swap3A_820] {strides = array<i32>} : memref<40x128xf32, #tpu.memory_space<vmem>>, vector<1x16xf32>,
        %swap3A_822 = vector.shape_cast %swap3A_821 : vector<1x16xf32> to vector<16xf32>
        %swap3A_823 = vector.shape_cast %mul3A_818 : vector<16xf32> to vector<1x16xf32>
        tpu.vector_store %arg14[%swap3A_819, %swap3A_820], %swap3A_823 {strides = array<i32>} : memref<40x128xf32, #tpu.memory_space<vmem>>, vector<1x16xf32>,
      }
      %scan3A_561 = arith.constant 40 : i32
      %mul3A_562 = arith.constant 40 : i32
      %mul3A_563 = arith.muli %add3A_522, %mul3A_562 : i32
      %add3A_564 = arith.addi %mul3A_2, %mul3A_563 : i32
      %dma_start3A_565 = arith.constant 0 : i32
      %dma_start3A_566 = tpu.memref_slice %arg5[%add3A_564, %dma_start3A_565] : memref<320000x128xf32, #tpu.memory_space<hbm>> -> memref<40x128xf32, #tpu.memory_space<hbm>>
      %dma_start3A_567 = arith.constant 0 : i32
      %dma_start3A_568 = tpu.memref_slice %arg5[%add3A_564, %dma_start3A_567] : memref<320000x128xf32, #tpu.memory_space<hbm>> -> memref<40x128xf32, #tpu.memory_space<hbm>>
      tpu.enqueue_dma source(%arg14 : memref<40x128xf32, #tpu.memory_space<vmem>>) target(%dma_start3A_568 : memref<40x128xf32, #tpu.memory_space<hbm>>) target_semaphore(%arg22 : memref<!tpu.dma_semaphore, #tpu.memory_space<semaphore_mem>>)
      %add3A_569 = arith.constant 3 : i32
      %add3A_570 = arith.addi %mul3A_424, %add3A_569 : i32
      %add3A_571 = arith.constant 2 : i32
      %add3A_572 = arith.addi %add3A_570, %add3A_571 : i32
      %mul3A_573 = arith.constant 40 : i32
      %mul3A_574 = arith.muli %add3A_572, %mul3A_573 : i32
      %dma_start3A_575 = tpu.memref_slice %arg7[%mul3A_574] : memref<10000xi32, #tpu.memory_space<vmem>> -> memref<40xi32, #tpu.memory_space<vmem>>
      %dma_start3A_576 = arith.constant 0 : i32
      %dma_start3A_577 = arith.constant 0 : i32
      %dma_start3A_578 = tpu.memref_slice %arg6[%dma_start3A_576, %dma_start3A_577] : memref<10000x128xf32, #tpu.memory_space<vmem_shared>> -> memref<10000x128xf32, #tpu.memory_space<vmem_shared>>
      tpu.enqueue_indirect_dma source(%dma_start3A_578 : memref<10000x128xf32, #tpu.memory_space<vmem_shared>>) target(%arg10 : memref<40x128xf32, #tpu.memory_space<vmem>>) offsets(%dma_start3A_575 : memref<40xi32, #tpu.memory_space<vmem>>) semaphore(%arg18 : memref<!tpu.dma_semaphore, #tpu.memory_space<semaphore_mem>>)
      %mul3A_579 = arith.constant 40 : i32
      %mul3A_580 = arith.muli %add3A_572, %mul3A_579 : i32
      %add3A_581 = arith.addi %mul3A_2, %mul3A_580 : i32
      %dma_start3A_582 = arith.constant 0 : i32
      %dma_start3A_583 = tpu.memref_slice %arg4[%add3A_581, %dma_start3A_582] : memref<320000x128xf32, #tpu.memory_space<hbm>> -> memref<40x128xf32, #tpu.memory_space<hbm>>
      %dma_start3A_584 = arith.constant 0 : i32
      %dma_start3A_585 = tpu.memref_slice %arg4[%add3A_581, %dma_start3A_584] : memref<320000x128xf32, #tpu.memory_space<hbm>> -> memref<40x128xf32, #tpu.memory_space<hbm>>
      tpu.enqueue_dma source(%dma_start3A_585 : memref<40x128xf32, #tpu.memory_space<hbm>>) target(%arg13 : memref<40x128xf32, #tpu.memory_space<vmem>>) target_semaphore(%arg21 : memref<!tpu.dma_semaphore, #tpu.memory_space<semaphore_mem>>)
      %dma_wait3A_586 = arith.constant 0 : i32
      %dma_wait3A_587 = arith.constant 0 : i32
      %dma_wait3A_588 = tpu.memref_slice %arg4[%dma_wait3A_586, %dma_wait3A_587] : memref<320000x128xf32, #tpu.memory_space<hbm>> -> memref<40x128xf32, #tpu.memory_space<hbm>>
      %dma_wait3A_589 = arith.constant 0 : i32
      %dma_wait3A_590 = arith.constant 0 : i32
      %dma_wait3A_591 = tpu.memref_slice %arg4[%dma_wait3A_589, %dma_wait3A_590] : memref<320000x128xf32, #tpu.memory_space<hbm>> -> memref<40x128xf32, #tpu.memory_space<hbm>>
      tpu.wait_dma2 semaphore(%arg16 : memref<!tpu.dma_semaphore, #tpu.memory_space<semaphore_mem>>) src(%dma_wait3A_591 : memref<40x128xf32, #tpu.memory_space<hbm>>) dst(%arg8 : memref<40x128xf32, #tpu.memory_space<vmem>>)
      %dma_wait3A_592 = arith.constant 0 : i32
      %dma_wait3A_593 = arith.constant 0 : i32
      %dma_wait3A_594 = tpu.memref_slice %arg4[%dma_wait3A_592, %dma_wait3A_593] : memref<320000x128xf32, #tpu.memory_space<hbm>> -> memref<40x128xf32, #tpu.memory_space<hbm>>
      %dma_wait3A_595 = arith.constant 0 : i32
      %dma_wait3A_596 = arith.constant 0 : i32
      %dma_wait3A_597 = tpu.memref_slice %arg4[%dma_wait3A_595, %dma_wait3A_596] : memref<320000x128xf32, #tpu.memory_space<hbm>> -> memref<40x128xf32, #tpu.memory_space<hbm>>
      tpu.wait_dma2 semaphore(%arg19 : memref<!tpu.dma_semaphore, #tpu.memory_space<semaphore_mem>>) src(%dma_wait3A_597 : memref<40x128xf32, #tpu.memory_space<hbm>>) dst(%arg11 : memref<40x128xf32, #tpu.memory_space<vmem>>)
      %dma_wait3A_598 = arith.constant 0 : i32
      %dma_wait3A_599 = arith.constant 0 : i32
      %dma_wait3A_600 = tpu.memref_slice %arg5[%dma_wait3A_598, %dma_wait3A_599] : memref<320000x128xf32, #tpu.memory_space<hbm>> -> memref<40x128xf32, #tpu.memory_space<hbm>>
      %dma_wait3A_601 = arith.constant 0 : i32
      %dma_wait3A_602 = arith.constant 0 : i32
      %dma_wait3A_603 = tpu.memref_slice %arg5[%dma_wait3A_601, %dma_wait3A_602] : memref<320000x128xf32, #tpu.memory_space<hbm>> -> memref<40x128xf32, #tpu.memory_space<hbm>>
      tpu.wait_dma2 semaphore(%arg23 : memref<!tpu.dma_semaphore, #tpu.memory_space<semaphore_mem>>) src(%arg15 : memref<40x128xf32, #tpu.memory_space<vmem>>) dst(%dma_wait3A_603 : memref<40x128xf32, #tpu.memory_space<hbm>>)
      %scan3A_604 = arith.constant 0 : i32
      %scan3A_605 = arith.constant 0 : i32
      %scan3A_606 = arith.constant 40 : i32
      %scan3A_607 = arith.addi %scan3A_605, %scan3A_606 : i32
      %scan3A_608 = arith.constant 1 : i32
      scf.for %scan3A_713 = %scan3A_605 to %scan3A_607 step %scan3A_608  : i32 {
        %get3A = arith.index_cast %scan3A_713 : i32 to index
        %get3A_714 = arith.constant 0 : index
        %get3A_715 = tpu.vector_load %arg8[%get3A, %get3A_714] {strides = array<i32>} : memref<40x128xf32, #tpu.memory_space<vmem>>, vector<1x16xf32>,
        %get3A_716 = vector.shape_cast %get3A_715 : vector<1x16xf32> to vector<16xf32>
        %get3A_717 = arith.index_cast %scan3A_713 : i32 to index
        %get3A_718 = arith.constant 0 : index
        %get3A_719 = tpu.vector_load %arg11[%get3A_717, %get3A_718] {strides = array<i32>} : memref<40x128xf32, #tpu.memory_space<vmem>>, vector<1x16xf32>,
        %get3A_720 = vector.shape_cast %get3A_719 : vector<1x16xf32> to vector<16xf32>
        %mul3A_721 = arith.mulf %get3A_716, %get3A_720 : vector<16xf32>
        %swap3A = arith.index_cast %scan3A_713 : i32 to index
        %swap3A_722 = arith.constant 0 : index
        %swap3A_723 = tpu.vector_load %arg15[%swap3A, %swap3A_722] {strides = array<i32>} : memref<40x128xf32, #tpu.memory_space<vmem>>, vector<1x16xf32>,
        %swap3A_724 = vector.shape_cast %swap3A_723 : vector<1x16xf32> to vector<16xf32>
        %swap3A_725 = vector.shape_cast %mul3A_721 : vector<16xf32> to vector<1x16xf32>
        tpu.vector_store %arg15[%swap3A, %swap3A_722], %swap3A_725 {strides = array<i32>} : memref<40x128xf32, #tpu.memory_space<vmem>>, vector<1x16xf32>,
        %get3A_726 = arith.index_cast %scan3A_713 : i32 to index
        %get3A_727 = arith.constant 16 : index
        %get3A_728 = tpu.vector_load %arg8[%get3A_726, %get3A_727] {strides = array<i32>} : memref<40x128xf32, #tpu.memory_space<vmem>>, vector<1x16xf32>,
        %get3A_729 = vector.shape_cast %get3A_728 : vector<1x16xf32> to vector<16xf32>
        %get3A_730 = arith.index_cast %scan3A_713 : i32 to index
        %get3A_731 = arith.constant 16 : index
        %get3A_732 = tpu.vector_load %arg11[%get3A_730, %get3A_731] {strides = array<i32>} : memref<40x128xf32, #tpu.memory_space<vmem>>, vector<1x16xf32>,
        %get3A_733 = vector.shape_cast %get3A_732 : vector<1x16xf32> to vector<16xf32>
        %mul3A_734 = arith.mulf %get3A_729, %get3A_733 : vector<16xf32>
        %swap3A_735 = arith.index_cast %scan3A_713 : i32 to index
        %swap3A_736 = arith.constant 16 : index
        %swap3A_737 = tpu.vector_load %arg15[%swap3A_735, %swap3A_736] {strides = array<i32>} : memref<40x128xf32, #tpu.memory_space<vmem>>, vector<1x16xf32>,
        %swap3A_738 = vector.shape_cast %swap3A_737 : vector<1x16xf32> to vector<16xf32>
        %swap3A_739 = vector.shape_cast %mul3A_734 : vector<16xf32> to vector<1x16xf32>
        tpu.vector_store %arg15[%swap3A_735, %swap3A_736], %swap3A_739 {strides = array<i32>} : memref<40x128xf32, #tpu.memory_space<vmem>>, vector<1x16xf32>,
        %get3A_740 = arith.index_cast %scan3A_713 : i32 to index
        %get3A_741 = arith.constant 32 : index
        %get3A_742 = tpu.vector_load %arg8[%get3A_740, %get3A_741] {strides = array<i32>} : memref<40x128xf32, #tpu.memory_space<vmem>>, vector<1x16xf32>,
        %get3A_743 = vector.shape_cast %get3A_742 : vector<1x16xf32> to vector<16xf32>
        %get3A_744 = arith.index_cast %scan3A_713 : i32 to index
        %get3A_745 = arith.constant 32 : index
        %get3A_746 = tpu.vector_load %arg11[%get3A_744, %get3A_745] {strides = array<i32>} : memref<40x128xf32, #tpu.memory_space<vmem>>, vector<1x16xf32>,
        %get3A_747 = vector.shape_cast %get3A_746 : vector<1x16xf32> to vector<16xf32>
        %mul3A_748 = arith.mulf %get3A_743, %get3A_747 : vector<16xf32>
        %swap3A_749 = arith.index_cast %scan3A_713 : i32 to index
        %swap3A_750 = arith.constant 32 : index
        %swap3A_751 = tpu.vector_load %arg15[%swap3A_749, %swap3A_750] {strides = array<i32>} : memref<40x128xf32, #tpu.memory_space<vmem>>, vector<1x16xf32>,
        %swap3A_752 = vector.shape_cast %swap3A_751 : vector<1x16xf32> to vector<16xf32>
        %swap3A_753 = vector.shape_cast %mul3A_748 : vector<16xf32> to vector<1x16xf32>
        tpu.vector_store %arg15[%swap3A_749, %swap3A_750], %swap3A_753 {strides = array<i32>} : memref<40x128xf32, #tpu.memory_space<vmem>>, vector<1x16xf32>,
        %get3A_754 = arith.index_cast %scan3A_713 : i32 to index
        %get3A_755 = arith.constant 48 : index
        %get3A_756 = tpu.vector_load %arg8[%get3A_754, %get3A_755] {strides = array<i32>} : memref<40x128xf32, #tpu.memory_space<vmem>>, vector<1x16xf32>,
        %get3A_757 = vector.shape_cast %get3A_756 : vector<1x16xf32> to vector<16xf32>
        %get3A_758 = arith.index_cast %scan3A_713 : i32 to index
        %get3A_759 = arith.constant 48 : index
        %get3A_760 = tpu.vector_load %arg11[%get3A_758, %get3A_759] {strides = array<i32>} : memref<40x128xf32, #tpu.memory_space<vmem>>, vector<1x16xf32>,
        %get3A_761 = vector.shape_cast %get3A_760 : vector<1x16xf32> to vector<16xf32>
        %mul3A_762 = arith.mulf %get3A_757, %get3A_761 : vector<16xf32>
        %swap3A_763 = arith.index_cast %scan3A_713 : i32 to index
        %swap3A_764 = arith.constant 48 : index
        %swap3A_765 = tpu.vector_load %arg15[%swap3A_763, %swap3A_764] {strides = array<i32>} : memref<40x128xf32, #tpu.memory_space<vmem>>, vector<1x16xf32>,
        %swap3A_766 = vector.shape_cast %swap3A_765 : vector<1x16xf32> to vector<16xf32>
        %swap3A_767 = vector.shape_cast %mul3A_762 : vector<16xf32> to vector<1x16xf32>
        tpu.vector_store %arg15[%swap3A_763, %swap3A_764], %swap3A_767 {strides = array<i32>} : memref<40x128xf32, #tpu.memory_space<vmem>>, vector<1x16xf32>,
        %get3A_768 = arith.index_cast %scan3A_713 : i32 to index
        %get3A_769 = arith.constant 64 : index
        %get3A_770 = tpu.vector_load %arg8[%get3A_768, %get3A_769] {strides = array<i32>} : memref<40x128xf32, #tpu.memory_space<vmem>>, vector<1x16xf32>,
        %get3A_771 = vector.shape_cast %get3A_770 : vector<1x16xf32> to vector<16xf32>
        %get3A_772 = arith.index_cast %scan3A_713 : i32 to index
        %get3A_773 = arith.constant 64 : index
        %get3A_774 = tpu.vector_load %arg11[%get3A_772, %get3A_773] {strides = array<i32>} : memref<40x128xf32, #tpu.memory_space<vmem>>, vector<1x16xf32>,
        %get3A_775 = vector.shape_cast %get3A_774 : vector<1x16xf32> to vector<16xf32>
        %mul3A_776 = arith.mulf %get3A_771, %get3A_775 : vector<16xf32>
        %swap3A_777 = arith.index_cast %scan3A_713 : i32 to index
        %swap3A_778 = arith.constant 64 : index
        %swap3A_779 = tpu.vector_load %arg15[%swap3A_777, %swap3A_778] {strides = array<i32>} : memref<40x128xf32, #tpu.memory_space<vmem>>, vector<1x16xf32>,
        %swap3A_780 = vector.shape_cast %swap3A_779 : vector<1x16xf32> to vector<16xf32>
        %swap3A_781 = vector.shape_cast %mul3A_776 : vector<16xf32> to vector<1x16xf32>
        tpu.vector_store %arg15[%swap3A_777, %swap3A_778], %swap3A_781 {strides = array<i32>} : memref<40x128xf32, #tpu.memory_space<vmem>>, vector<1x16xf32>,
        %get3A_782 = arith.index_cast %scan3A_713 : i32 to index
        %get3A_783 = arith.constant 80 : index
        %get3A_784 = tpu.vector_load %arg8[%get3A_782, %get3A_783] {strides = array<i32>} : memref<40x128xf32, #tpu.memory_space<vmem>>, vector<1x16xf32>,
        %get3A_785 = vector.shape_cast %get3A_784 : vector<1x16xf32> to vector<16xf32>
        %get3A_786 = arith.index_cast %scan3A_713 : i32 to index
        %get3A_787 = arith.constant 80 : index
        %get3A_788 = tpu.vector_load %arg11[%get3A_786, %get3A_787] {strides = array<i32>} : memref<40x128xf32, #tpu.memory_space<vmem>>, vector<1x16xf32>,
        %get3A_789 = vector.shape_cast %get3A_788 : vector<1x16xf32> to vector<16xf32>
        %mul3A_790 = arith.mulf %get3A_785, %get3A_789 : vector<16xf32>
        %swap3A_791 = arith.index_cast %scan3A_713 : i32 to index
        %swap3A_792 = arith.constant 80 : index
        %swap3A_793 = tpu.vector_load %arg15[%swap3A_791, %swap3A_792] {strides = array<i32>} : memref<40x128xf32, #tpu.memory_space<vmem>>, vector<1x16xf32>,
        %swap3A_794 = vector.shape_cast %swap3A_793 : vector<1x16xf32> to vector<16xf32>
        %swap3A_795 = vector.shape_cast %mul3A_790 : vector<16xf32> to vector<1x16xf32>
        tpu.vector_store %arg15[%swap3A_791, %swap3A_792], %swap3A_795 {strides = array<i32>} : memref<40x128xf32, #tpu.memory_space<vmem>>, vector<1x16xf32>,
        %get3A_796 = arith.index_cast %scan3A_713 : i32 to index
        %get3A_797 = arith.constant 96 : index
        %get3A_798 = tpu.vector_load %arg8[%get3A_796, %get3A_797] {strides = array<i32>} : memref<40x128xf32, #tpu.memory_space<vmem>>, vector<1x16xf32>,
        %get3A_799 = vector.shape_cast %get3A_798 : vector<1x16xf32> to vector<16xf32>
        %get3A_800 = arith.index_cast %scan3A_713 : i32 to index
        %get3A_801 = arith.constant 96 : index
        %get3A_802 = tpu.vector_load %arg11[%get3A_800, %get3A_801] {strides = array<i32>} : memref<40x128xf32, #tpu.memory_space<vmem>>, vector<1x16xf32>,
        %get3A_803 = vector.shape_cast %get3A_802 : vector<1x16xf32> to vector<16xf32>
        %mul3A_804 = arith.mulf %get3A_799, %get3A_803 : vector<16xf32>
        %swap3A_805 = arith.index_cast %scan3A_713 : i32 to index
        %swap3A_806 = arith.constant 96 : index
        %swap3A_807 = tpu.vector_load %arg15[%swap3A_805, %swap3A_806] {strides = array<i32>} : memref<40x128xf32, #tpu.memory_space<vmem>>, vector<1x16xf32>,
        %swap3A_808 = vector.shape_cast %swap3A_807 : vector<1x16xf32> to vector<16xf32>
        %swap3A_809 = vector.shape_cast %mul3A_804 : vector<16xf32> to vector<1x16xf32>
        tpu.vector_store %arg15[%swap3A_805, %swap3A_806], %swap3A_809 {strides = array<i32>} : memref<40x128xf32, #tpu.memory_space<vmem>>, vector<1x16xf32>,
        %get3A_810 = arith.index_cast %scan3A_713 : i32 to index
        %get3A_811 = arith.constant 112 : index
        %get3A_812 = tpu.vector_load %arg8[%get3A_810, %get3A_811] {strides = array<i32>} : memref<40x128xf32, #tpu.memory_space<vmem>>, vector<1x16xf32>,
        %get3A_813 = vector.shape_cast %get3A_812 : vector<1x16xf32> to vector<16xf32>
        %get3A_814 = arith.index_cast %scan3A_713 : i32 to index
        %get3A_815 = arith.constant 112 : index
        %get3A_816 = tpu.vector_load %arg11[%get3A_814, %get3A_815] {strides = array<i32>} : memref<40x128xf32, #tpu.memory_space<vmem>>, vector<1x16xf32>,
        %get3A_817 = vector.shape_cast %get3A_816 : vector<1x16xf32> to vector<16xf32>
        %mul3A_818 = arith.mulf %get3A_813, %get3A_817 : vector<16xf32>
        %swap3A_819 = arith.index_cast %scan3A_713 : i32 to index
        %swap3A_820 = arith.constant 112 : index
        %swap3A_821 = tpu.vector_load %arg15[%swap3A_819, %swap3A_820] {strides = array<i32>} : memref<40x128xf32, #tpu.memory_space<vmem>>, vector<1x16xf32>,
        %swap3A_822 = vector.shape_cast %swap3A_821 : vector<1x16xf32> to vector<16xf32>
        %swap3A_823 = vector.shape_cast %mul3A_818 : vector<16xf32> to vector<1x16xf32>
        tpu.vector_store %arg15[%swap3A_819, %swap3A_820], %swap3A_823 {strides = array<i32>} : memref<40x128xf32, #tpu.memory_space<vmem>>, vector<1x16xf32>,
      }
      %scan3A_609 = arith.constant 40 : i32
      %mul3A_610 = arith.constant 40 : i32
      %mul3A_611 = arith.muli %add3A_570, %mul3A_610 : i32
      %add3A_612 = arith.addi %mul3A_2, %mul3A_611 : i32
      %dma_start3A_613 = arith.constant 0 : i32
      %dma_start3A_614 = tpu.memref_slice %arg5[%add3A_612, %dma_start3A_613] : memref<320000x128xf32, #tpu.memory_space<hbm>> -> memref<40x128xf32, #tpu.memory_space<hbm>>
      %dma_start3A_615 = arith.constant 0 : i32
      %dma_start3A_616 = tpu.memref_slice %arg5[%add3A_612, %dma_start3A_615] : memref<320000x128xf32, #tpu.memory_space<hbm>> -> memref<40x128xf32, #tpu.memory_space<hbm>>
      tpu.enqueue_dma source(%arg15 : memref<40x128xf32, #tpu.memory_space<vmem>>) target(%dma_start3A_616 : memref<40x128xf32, #tpu.memory_space<hbm>>) target_semaphore(%arg23 : memref<!tpu.dma_semaphore, #tpu.memory_space<semaphore_mem>>)
      %add3A_617 = arith.constant 4 : i32
      %add3A_618 = arith.addi %mul3A_424, %add3A_617 : i32
      %add3A_619 = arith.constant 2 : i32
      %add3A_620 = arith.addi %add3A_618, %add3A_619 : i32
      %mul3A_621 = arith.constant 40 : i32
      %mul3A_622 = arith.muli %add3A_620, %mul3A_621 : i32
      %dma_start3A_623 = tpu.memref_slice %arg7[%mul3A_622] : memref<10000xi32, #tpu.memory_space<vmem>> -> memref<40xi32, #tpu.memory_space<vmem>>
      %dma_start3A_624 = arith.constant 0 : i32
      %dma_start3A_625 = arith.constant 0 : i32
      %dma_start3A_626 = tpu.memref_slice %arg6[%dma_start3A_624, %dma_start3A_625] : memref<10000x128xf32, #tpu.memory_space<vmem_shared>> -> memref<10000x128xf32, #tpu.memory_space<vmem_shared>>
      tpu.enqueue_indirect_dma source(%dma_start3A_626 : memref<10000x128xf32, #tpu.memory_space<vmem_shared>>) target(%arg8 : memref<40x128xf32, #tpu.memory_space<vmem>>) offsets(%dma_start3A_623 : memref<40xi32, #tpu.memory_space<vmem>>) semaphore(%arg16 : memref<!tpu.dma_semaphore, #tpu.memory_space<semaphore_mem>>)
      %mul3A_627 = arith.constant 40 : i32
      %mul3A_628 = arith.muli %add3A_620, %mul3A_627 : i32
      %add3A_629 = arith.addi %mul3A_2, %mul3A_628 : i32
      %dma_start3A_630 = arith.constant 0 : i32
      %dma_start3A_631 = tpu.memref_slice %arg4[%add3A_629, %dma_start3A_630] : memref<320000x128xf32, #tpu.memory_space<hbm>> -> memref<40x128xf32, #tpu.memory_space<hbm>>
      %dma_start3A_632 = arith.constant 0 : i32
      %dma_start3A_633 = tpu.memref_slice %arg4[%add3A_629, %dma_start3A_632] : memref<320000x128xf32, #tpu.memory_space<hbm>> -> memref<40x128xf32, #tpu.memory_space<hbm>>
      tpu.enqueue_dma source(%dma_start3A_633 : memref<40x128xf32, #tpu.memory_space<hbm>>) target(%arg11 : memref<40x128xf32, #tpu.memory_space<vmem>>) target_semaphore(%arg19 : memref<!tpu.dma_semaphore, #tpu.memory_space<semaphore_mem>>)
      %dma_wait3A_634 = arith.constant 0 : i32
      %dma_wait3A_635 = arith.constant 0 : i32
      %dma_wait3A_636 = tpu.memref_slice %arg4[%dma_wait3A_634, %dma_wait3A_635] : memref<320000x128xf32, #tpu.memory_space<hbm>> -> memref<40x128xf32, #tpu.memory_space<hbm>>
      %dma_wait3A_637 = arith.constant 0 : i32
      %dma_wait3A_638 = arith.constant 0 : i32
      %dma_wait3A_639 = tpu.memref_slice %arg4[%dma_wait3A_637, %dma_wait3A_638] : memref<320000x128xf32, #tpu.memory_space<hbm>> -> memref<40x128xf32, #tpu.memory_space<hbm>>
      tpu.wait_dma2 semaphore(%arg17 : memref<!tpu.dma_semaphore, #tpu.memory_space<semaphore_mem>>) src(%dma_wait3A_639 : memref<40x128xf32, #tpu.memory_space<hbm>>) dst(%arg9 : memref<40x128xf32, #tpu.memory_space<vmem>>)
      %dma_wait3A_640 = arith.constant 0 : i32
      %dma_wait3A_641 = arith.constant 0 : i32
      %dma_wait3A_642 = tpu.memref_slice %arg4[%dma_wait3A_640, %dma_wait3A_641] : memref<320000x128xf32, #tpu.memory_space<hbm>> -> memref<40x128xf32, #tpu.memory_space<hbm>>
      %dma_wait3A_643 = arith.constant 0 : i32
      %dma_wait3A_644 = arith.constant 0 : i32
      %dma_wait3A_645 = tpu.memref_slice %arg4[%dma_wait3A_643, %dma_wait3A_644] : memref<320000x128xf32, #tpu.memory_space<hbm>> -> memref<40x128xf32, #tpu.memory_space<hbm>>
      tpu.wait_dma2 semaphore(%arg20 : memref<!tpu.dma_semaphore, #tpu.memory_space<semaphore_mem>>) src(%dma_wait3A_645 : memref<40x128xf32, #tpu.memory_space<hbm>>) dst(%arg12 : memref<40x128xf32, #tpu.memory_space<vmem>>)
      %dma_wait3A_646 = arith.constant 0 : i32
      %dma_wait3A_647 = arith.constant 0 : i32
      %dma_wait3A_648 = tpu.memref_slice %arg5[%dma_wait3A_646, %dma_wait3A_647] : memref<320000x128xf32, #tpu.memory_space<hbm>> -> memref<40x128xf32, #tpu.memory_space<hbm>>
      %dma_wait3A_649 = arith.constant 0 : i32
      %dma_wait3A_650 = arith.constant 0 : i32
      %dma_wait3A_651 = tpu.memref_slice %arg5[%dma_wait3A_649, %dma_wait3A_650] : memref<320000x128xf32, #tpu.memory_space<hbm>> -> memref<40x128xf32, #tpu.memory_space<hbm>>
      tpu.wait_dma2 semaphore(%arg22 : memref<!tpu.dma_semaphore, #tpu.memory_space<semaphore_mem>>) src(%arg14 : memref<40x128xf32, #tpu.memory_space<vmem>>) dst(%dma_wait3A_651 : memref<40x128xf32, #tpu.memory_space<hbm>>)
      %scan3A_652 = arith.constant 0 : i32
      %scan3A_653 = arith.constant 0 : i32
      %scan3A_654 = arith.constant 40 : i32
      %scan3A_655 = arith.addi %scan3A_653, %scan3A_654 : i32
      %scan3A_656 = arith.constant 1 : i32
      scf.for %scan3A_713 = %scan3A_653 to %scan3A_655 step %scan3A_656  : i32 {
        %get3A = arith.index_cast %scan3A_713 : i32 to index
        %get3A_714 = arith.constant 0 : index
        %get3A_715 = tpu.vector_load %arg9[%get3A, %get3A_714] {strides = array<i32>} : memref<40x128xf32, #tpu.memory_space<vmem>>, vector<1x16xf32>,
        %get3A_716 = vector.shape_cast %get3A_715 : vector<1x16xf32> to vector<16xf32>
        %get3A_717 = arith.index_cast %scan3A_713 : i32 to index
        %get3A_718 = arith.constant 0 : index
        %get3A_719 = tpu.vector_load %arg12[%get3A_717, %get3A_718] {strides = array<i32>} : memref<40x128xf32, #tpu.memory_space<vmem>>, vector<1x16xf32>,
        %get3A_720 = vector.shape_cast %get3A_719 : vector<1x16xf32> to vector<16xf32>
        %mul3A_721 = arith.mulf %get3A_716, %get3A_720 : vector<16xf32>
        %swap3A = arith.index_cast %scan3A_713 : i32 to index
        %swap3A_722 = arith.constant 0 : index
        %swap3A_723 = tpu.vector_load %arg14[%swap3A, %swap3A_722] {strides = array<i32>} : memref<40x128xf32, #tpu.memory_space<vmem>>, vector<1x16xf32>,
        %swap3A_724 = vector.shape_cast %swap3A_723 : vector<1x16xf32> to vector<16xf32>
        %swap3A_725 = vector.shape_cast %mul3A_721 : vector<16xf32> to vector<1x16xf32>
        tpu.vector_store %arg14[%swap3A, %swap3A_722], %swap3A_725 {strides = array<i32>} : memref<40x128xf32, #tpu.memory_space<vmem>>, vector<1x16xf32>,
        %get3A_726 = arith.index_cast %scan3A_713 : i32 to index
        %get3A_727 = arith.constant 16 : index
        %get3A_728 = tpu.vector_load %arg9[%get3A_726, %get3A_727] {strides = array<i32>} : memref<40x128xf32, #tpu.memory_space<vmem>>, vector<1x16xf32>,
        %get3A_729 = vector.shape_cast %get3A_728 : vector<1x16xf32> to vector<16xf32>
        %get3A_730 = arith.index_cast %scan3A_713 : i32 to index
        %get3A_731 = arith.constant 16 : index
        %get3A_732 = tpu.vector_load %arg12[%get3A_730, %get3A_731] {strides = array<i32>} : memref<40x128xf32, #tpu.memory_space<vmem>>, vector<1x16xf32>,
        %get3A_733 = vector.shape_cast %get3A_732 : vector<1x16xf32> to vector<16xf32>
        %mul3A_734 = arith.mulf %get3A_729, %get3A_733 : vector<16xf32>
        %swap3A_735 = arith.index_cast %scan3A_713 : i32 to index
        %swap3A_736 = arith.constant 16 : index
        %swap3A_737 = tpu.vector_load %arg14[%swap3A_735, %swap3A_736] {strides = array<i32>} : memref<40x128xf32, #tpu.memory_space<vmem>>, vector<1x16xf32>,
        %swap3A_738 = vector.shape_cast %swap3A_737 : vector<1x16xf32> to vector<16xf32>
        %swap3A_739 = vector.shape_cast %mul3A_734 : vector<16xf32> to vector<1x16xf32>
        tpu.vector_store %arg14[%swap3A_735, %swap3A_736], %swap3A_739 {strides = array<i32>} : memref<40x128xf32, #tpu.memory_space<vmem>>, vector<1x16xf32>,
        %get3A_740 = arith.index_cast %scan3A_713 : i32 to index
        %get3A_741 = arith.constant 32 : index
        %get3A_742 = tpu.vector_load %arg9[%get3A_740, %get3A_741] {strides = array<i32>} : memref<40x128xf32, #tpu.memory_space<vmem>>, vector<1x16xf32>,
        %get3A_743 = vector.shape_cast %get3A_742 : vector<1x16xf32> to vector<16xf32>
        %get3A_744 = arith.index_cast %scan3A_713 : i32 to index
        %get3A_745 = arith.constant 32 : index
        %get3A_746 = tpu.vector_load %arg12[%get3A_744, %get3A_745] {strides = array<i32>} : memref<40x128xf32, #tpu.memory_space<vmem>>, vector<1x16xf32>,
        %get3A_747 = vector.shape_cast %get3A_746 : vector<1x16xf32> to vector<16xf32>
        %mul3A_748 = arith.mulf %get3A_743, %get3A_747 : vector<16xf32>
        %swap3A_749 = arith.index_cast %scan3A_713 : i32 to index
        %swap3A_750 = arith.constant 32 : index
        %swap3A_751 = tpu.vector_load %arg14[%swap3A_749, %swap3A_750] {strides = array<i32>} : memref<40x128xf32, #tpu.memory_space<vmem>>, vector<1x16xf32>,
        %swap3A_752 = vector.shape_cast %swap3A_751 : vector<1x16xf32> to vector<16xf32>
        %swap3A_753 = vector.shape_cast %mul3A_748 : vector<16xf32> to vector<1x16xf32>
        tpu.vector_store %arg14[%swap3A_749, %swap3A_750], %swap3A_753 {strides = array<i32>} : memref<40x128xf32, #tpu.memory_space<vmem>>, vector<1x16xf32>,
        %get3A_754 = arith.index_cast %scan3A_713 : i32 to index
        %get3A_755 = arith.constant 48 : index
        %get3A_756 = tpu.vector_load %arg9[%get3A_754, %get3A_755] {strides = array<i32>} : memref<40x128xf32, #tpu.memory_space<vmem>>, vector<1x16xf32>,
        %get3A_757 = vector.shape_cast %get3A_756 : vector<1x16xf32> to vector<16xf32>
        %get3A_758 = arith.index_cast %scan3A_713 : i32 to index
        %get3A_759 = arith.constant 48 : index
        %get3A_760 = tpu.vector_load %arg12[%get3A_758, %get3A_759] {strides = array<i32>} : memref<40x128xf32, #tpu.memory_space<vmem>>, vector<1x16xf32>,
        %get3A_761 = vector.shape_cast %get3A_760 : vector<1x16xf32> to vector<16xf32>
        %mul3A_762 = arith.mulf %get3A_757, %get3A_761 : vector<16xf32>
        %swap3A_763 = arith.index_cast %scan3A_713 : i32 to index
        %swap3A_764 = arith.constant 48 : index
        %swap3A_765 = tpu.vector_load %arg14[%swap3A_763, %swap3A_764] {strides = array<i32>} : memref<40x128xf32, #tpu.memory_space<vmem>>, vector<1x16xf32>,
        %swap3A_766 = vector.shape_cast %swap3A_765 : vector<1x16xf32> to vector<16xf32>
        %swap3A_767 = vector.shape_cast %mul3A_762 : vector<16xf32> to vector<1x16xf32>
        tpu.vector_store %arg14[%swap3A_763, %swap3A_764], %swap3A_767 {strides = array<i32>} : memref<40x128xf32, #tpu.memory_space<vmem>>, vector<1x16xf32>,
        %get3A_768 = arith.index_cast %scan3A_713 : i32 to index
        %get3A_769 = arith.constant 64 : index
        %get3A_770 = tpu.vector_load %arg9[%get3A_768, %get3A_769] {strides = array<i32>} : memref<40x128xf32, #tpu.memory_space<vmem>>, vector<1x16xf32>,
        %get3A_771 = vector.shape_cast %get3A_770 : vector<1x16xf32> to vector<16xf32>
        %get3A_772 = arith.index_cast %scan3A_713 : i32 to index
        %get3A_773 = arith.constant 64 : index
        %get3A_774 = tpu.vector_load %arg12[%get3A_772, %get3A_773] {strides = array<i32>} : memref<40x128xf32, #tpu.memory_space<vmem>>, vector<1x16xf32>,
        %get3A_775 = vector.shape_cast %get3A_774 : vector<1x16xf32> to vector<16xf32>
        %mul3A_776 = arith.mulf %get3A_771, %get3A_775 : vector<16xf32>
        %swap3A_777 = arith.index_cast %scan3A_713 : i32 to index
        %swap3A_778 = arith.constant 64 : index
        %swap3A_779 = tpu.vector_load %arg14[%swap3A_777, %swap3A_778] {strides = array<i32>} : memref<40x128xf32, #tpu.memory_space<vmem>>, vector<1x16xf32>,
        %swap3A_780 = vector.shape_cast %swap3A_779 : vector<1x16xf32> to vector<16xf32>
        %swap3A_781 = vector.shape_cast %mul3A_776 : vector<16xf32> to vector<1x16xf32>
        tpu.vector_store %arg14[%swap3A_777, %swap3A_778], %swap3A_781 {strides = array<i32>} : memref<40x128xf32, #tpu.memory_space<vmem>>, vector<1x16xf32>,
        %get3A_782 = arith.index_cast %scan3A_713 : i32 to index
        %get3A_783 = arith.constant 80 : index
        %get3A_784 = tpu.vector_load %arg9[%get3A_782, %get3A_783] {strides = array<i32>} : memref<40x128xf32, #tpu.memory_space<vmem>>, vector<1x16xf32>,
        %get3A_785 = vector.shape_cast %get3A_784 : vector<1x16xf32> to vector<16xf32>
        %get3A_786 = arith.index_cast %scan3A_713 : i32 to index
        %get3A_787 = arith.constant 80 : index
        %get3A_788 = tpu.vector_load %arg12[%get3A_786, %get3A_787] {strides = array<i32>} : memref<40x128xf32, #tpu.memory_space<vmem>>, vector<1x16xf32>,
        %get3A_789 = vector.shape_cast %get3A_788 : vector<1x16xf32> to vector<16xf32>
        %mul3A_790 = arith.mulf %get3A_785, %get3A_789 : vector<16xf32>
        %swap3A_791 = arith.index_cast %scan3A_713 : i32 to index
        %swap3A_792 = arith.constant 80 : index
        %swap3A_793 = tpu.vector_load %arg14[%swap3A_791, %swap3A_792] {strides = array<i32>} : memref<40x128xf32, #tpu.memory_space<vmem>>, vector<1x16xf32>,
        %swap3A_794 = vector.shape_cast %swap3A_793 : vector<1x16xf32> to vector<16xf32>
        %swap3A_795 = vector.shape_cast %mul3A_790 : vector<16xf32> to vector<1x16xf32>
        tpu.vector_store %arg14[%swap3A_791, %swap3A_792], %swap3A_795 {strides = array<i32>} : memref<40x128xf32, #tpu.memory_space<vmem>>, vector<1x16xf32>,
        %get3A_796 = arith.index_cast %scan3A_713 : i32 to index
        %get3A_797 = arith.constant 96 : index
        %get3A_798 = tpu.vector_load %arg9[%get3A_796, %get3A_797] {strides = array<i32>} : memref<40x128xf32, #tpu.memory_space<vmem>>, vector<1x16xf32>,
        %get3A_799 = vector.shape_cast %get3A_798 : vector<1x16xf32> to vector<16xf32>
        %get3A_800 = arith.index_cast %scan3A_713 : i32 to index
        %get3A_801 = arith.constant 96 : index
        %get3A_802 = tpu.vector_load %arg12[%get3A_800, %get3A_801] {strides = array<i32>} : memref<40x128xf32, #tpu.memory_space<vmem>>, vector<1x16xf32>,
        %get3A_803 = vector.shape_cast %get3A_802 : vector<1x16xf32> to vector<16xf32>
        %mul3A_804 = arith.mulf %get3A_799, %get3A_803 : vector<16xf32>
        %swap3A_805 = arith.index_cast %scan3A_713 : i32 to index
        %swap3A_806 = arith.constant 96 : index
        %swap3A_807 = tpu.vector_load %arg14[%swap3A_805, %swap3A_806] {strides = array<i32>} : memref<40x128xf32, #tpu.memory_space<vmem>>, vector<1x16xf32>,
        %swap3A_808 = vector.shape_cast %swap3A_807 : vector<1x16xf32> to vector<16xf32>
        %swap3A_809 = vector.shape_cast %mul3A_804 : vector<16xf32> to vector<1x16xf32>
        tpu.vector_store %arg14[%swap3A_805, %swap3A_806], %swap3A_809 {strides = array<i32>} : memref<40x128xf32, #tpu.memory_space<vmem>>, vector<1x16xf32>,
        %get3A_810 = arith.index_cast %scan3A_713 : i32 to index
        %get3A_811 = arith.constant 112 : index
        %get3A_812 = tpu.vector_load %arg9[%get3A_810, %get3A_811] {strides = array<i32>} : memref<40x128xf32, #tpu.memory_space<vmem>>, vector<1x16xf32>,
        %get3A_813 = vector.shape_cast %get3A_812 : vector<1x16xf32> to vector<16xf32>
        %get3A_814 = arith.index_cast %scan3A_713 : i32 to index
        %get3A_815 = arith.constant 112 : index
        %get3A_816 = tpu.vector_load %arg12[%get3A_814, %get3A_815] {strides = array<i32>} : memref<40x128xf32, #tpu.memory_space<vmem>>, vector<1x16xf32>,
        %get3A_817 = vector.shape_cast %get3A_816 : vector<1x16xf32> to vector<16xf32>
        %mul3A_818 = arith.mulf %get3A_813, %get3A_817 : vector<16xf32>
        %swap3A_819 = arith.index_cast %scan3A_713 : i32 to index
        %swap3A_820 = arith.constant 112 : index
        %swap3A_821 = tpu.vector_load %arg14[%swap3A_819, %swap3A_820] {strides = array<i32>} : memref<40x128xf32, #tpu.memory_space<vmem>>, vector<1x16xf32>,
        %swap3A_822 = vector.shape_cast %swap3A_821 : vector<1x16xf32> to vector<16xf32>
        %swap3A_823 = vector.shape_cast %mul3A_818 : vector<16xf32> to vector<1x16xf32>
        tpu.vector_store %arg14[%swap3A_819, %swap3A_820], %swap3A_823 {strides = array<i32>} : memref<40x128xf32, #tpu.memory_space<vmem>>, vector<1x16xf32>,
      }
      %scan3A_657 = arith.constant 40 : i32
      %mul3A_658 = arith.constant 40 : i32
      %mul3A_659 = arith.muli %add3A_618, %mul3A_658 : i32
      %add3A_660 = arith.addi %mul3A_2, %mul3A_659 : i32
      %dma_start3A_661 = arith.constant 0 : i32
      %dma_start3A_662 = tpu.memref_slice %arg5[%add3A_660, %dma_start3A_661] : memref<320000x128xf32, #tpu.memory_space<hbm>> -> memref<40x128xf32, #tpu.memory_space<hbm>>
      %dma_start3A_663 = arith.constant 0 : i32
      %dma_start3A_664 = tpu.memref_slice %arg5[%add3A_660, %dma_start3A_663] : memref<320000x128xf32, #tpu.memory_space<hbm>> -> memref<40x128xf32, #tpu.memory_space<hbm>>
      tpu.enqueue_dma source(%arg14 : memref<40x128xf32, #tpu.memory_space<vmem>>) target(%dma_start3A_664 : memref<40x128xf32, #tpu.memory_space<hbm>>) target_semaphore(%arg22 : memref<!tpu.dma_semaphore, #tpu.memory_space<semaphore_mem>>)
      %add3A_665 = arith.constant 5 : i32
      %add3A_666 = arith.addi %mul3A_424, %add3A_665 : i32
      %add3A_667 = arith.constant 2 : i32
      %add3A_668 = arith.addi %add3A_666, %add3A_667 : i32
      %mul3A_669 = arith.constant 40 : i32
      %mul3A_670 = arith.muli %add3A_668, %mul3A_669 : i32
      %dma_start3A_671 = tpu.memref_slice %arg7[%mul3A_670] : memref<10000xi32, #tpu.memory_space<vmem>> -> memref<40xi32, #tpu.memory_space<vmem>>
      %dma_start3A_672 = arith.constant 0 : i32
      %dma_start3A_673 = arith.constant 0 : i32
      %dma_start3A_674 = tpu.memref_slice %arg6[%dma_start3A_672, %dma_start3A_673] : memref<10000x128xf32, #tpu.memory_space<vmem_shared>> -> memref<10000x128xf32, #tpu.memory_space<vmem_shared>>
      tpu.enqueue_indirect_dma source(%dma_start3A_674 : memref<10000x128xf32, #tpu.memory_space<vmem_shared>>) target(%arg9 : memref<40x128xf32, #tpu.memory_space<vmem>>) offsets(%dma_start3A_671 : memref<40xi32, #tpu.memory_space<vmem>>) semaphore(%arg17 : memref<!tpu.dma_semaphore, #tpu.memory_space<semaphore_mem>>)
      %mul3A_675 = arith.constant 40 : i32
      %mul3A_676 = arith.muli %add3A_668, %mul3A_675 : i32
      %add3A_677 = arith.addi %mul3A_2, %mul3A_676 : i32
      %dma_start3A_678 = arith.constant 0 : i32
      %dma_start3A_679 = tpu.memref_slice %arg4[%add3A_677, %dma_start3A_678] : memref<320000x128xf32, #tpu.memory_space<hbm>> -> memref<40x128xf32, #tpu.memory_space<hbm>>
      %dma_start3A_680 = arith.constant 0 : i32
      %dma_start3A_681 = tpu.memref_slice %arg4[%add3A_677, %dma_start3A_680] : memref<320000x128xf32, #tpu.memory_space<hbm>> -> memref<40x128xf32, #tpu.memory_space<hbm>>
      tpu.enqueue_dma source(%dma_start3A_681 : memref<40x128xf32, #tpu.memory_space<hbm>>) target(%arg12 : memref<40x128xf32, #tpu.memory_space<vmem>>) target_semaphore(%arg20 : memref<!tpu.dma_semaphore, #tpu.memory_space<semaphore_mem>>)
      %dma_wait3A_682 = arith.constant 0 : i32
      %dma_wait3A_683 = arith.constant 0 : i32
      %dma_wait3A_684 = tpu.memref_slice %arg4[%dma_wait3A_682, %dma_wait3A_683] : memref<320000x128xf32, #tpu.memory_space<hbm>> -> memref<40x128xf32, #tpu.memory_space<hbm>>
      %dma_wait3A_685 = arith.constant 0 : i32
      %dma_wait3A_686 = arith.constant 0 : i32
      %dma_wait3A_687 = tpu.memref_slice %arg4[%dma_wait3A_685, %dma_wait3A_686] : memref<320000x128xf32, #tpu.memory_space<hbm>> -> memref<40x128xf32, #tpu.memory_space<hbm>>
      tpu.wait_dma2 semaphore(%arg18 : memref<!tpu.dma_semaphore, #tpu.memory_space<semaphore_mem>>) src(%dma_wait3A_687 : memref<40x128xf32, #tpu.memory_space<hbm>>) dst(%arg10 : memref<40x128xf32, #tpu.memory_space<vmem>>)
      %dma_wait3A_688 = arith.constant 0 : i32
      %dma_wait3A_689 = arith.constant 0 : i32
      %dma_wait3A_690 = tpu.memref_slice %arg4[%dma_wait3A_688, %dma_wait3A_689] : memref<320000x128xf32, #tpu.memory_space<hbm>> -> memref<40x128xf32, #tpu.memory_space<hbm>>
      %dma_wait3A_691 = arith.constant 0 : i32
      %dma_wait3A_692 = arith.constant 0 : i32
      %dma_wait3A_693 = tpu.memref_slice %arg4[%dma_wait3A_691, %dma_wait3A_692] : memref<320000x128xf32, #tpu.memory_space<hbm>> -> memref<40x128xf32, #tpu.memory_space<hbm>>
      tpu.wait_dma2 semaphore(%arg21 : memref<!tpu.dma_semaphore, #tpu.memory_space<semaphore_mem>>) src(%dma_wait3A_693 : memref<40x128xf32, #tpu.memory_space<hbm>>) dst(%arg13 : memref<40x128xf32, #tpu.memory_space<vmem>>)
      %dma_wait3A_694 = arith.constant 0 : i32
      %dma_wait3A_695 = arith.constant 0 : i32
      %dma_wait3A_696 = tpu.memref_slice %arg5[%dma_wait3A_694, %dma_wait3A_695] : memref<320000x128xf32, #tpu.memory_space<hbm>> -> memref<40x128xf32, #tpu.memory_space<hbm>>
      %dma_wait3A_697 = arith.constant 0 : i32
      %dma_wait3A_698 = arith.constant 0 : i32
      %dma_wait3A_699 = tpu.memref_slice %arg5[%dma_wait3A_697, %dma_wait3A_698] : memref<320000x128xf32, #tpu.memory_space<hbm>> -> memref<40x128xf32, #tpu.memory_space<hbm>>
      tpu.wait_dma2 semaphore(%arg23 : memref<!tpu.dma_semaphore, #tpu.memory_space<semaphore_mem>>) src(%arg15 : memref<40x128xf32, #tpu.memory_space<vmem>>) dst(%dma_wait3A_699 : memref<40x128xf32, #tpu.memory_space<hbm>>)
      %scan3A_700 = arith.constant 0 : i32
      %scan3A_701 = arith.constant 0 : i32
      %scan3A_702 = arith.constant 40 : i32
      %scan3A_703 = arith.addi %scan3A_701, %scan3A_702 : i32
      %scan3A_704 = arith.constant 1 : i32
      scf.for %scan3A_713 = %scan3A_701 to %scan3A_703 step %scan3A_704  : i32 {
        %get3A = arith.index_cast %scan3A_713 : i32 to index
        %get3A_714 = arith.constant 0 : index
        %get3A_715 = tpu.vector_load %arg10[%get3A, %get3A_714] {strides = array<i32>} : memref<40x128xf32, #tpu.memory_space<vmem>>, vector<1x16xf32>,
        %get3A_716 = vector.shape_cast %get3A_715 : vector<1x16xf32> to vector<16xf32>
        %get3A_717 = arith.index_cast %scan3A_713 : i32 to index
        %get3A_718 = arith.constant 0 : index
        %get3A_719 = tpu.vector_load %arg13[%get3A_717, %get3A_718] {strides = array<i32>} : memref<40x128xf32, #tpu.memory_space<vmem>>, vector<1x16xf32>,
        %get3A_720 = vector.shape_cast %get3A_719 : vector<1x16xf32> to vector<16xf32>
        %mul3A_721 = arith.mulf %get3A_716, %get3A_720 : vector<16xf32>
        %swap3A = arith.index_cast %scan3A_713 : i32 to index
        %swap3A_722 = arith.constant 0 : index
        %swap3A_723 = tpu.vector_load %arg15[%swap3A, %swap3A_722] {strides = array<i32>} : memref<40x128xf32, #tpu.memory_space<vmem>>, vector<1x16xf32>,
        %swap3A_724 = vector.shape_cast %swap3A_723 : vector<1x16xf32> to vector<16xf32>
        %swap3A_725 = vector.shape_cast %mul3A_721 : vector<16xf32> to vector<1x16xf32>
        tpu.vector_store %arg15[%swap3A, %swap3A_722], %swap3A_725 {strides = array<i32>} : memref<40x128xf32, #tpu.memory_space<vmem>>, vector<1x16xf32>,
        %get3A_726 = arith.index_cast %scan3A_713 : i32 to index
        %get3A_727 = arith.constant 16 : index
        %get3A_728 = tpu.vector_load %arg10[%get3A_726, %get3A_727] {strides = array<i32>} : memref<40x128xf32, #tpu.memory_space<vmem>>, vector<1x16xf32>,
        %get3A_729 = vector.shape_cast %get3A_728 : vector<1x16xf32> to vector<16xf32>
        %get3A_730 = arith.index_cast %scan3A_713 : i32 to index
        %get3A_731 = arith.constant 16 : index
        %get3A_732 = tpu.vector_load %arg13[%get3A_730, %get3A_731] {strides = array<i32>} : memref<40x128xf32, #tpu.memory_space<vmem>>, vector<1x16xf32>,
        %get3A_733 = vector.shape_cast %get3A_732 : vector<1x16xf32> to vector<16xf32>
        %mul3A_734 = arith.mulf %get3A_729, %get3A_733 : vector<16xf32>
        %swap3A_735 = arith.index_cast %scan3A_713 : i32 to index
        %swap3A_736 = arith.constant 16 : index
        %swap3A_737 = tpu.vector_load %arg15[%swap3A_735, %swap3A_736] {strides = array<i32>} : memref<40x128xf32, #tpu.memory_space<vmem>>, vector<1x16xf32>,
        %swap3A_738 = vector.shape_cast %swap3A_737 : vector<1x16xf32> to vector<16xf32>
        %swap3A_739 = vector.shape_cast %mul3A_734 : vector<16xf32> to vector<1x16xf32>
        tpu.vector_store %arg15[%swap3A_735, %swap3A_736], %swap3A_739 {strides = array<i32>} : memref<40x128xf32, #tpu.memory_space<vmem>>, vector<1x16xf32>,
        %get3A_740 = arith.index_cast %scan3A_713 : i32 to index
        %get3A_741 = arith.constant 32 : index
        %get3A_742 = tpu.vector_load %arg10[%get3A_740, %get3A_741] {strides = array<i32>} : memref<40x128xf32, #tpu.memory_space<vmem>>, vector<1x16xf32>,
        %get3A_743 = vector.shape_cast %get3A_742 : vector<1x16xf32> to vector<16xf32>
        %get3A_744 = arith.index_cast %scan3A_713 : i32 to index
        %get3A_745 = arith.constant 32 : index
        %get3A_746 = tpu.vector_load %arg13[%get3A_744, %get3A_745] {strides = array<i32>} : memref<40x128xf32, #tpu.memory_space<vmem>>, vector<1x16xf32>,
        %get3A_747 = vector.shape_cast %get3A_746 : vector<1x16xf32> to vector<16xf32>
        %mul3A_748 = arith.mulf %get3A_743, %get3A_747 : vector<16xf32>
        %swap3A_749 = arith.index_cast %scan3A_713 : i32 to index
        %swap3A_750 = arith.constant 32 : index
        %swap3A_751 = tpu.vector_load %arg15[%swap3A_749, %swap3A_750] {strides = array<i32>} : memref<40x128xf32, #tpu.memory_space<vmem>>, vector<1x16xf32>,
        %swap3A_752 = vector.shape_cast %swap3A_751 : vector<1x16xf32> to vector<16xf32>
        %swap3A_753 = vector.shape_cast %mul3A_748 : vector<16xf32> to vector<1x16xf32>
        tpu.vector_store %arg15[%swap3A_749, %swap3A_750], %swap3A_753 {strides = array<i32>} : memref<40x128xf32, #tpu.memory_space<vmem>>, vector<1x16xf32>,
        %get3A_754 = arith.index_cast %scan3A_713 : i32 to index
        %get3A_755 = arith.constant 48 : index
        %get3A_756 = tpu.vector_load %arg10[%get3A_754, %get3A_755] {strides = array<i32>} : memref<40x128xf32, #tpu.memory_space<vmem>>, vector<1x16xf32>,
        %get3A_757 = vector.shape_cast %get3A_756 : vector<1x16xf32> to vector<16xf32>
        %get3A_758 = arith.index_cast %scan3A_713 : i32 to index
        %get3A_759 = arith.constant 48 : index
        %get3A_760 = tpu.vector_load %arg13[%get3A_758, %get3A_759] {strides = array<i32>} : memref<40x128xf32, #tpu.memory_space<vmem>>, vector<1x16xf32>,
        %get3A_761 = vector.shape_cast %get3A_760 : vector<1x16xf32> to vector<16xf32>
        %mul3A_762 = arith.mulf %get3A_757, %get3A_761 : vector<16xf32>
        %swap3A_763 = arith.index_cast %scan3A_713 : i32 to index
        %swap3A_764 = arith.constant 48 : index
        %swap3A_765 = tpu.vector_load %arg15[%swap3A_763, %swap3A_764] {strides = array<i32>} : memref<40x128xf32, #tpu.memory_space<vmem>>, vector<1x16xf32>,
        %swap3A_766 = vector.shape_cast %swap3A_765 : vector<1x16xf32> to vector<16xf32>
        %swap3A_767 = vector.shape_cast %mul3A_762 : vector<16xf32> to vector<1x16xf32>
        tpu.vector_store %arg15[%swap3A_763, %swap3A_764], %swap3A_767 {strides = array<i32>} : memref<40x128xf32, #tpu.memory_space<vmem>>, vector<1x16xf32>,
        %get3A_768 = arith.index_cast %scan3A_713 : i32 to index
        %get3A_769 = arith.constant 64 : index
        %get3A_770 = tpu.vector_load %arg10[%get3A_768, %get3A_769] {strides = array<i32>} : memref<40x128xf32, #tpu.memory_space<vmem>>, vector<1x16xf32>,
        %get3A_771 = vector.shape_cast %get3A_770 : vector<1x16xf32> to vector<16xf32>
        %get3A_772 = arith.index_cast %scan3A_713 : i32 to index
        %get3A_773 = arith.constant 64 : index
        %get3A_774 = tpu.vector_load %arg13[%get3A_772, %get3A_773] {strides = array<i32>} : memref<40x128xf32, #tpu.memory_space<vmem>>, vector<1x16xf32>,
        %get3A_775 = vector.shape_cast %get3A_774 : vector<1x16xf32> to vector<16xf32>
        %mul3A_776 = arith.mulf %get3A_771, %get3A_775 : vector<16xf32>
        %swap3A_777 = arith.index_cast %scan3A_713 : i32 to index
        %swap3A_778 = arith.constant 64 : index
        %swap3A_779 = tpu.vector_load %arg15[%swap3A_777, %swap3A_778] {strides = array<i32>} : memref<40x128xf32, #tpu.memory_space<vmem>>, vector<1x16xf32>,
        %swap3A_780 = vector.shape_cast %swap3A_779 : vector<1x16xf32> to vector<16xf32>
        %swap3A_781 = vector.shape_cast %mul3A_776 : vector<16xf32> to vector<1x16xf32>
        tpu.vector_store %arg15[%swap3A_777, %swap3A_778], %swap3A_781 {strides = array<i32>} : memref<40x128xf32, #tpu.memory_space<vmem>>, vector<1x16xf32>,
        %get3A_782 = arith.index_cast %scan3A_713 : i32 to index
        %get3A_783 = arith.constant 80 : index
        %get3A_784 = tpu.vector_load %arg10[%get3A_782, %get3A_783] {strides = array<i32>} : memref<40x128xf32, #tpu.memory_space<vmem>>, vector<1x16xf32>,
        %get3A_785 = vector.shape_cast %get3A_784 : vector<1x16xf32> to vector<16xf32>
        %get3A_786 = arith.index_cast %scan3A_713 : i32 to index
        %get3A_787 = arith.constant 80 : index
        %get3A_788 = tpu.vector_load %arg13[%get3A_786, %get3A_787] {strides = array<i32>} : memref<40x128xf32, #tpu.memory_space<vmem>>, vector<1x16xf32>,
        %get3A_789 = vector.shape_cast %get3A_788 : vector<1x16xf32> to vector<16xf32>
        %mul3A_790 = arith.mulf %get3A_785, %get3A_789 : vector<16xf32>
        %swap3A_791 = arith.index_cast %scan3A_713 : i32 to index
        %swap3A_792 = arith.constant 80 : index
        %swap3A_793 = tpu.vector_load %arg15[%swap3A_791, %swap3A_792] {strides = array<i32>} : memref<40x128xf32, #tpu.memory_space<vmem>>, vector<1x16xf32>,
        %swap3A_794 = vector.shape_cast %swap3A_793 : vector<1x16xf32> to vector<16xf32>
        %swap3A_795 = vector.shape_cast %mul3A_790 : vector<16xf32> to vector<1x16xf32>
        tpu.vector_store %arg15[%swap3A_791, %swap3A_792], %swap3A_795 {strides = array<i32>} : memref<40x128xf32, #tpu.memory_space<vmem>>, vector<1x16xf32>,
        %get3A_796 = arith.index_cast %scan3A_713 : i32 to index
        %get3A_797 = arith.constant 96 : index
        %get3A_798 = tpu.vector_load %arg10[%get3A_796, %get3A_797] {strides = array<i32>} : memref<40x128xf32, #tpu.memory_space<vmem>>, vector<1x16xf32>,
        %get3A_799 = vector.shape_cast %get3A_798 : vector<1x16xf32> to vector<16xf32>
        %get3A_800 = arith.index_cast %scan3A_713 : i32 to index
        %get3A_801 = arith.constant 96 : index
        %get3A_802 = tpu.vector_load %arg13[%get3A_800, %get3A_801] {strides = array<i32>} : memref<40x128xf32, #tpu.memory_space<vmem>>, vector<1x16xf32>,
        %get3A_803 = vector.shape_cast %get3A_802 : vector<1x16xf32> to vector<16xf32>
        %mul3A_804 = arith.mulf %get3A_799, %get3A_803 : vector<16xf32>
        %swap3A_805 = arith.index_cast %scan3A_713 : i32 to index
        %swap3A_806 = arith.constant 96 : index
        %swap3A_807 = tpu.vector_load %arg15[%swap3A_805, %swap3A_806] {strides = array<i32>} : memref<40x128xf32, #tpu.memory_space<vmem>>, vector<1x16xf32>,
        %swap3A_808 = vector.shape_cast %swap3A_807 : vector<1x16xf32> to vector<16xf32>
        %swap3A_809 = vector.shape_cast %mul3A_804 : vector<16xf32> to vector<1x16xf32>
        tpu.vector_store %arg15[%swap3A_805, %swap3A_806], %swap3A_809 {strides = array<i32>} : memref<40x128xf32, #tpu.memory_space<vmem>>, vector<1x16xf32>,
        %get3A_810 = arith.index_cast %scan3A_713 : i32 to index
        %get3A_811 = arith.constant 112 : index
        %get3A_812 = tpu.vector_load %arg10[%get3A_810, %get3A_811] {strides = array<i32>} : memref<40x128xf32, #tpu.memory_space<vmem>>, vector<1x16xf32>,
        %get3A_813 = vector.shape_cast %get3A_812 : vector<1x16xf32> to vector<16xf32>
        %get3A_814 = arith.index_cast %scan3A_713 : i32 to index
        %get3A_815 = arith.constant 112 : index
        %get3A_816 = tpu.vector_load %arg13[%get3A_814, %get3A_815] {strides = array<i32>} : memref<40x128xf32, #tpu.memory_space<vmem>>, vector<1x16xf32>,
        %get3A_817 = vector.shape_cast %get3A_816 : vector<1x16xf32> to vector<16xf32>
        %mul3A_818 = arith.mulf %get3A_813, %get3A_817 : vector<16xf32>
        %swap3A_819 = arith.index_cast %scan3A_713 : i32 to index
        %swap3A_820 = arith.constant 112 : index
        %swap3A_821 = tpu.vector_load %arg15[%swap3A_819, %swap3A_820] {strides = array<i32>} : memref<40x128xf32, #tpu.memory_space<vmem>>, vector<1x16xf32>,
        %swap3A_822 = vector.shape_cast %swap3A_821 : vector<1x16xf32> to vector<16xf32>
        %swap3A_823 = vector.shape_cast %mul3A_818 : vector<16xf32> to vector<1x16xf32>
        tpu.vector_store %arg15[%swap3A_819, %swap3A_820], %swap3A_823 {strides = array<i32>} : memref<40x128xf32, #tpu.memory_space<vmem>>, vector<1x16xf32>,
      }
      %scan3A_705 = arith.constant 40 : i32
      %mul3A_706 = arith.constant 40 : i32
      %mul3A_707 = arith.muli %add3A_666, %mul3A_706 : i32
      %add3A_708 = arith.addi %mul3A_2, %mul3A_707 : i32
      %dma_start3A_709 = arith.constant 0 : i32
      %dma_start3A_710 = tpu.memref_slice %arg5[%add3A_708, %dma_start3A_709] : memref<320000x128xf32, #tpu.memory_space<hbm>> -> memref<40x128xf32, #tpu.memory_space<hbm>>
      %dma_start3A_711 = arith.constant 0 : i32
      %dma_start3A_712 = tpu.memref_slice %arg5[%add3A_708, %dma_start3A_711] : memref<320000x128xf32, #tpu.memory_space<hbm>> -> memref<40x128xf32, #tpu.memory_space<hbm>>
      tpu.enqueue_dma source(%arg15 : memref<40x128xf32, #tpu.memory_space<vmem>>) target(%dma_start3A_712 : memref<40x128xf32, #tpu.memory_space<hbm>>) target_semaphore(%arg23 : memref<!tpu.dma_semaphore, #tpu.memory_space<semaphore_mem>>)
    }
    %scan3A_267 = arith.constant 40 : i32
    %dma_start3A_268 = arith.constant 9920 : i32
    %dma_start3A_269 = tpu.memref_slice %arg7[%dma_start3A_268] : memref<10000xi32, #tpu.memory_space<vmem>> -> memref<40xi32, #tpu.memory_space<vmem>>
    %dma_start3A_270 = arith.constant 0 : i32
    %dma_start3A_271 = arith.constant 0 : i32
    %dma_start3A_272 = tpu.memref_slice %arg6[%dma_start3A_270, %dma_start3A_271] : memref<10000x128xf32, #tpu.memory_space<vmem_shared>> -> memref<10000x128xf32, #tpu.memory_space<vmem_shared>>
    tpu.enqueue_indirect_dma source(%dma_start3A_272 : memref<10000x128xf32, #tpu.memory_space<vmem_shared>>) target(%arg10 : memref<40x128xf32, #tpu.memory_space<vmem>>) offsets(%dma_start3A_269 : memref<40xi32, #tpu.memory_space<vmem>>) semaphore(%arg18 : memref<!tpu.dma_semaphore, #tpu.memory_space<semaphore_mem>>)
    %add3A_273 = arith.constant 9920 : i32
    %add3A_274 = arith.addi %mul3A_2, %add3A_273 : i32
    %dma_start3A_275 = arith.constant 0 : i32
    %dma_start3A_276 = tpu.memref_slice %arg4[%add3A_274, %dma_start3A_275] : memref<320000x128xf32, #tpu.memory_space<hbm>> -> memref<40x128xf32, #tpu.memory_space<hbm>>
    %dma_start3A_277 = arith.constant 0 : i32
    %dma_start3A_278 = tpu.memref_slice %arg4[%add3A_274, %dma_start3A_277] : memref<320000x128xf32, #tpu.memory_space<hbm>> -> memref<40x128xf32, #tpu.memory_space<hbm>>
    tpu.enqueue_dma source(%dma_start3A_278 : memref<40x128xf32, #tpu.memory_space<hbm>>) target(%arg13 : memref<40x128xf32, #tpu.memory_space<vmem>>) target_semaphore(%arg21 : memref<!tpu.dma_semaphore, #tpu.memory_space<semaphore_mem>>)
    %dma_wait3A_279 = arith.constant 0 : i32
    %dma_wait3A_280 = arith.constant 0 : i32
    %dma_wait3A_281 = tpu.memref_slice %arg4[%dma_wait3A_279, %dma_wait3A_280] : memref<320000x128xf32, #tpu.memory_space<hbm>> -> memref<40x128xf32, #tpu.memory_space<hbm>>
    %dma_wait3A_282 = arith.constant 0 : i32
    %dma_wait3A_283 = arith.constant 0 : i32
    %dma_wait3A_284 = tpu.memref_slice %arg4[%dma_wait3A_282, %dma_wait3A_283] : memref<320000x128xf32, #tpu.memory_space<hbm>> -> memref<40x128xf32, #tpu.memory_space<hbm>>
    tpu.wait_dma2 semaphore(%arg16 : memref<!tpu.dma_semaphore, #tpu.memory_space<semaphore_mem>>) src(%dma_wait3A_284 : memref<40x128xf32, #tpu.memory_space<hbm>>) dst(%arg8 : memref<40x128xf32, #tpu.memory_space<vmem>>)
    %dma_wait3A_285 = arith.constant 0 : i32
    %dma_wait3A_286 = arith.constant 0 : i32
    %dma_wait3A_287 = tpu.memref_slice %arg4[%dma_wait3A_285, %dma_wait3A_286] : memref<320000x128xf32, #tpu.memory_space<hbm>> -> memref<40x128xf32, #tpu.memory_space<hbm>>
    %dma_wait3A_288 = arith.constant 0 : i32
    %dma_wait3A_289 = arith.constant 0 : i32
    %dma_wait3A_290 = tpu.memref_slice %arg4[%dma_wait3A_288, %dma_wait3A_289] : memref<320000x128xf32, #tpu.memory_space<hbm>> -> memref<40x128xf32, #tpu.memory_space<hbm>>
    tpu.wait_dma2 semaphore(%arg19 : memref<!tpu.dma_semaphore, #tpu.memory_space<semaphore_mem>>) src(%dma_wait3A_290 : memref<40x128xf32, #tpu.memory_space<hbm>>) dst(%arg11 : memref<40x128xf32, #tpu.memory_space<vmem>>)
    %dma_wait3A_291 = arith.constant 0 : i32
    %dma_wait3A_292 = arith.constant 0 : i32
    %dma_wait3A_293 = tpu.memref_slice %arg5[%dma_wait3A_291, %dma_wait3A_292] : memref<320000x128xf32, #tpu.memory_space<hbm>> -> memref<40x128xf32, #tpu.memory_space<hbm>>
    %dma_wait3A_294 = arith.constant 0 : i32
    %dma_wait3A_295 = arith.constant 0 : i32
    %dma_wait3A_296 = tpu.memref_slice %arg5[%dma_wait3A_294, %dma_wait3A_295] : memref<320000x128xf32, #tpu.memory_space<hbm>> -> memref<40x128xf32, #tpu.memory_space<hbm>>
    tpu.wait_dma2 semaphore(%arg22 : memref<!tpu.dma_semaphore, #tpu.memory_space<semaphore_mem>>) src(%arg14 : memref<40x128xf32, #tpu.memory_space<vmem>>) dst(%dma_wait3A_296 : memref<40x128xf32, #tpu.memory_space<hbm>>)
    %scan3A_297 = arith.constant 0 : i32
    %scan3A_298 = arith.constant 0 : i32
    %scan3A_299 = arith.constant 40 : i32
    %scan3A_300 = arith.addi %scan3A_298, %scan3A_299 : i32
    %scan3A_301 = arith.constant 1 : i32
    scf.for %scan3A_422 = %scan3A_298 to %scan3A_300 step %scan3A_301  : i32 {
      %get3A = arith.index_cast %scan3A_422 : i32 to index
      %get3A_423 = arith.constant 0 : index
      %get3A_424 = tpu.vector_load %arg8[%get3A, %get3A_423] {strides = array<i32>} : memref<40x128xf32, #tpu.memory_space<vmem>>, vector<1x16xf32>,
      %get3A_425 = vector.shape_cast %get3A_424 : vector<1x16xf32> to vector<16xf32>
      %get3A_426 = arith.index_cast %scan3A_422 : i32 to index
      %get3A_427 = arith.constant 0 : index
      %get3A_428 = tpu.vector_load %arg11[%get3A_426, %get3A_427] {strides = array<i32>} : memref<40x128xf32, #tpu.memory_space<vmem>>, vector<1x16xf32>,
      %get3A_429 = vector.shape_cast %get3A_428 : vector<1x16xf32> to vector<16xf32>
      %mul3A_430 = arith.mulf %get3A_425, %get3A_429 : vector<16xf32>
      %swap3A = arith.index_cast %scan3A_422 : i32 to index
      %swap3A_431 = arith.constant 0 : index
      %swap3A_432 = tpu.vector_load %arg14[%swap3A, %swap3A_431] {strides = array<i32>} : memref<40x128xf32, #tpu.memory_space<vmem>>, vector<1x16xf32>,
      %swap3A_433 = vector.shape_cast %swap3A_432 : vector<1x16xf32> to vector<16xf32>
      %swap3A_434 = vector.shape_cast %mul3A_430 : vector<16xf32> to vector<1x16xf32>
      tpu.vector_store %arg14[%swap3A, %swap3A_431], %swap3A_434 {strides = array<i32>} : memref<40x128xf32, #tpu.memory_space<vmem>>, vector<1x16xf32>,
      %get3A_435 = arith.index_cast %scan3A_422 : i32 to index
      %get3A_436 = arith.constant 16 : index
      %get3A_437 = tpu.vector_load %arg8[%get3A_435, %get3A_436] {strides = array<i32>} : memref<40x128xf32, #tpu.memory_space<vmem>>, vector<1x16xf32>,
      %get3A_438 = vector.shape_cast %get3A_437 : vector<1x16xf32> to vector<16xf32>
      %get3A_439 = arith.index_cast %scan3A_422 : i32 to index
      %get3A_440 = arith.constant 16 : index
      %get3A_441 = tpu.vector_load %arg11[%get3A_439, %get3A_440] {strides = array<i32>} : memref<40x128xf32, #tpu.memory_space<vmem>>, vector<1x16xf32>,
      %get3A_442 = vector.shape_cast %get3A_441 : vector<1x16xf32> to vector<16xf32>
      %mul3A_443 = arith.mulf %get3A_438, %get3A_442 : vector<16xf32>
      %swap3A_444 = arith.index_cast %scan3A_422 : i32 to index
      %swap3A_445 = arith.constant 16 : index
      %swap3A_446 = tpu.vector_load %arg14[%swap3A_444, %swap3A_445] {strides = array<i32>} : memref<40x128xf32, #tpu.memory_space<vmem>>, vector<1x16xf32>,
      %swap3A_447 = vector.shape_cast %swap3A_446 : vector<1x16xf32> to vector<16xf32>
      %swap3A_448 = vector.shape_cast %mul3A_443 : vector<16xf32> to vector<1x16xf32>
      tpu.vector_store %arg14[%swap3A_444, %swap3A_445], %swap3A_448 {strides = array<i32>} : memref<40x128xf32, #tpu.memory_space<vmem>>, vector<1x16xf32>,
      %get3A_449 = arith.index_cast %scan3A_422 : i32 to index
      %get3A_450 = arith.constant 32 : index
      %get3A_451 = tpu.vector_load %arg8[%get3A_449, %get3A_450] {strides = array<i32>} : memref<40x128xf32, #tpu.memory_space<vmem>>, vector<1x16xf32>,
      %get3A_452 = vector.shape_cast %get3A_451 : vector<1x16xf32> to vector<16xf32>
      %get3A_453 = arith.index_cast %scan3A_422 : i32 to index
      %get3A_454 = arith.constant 32 : index
      %get3A_455 = tpu.vector_load %arg11[%get3A_453, %get3A_454] {strides = array<i32>} : memref<40x128xf32, #tpu.memory_space<vmem>>, vector<1x16xf32>,
      %get3A_456 = vector.shape_cast %get3A_455 : vector<1x16xf32> to vector<16xf32>
      %mul3A_457 = arith.mulf %get3A_452, %get3A_456 : vector<16xf32>
      %swap3A_458 = arith.index_cast %scan3A_422 : i32 to index
      %swap3A_459 = arith.constant 32 : index
      %swap3A_460 = tpu.vector_load %arg14[%swap3A_458, %swap3A_459] {strides = array<i32>} : memref<40x128xf32, #tpu.memory_space<vmem>>, vector<1x16xf32>,
      %swap3A_461 = vector.shape_cast %swap3A_460 : vector<1x16xf32> to vector<16xf32>
      %swap3A_462 = vector.shape_cast %mul3A_457 : vector<16xf32> to vector<1x16xf32>
      tpu.vector_store %arg14[%swap3A_458, %swap3A_459], %swap3A_462 {strides = array<i32>} : memref<40x128xf32, #tpu.memory_space<vmem>>, vector<1x16xf32>,
      %get3A_463 = arith.index_cast %scan3A_422 : i32 to index
      %get3A_464 = arith.constant 48 : index
      %get3A_465 = tpu.vector_load %arg8[%get3A_463, %get3A_464] {strides = array<i32>} : memref<40x128xf32, #tpu.memory_space<vmem>>, vector<1x16xf32>,
      %get3A_466 = vector.shape_cast %get3A_465 : vector<1x16xf32> to vector<16xf32>
      %get3A_467 = arith.index_cast %scan3A_422 : i32 to index
      %get3A_468 = arith.constant 48 : index
      %get3A_469 = tpu.vector_load %arg11[%get3A_467, %get3A_468] {strides = array<i32>} : memref<40x128xf32, #tpu.memory_space<vmem>>, vector<1x16xf32>,
      %get3A_470 = vector.shape_cast %get3A_469 : vector<1x16xf32> to vector<16xf32>
      %mul3A_471 = arith.mulf %get3A_466, %get3A_470 : vector<16xf32>
      %swap3A_472 = arith.index_cast %scan3A_422 : i32 to index
      %swap3A_473 = arith.constant 48 : index
      %swap3A_474 = tpu.vector_load %arg14[%swap3A_472, %swap3A_473] {strides = array<i32>} : memref<40x128xf32, #tpu.memory_space<vmem>>, vector<1x16xf32>,
      %swap3A_475 = vector.shape_cast %swap3A_474 : vector<1x16xf32> to vector<16xf32>
      %swap3A_476 = vector.shape_cast %mul3A_471 : vector<16xf32> to vector<1x16xf32>
      tpu.vector_store %arg14[%swap3A_472, %swap3A_473], %swap3A_476 {strides = array<i32>} : memref<40x128xf32, #tpu.memory_space<vmem>>, vector<1x16xf32>,
      %get3A_477 = arith.index_cast %scan3A_422 : i32 to index
      %get3A_478 = arith.constant 64 : index
      %get3A_479 = tpu.vector_load %arg8[%get3A_477, %get3A_478] {strides = array<i32>} : memref<40x128xf32, #tpu.memory_space<vmem>>, vector<1x16xf32>,
      %get3A_480 = vector.shape_cast %get3A_479 : vector<1x16xf32> to vector<16xf32>
      %get3A_481 = arith.index_cast %scan3A_422 : i32 to index
      %get3A_482 = arith.constant 64 : index
      %get3A_483 = tpu.vector_load %arg11[%get3A_481, %get3A_482] {strides = array<i32>} : memref<40x128xf32, #tpu.memory_space<vmem>>, vector<1x16xf32>,
      %get3A_484 = vector.shape_cast %get3A_483 : vector<1x16xf32> to vector<16xf32>
      %mul3A_485 = arith.mulf %get3A_480, %get3A_484 : vector<16xf32>
      %swap3A_486 = arith.index_cast %scan3A_422 : i32 to index
      %swap3A_487 = arith.constant 64 : index
      %swap3A_488 = tpu.vector_load %arg14[%swap3A_486, %swap3A_487] {strides = array<i32>} : memref<40x128xf32, #tpu.memory_space<vmem>>, vector<1x16xf32>,
      %swap3A_489 = vector.shape_cast %swap3A_488 : vector<1x16xf32> to vector<16xf32>
      %swap3A_490 = vector.shape_cast %mul3A_485 : vector<16xf32> to vector<1x16xf32>
      tpu.vector_store %arg14[%swap3A_486, %swap3A_487], %swap3A_490 {strides = array<i32>} : memref<40x128xf32, #tpu.memory_space<vmem>>, vector<1x16xf32>,
      %get3A_491 = arith.index_cast %scan3A_422 : i32 to index
      %get3A_492 = arith.constant 80 : index
      %get3A_493 = tpu.vector_load %arg8[%get3A_491, %get3A_492] {strides = array<i32>} : memref<40x128xf32, #tpu.memory_space<vmem>>, vector<1x16xf32>,
      %get3A_494 = vector.shape_cast %get3A_493 : vector<1x16xf32> to vector<16xf32>
      %get3A_495 = arith.index_cast %scan3A_422 : i32 to index
      %get3A_496 = arith.constant 80 : index
      %get3A_497 = tpu.vector_load %arg11[%get3A_495, %get3A_496] {strides = array<i32>} : memref<40x128xf32, #tpu.memory_space<vmem>>, vector<1x16xf32>,
      %get3A_498 = vector.shape_cast %get3A_497 : vector<1x16xf32> to vector<16xf32>
      %mul3A_499 = arith.mulf %get3A_494, %get3A_498 : vector<16xf32>
      %swap3A_500 = arith.index_cast %scan3A_422 : i32 to index
      %swap3A_501 = arith.constant 80 : index
      %swap3A_502 = tpu.vector_load %arg14[%swap3A_500, %swap3A_501] {strides = array<i32>} : memref<40x128xf32, #tpu.memory_space<vmem>>, vector<1x16xf32>,
      %swap3A_503 = vector.shape_cast %swap3A_502 : vector<1x16xf32> to vector<16xf32>
      %swap3A_504 = vector.shape_cast %mul3A_499 : vector<16xf32> to vector<1x16xf32>
      tpu.vector_store %arg14[%swap3A_500, %swap3A_501], %swap3A_504 {strides = array<i32>} : memref<40x128xf32, #tpu.memory_space<vmem>>, vector<1x16xf32>,
      %get3A_505 = arith.index_cast %scan3A_422 : i32 to index
      %get3A_506 = arith.constant 96 : index
      %get3A_507 = tpu.vector_load %arg8[%get3A_505, %get3A_506] {strides = array<i32>} : memref<40x128xf32, #tpu.memory_space<vmem>>, vector<1x16xf32>,
      %get3A_508 = vector.shape_cast %get3A_507 : vector<1x16xf32> to vector<16xf32>
      %get3A_509 = arith.index_cast %scan3A_422 : i32 to index
      %get3A_510 = arith.constant 96 : index
      %get3A_511 = tpu.vector_load %arg11[%get3A_509, %get3A_510] {strides = array<i32>} : memref<40x128xf32, #tpu.memory_space<vmem>>, vector<1x16xf32>,
      %get3A_512 = vector.shape_cast %get3A_511 : vector<1x16xf32> to vector<16xf32>
      %mul3A_513 = arith.mulf %get3A_508, %get3A_512 : vector<16xf32>
      %swap3A_514 = arith.index_cast %scan3A_422 : i32 to index
      %swap3A_515 = arith.constant 96 : index
      %swap3A_516 = tpu.vector_load %arg14[%swap3A_514, %swap3A_515] {strides = array<i32>} : memref<40x128xf32, #tpu.memory_space<vmem>>, vector<1x16xf32>,
      %swap3A_517 = vector.shape_cast %swap3A_516 : vector<1x16xf32> to vector<16xf32>
      %swap3A_518 = vector.shape_cast %mul3A_513 : vector<16xf32> to vector<1x16xf32>
      tpu.vector_store %arg14[%swap3A_514, %swap3A_515], %swap3A_518 {strides = array<i32>} : memref<40x128xf32, #tpu.memory_space<vmem>>, vector<1x16xf32>,
      %get3A_519 = arith.index_cast %scan3A_422 : i32 to index
      %get3A_520 = arith.constant 112 : index
      %get3A_521 = tpu.vector_load %arg8[%get3A_519, %get3A_520] {strides = array<i32>} : memref<40x128xf32, #tpu.memory_space<vmem>>, vector<1x16xf32>,
      %get3A_522 = vector.shape_cast %get3A_521 : vector<1x16xf32> to vector<16xf32>
      %get3A_523 = arith.index_cast %scan3A_422 : i32 to index
      %get3A_524 = arith.constant 112 : index
      %get3A_525 = tpu.vector_load %arg11[%get3A_523, %get3A_524] {strides = array<i32>} : memref<40x128xf32, #tpu.memory_space<vmem>>, vector<1x16xf32>,
      %get3A_526 = vector.shape_cast %get3A_525 : vector<1x16xf32> to vector<16xf32>
      %mul3A_527 = arith.mulf %get3A_522, %get3A_526 : vector<16xf32>
      %swap3A_528 = arith.index_cast %scan3A_422 : i32 to index
      %swap3A_529 = arith.constant 112 : index
      %swap3A_530 = tpu.vector_load %arg14[%swap3A_528, %swap3A_529] {strides = array<i32>} : memref<40x128xf32, #tpu.memory_space<vmem>>, vector<1x16xf32>,
      %swap3A_531 = vector.shape_cast %swap3A_530 : vector<1x16xf32> to vector<16xf32>
      %swap3A_532 = vector.shape_cast %mul3A_527 : vector<16xf32> to vector<1x16xf32>
      tpu.vector_store %arg14[%swap3A_528, %swap3A_529], %swap3A_532 {strides = array<i32>} : memref<40x128xf32, #tpu.memory_space<vmem>>, vector<1x16xf32>,
    }
    %scan3A_302 = arith.constant 40 : i32
    %add3A_303 = arith.constant 9840 : i32
    %add3A_304 = arith.addi %mul3A_2, %add3A_303 : i32
    %dma_start3A_305 = arith.constant 0 : i32
    %dma_start3A_306 = tpu.memref_slice %arg5[%add3A_304, %dma_start3A_305] : memref<320000x128xf32, #tpu.memory_space<hbm>> -> memref<40x128xf32, #tpu.memory_space<hbm>>
    %dma_start3A_307 = arith.constant 0 : i32
    %dma_start3A_308 = tpu.memref_slice %arg5[%add3A_304, %dma_start3A_307] : memref<320000x128xf32, #tpu.memory_space<hbm>> -> memref<40x128xf32, #tpu.memory_space<hbm>>
    tpu.enqueue_dma source(%arg14 : memref<40x128xf32, #tpu.memory_space<vmem>>) target(%dma_start3A_308 : memref<40x128xf32, #tpu.memory_space<hbm>>) target_semaphore(%arg22 : memref<!tpu.dma_semaphore, #tpu.memory_space<semaphore_mem>>)
    %dma_start3A_309 = arith.constant 9960 : i32
    %dma_start3A_310 = tpu.memref_slice %arg7[%dma_start3A_309] : memref<10000xi32, #tpu.memory_space<vmem>> -> memref<40xi32, #tpu.memory_space<vmem>>
    %dma_start3A_311 = arith.constant 0 : i32
    %dma_start3A_312 = arith.constant 0 : i32
    %dma_start3A_313 = tpu.memref_slice %arg6[%dma_start3A_311, %dma_start3A_312] : memref<10000x128xf32, #tpu.memory_space<vmem_shared>> -> memref<10000x128xf32, #tpu.memory_space<vmem_shared>>
    tpu.enqueue_indirect_dma source(%dma_start3A_313 : memref<10000x128xf32, #tpu.memory_space<vmem_shared>>) target(%arg8 : memref<40x128xf32, #tpu.memory_space<vmem>>) offsets(%dma_start3A_310 : memref<40xi32, #tpu.memory_space<vmem>>) semaphore(%arg16 : memref<!tpu.dma_semaphore, #tpu.memory_space<semaphore_mem>>)
    %add3A_314 = arith.constant 9960 : i32
    %add3A_315 = arith.addi %mul3A_2, %add3A_314 : i32
    %dma_start3A_316 = arith.constant 0 : i32
    %dma_start3A_317 = tpu.memref_slice %arg4[%add3A_315, %dma_start3A_316] : memref<320000x128xf32, #tpu.memory_space<hbm>> -> memref<40x128xf32, #tpu.memory_space<hbm>>
    %dma_start3A_318 = arith.constant 0 : i32
    %dma_start3A_319 = tpu.memref_slice %arg4[%add3A_315, %dma_start3A_318] : memref<320000x128xf32, #tpu.memory_space<hbm>> -> memref<40x128xf32, #tpu.memory_space<hbm>>
    tpu.enqueue_dma source(%dma_start3A_319 : memref<40x128xf32, #tpu.memory_space<hbm>>) target(%arg11 : memref<40x128xf32, #tpu.memory_space<vmem>>) target_semaphore(%arg19 : memref<!tpu.dma_semaphore, #tpu.memory_space<semaphore_mem>>)
    %dma_wait3A_320 = arith.constant 0 : i32
    %dma_wait3A_321 = arith.constant 0 : i32
    %dma_wait3A_322 = tpu.memref_slice %arg4[%dma_wait3A_320, %dma_wait3A_321] : memref<320000x128xf32, #tpu.memory_space<hbm>> -> memref<40x128xf32, #tpu.memory_space<hbm>>
    %dma_wait3A_323 = arith.constant 0 : i32
    %dma_wait3A_324 = arith.constant 0 : i32
    %dma_wait3A_325 = tpu.memref_slice %arg4[%dma_wait3A_323, %dma_wait3A_324] : memref<320000x128xf32, #tpu.memory_space<hbm>> -> memref<40x128xf32, #tpu.memory_space<hbm>>
    tpu.wait_dma2 semaphore(%arg17 : memref<!tpu.dma_semaphore, #tpu.memory_space<semaphore_mem>>) src(%dma_wait3A_325 : memref<40x128xf32, #tpu.memory_space<hbm>>) dst(%arg9 : memref<40x128xf32, #tpu.memory_space<vmem>>)
    %dma_wait3A_326 = arith.constant 0 : i32
    %dma_wait3A_327 = arith.constant 0 : i32
    %dma_wait3A_328 = tpu.memref_slice %arg4[%dma_wait3A_326, %dma_wait3A_327] : memref<320000x128xf32, #tpu.memory_space<hbm>> -> memref<40x128xf32, #tpu.memory_space<hbm>>
    %dma_wait3A_329 = arith.constant 0 : i32
    %dma_wait3A_330 = arith.constant 0 : i32
    %dma_wait3A_331 = tpu.memref_slice %arg4[%dma_wait3A_329, %dma_wait3A_330] : memref<320000x128xf32, #tpu.memory_space<hbm>> -> memref<40x128xf32, #tpu.memory_space<hbm>>
    tpu.wait_dma2 semaphore(%arg20 : memref<!tpu.dma_semaphore, #tpu.memory_space<semaphore_mem>>) src(%dma_wait3A_331 : memref<40x128xf32, #tpu.memory_space<hbm>>) dst(%arg12 : memref<40x128xf32, #tpu.memory_space<vmem>>)
    %dma_wait3A_332 = arith.constant 0 : i32
    %dma_wait3A_333 = arith.constant 0 : i32
    %dma_wait3A_334 = tpu.memref_slice %arg5[%dma_wait3A_332, %dma_wait3A_333] : memref<320000x128xf32, #tpu.memory_space<hbm>> -> memref<40x128xf32, #tpu.memory_space<hbm>>
    %dma_wait3A_335 = arith.constant 0 : i32
    %dma_wait3A_336 = arith.constant 0 : i32
    %dma_wait3A_337 = tpu.memref_slice %arg5[%dma_wait3A_335, %dma_wait3A_336] : memref<320000x128xf32, #tpu.memory_space<hbm>> -> memref<40x128xf32, #tpu.memory_space<hbm>>
    tpu.wait_dma2 semaphore(%arg23 : memref<!tpu.dma_semaphore, #tpu.memory_space<semaphore_mem>>) src(%arg15 : memref<40x128xf32, #tpu.memory_space<vmem>>) dst(%dma_wait3A_337 : memref<40x128xf32, #tpu.memory_space<hbm>>)
    %scan3A_338 = arith.constant 0 : i32
    %scan3A_339 = arith.constant 0 : i32
    %scan3A_340 = arith.constant 40 : i32
    %scan3A_341 = arith.addi %scan3A_339, %scan3A_340 : i32
    %scan3A_342 = arith.constant 1 : i32
    scf.for %scan3A_422 = %scan3A_339 to %scan3A_341 step %scan3A_342  : i32 {
      %get3A = arith.index_cast %scan3A_422 : i32 to index
      %get3A_423 = arith.constant 0 : index
      %get3A_424 = tpu.vector_load %arg9[%get3A, %get3A_423] {strides = array<i32>} : memref<40x128xf32, #tpu.memory_space<vmem>>, vector<1x16xf32>,
      %get3A_425 = vector.shape_cast %get3A_424 : vector<1x16xf32> to vector<16xf32>
      %get3A_426 = arith.index_cast %scan3A_422 : i32 to index
      %get3A_427 = arith.constant 0 : index
      %get3A_428 = tpu.vector_load %arg12[%get3A_426, %get3A_427] {strides = array<i32>} : memref<40x128xf32, #tpu.memory_space<vmem>>, vector<1x16xf32>,
      %get3A_429 = vector.shape_cast %get3A_428 : vector<1x16xf32> to vector<16xf32>
      %mul3A_430 = arith.mulf %get3A_425, %get3A_429 : vector<16xf32>
      %swap3A = arith.index_cast %scan3A_422 : i32 to index
      %swap3A_431 = arith.constant 0 : index
      %swap3A_432 = tpu.vector_load %arg15[%swap3A, %swap3A_431] {strides = array<i32>} : memref<40x128xf32, #tpu.memory_space<vmem>>, vector<1x16xf32>,
      %swap3A_433 = vector.shape_cast %swap3A_432 : vector<1x16xf32> to vector<16xf32>
      %swap3A_434 = vector.shape_cast %mul3A_430 : vector<16xf32> to vector<1x16xf32>
      tpu.vector_store %arg15[%swap3A, %swap3A_431], %swap3A_434 {strides = array<i32>} : memref<40x128xf32, #tpu.memory_space<vmem>>, vector<1x16xf32>,
      %get3A_435 = arith.index_cast %scan3A_422 : i32 to index
      %get3A_436 = arith.constant 16 : index
      %get3A_437 = tpu.vector_load %arg9[%get3A_435, %get3A_436] {strides = array<i32>} : memref<40x128xf32, #tpu.memory_space<vmem>>, vector<1x16xf32>,
      %get3A_438 = vector.shape_cast %get3A_437 : vector<1x16xf32> to vector<16xf32>
      %get3A_439 = arith.index_cast %scan3A_422 : i32 to index
      %get3A_440 = arith.constant 16 : index
      %get3A_441 = tpu.vector_load %arg12[%get3A_439, %get3A_440] {strides = array<i32>} : memref<40x128xf32, #tpu.memory_space<vmem>>, vector<1x16xf32>,
      %get3A_442 = vector.shape_cast %get3A_441 : vector<1x16xf32> to vector<16xf32>
      %mul3A_443 = arith.mulf %get3A_438, %get3A_442 : vector<16xf32>
      %swap3A_444 = arith.index_cast %scan3A_422 : i32 to index
      %swap3A_445 = arith.constant 16 : index
      %swap3A_446 = tpu.vector_load %arg15[%swap3A_444, %swap3A_445] {strides = array<i32>} : memref<40x128xf32, #tpu.memory_space<vmem>>, vector<1x16xf32>,
      %swap3A_447 = vector.shape_cast %swap3A_446 : vector<1x16xf32> to vector<16xf32>
      %swap3A_448 = vector.shape_cast %mul3A_443 : vector<16xf32> to vector<1x16xf32>
      tpu.vector_store %arg15[%swap3A_444, %swap3A_445], %swap3A_448 {strides = array<i32>} : memref<40x128xf32, #tpu.memory_space<vmem>>, vector<1x16xf32>,
      %get3A_449 = arith.index_cast %scan3A_422 : i32 to index
      %get3A_450 = arith.constant 32 : index
      %get3A_451 = tpu.vector_load %arg9[%get3A_449, %get3A_450] {strides = array<i32>} : memref<40x128xf32, #tpu.memory_space<vmem>>, vector<1x16xf32>,
      %get3A_452 = vector.shape_cast %get3A_451 : vector<1x16xf32> to vector<16xf32>
      %get3A_453 = arith.index_cast %scan3A_422 : i32 to index
      %get3A_454 = arith.constant 32 : index
      %get3A_455 = tpu.vector_load %arg12[%get3A_453, %get3A_454] {strides = array<i32>} : memref<40x128xf32, #tpu.memory_space<vmem>>, vector<1x16xf32>,
      %get3A_456 = vector.shape_cast %get3A_455 : vector<1x16xf32> to vector<16xf32>
      %mul3A_457 = arith.mulf %get3A_452, %get3A_456 : vector<16xf32>
      %swap3A_458 = arith.index_cast %scan3A_422 : i32 to index
      %swap3A_459 = arith.constant 32 : index
      %swap3A_460 = tpu.vector_load %arg15[%swap3A_458, %swap3A_459] {strides = array<i32>} : memref<40x128xf32, #tpu.memory_space<vmem>>, vector<1x16xf32>,
      %swap3A_461 = vector.shape_cast %swap3A_460 : vector<1x16xf32> to vector<16xf32>
      %swap3A_462 = vector.shape_cast %mul3A_457 : vector<16xf32> to vector<1x16xf32>
      tpu.vector_store %arg15[%swap3A_458, %swap3A_459], %swap3A_462 {strides = array<i32>} : memref<40x128xf32, #tpu.memory_space<vmem>>, vector<1x16xf32>,
      %get3A_463 = arith.index_cast %scan3A_422 : i32 to index
      %get3A_464 = arith.constant 48 : index
      %get3A_465 = tpu.vector_load %arg9[%get3A_463, %get3A_464] {strides = array<i32>} : memref<40x128xf32, #tpu.memory_space<vmem>>, vector<1x16xf32>,
      %get3A_466 = vector.shape_cast %get3A_465 : vector<1x16xf32> to vector<16xf32>
      %get3A_467 = arith.index_cast %scan3A_422 : i32 to index
      %get3A_468 = arith.constant 48 : index
      %get3A_469 = tpu.vector_load %arg12[%get3A_467, %get3A_468] {strides = array<i32>} : memref<40x128xf32, #tpu.memory_space<vmem>>, vector<1x16xf32>,
      %get3A_470 = vector.shape_cast %get3A_469 : vector<1x16xf32> to vector<16xf32>
      %mul3A_471 = arith.mulf %get3A_466, %get3A_470 : vector<16xf32>
      %swap3A_472 = arith.index_cast %scan3A_422 : i32 to index
      %swap3A_473 = arith.constant 48 : index
      %swap3A_474 = tpu.vector_load %arg15[%swap3A_472, %swap3A_473] {strides = array<i32>} : memref<40x128xf32, #tpu.memory_space<vmem>>, vector<1x16xf32>,
      %swap3A_475 = vector.shape_cast %swap3A_474 : vector<1x16xf32> to vector<16xf32>
      %swap3A_476 = vector.shape_cast %mul3A_471 : vector<16xf32> to vector<1x16xf32>
      tpu.vector_store %arg15[%swap3A_472, %swap3A_473], %swap3A_476 {strides = array<i32>} : memref<40x128xf32, #tpu.memory_space<vmem>>, vector<1x16xf32>,
      %get3A_477 = arith.index_cast %scan3A_422 : i32 to index
      %get3A_478 = arith.constant 64 : index
      %get3A_479 = tpu.vector_load %arg9[%get3A_477, %get3A_478] {strides = array<i32>} : memref<40x128xf32, #tpu.memory_space<vmem>>, vector<1x16xf32>,
      %get3A_480 = vector.shape_cast %get3A_479 : vector<1x16xf32> to vector<16xf32>
      %get3A_481 = arith.index_cast %scan3A_422 : i32 to index
      %get3A_482 = arith.constant 64 : index
      %get3A_483 = tpu.vector_load %arg12[%get3A_481, %get3A_482] {strides = array<i32>} : memref<40x128xf32, #tpu.memory_space<vmem>>, vector<1x16xf32>,
      %get3A_484 = vector.shape_cast %get3A_483 : vector<1x16xf32> to vector<16xf32>
      %mul3A_485 = arith.mulf %get3A_480, %get3A_484 : vector<16xf32>
      %swap3A_486 = arith.index_cast %scan3A_422 : i32 to index
      %swap3A_487 = arith.constant 64 : index
      %swap3A_488 = tpu.vector_load %arg15[%swap3A_486, %swap3A_487] {strides = array<i32>} : memref<40x128xf32, #tpu.memory_space<vmem>>, vector<1x16xf32>,
      %swap3A_489 = vector.shape_cast %swap3A_488 : vector<1x16xf32> to vector<16xf32>
      %swap3A_490 = vector.shape_cast %mul3A_485 : vector<16xf32> to vector<1x16xf32>
      tpu.vector_store %arg15[%swap3A_486, %swap3A_487], %swap3A_490 {strides = array<i32>} : memref<40x128xf32, #tpu.memory_space<vmem>>, vector<1x16xf32>,
      %get3A_491 = arith.index_cast %scan3A_422 : i32 to index
      %get3A_492 = arith.constant 80 : index
      %get3A_493 = tpu.vector_load %arg9[%get3A_491, %get3A_492] {strides = array<i32>} : memref<40x128xf32, #tpu.memory_space<vmem>>, vector<1x16xf32>,
      %get3A_494 = vector.shape_cast %get3A_493 : vector<1x16xf32> to vector<16xf32>
      %get3A_495 = arith.index_cast %scan3A_422 : i32 to index
      %get3A_496 = arith.constant 80 : index
      %get3A_497 = tpu.vector_load %arg12[%get3A_495, %get3A_496] {strides = array<i32>} : memref<40x128xf32, #tpu.memory_space<vmem>>, vector<1x16xf32>,
      %get3A_498 = vector.shape_cast %get3A_497 : vector<1x16xf32> to vector<16xf32>
      %mul3A_499 = arith.mulf %get3A_494, %get3A_498 : vector<16xf32>
      %swap3A_500 = arith.index_cast %scan3A_422 : i32 to index
      %swap3A_501 = arith.constant 80 : index
      %swap3A_502 = tpu.vector_load %arg15[%swap3A_500, %swap3A_501] {strides = array<i32>} : memref<40x128xf32, #tpu.memory_space<vmem>>, vector<1x16xf32>,
      %swap3A_503 = vector.shape_cast %swap3A_502 : vector<1x16xf32> to vector<16xf32>
      %swap3A_504 = vector.shape_cast %mul3A_499 : vector<16xf32> to vector<1x16xf32>
      tpu.vector_store %arg15[%swap3A_500, %swap3A_501], %swap3A_504 {strides = array<i32>} : memref<40x128xf32, #tpu.memory_space<vmem>>, vector<1x16xf32>,
      %get3A_505 = arith.index_cast %scan3A_422 : i32 to index
      %get3A_506 = arith.constant 96 : index
      %get3A_507 = tpu.vector_load %arg9[%get3A_505, %get3A_506] {strides = array<i32>} : memref<40x128xf32, #tpu.memory_space<vmem>>, vector<1x16xf32>,
      %get3A_508 = vector.shape_cast %get3A_507 : vector<1x16xf32> to vector<16xf32>
      %get3A_509 = arith.index_cast %scan3A_422 : i32 to index
      %get3A_510 = arith.constant 96 : index
      %get3A_511 = tpu.vector_load %arg12[%get3A_509, %get3A_510] {strides = array<i32>} : memref<40x128xf32, #tpu.memory_space<vmem>>, vector<1x16xf32>,
      %get3A_512 = vector.shape_cast %get3A_511 : vector<1x16xf32> to vector<16xf32>
      %mul3A_513 = arith.mulf %get3A_508, %get3A_512 : vector<16xf32>
      %swap3A_514 = arith.index_cast %scan3A_422 : i32 to index
      %swap3A_515 = arith.constant 96 : index
      %swap3A_516 = tpu.vector_load %arg15[%swap3A_514, %swap3A_515] {strides = array<i32>} : memref<40x128xf32, #tpu.memory_space<vmem>>, vector<1x16xf32>,
      %swap3A_517 = vector.shape_cast %swap3A_516 : vector<1x16xf32> to vector<16xf32>
      %swap3A_518 = vector.shape_cast %mul3A_513 : vector<16xf32> to vector<1x16xf32>
      tpu.vector_store %arg15[%swap3A_514, %swap3A_515], %swap3A_518 {strides = array<i32>} : memref<40x128xf32, #tpu.memory_space<vmem>>, vector<1x16xf32>,
      %get3A_519 = arith.index_cast %scan3A_422 : i32 to index
      %get3A_520 = arith.constant 112 : index
      %get3A_521 = tpu.vector_load %arg9[%get3A_519, %get3A_520] {strides = array<i32>} : memref<40x128xf32, #tpu.memory_space<vmem>>, vector<1x16xf32>,
      %get3A_522 = vector.shape_cast %get3A_521 : vector<1x16xf32> to vector<16xf32>
      %get3A_523 = arith.index_cast %scan3A_422 : i32 to index
      %get3A_524 = arith.constant 112 : index
      %get3A_525 = tpu.vector_load %arg12[%get3A_523, %get3A_524] {strides = array<i32>} : memref<40x128xf32, #tpu.memory_space<vmem>>, vector<1x16xf32>,
      %get3A_526 = vector.shape_cast %get3A_525 : vector<1x16xf32> to vector<16xf32>
      %mul3A_527 = arith.mulf %get3A_522, %get3A_526 : vector<16xf32>
      %swap3A_528 = arith.index_cast %scan3A_422 : i32 to index
      %swap3A_529 = arith.constant 112 : index
      %swap3A_530 = tpu.vector_load %arg15[%swap3A_528, %swap3A_529] {strides = array<i32>} : memref<40x128xf32, #tpu.memory_space<vmem>>, vector<1x16xf32>,
      %swap3A_531 = vector.shape_cast %swap3A_530 : vector<1x16xf32> to vector<16xf32>
      %swap3A_532 = vector.shape_cast %mul3A_527 : vector<16xf32> to vector<1x16xf32>
      tpu.vector_store %arg15[%swap3A_528, %swap3A_529], %swap3A_532 {strides = array<i32>} : memref<40x128xf32, #tpu.memory_space<vmem>>, vector<1x16xf32>,
    }
    %scan3A_343 = arith.constant 40 : i32
    %add3A_344 = arith.constant 9880 : i32
    %add3A_345 = arith.addi %mul3A_2, %add3A_344 : i32
    %dma_start3A_346 = arith.constant 0 : i32
    %dma_start3A_347 = tpu.memref_slice %arg5[%add3A_345, %dma_start3A_346] : memref<320000x128xf32, #tpu.memory_space<hbm>> -> memref<40x128xf32, #tpu.memory_space<hbm>>
    %dma_start3A_348 = arith.constant 0 : i32
    %dma_start3A_349 = tpu.memref_slice %arg5[%add3A_345, %dma_start3A_348] : memref<320000x128xf32, #tpu.memory_space<hbm>> -> memref<40x128xf32, #tpu.memory_space<hbm>>
    tpu.enqueue_dma source(%arg15 : memref<40x128xf32, #tpu.memory_space<vmem>>) target(%dma_start3A_349 : memref<40x128xf32, #tpu.memory_space<hbm>>) target_semaphore(%arg23 : memref<!tpu.dma_semaphore, #tpu.memory_space<semaphore_mem>>)
    %dma_wait3A_350 = arith.constant 0 : i32
    %dma_wait3A_351 = arith.constant 0 : i32
    %dma_wait3A_352 = tpu.memref_slice %arg4[%dma_wait3A_350, %dma_wait3A_351] : memref<320000x128xf32, #tpu.memory_space<hbm>> -> memref<40x128xf32, #tpu.memory_space<hbm>>
    %dma_wait3A_353 = arith.constant 0 : i32
    %dma_wait3A_354 = arith.constant 0 : i32
    %dma_wait3A_355 = tpu.memref_slice %arg4[%dma_wait3A_353, %dma_wait3A_354] : memref<320000x128xf32, #tpu.memory_space<hbm>> -> memref<40x128xf32, #tpu.memory_space<hbm>>
    tpu.wait_dma2 semaphore(%arg18 : memref<!tpu.dma_semaphore, #tpu.memory_space<semaphore_mem>>) src(%dma_wait3A_355 : memref<40x128xf32, #tpu.memory_space<hbm>>) dst(%arg10 : memref<40x128xf32, #tpu.memory_space<vmem>>)
    %dma_wait3A_356 = arith.constant 0 : i32
    %dma_wait3A_357 = arith.constant 0 : i32
    %dma_wait3A_358 = tpu.memref_slice %arg4[%dma_wait3A_356, %dma_wait3A_357] : memref<320000x128xf32, #tpu.memory_space<hbm>> -> memref<40x128xf32, #tpu.memory_space<hbm>>
    %dma_wait3A_359 = arith.constant 0 : i32
    %dma_wait3A_360 = arith.constant 0 : i32
    %dma_wait3A_361 = tpu.memref_slice %arg4[%dma_wait3A_359, %dma_wait3A_360] : memref<320000x128xf32, #tpu.memory_space<hbm>> -> memref<40x128xf32, #tpu.memory_space<hbm>>
    tpu.wait_dma2 semaphore(%arg21 : memref<!tpu.dma_semaphore, #tpu.memory_space<semaphore_mem>>) src(%dma_wait3A_361 : memref<40x128xf32, #tpu.memory_space<hbm>>) dst(%arg13 : memref<40x128xf32, #tpu.memory_space<vmem>>)
    %dma_wait3A_362 = arith.constant 0 : i32
    %dma_wait3A_363 = arith.constant 0 : i32
    %dma_wait3A_364 = tpu.memref_slice %arg5[%dma_wait3A_362, %dma_wait3A_363] : memref<320000x128xf32, #tpu.memory_space<hbm>> -> memref<40x128xf32, #tpu.memory_space<hbm>>
    %dma_wait3A_365 = arith.constant 0 : i32
    %dma_wait3A_366 = arith.constant 0 : i32
    %dma_wait3A_367 = tpu.memref_slice %arg5[%dma_wait3A_365, %dma_wait3A_366] : memref<320000x128xf32, #tpu.memory_space<hbm>> -> memref<40x128xf32, #tpu.memory_space<hbm>>
    tpu.wait_dma2 semaphore(%arg22 : memref<!tpu.dma_semaphore, #tpu.memory_space<semaphore_mem>>) src(%arg14 : memref<40x128xf32, #tpu.memory_space<vmem>>) dst(%dma_wait3A_367 : memref<40x128xf32, #tpu.memory_space<hbm>>)
    %scan3A_368 = arith.constant 0 : i32
    %scan3A_369 = arith.constant 0 : i32
    %scan3A_370 = arith.constant 40 : i32
    %scan3A_371 = arith.addi %scan3A_369, %scan3A_370 : i32
    %scan3A_372 = arith.constant 1 : i32
    scf.for %scan3A_422 = %scan3A_369 to %scan3A_371 step %scan3A_372  : i32 {
      %get3A = arith.index_cast %scan3A_422 : i32 to index
      %get3A_423 = arith.constant 0 : index
      %get3A_424 = tpu.vector_load %arg10[%get3A, %get3A_423] {strides = array<i32>} : memref<40x128xf32, #tpu.memory_space<vmem>>, vector<1x16xf32>,
      %get3A_425 = vector.shape_cast %get3A_424 : vector<1x16xf32> to vector<16xf32>
      %get3A_426 = arith.index_cast %scan3A_422 : i32 to index
      %get3A_427 = arith.constant 0 : index
      %get3A_428 = tpu.vector_load %arg13[%get3A_426, %get3A_427] {strides = array<i32>} : memref<40x128xf32, #tpu.memory_space<vmem>>, vector<1x16xf32>,
      %get3A_429 = vector.shape_cast %get3A_428 : vector<1x16xf32> to vector<16xf32>
      %mul3A_430 = arith.mulf %get3A_425, %get3A_429 : vector<16xf32>
      %swap3A = arith.index_cast %scan3A_422 : i32 to index
      %swap3A_431 = arith.constant 0 : index
      %swap3A_432 = tpu.vector_load %arg14[%swap3A, %swap3A_431] {strides = array<i32>} : memref<40x128xf32, #tpu.memory_space<vmem>>, vector<1x16xf32>,
      %swap3A_433 = vector.shape_cast %swap3A_432 : vector<1x16xf32> to vector<16xf32>
      %swap3A_434 = vector.shape_cast %mul3A_430 : vector<16xf32> to vector<1x16xf32>
      tpu.vector_store %arg14[%swap3A, %swap3A_431], %swap3A_434 {strides = array<i32>} : memref<40x128xf32, #tpu.memory_space<vmem>>, vector<1x16xf32>,
      %get3A_435 = arith.index_cast %scan3A_422 : i32 to index
      %get3A_436 = arith.constant 16 : index
      %get3A_437 = tpu.vector_load %arg10[%get3A_435, %get3A_436] {strides = array<i32>} : memref<40x128xf32, #tpu.memory_space<vmem>>, vector<1x16xf32>,
      %get3A_438 = vector.shape_cast %get3A_437 : vector<1x16xf32> to vector<16xf32>
      %get3A_439 = arith.index_cast %scan3A_422 : i32 to index
      %get3A_440 = arith.constant 16 : index
      %get3A_441 = tpu.vector_load %arg13[%get3A_439, %get3A_440] {strides = array<i32>} : memref<40x128xf32, #tpu.memory_space<vmem>>, vector<1x16xf32>,
      %get3A_442 = vector.shape_cast %get3A_441 : vector<1x16xf32> to vector<16xf32>
      %mul3A_443 = arith.mulf %get3A_438, %get3A_442 : vector<16xf32>
      %swap3A_444 = arith.index_cast %scan3A_422 : i32 to index
      %swap3A_445 = arith.constant 16 : index
      %swap3A_446 = tpu.vector_load %arg14[%swap3A_444, %swap3A_445] {strides = array<i32>} : memref<40x128xf32, #tpu.memory_space<vmem>>, vector<1x16xf32>,
      %swap3A_447 = vector.shape_cast %swap3A_446 : vector<1x16xf32> to vector<16xf32>
      %swap3A_448 = vector.shape_cast %mul3A_443 : vector<16xf32> to vector<1x16xf32>
      tpu.vector_store %arg14[%swap3A_444, %swap3A_445], %swap3A_448 {strides = array<i32>} : memref<40x128xf32, #tpu.memory_space<vmem>>, vector<1x16xf32>,
      %get3A_449 = arith.index_cast %scan3A_422 : i32 to index
      %get3A_450 = arith.constant 32 : index
      %get3A_451 = tpu.vector_load %arg10[%get3A_449, %get3A_450] {strides = array<i32>} : memref<40x128xf32, #tpu.memory_space<vmem>>, vector<1x16xf32>,
      %get3A_452 = vector.shape_cast %get3A_451 : vector<1x16xf32> to vector<16xf32>
      %get3A_453 = arith.index_cast %scan3A_422 : i32 to index
      %get3A_454 = arith.constant 32 : index
      %get3A_455 = tpu.vector_load %arg13[%get3A_453, %get3A_454] {strides = array<i32>} : memref<40x128xf32, #tpu.memory_space<vmem>>, vector<1x16xf32>,
      %get3A_456 = vector.shape_cast %get3A_455 : vector<1x16xf32> to vector<16xf32>
      %mul3A_457 = arith.mulf %get3A_452, %get3A_456 : vector<16xf32>
      %swap3A_458 = arith.index_cast %scan3A_422 : i32 to index
      %swap3A_459 = arith.constant 32 : index
      %swap3A_460 = tpu.vector_load %arg14[%swap3A_458, %swap3A_459] {strides = array<i32>} : memref<40x128xf32, #tpu.memory_space<vmem>>, vector<1x16xf32>,
      %swap3A_461 = vector.shape_cast %swap3A_460 : vector<1x16xf32> to vector<16xf32>
      %swap3A_462 = vector.shape_cast %mul3A_457 : vector<16xf32> to vector<1x16xf32>
      tpu.vector_store %arg14[%swap3A_458, %swap3A_459], %swap3A_462 {strides = array<i32>} : memref<40x128xf32, #tpu.memory_space<vmem>>, vector<1x16xf32>,
      %get3A_463 = arith.index_cast %scan3A_422 : i32 to index
      %get3A_464 = arith.constant 48 : index
      %get3A_465 = tpu.vector_load %arg10[%get3A_463, %get3A_464] {strides = array<i32>} : memref<40x128xf32, #tpu.memory_space<vmem>>, vector<1x16xf32>,
      %get3A_466 = vector.shape_cast %get3A_465 : vector<1x16xf32> to vector<16xf32>
      %get3A_467 = arith.index_cast %scan3A_422 : i32 to index
      %get3A_468 = arith.constant 48 : index
      %get3A_469 = tpu.vector_load %arg13[%get3A_467, %get3A_468] {strides = array<i32>} : memref<40x128xf32, #tpu.memory_space<vmem>>, vector<1x16xf32>,
      %get3A_470 = vector.shape_cast %get3A_469 : vector<1x16xf32> to vector<16xf32>
      %mul3A_471 = arith.mulf %get3A_466, %get3A_470 : vector<16xf32>
      %swap3A_472 = arith.index_cast %scan3A_422 : i32 to index
      %swap3A_473 = arith.constant 48 : index
      %swap3A_474 = tpu.vector_load %arg14[%swap3A_472, %swap3A_473] {strides = array<i32>} : memref<40x128xf32, #tpu.memory_space<vmem>>, vector<1x16xf32>,
      %swap3A_475 = vector.shape_cast %swap3A_474 : vector<1x16xf32> to vector<16xf32>
      %swap3A_476 = vector.shape_cast %mul3A_471 : vector<16xf32> to vector<1x16xf32>
      tpu.vector_store %arg14[%swap3A_472, %swap3A_473], %swap3A_476 {strides = array<i32>} : memref<40x128xf32, #tpu.memory_space<vmem>>, vector<1x16xf32>,
      %get3A_477 = arith.index_cast %scan3A_422 : i32 to index
      %get3A_478 = arith.constant 64 : index
      %get3A_479 = tpu.vector_load %arg10[%get3A_477, %get3A_478] {strides = array<i32>} : memref<40x128xf32, #tpu.memory_space<vmem>>, vector<1x16xf32>,
      %get3A_480 = vector.shape_cast %get3A_479 : vector<1x16xf32> to vector<16xf32>
      %get3A_481 = arith.index_cast %scan3A_422 : i32 to index
      %get3A_482 = arith.constant 64 : index
      %get3A_483 = tpu.vector_load %arg13[%get3A_481, %get3A_482] {strides = array<i32>} : memref<40x128xf32, #tpu.memory_space<vmem>>, vector<1x16xf32>,
      %get3A_484 = vector.shape_cast %get3A_483 : vector<1x16xf32> to vector<16xf32>
      %mul3A_485 = arith.mulf %get3A_480, %get3A_484 : vector<16xf32>
      %swap3A_486 = arith.index_cast %scan3A_422 : i32 to index
      %swap3A_487 = arith.constant 64 : index
      %swap3A_488 = tpu.vector_load %arg14[%swap3A_486, %swap3A_487] {strides = array<i32>} : memref<40x128xf32, #tpu.memory_space<vmem>>, vector<1x16xf32>,
      %swap3A_489 = vector.shape_cast %swap3A_488 : vector<1x16xf32> to vector<16xf32>
      %swap3A_490 = vector.shape_cast %mul3A_485 : vector<16xf32> to vector<1x16xf32>
      tpu.vector_store %arg14[%swap3A_486, %swap3A_487], %swap3A_490 {strides = array<i32>} : memref<40x128xf32, #tpu.memory_space<vmem>>, vector<1x16xf32>,
      %get3A_491 = arith.index_cast %scan3A_422 : i32 to index
      %get3A_492 = arith.constant 80 : index
      %get3A_493 = tpu.vector_load %arg10[%get3A_491, %get3A_492] {strides = array<i32>} : memref<40x128xf32, #tpu.memory_space<vmem>>, vector<1x16xf32>,
      %get3A_494 = vector.shape_cast %get3A_493 : vector<1x16xf32> to vector<16xf32>
      %get3A_495 = arith.index_cast %scan3A_422 : i32 to index
      %get3A_496 = arith.constant 80 : index
      %get3A_497 = tpu.vector_load %arg13[%get3A_495, %get3A_496] {strides = array<i32>} : memref<40x128xf32, #tpu.memory_space<vmem>>, vector<1x16xf32>,
      %get3A_498 = vector.shape_cast %get3A_497 : vector<1x16xf32> to vector<16xf32>
      %mul3A_499 = arith.mulf %get3A_494, %get3A_498 : vector<16xf32>
      %swap3A_500 = arith.index_cast %scan3A_422 : i32 to index
      %swap3A_501 = arith.constant 80 : index
      %swap3A_502 = tpu.vector_load %arg14[%swap3A_500, %swap3A_501] {strides = array<i32>} : memref<40x128xf32, #tpu.memory_space<vmem>>, vector<1x16xf32>,
      %swap3A_503 = vector.shape_cast %swap3A_502 : vector<1x16xf32> to vector<16xf32>
      %swap3A_504 = vector.shape_cast %mul3A_499 : vector<16xf32> to vector<1x16xf32>
      tpu.vector_store %arg14[%swap3A_500, %swap3A_501], %swap3A_504 {strides = array<i32>} : memref<40x128xf32, #tpu.memory_space<vmem>>, vector<1x16xf32>,
      %get3A_505 = arith.index_cast %scan3A_422 : i32 to index
      %get3A_506 = arith.constant 96 : index
      %get3A_507 = tpu.vector_load %arg10[%get3A_505, %get3A_506] {strides = array<i32>} : memref<40x128xf32, #tpu.memory_space<vmem>>, vector<1x16xf32>,
      %get3A_508 = vector.shape_cast %get3A_507 : vector<1x16xf32> to vector<16xf32>
      %get3A_509 = arith.index_cast %scan3A_422 : i32 to index
      %get3A_510 = arith.constant 96 : index
      %get3A_511 = tpu.vector_load %arg13[%get3A_509, %get3A_510] {strides = array<i32>} : memref<40x128xf32, #tpu.memory_space<vmem>>, vector<1x16xf32>,
      %get3A_512 = vector.shape_cast %get3A_511 : vector<1x16xf32> to vector<16xf32>
      %mul3A_513 = arith.mulf %get3A_508, %get3A_512 : vector<16xf32>
      %swap3A_514 = arith.index_cast %scan3A_422 : i32 to index
      %swap3A_515 = arith.constant 96 : index
      %swap3A_516 = tpu.vector_load %arg14[%swap3A_514, %swap3A_515] {strides = array<i32>} : memref<40x128xf32, #tpu.memory_space<vmem>>, vector<1x16xf32>,
      %swap3A_517 = vector.shape_cast %swap3A_516 : vector<1x16xf32> to vector<16xf32>
      %swap3A_518 = vector.shape_cast %mul3A_513 : vector<16xf32> to vector<1x16xf32>
      tpu.vector_store %arg14[%swap3A_514, %swap3A_515], %swap3A_518 {strides = array<i32>} : memref<40x128xf32, #tpu.memory_space<vmem>>, vector<1x16xf32>,
      %get3A_519 = arith.index_cast %scan3A_422 : i32 to index
      %get3A_520 = arith.constant 112 : index
      %get3A_521 = tpu.vector_load %arg10[%get3A_519, %get3A_520] {strides = array<i32>} : memref<40x128xf32, #tpu.memory_space<vmem>>, vector<1x16xf32>,
      %get3A_522 = vector.shape_cast %get3A_521 : vector<1x16xf32> to vector<16xf32>
      %get3A_523 = arith.index_cast %scan3A_422 : i32 to index
      %get3A_524 = arith.constant 112 : index
      %get3A_525 = tpu.vector_load %arg13[%get3A_523, %get3A_524] {strides = array<i32>} : memref<40x128xf32, #tpu.memory_space<vmem>>, vector<1x16xf32>,
      %get3A_526 = vector.shape_cast %get3A_525 : vector<1x16xf32> to vector<16xf32>
      %mul3A_527 = arith.mulf %get3A_522, %get3A_526 : vector<16xf32>
      %swap3A_528 = arith.index_cast %scan3A_422 : i32 to index
      %swap3A_529 = arith.constant 112 : index
      %swap3A_530 = tpu.vector_load %arg14[%swap3A_528, %swap3A_529] {strides = array<i32>} : memref<40x128xf32, #tpu.memory_space<vmem>>, vector<1x16xf32>,
      %swap3A_531 = vector.shape_cast %swap3A_530 : vector<1x16xf32> to vector<16xf32>
      %swap3A_532 = vector.shape_cast %mul3A_527 : vector<16xf32> to vector<1x16xf32>
      tpu.vector_store %arg14[%swap3A_528, %swap3A_529], %swap3A_532 {strides = array<i32>} : memref<40x128xf32, #tpu.memory_space<vmem>>, vector<1x16xf32>,
    }
    %scan3A_373 = arith.constant 40 : i32
    %add3A_374 = arith.constant 9920 : i32
    %add3A_375 = arith.addi %mul3A_2, %add3A_374 : i32
    %dma_start3A_376 = arith.constant 0 : i32
    %dma_start3A_377 = tpu.memref_slice %arg5[%add3A_375, %dma_start3A_376] : memref<320000x128xf32, #tpu.memory_space<hbm>> -> memref<40x128xf32, #tpu.memory_space<hbm>>
    %dma_start3A_378 = arith.constant 0 : i32
    %dma_start3A_379 = tpu.memref_slice %arg5[%add3A_375, %dma_start3A_378] : memref<320000x128xf32, #tpu.memory_space<hbm>> -> memref<40x128xf32, #tpu.memory_space<hbm>>
    tpu.enqueue_dma source(%arg14 : memref<40x128xf32, #tpu.memory_space<vmem>>) target(%dma_start3A_379 : memref<40x128xf32, #tpu.memory_space<hbm>>) target_semaphore(%arg22 : memref<!tpu.dma_semaphore, #tpu.memory_space<semaphore_mem>>)
    %dma_wait3A_380 = arith.constant 0 : i32
    %dma_wait3A_381 = arith.constant 0 : i32
    %dma_wait3A_382 = tpu.memref_slice %arg4[%dma_wait3A_380, %dma_wait3A_381] : memref<320000x128xf32, #tpu.memory_space<hbm>> -> memref<40x128xf32, #tpu.memory_space<hbm>>
    %dma_wait3A_383 = arith.constant 0 : i32
    %dma_wait3A_384 = arith.constant 0 : i32
    %dma_wait3A_385 = tpu.memref_slice %arg4[%dma_wait3A_383, %dma_wait3A_384] : memref<320000x128xf32, #tpu.memory_space<hbm>> -> memref<40x128xf32, #tpu.memory_space<hbm>>
    tpu.wait_dma2 semaphore(%arg16 : memref<!tpu.dma_semaphore, #tpu.memory_space<semaphore_mem>>) src(%dma_wait3A_385 : memref<40x128xf32, #tpu.memory_space<hbm>>) dst(%arg8 : memref<40x128xf32, #tpu.memory_space<vmem>>)
    %dma_wait3A_386 = arith.constant 0 : i32
    %dma_wait3A_387 = arith.constant 0 : i32
    %dma_wait3A_388 = tpu.memref_slice %arg4[%dma_wait3A_386, %dma_wait3A_387] : memref<320000x128xf32, #tpu.memory_space<hbm>> -> memref<40x128xf32, #tpu.memory_space<hbm>>
    %dma_wait3A_389 = arith.constant 0 : i32
    %dma_wait3A_390 = arith.constant 0 : i32
    %dma_wait3A_391 = tpu.memref_slice %arg4[%dma_wait3A_389, %dma_wait3A_390] : memref<320000x128xf32, #tpu.memory_space<hbm>> -> memref<40x128xf32, #tpu.memory_space<hbm>>
    tpu.wait_dma2 semaphore(%arg19 : memref<!tpu.dma_semaphore, #tpu.memory_space<semaphore_mem>>) src(%dma_wait3A_391 : memref<40x128xf32, #tpu.memory_space<hbm>>) dst(%arg11 : memref<40x128xf32, #tpu.memory_space<vmem>>)
    %dma_wait3A_392 = arith.constant 0 : i32
    %dma_wait3A_393 = arith.constant 0 : i32
    %dma_wait3A_394 = tpu.memref_slice %arg5[%dma_wait3A_392, %dma_wait3A_393] : memref<320000x128xf32, #tpu.memory_space<hbm>> -> memref<40x128xf32, #tpu.memory_space<hbm>>
    %dma_wait3A_395 = arith.constant 0 : i32
    %dma_wait3A_396 = arith.constant 0 : i32
    %dma_wait3A_397 = tpu.memref_slice %arg5[%dma_wait3A_395, %dma_wait3A_396] : memref<320000x128xf32, #tpu.memory_space<hbm>> -> memref<40x128xf32, #tpu.memory_space<hbm>>
    tpu.wait_dma2 semaphore(%arg23 : memref<!tpu.dma_semaphore, #tpu.memory_space<semaphore_mem>>) src(%arg15 : memref<40x128xf32, #tpu.memory_space<vmem>>) dst(%dma_wait3A_397 : memref<40x128xf32, #tpu.memory_space<hbm>>)
    %scan3A_398 = arith.constant 0 : i32
    %scan3A_399 = arith.constant 0 : i32
    %scan3A_400 = arith.constant 40 : i32
    %scan3A_401 = arith.addi %scan3A_399, %scan3A_400 : i32
    %scan3A_402 = arith.constant 1 : i32
    scf.for %scan3A_422 = %scan3A_399 to %scan3A_401 step %scan3A_402  : i32 {
      %get3A = arith.index_cast %scan3A_422 : i32 to index
      %get3A_423 = arith.constant 0 : index
      %get3A_424 = tpu.vector_load %arg8[%get3A, %get3A_423] {strides = array<i32>} : memref<40x128xf32, #tpu.memory_space<vmem>>, vector<1x16xf32>,
      %get3A_425 = vector.shape_cast %get3A_424 : vector<1x16xf32> to vector<16xf32>
      %get3A_426 = arith.index_cast %scan3A_422 : i32 to index
      %get3A_427 = arith.constant 0 : index
      %get3A_428 = tpu.vector_load %arg11[%get3A_426, %get3A_427] {strides = array<i32>} : memref<40x128xf32, #tpu.memory_space<vmem>>, vector<1x16xf32>,
      %get3A_429 = vector.shape_cast %get3A_428 : vector<1x16xf32> to vector<16xf32>
      %mul3A_430 = arith.mulf %get3A_425, %get3A_429 : vector<16xf32>
      %swap3A = arith.index_cast %scan3A_422 : i32 to index
      %swap3A_431 = arith.constant 0 : index
      %swap3A_432 = tpu.vector_load %arg15[%swap3A, %swap3A_431] {strides = array<i32>} : memref<40x128xf32, #tpu.memory_space<vmem>>, vector<1x16xf32>,
      %swap3A_433 = vector.shape_cast %swap3A_432 : vector<1x16xf32> to vector<16xf32>
      %swap3A_434 = vector.shape_cast %mul3A_430 : vector<16xf32> to vector<1x16xf32>
      tpu.vector_store %arg15[%swap3A, %swap3A_431], %swap3A_434 {strides = array<i32>} : memref<40x128xf32, #tpu.memory_space<vmem>>, vector<1x16xf32>,
      %get3A_435 = arith.index_cast %scan3A_422 : i32 to index
      %get3A_436 = arith.constant 16 : index
      %get3A_437 = tpu.vector_load %arg8[%get3A_435, %get3A_436] {strides = array<i32>} : memref<40x128xf32, #tpu.memory_space<vmem>>, vector<1x16xf32>,
      %get3A_438 = vector.shape_cast %get3A_437 : vector<1x16xf32> to vector<16xf32>
      %get3A_439 = arith.index_cast %scan3A_422 : i32 to index
      %get3A_440 = arith.constant 16 : index
      %get3A_441 = tpu.vector_load %arg11[%get3A_439, %get3A_440] {strides = array<i32>} : memref<40x128xf32, #tpu.memory_space<vmem>>, vector<1x16xf32>,
      %get3A_442 = vector.shape_cast %get3A_441 : vector<1x16xf32> to vector<16xf32>
      %mul3A_443 = arith.mulf %get3A_438, %get3A_442 : vector<16xf32>
      %swap3A_444 = arith.index_cast %scan3A_422 : i32 to index
      %swap3A_445 = arith.constant 16 : index
      %swap3A_446 = tpu.vector_load %arg15[%swap3A_444, %swap3A_445] {strides = array<i32>} : memref<40x128xf32, #tpu.memory_space<vmem>>, vector<1x16xf32>,
      %swap3A_447 = vector.shape_cast %swap3A_446 : vector<1x16xf32> to vector<16xf32>
      %swap3A_448 = vector.shape_cast %mul3A_443 : vector<16xf32> to vector<1x16xf32>
      tpu.vector_store %arg15[%swap3A_444, %swap3A_445], %swap3A_448 {strides = array<i32>} : memref<40x128xf32, #tpu.memory_space<vmem>>, vector<1x16xf32>,
      %get3A_449 = arith.index_cast %scan3A_422 : i32 to index
      %get3A_450 = arith.constant 32 : index
      %get3A_451 = tpu.vector_load %arg8[%get3A_449, %get3A_450] {strides = array<i32>} : memref<40x128xf32, #tpu.memory_space<vmem>>, vector<1x16xf32>,
      %get3A_452 = vector.shape_cast %get3A_451 : vector<1x16xf32> to vector<16xf32>
      %get3A_453 = arith.index_cast %scan3A_422 : i32 to index
      %get3A_454 = arith.constant 32 : index
      %get3A_455 = tpu.vector_load %arg11[%get3A_453, %get3A_454] {strides = array<i32>} : memref<40x128xf32, #tpu.memory_space<vmem>>, vector<1x16xf32>,
      %get3A_456 = vector.shape_cast %get3A_455 : vector<1x16xf32> to vector<16xf32>
      %mul3A_457 = arith.mulf %get3A_452, %get3A_456 : vector<16xf32>
      %swap3A_458 = arith.index_cast %scan3A_422 : i32 to index
      %swap3A_459 = arith.constant 32 : index
      %swap3A_460 = tpu.vector_load %arg15[%swap3A_458, %swap3A_459] {strides = array<i32>} : memref<40x128xf32, #tpu.memory_space<vmem>>, vector<1x16xf32>,
      %swap3A_461 = vector.shape_cast %swap3A_460 : vector<1x16xf32> to vector<16xf32>
      %swap3A_462 = vector.shape_cast %mul3A_457 : vector<16xf32> to vector<1x16xf32>
      tpu.vector_store %arg15[%swap3A_458, %swap3A_459], %swap3A_462 {strides = array<i32>} : memref<40x128xf32, #tpu.memory_space<vmem>>, vector<1x16xf32>,
      %get3A_463 = arith.index_cast %scan3A_422 : i32 to index
      %get3A_464 = arith.constant 48 : index
      %get3A_465 = tpu.vector_load %arg8[%get3A_463, %get3A_464] {strides = array<i32>} : memref<40x128xf32, #tpu.memory_space<vmem>>, vector<1x16xf32>,
      %get3A_466 = vector.shape_cast %get3A_465 : vector<1x16xf32> to vector<16xf32>
      %get3A_467 = arith.index_cast %scan3A_422 : i32 to index
      %get3A_468 = arith.constant 48 : index
      %get3A_469 = tpu.vector_load %arg11[%get3A_467, %get3A_468] {strides = array<i32>} : memref<40x128xf32, #tpu.memory_space<vmem>>, vector<1x16xf32>,
      %get3A_470 = vector.shape_cast %get3A_469 : vector<1x16xf32> to vector<16xf32>
      %mul3A_471 = arith.mulf %get3A_466, %get3A_470 : vector<16xf32>
      %swap3A_472 = arith.index_cast %scan3A_422 : i32 to index
      %swap3A_473 = arith.constant 48 : index
      %swap3A_474 = tpu.vector_load %arg15[%swap3A_472, %swap3A_473] {strides = array<i32>} : memref<40x128xf32, #tpu.memory_space<vmem>>, vector<1x16xf32>,
      %swap3A_475 = vector.shape_cast %swap3A_474 : vector<1x16xf32> to vector<16xf32>
      %swap3A_476 = vector.shape_cast %mul3A_471 : vector<16xf32> to vector<1x16xf32>
      tpu.vector_store %arg15[%swap3A_472, %swap3A_473], %swap3A_476 {strides = array<i32>} : memref<40x128xf32, #tpu.memory_space<vmem>>, vector<1x16xf32>,
      %get3A_477 = arith.index_cast %scan3A_422 : i32 to index
      %get3A_478 = arith.constant 64 : index
      %get3A_479 = tpu.vector_load %arg8[%get3A_477, %get3A_478] {strides = array<i32>} : memref<40x128xf32, #tpu.memory_space<vmem>>, vector<1x16xf32>,
      %get3A_480 = vector.shape_cast %get3A_479 : vector<1x16xf32> to vector<16xf32>
      %get3A_481 = arith.index_cast %scan3A_422 : i32 to index
      %get3A_482 = arith.constant 64 : index
      %get3A_483 = tpu.vector_load %arg11[%get3A_481, %get3A_482] {strides = array<i32>} : memref<40x128xf32, #tpu.memory_space<vmem>>, vector<1x16xf32>,
      %get3A_484 = vector.shape_cast %get3A_483 : vector<1x16xf32> to vector<16xf32>
      %mul3A_485 = arith.mulf %get3A_480, %get3A_484 : vector<16xf32>
      %swap3A_486 = arith.index_cast %scan3A_422 : i32 to index
      %swap3A_487 = arith.constant 64 : index
      %swap3A_488 = tpu.vector_load %arg15[%swap3A_486, %swap3A_487] {strides = array<i32>} : memref<40x128xf32, #tpu.memory_space<vmem>>, vector<1x16xf32>,
      %swap3A_489 = vector.shape_cast %swap3A_488 : vector<1x16xf32> to vector<16xf32>
      %swap3A_490 = vector.shape_cast %mul3A_485 : vector<16xf32> to vector<1x16xf32>
      tpu.vector_store %arg15[%swap3A_486, %swap3A_487], %swap3A_490 {strides = array<i32>} : memref<40x128xf32, #tpu.memory_space<vmem>>, vector<1x16xf32>,
      %get3A_491 = arith.index_cast %scan3A_422 : i32 to index
      %get3A_492 = arith.constant 80 : index
      %get3A_493 = tpu.vector_load %arg8[%get3A_491, %get3A_492] {strides = array<i32>} : memref<40x128xf32, #tpu.memory_space<vmem>>, vector<1x16xf32>,
      %get3A_494 = vector.shape_cast %get3A_493 : vector<1x16xf32> to vector<16xf32>
      %get3A_495 = arith.index_cast %scan3A_422 : i32 to index
      %get3A_496 = arith.constant 80 : index
      %get3A_497 = tpu.vector_load %arg11[%get3A_495, %get3A_496] {strides = array<i32>} : memref<40x128xf32, #tpu.memory_space<vmem>>, vector<1x16xf32>,
      %get3A_498 = vector.shape_cast %get3A_497 : vector<1x16xf32> to vector<16xf32>
      %mul3A_499 = arith.mulf %get3A_494, %get3A_498 : vector<16xf32>
      %swap3A_500 = arith.index_cast %scan3A_422 : i32 to index
      %swap3A_501 = arith.constant 80 : index
      %swap3A_502 = tpu.vector_load %arg15[%swap3A_500, %swap3A_501] {strides = array<i32>} : memref<40x128xf32, #tpu.memory_space<vmem>>, vector<1x16xf32>,
      %swap3A_503 = vector.shape_cast %swap3A_502 : vector<1x16xf32> to vector<16xf32>
      %swap3A_504 = vector.shape_cast %mul3A_499 : vector<16xf32> to vector<1x16xf32>
      tpu.vector_store %arg15[%swap3A_500, %swap3A_501], %swap3A_504 {strides = array<i32>} : memref<40x128xf32, #tpu.memory_space<vmem>>, vector<1x16xf32>,
      %get3A_505 = arith.index_cast %scan3A_422 : i32 to index
      %get3A_506 = arith.constant 96 : index
      %get3A_507 = tpu.vector_load %arg8[%get3A_505, %get3A_506] {strides = array<i32>} : memref<40x128xf32, #tpu.memory_space<vmem>>, vector<1x16xf32>,
      %get3A_508 = vector.shape_cast %get3A_507 : vector<1x16xf32> to vector<16xf32>
      %get3A_509 = arith.index_cast %scan3A_422 : i32 to index
      %get3A_510 = arith.constant 96 : index
      %get3A_511 = tpu.vector_load %arg11[%get3A_509, %get3A_510] {strides = array<i32>} : memref<40x128xf32, #tpu.memory_space<vmem>>, vector<1x16xf32>,
      %get3A_512 = vector.shape_cast %get3A_511 : vector<1x16xf32> to vector<16xf32>
      %mul3A_513 = arith.mulf %get3A_508, %get3A_512 : vector<16xf32>
      %swap3A_514 = arith.index_cast %scan3A_422 : i32 to index
      %swap3A_515 = arith.constant 96 : index
      %swap3A_516 = tpu.vector_load %arg15[%swap3A_514, %swap3A_515] {strides = array<i32>} : memref<40x128xf32, #tpu.memory_space<vmem>>, vector<1x16xf32>,
      %swap3A_517 = vector.shape_cast %swap3A_516 : vector<1x16xf32> to vector<16xf32>
      %swap3A_518 = vector.shape_cast %mul3A_513 : vector<16xf32> to vector<1x16xf32>
      tpu.vector_store %arg15[%swap3A_514, %swap3A_515], %swap3A_518 {strides = array<i32>} : memref<40x128xf32, #tpu.memory_space<vmem>>, vector<1x16xf32>,
      %get3A_519 = arith.index_cast %scan3A_422 : i32 to index
      %get3A_520 = arith.constant 112 : index
      %get3A_521 = tpu.vector_load %arg8[%get3A_519, %get3A_520] {strides = array<i32>} : memref<40x128xf32, #tpu.memory_space<vmem>>, vector<1x16xf32>,
      %get3A_522 = vector.shape_cast %get3A_521 : vector<1x16xf32> to vector<16xf32>
      %get3A_523 = arith.index_cast %scan3A_422 : i32 to index
      %get3A_524 = arith.constant 112 : index
      %get3A_525 = tpu.vector_load %arg11[%get3A_523, %get3A_524] {strides = array<i32>} : memref<40x128xf32, #tpu.memory_space<vmem>>, vector<1x16xf32>,
      %get3A_526 = vector.shape_cast %get3A_525 : vector<1x16xf32> to vector<16xf32>
      %mul3A_527 = arith.mulf %get3A_522, %get3A_526 : vector<16xf32>
      %swap3A_528 = arith.index_cast %scan3A_422 : i32 to index
      %swap3A_529 = arith.constant 112 : index
      %swap3A_530 = tpu.vector_load %arg15[%swap3A_528, %swap3A_529] {strides = array<i32>} : memref<40x128xf32, #tpu.memory_space<vmem>>, vector<1x16xf32>,
      %swap3A_531 = vector.shape_cast %swap3A_530 : vector<1x16xf32> to vector<16xf32>
      %swap3A_532 = vector.shape_cast %mul3A_527 : vector<16xf32> to vector<1x16xf32>
      tpu.vector_store %arg15[%swap3A_528, %swap3A_529], %swap3A_532 {strides = array<i32>} : memref<40x128xf32, #tpu.memory_space<vmem>>, vector<1x16xf32>,
    }
    %scan3A_403 = arith.constant 40 : i32
    %add3A_404 = arith.constant 9960 : i32
    %add3A_405 = arith.addi %mul3A_2, %add3A_404 : i32
    %dma_start3A_406 = arith.constant 0 : i32
    %dma_start3A_407 = tpu.memref_slice %arg5[%add3A_405, %dma_start3A_406] : memref<320000x128xf32, #tpu.memory_space<hbm>> -> memref<40x128xf32, #tpu.memory_space<hbm>>
    %dma_start3A_408 = arith.constant 0 : i32
    %dma_start3A_409 = tpu.memref_slice %arg5[%add3A_405, %dma_start3A_408] : memref<320000x128xf32, #tpu.memory_space<hbm>> -> memref<40x128xf32, #tpu.memory_space<hbm>>
    tpu.enqueue_dma source(%arg15 : memref<40x128xf32, #tpu.memory_space<vmem>>) target(%dma_start3A_409 : memref<40x128xf32, #tpu.memory_space<hbm>>) target_semaphore(%arg23 : memref<!tpu.dma_semaphore, #tpu.memory_space<semaphore_mem>>)
    %dma_wait3A_410 = arith.constant 0 : i32
    %dma_wait3A_411 = arith.constant 0 : i32
    %dma_wait3A_412 = tpu.memref_slice %arg5[%dma_wait3A_410, %dma_wait3A_411] : memref<320000x128xf32, #tpu.memory_space<hbm>> -> memref<40x128xf32, #tpu.memory_space<hbm>>
    %dma_wait3A_413 = arith.constant 0 : i32
    %dma_wait3A_414 = arith.constant 0 : i32
    %dma_wait3A_415 = tpu.memref_slice %arg5[%dma_wait3A_413, %dma_wait3A_414] : memref<320000x128xf32, #tpu.memory_space<hbm>> -> memref<40x128xf32, #tpu.memory_space<hbm>>
    tpu.wait_dma2 semaphore(%arg22 : memref<!tpu.dma_semaphore, #tpu.memory_space<semaphore_mem>>) src(%arg14 : memref<40x128xf32, #tpu.memory_space<vmem>>) dst(%dma_wait3A_415 : memref<40x128xf32, #tpu.memory_space<hbm>>)
    %dma_wait3A_416 = arith.constant 0 : i32
    %dma_wait3A_417 = arith.constant 0 : i32
    %dma_wait3A_418 = tpu.memref_slice %arg5[%dma_wait3A_416, %dma_wait3A_417] : memref<320000x128xf32, #tpu.memory_space<hbm>> -> memref<40x128xf32, #tpu.memory_space<hbm>>
    %dma_wait3A_419 = arith.constant 0 : i32
    %dma_wait3A_420 = arith.constant 0 : i32
    %dma_wait3A_421 = tpu.memref_slice %arg5[%dma_wait3A_419, %dma_wait3A_420] : memref<320000x128xf32, #tpu.memory_space<hbm>> -> memref<40x128xf32, #tpu.memory_space<hbm>>
    tpu.wait_dma2 semaphore(%arg23 : memref<!tpu.dma_semaphore, #tpu.memory_space<semaphore_mem>>) src(%arg15 : memref<40x128xf32, #tpu.memory_space<vmem>>) dst(%dma_wait3A_421 : memref<40x128xf32, #tpu.memory_space<hbm>>)
    return
  }
}

</mosaic_0001>

<sc_bundles>
// kernel: _u_mul_e.3.cloned.1.call-start
scs
__scs_entry_jumppad:
0x0: {  	(pc) =	sbr.rel $0x88, $3  }
0x1: {  	(tag) =	ssettag $0x0;
	lr =	simm.s32 $0x1  }
0x2: {  	[smem:$0x3F9E] =	sst lr;
	_ =	strace $0xD0000000  }
0x3: {  	_ = 	snop  }
0x4: {  	_ = 	snop  }
0x5: {  	_ = 	snop  }
0x6: {  	_ = 	snop  }
0x7: {  	_ = 	snop  }
__scs_overlays_trampoline_lowered:
0x8: {  	[smem:$0x3FAD] =	sst s0  }
0x9: {  	[smem:$0x3FAE] =	sst s1  }
0xa: {  	[smem:$0x3FAF] =	sst s2  }
0xb: {  	[smem:$0x3FB0] =	sst s3  }
0xc: {  	[smem:$0x3FB1] =	sst s4  }
0xd: {  	[smem:$0x3FB2] =	sst s5  }
0xe: {  	[smem:$0x3FB3] =	sst s6  }
0xf: {  	[smem:$0x3FB4] =	sst s7  }
0x10: {  	[smem:$0x3FB5] =	sst s8  }
0x11: {  	[smem:$0x3FB6] =	sst s9;
	s0 =	simm.s32 @!p0 $0x0  }
0x12: {  	s1 =	sld [smem:$0x3F9C];
	s0 =	simm.s32 @p0 $0x1  }
0x13: {  	[smem:$0x3FB7] =	sst s0;
	s0 =	simm.s32 @!p1 $0x0  }
0x14: {  	s2 =	sld [smem:$0x3F9B];
	s0 =	simm.s32 @p1 $0x1  }
0x15: {  	[smem:$0x3FB8] =	sst s0;
	s0 =	simm.s32 @!p2 $0x0  }
0x16: {  	s3 =	sld [smem:$0x3FDB];
	s0 =	simm.s32 @p2 $0x1  }
0x17: {  	s4 =	simm.s32 $0x1BF5;
	[smem:$0x3FBA] =	sst s0  }
0x18: {  	s0 =	sld [smem:$0x3F9D];
	_ =	swait.ge [sflag:s4], $0x0  }
0x19: {  	s7 =	sld [smem:$0x3F9E]  }
0x1a: {  	s8 =	sadd.s32 $0xFFFFE003, lr  }
0x1b: {  	s9 =	sadd.s32 $0xFFFFFEF7, lr;
	s5 =	simm.s32 $0xFFFFFFFF;
	p2 =	slt.u32 s8, $0xFFFFF086  }
0x1c: {  	p1 =	slt.u32 s9, $0xF7A;
	s5 =	simm.s32 @!p2 $0x0  }
0x1d: {  	s5 =	simm.s32 @p1 $0x1;
	p0 =	seq.s32 s7, s2  }
0x1e: {  	s7 =	smul.u32 @!p0 $0xF7A, s2;
	p2 =	seq.s32 @!p0 s5, $0x0  }
0x1f: {  	s9 =	smul.u32 $0xF7A, s1;
	s8 =	simm.s32 @!p0 $0x1BF5;
	p2 =	por !p2, p0  }
0x20: {  	[sflag:s8] =	ssyncset.s32 @!p0 $0xFFFFF086;
	s6 =	sadd.s32 @!p0 s3, s7;
	s7 =	simm.s32 @!p0 $0x108  }
0x21: {  	s3 =	sadd.s32 s3, s9;
	s6 =	sadd.s32 @!p0 $0x88, s6;
	s7 =	simm.s32 @p2 $0x1082  }
0x22: {  	[simem:s7], [sflag:s8] =	dma.local @!p0 [hbm:s6], $0xF7A  }
0x23: {  	s9 =	sor.u32 $0xD0000000, s2;
	s6 =	simm.s32 $0x108;
	_ =	swait.ge @!p0 [sflag:s8], $0x0  }
0x24: {  	s3 =	sadd.s32 $0x88, s3;
	s6 =	simm.s32 @!p1 $0x1082;
	[sflag:s4] =	ssyncset.s32 $0xFFFFF086  }
0x25: {  	[simem:s6], [sflag:s4] =	dma.local [hbm:s3], $0xF7A  }
0x26: {  	[smem:$0x3F9E] =	sst s1;
	(tag) =	ssettag s2;
	_ =	strace s9  }
0x27: {  	s1 =	sld [smem:$0x3FAE]  }
0x28: {  	s2 =	sld [smem:$0x3FAF]  }
0x29: {  	s4 =	sld [smem:$0x3FB1]  }
0x2a: {  	p0 =	seq.s32 s5, $0x0;
	s5 =	sld [smem:$0x3FB2]  }
0x2b: {  	s6 =	sld [smem:$0x3FB3]  }
0x2c: {  	s7 =	sld [smem:$0x3FB4]  }
0x2d: {  	s3 =	simm.s32 $0x108;
	s8 =	sld [smem:$0x3FB5]  }
0x2e: {  	s3 =	simm.s32 @!p0 $0x1082;
	s9 =	sld [smem:$0x3FB6]  }
0x2f: {  	lr =	sadd.s32 s0, s3;
	s0 =	sld [smem:$0x3FAD]  }
0x30: {  	s3 =	sld [smem:$0x3FB0]  }
0x31: {  	[smem:$0x3FB9] =	sst s10  }
0x32: {  	s10 =	sld [smem:$0x3FB7];
	_ =	sdelay $0x3  }
0x33: {  	p0 =	seq.s32 s10, $0x1;
	s10 =	sld [smem:$0x3FB9];
	_ =	sdelay $0x3  }
0x34: {  	[smem:$0x3FB9] =	sst s10  }
0x35: {  	s10 =	sld [smem:$0x3FB8];
	_ =	sdelay $0x3  }
0x36: {  	p1 =	seq.s32 s10, $0x1;
	s10 =	sld [smem:$0x3FB9];
	_ =	sdelay $0x3  }
0x37: {  	[smem:$0x3FB9] =	sst s10  }
0x38: {  	s10 =	sld [smem:$0x3FBA]  }
0x39: {  	_ = 	snop;
	(pc) =	sbr.ind lr, $3  }
0x3a: {  	_ = 	snop  }
0x3b: {  	_ = 	snop  }
0x3c: {  	p2 =	seq.s32 s10, $0x1;
	s10 =	sld [smem:$0x3FB9]  }
0x3d: {  	_ =	shalt  }
0x3e: {  	_ =	shalt  }
0x3f: {  	_ =	shalt  }
0x40: {  	_ =	shalt  }
0x41: {  	_ =	shalt  }
0x42: {  	_ =	shalt  }
0x43: {  	_ =	shalt  }
0x44: {  	_ =	shalt  }
0x45: {  	_ =	shalt  }
0x46: {  	_ =	shalt  }
0x47: {  	_ =	shalt  }
0x48: {  	_ =	shalt  }
0x49: {  	_ =	shalt  }
0x4a: {  	_ =	shalt  }
0x4b: {  	_ =	shalt  }
0x4c: {  	_ =	shalt  }
0x4d: {  	_ =	shalt  }
0x4e: {  	_ =	shalt  }
0x4f: {  	_ =	shalt  }
0x50: {  	_ =	shalt  }
0x51: {  	_ =	shalt  }
0x52: {  	_ =	shalt  }
0x53: {  	_ =	shalt  }
0x54: {  	_ =	shalt  }
0x55: {  	_ =	shalt  }
0x56: {  	_ =	shalt  }
0x57: {  	_ =	shalt  }
0x58: {  	_ =	shalt  }
0x59: {  	_ =	shalt  }
0x5a: {  	_ =	shalt  }
0x5b: {  	_ =	shalt  }
0x5c: {  	_ =	shalt  }
0x5d: {  	_ =	shalt  }
0x5e: {  	_ =	shalt  }
0x5f: {  	_ =	shalt  }
0x60: {  	_ =	shalt  }
0x61: {  	_ =	shalt  }
0x62: {  	_ =	shalt  }
0x63: {  	_ =	shalt  }
0x64: {  	_ =	shalt  }
0x65: {  	_ =	shalt  }
0x66: {  	_ =	shalt  }
0x67: {  	_ =	shalt  }
0x68: {  	_ =	shalt  }
0x69: {  	_ =	shalt  }
0x6a: {  	_ =	shalt  }
0x6b: {  	_ =	shalt  }
0x6c: {  	_ =	shalt  }
0x6d: {  	_ =	shalt  }
0x6e: {  	_ =	shalt  }
0x6f: {  	_ =	shalt  }
0x70: {  	_ =	shalt  }
0x71: {  	_ =	shalt  }
0x72: {  	_ =	shalt  }
0x73: {  	_ =	shalt  }
0x74: {  	_ =	shalt  }
0x75: {  	_ =	shalt  }
0x76: {  	_ =	shalt  }
0x77: {  	_ =	shalt  }
0x78: {  	_ =	shalt  }
0x79: {  	_ =	shalt  }
0x7a: {  	_ =	shalt  }
0x7b: {  	_ =	shalt  }
0x7c: {  	_ =	shalt  }
0x7d: {  	_ =	shalt  }
0x7e: {  	_ =	shalt  }
0x7f: {  	_ =	shalt  }
0x80: {  	_ =	shalt  }
0x81: {  	_ =	shalt  }
0x82: {  	_ =	shalt  }
0x83: {  	_ =	shalt  }
0x84: {  	_ =	shalt  }
0x85: {  	_ =	shalt  }
0x86: {  	_ =	shalt  }
0x87: {  	_ =	shalt  }
.Lfunc_end0:
.L_simem_size_0:
called_computation_lowered:
.L_overlay_start_0:
0x88: {  	s2 =	sld [smem:$0x3FD9]  }
0x89: {  	s3 =	sld [smem:$0x3FFE];
	_ =	sdelay $0x1  }
0x8a: {  	s1 =	srdreg.scid  }
0x8b: {  	s0 =	sand.u32 $0x1, s1  }
0x8c: {  	s18 =	sshll.u32 s0, $0xA;
	s2 =	sadd.s32 s3, s2  }
0x8d: {  	s2 =	sadd.s32 s2, s18  }
0x8e: {  	[smem:$0x3FC5] =	sst s2  }
0x8f: {  	_ = 	snop  }
0x90: {  	s2 =	sld [smem:$0x3FC9]  }
0x91: {  	s19 =	sld [smem:$0x3FC8]  }
0x92: {  	s4 =	sld [smem:$0x3FC7]  }
0x93: {  	s5 =	sld [smem:$0x3FD0];
	(tm) =	ssettm $0x1  }
0x94: {  	s6 =	sld [smem:$0x3FFB];
	_ =	sdelay $0x3  }
0x95: {  	_ =	strace s6  }
0x96: {  	s6 =	sld [smem:$0x3FFC];
	_ =	sdelay $0x3  }
0x97: {  	_ =	strace s6  }
0x98: {  	s6 =	sld [smem:$0x3FFD];
	_ =	sdelay $0x3  }
0x99: {  	_ =	strace s6  }
0x9a: {  	_ =	strace $0x8FFFFFFF  }
0x9b: {  	s20 =	sld [smem:$0x3FDB];
	_ =	sdelay $0x1  }
0x9c: {  	s7 =	simm.s32 $_scs_section_size  }
0x9d: {  	s8 =	simm.s32 $_size__tile_overlayer_lowered;
	s9 =	simm.s32 $_tile_overlayer_lowered  }
0x9e: {  	s23 =	simm.s32 $0x1BFF;
	s22 =	sshll.u32 s9, $0x1;
	s6 =	sadd.s32 s7, s20  }
0x9f: {  	s10 =	simm.s32 $0x0;
	s21 =	sshll.u32 s8, $0x1;
	s8 =	sadd.s32 s22, s6  }
0xa0: {  	[timem:s10], [sflag:s23] =	dma.local [hbm:s8], s21  }
0xa1: {  	_ =	swait.ge [sflag:s23], s21  }
0xa2: {  	s7 =	ssub.s32 $0x0, s21;
	[sflag:s23] =	ssyncset.done $0x0  }
0xa3: {  	[sflag:s23] =	ssyncadd.s32 s7;
	_ =	sdelay $0x1  }
0xa4: {  	s24 =	simm.s32 $0x1B8B  }
0xa5: {  	_ =	swait.ge [sflag:s24], $0x1  }
0xa6: {  	[sflag:s24] =	ssyncset.done $0x0  }
0xa7: {  	s25 =	simm.s32 $0x1B8E;
	[sflag:s24] =	ssyncadd.s32 $0xFFFFFFFF  }
0xa8: {  	s26 =	simm.s32 $execute0_lowered;
	[smem:$0x3FD2] =	sst s25  }
0xa9: {  	s7 =	sshll.u32 s26, $0x1;
	_ =	strace $0x80000046;
	[dreg:$0x1] =	wrdreg $0xFFFFFFFF  }
0xaa: {  	s28 =	simm.s32 $_size_execute0_lowered;
	s6 =	sadd.s32 s6, s7;
	[dreg:$0x0] =	wrdreg $0x0  }
0xab: {  	s7 =	sshll.u32 s28, $0x1;
	[dreg:$0x2] =	wrdreg s6  }
0xac: {  	[dreg:$0x3] =	wrdreg s7  }
0xad: {  	[dreg:$0x4] =	wrdreg $0xC0  }
0xae: {  	_ =	task [dreg:s10], $0x5FFFF  }
0xaf: {  	[dreg:$0x1] =	wrdreg $0xFFFFFFFF  }
0xb0: {  	[dreg:$0x0] =	wrdreg $0x60  }
0xb1: {  	[dreg:$0x2] =	wrdreg s2  }
0xb2: {  	[dreg:$0x3] =	wrdreg s19  }
0xb3: {  	[dreg:$0x4] =	wrdreg s4  }
0xb4: {  	[dreg:$0x5] =	wrdreg s5  }
0xb5: {  	[dreg:$0x6] =	wrdreg $0x0  }
0xb6: {  	[dreg:$0x7] =	wrdreg $0x9  }
0xb7: {  	_ =	task.clear_ibuf [dreg:s10], $0x8FFFF;
	_ =	strace $0x90000046  }
0xb8: {  	s29 =	simm.s32 $0x9;
	_ =	strace $0x80000048  }
0xb9: {  	_ =	swait.ge [sflag:s29], $0x1  }
0xba: {  	[sflag:s29] =	ssyncadd.s32 $0xFFFFFFFF  }
0xbb: {  	_ =	strace $0x90000048  }
0xbc: {  	_ =	sfence  }
0xbd: {  	s30 =	sld [smem:$0x0];
	_ =	sdelay $0x2  }
0xbe: {  	s31 =	sshll.u32 s1, $0xD;
	s1 =	sshrl.u32 s1, $0x2  }
0xbf: {  	s3 =	sand.u32 $0x4000, s31;
	s1 =	sadd.s32 s1, s30  }
0xc0: {  	s0 =	sor.u32 s3, s0;
	s1 =	sshll.u32 s1, $0x11  }
0xc1: {  	s0 =	sor.u32 s1, s0  }
0xc2: {  	s0 =	sadd.s32 $0x8F2B, s0  }
0xc3: {  	[sflag:s0] =	ssyncadd.remote.s32 $0x1  }
0xc4: {  	_ =	sfence.sel $0xFFFF  }
0xc5: {  	[dreg:$0x0] =	wrdreg $0xFFFFFFFF;
	(pc) =	sbr.abs _section_cstart, $3  }
0xc6: {  	[dreg:$0x1] =	wrdreg $0xFFFFFFFF  }
0xc7: {  	_ =	task.clear_ibuf [dreg:s10], $0x2FFFF;
	_ =	strace $0x9FFFFFFF  }
0xc8: {  	(tm) =	ssettm $0x7FFFFFFF  }
0xc9: {  	_ =	shalt  }
tec
execute0_lowered:
.L_overlay_start_1:
0x0: {  	(tag) =	ssettag $0x1  }
0x1: {  	s0 =	rddreg [dreg:$0x0]  }
0x2: {  	s2 =	rddreg [dreg:$0x1]  }
0x3: {  	s1 =	rddreg [dreg:$0x2]  }
0x4: {  	s4 =	srdreg.scid;
	s12 =	stileid.u32  }
0x5: {  	s3 =	rddreg [dreg:$0x3];
	s26 =	simm.s32 $0x0;
	s5 =	sand.u32 $0x1, s4  }
0x6: {  	s6 =	sshll.u32 s12, $0x1;
	s4 =	rddreg [dreg:$0x4];
	s8 =	smul.u32 $0x4E000, s12  }
0x7: {  	[smem:$0x7FF] =	sst s26;
	s9 =	smul.u32 $0x2700, s12;
	p0 =	seq.s32 s12, $0xF  }
0x8: {  	s12 =	simm.s32 $0x17400;
	s7 =	sor.u32 s5, s6;
	s5 =	ssub.s32 $0x2, s5  }
0x9: {  	_ =	strace $0x80000047;
	s6 =	smul.u32 $0x2710, s7;
	s10 =	sshrl.u32 s5, $0x1  }
0xa: {  	s8 =	sshrl.u32 s8, $0x2;
	s11 =	smul.u32 $0x138800, s7;
	s9 =	sadd.s32 s0, s9  }
0xb: {  	s7 =	smul.u32 $0x27100, s7;
	s0 =	sadd.s32 $0x24900, s0;
	[dreg:$0x6] =	wrdreg s9  }
0xc: {  	s5 =	ssub.s32 s5, s10;
	s8 =	sadd.s32 s8, s4;
	[dreg:$0x7] =	wrdreg s0  }
0xd: {  	s23 =	sshrl.u32 s6, $0x3;
	s10 =	sshrl.u32 s11, $0x3;
	s28 =	sadd.s32 s1, s7  }
0xe: {  	s7 =	sadd.s32 s3, s7;
	s24 =	sadd.s32 s2, s23;
	[dreg:$0x9] =	wrdreg s28  }
0xf: {  	s25 =	sadd.s32 $0x280, s10;
	s30 =	sadd.s32 $0x500, s10;
	[dreg:$0xc] =	wrdreg s7  }
0x10: {  	s11 =	sadd.s32 $0x780, s10;
	[dreg:$0x8] =	wrdreg s24;
	s29 =	sadd.s32 s1, s25  }
0x11: {  	s14 =	sadd.s32 $0xA00, s10;
	s31 =	sadd.s32 s1, s30;
	[dreg:$0xa] =	wrdreg s29  }
0x12: {  	s16 =	sadd.s32 s1, s10;
	s13 =	sadd.s32 s1, s11;
	[dreg:$0xb] =	wrdreg s31  }
0x13: {  	s17 =	sadd.s32 $0xC80, s10;
	s0 =	sadd.s32 s3, s25;
	[dreg:$0xd] =	wrdreg s13  }
0x14: {  	s22 =	sadd.s32 $0x26C00, s10;
	s15 =	sadd.s32 s1, s14;
	[dreg:$0xe] =	wrdreg s0  }
0x15: {  	s23 =	sadd.s32 s3, s10;
	s2 =	sadd.s32 s3, s30;
	[dreg:$0xf] =	wrdreg s15  }
0x16: {  	s7 =	sadd.s32 s3, s11;
	s18 =	sadd.s32 $0xF00, s16;
	[dreg:$0x10] =	wrdreg s2  }
0x17: {  	s19 =	sadd.s32 $0x1180, s16;
	s20 =	sadd.s32 s1, s17;
	[dreg:$0x11] =	wrdreg s7  }
0x18: {  	s21 =	sadd.s32 s3, s17;
	s24 =	sadd.s32 $0x26E80, s10;
	[dreg:$0x12] =	wrdreg s18  }
0x19: {  	s25 =	sadd.s32 $0x26700, s23;
	s28 =	sadd.s32 s1, s22;
	[dreg:$0x14] =	wrdreg s19  }
0x1a: {  	s10 =	simm.s32 $0x16000;
	s11 =	simm.s32 $0x19C00;
	[dreg:$0x15] =	wrdreg s20  }
0x1b: {  	s16 =	simm.s32 $0x1;
	s17 =	simm.s32 $0x4;
	[dreg:$0x16] =	wrdreg s21  }
0x1c: {  	s0 =	sadd.s32 s3, s14;
	[dreg:$0x17] =	wrdreg s25;
	s2 =	sadd.s32 $0x26980, s23  }
0x1d: {  	[dreg:$0x19] =	wrdreg s28;
	s29 =	sadd.s32 s1, s24;
	s30 =	sadd.s32 s3, s24  }
0x1e: {  	s31 =	smax.u32 s5, $0x1;
	s7 =	sadd.s32 $0x28, s6;
	s13 =	simm.s32 $0x1B000  }
0x1f: {  	s14 =	simm.s32 $0x18800;
	s15 =	simm.s32 $0x1C400;
	[dreg:$0x13] =	wrdreg s0  }
0x20: {  	s18 =	simm.s32 $0x1D800;
	s19 =	simm.s32 $0x2;
	[dreg:$0x18] =	wrdreg s2  }
0x21: {  	s20 =	simm.s32 $0x5;
	s21 =	simm.s32 $0x1EC00;
	[dreg:$0x1b] =	wrdreg s29  }
0x22: {  	s23 =	simm.s32 $0x6;
	s0 =	sadd.s32 s3, s22;
	[dreg:$0x1c] =	wrdreg s30  }
0x23: {  	s24 =	simm.s32 $0x7;
	[dreg:$0x1a] =	wrdreg s0;
	s0 =	sadd.s32 $0x124800, s4  }
0x24: {  	s25 =	simm.s32 $0x8;
	[dreg:$0x1d] =	wrdreg s31;
	s0 =	sshrl.u32 @p0 s0, $0x3  }
0x25: {  	s22 =	simm.s32 $0x3;
	[dreg:$0x1e] =	wrdreg s0;
	s0 =	sshrl.u32 @!p0 s8, $0x3  }
0x26: {  	s2 =	simm.s32 $0x0;
	s8 =	simm.s32 $0x28;
	[dreg:$0x1f] =	wrdreg s0  }
.LBB2_1:
0x27: {  	[smem:$0x7FD] =	sst s2  }
0x28: {  	s2 =	rddreg [dreg:$0x7]  }
0x29: {  	s0 =	simm.s32 @p0 $0x1FC9;
	s5 =	rddreg [dreg:$0x1e]  }
0x2a: {  	[spmem:s5], [sflag:s0] =	dma.local @p0 [hbm:s2], $0x2800  }
0x2b: {  	s0 =	simm.s32 @p0 $0x9  }
0x2c: {  	s2 =	stileid.u32;
	_ =	swait.ge @p0 [sflag:s0], $0x2800  }
0x2d: {  	s2 =	sshll.u32 @!p0 s2, $0x6;
	[sflag:s0] =	ssyncset.done @p0 $0x0;
	s5 =	rddreg [dreg:$0x1f]  }
0x2e: {  	[sflag:s0] =	ssyncadd.s32 @p0 $0xFFFFD800;
	s0 =	sor.u32 @!p0 $0x1C09, s2;
	s2 =	rddreg [dreg:$0x6]  }
0x2f: {  	[spmem:s5], [sflag:s0] =	dma.local @!p0 [hbm:s2], $0x2700  }
0x30: {  	s0 =	simm.s32 @!p0 $0x9  }
0x31: {  	_ =	swait.ge @!p0 [sflag:s0], $0x2700  }
0x32: {  	s31 =	simm.s32 $0x13880;
	[sflag:s0] =	ssyncset.done @!p0 $0x0  }
0x33: {  	s5 =	simm.s32 $0x9;
	s30 =	rddreg [dreg:$0x8];
	[sflag:s0] =	ssyncadd.s32 @!p0 $0xFFFFD900  }
0x34: {  	[tilespmem:s31], [sflag:$0x9] =	stream.linear.gather [hbm4b:s30+s26], $0x2710, $0x38;
	v63 =	vld [tilespmem:$0x0]  }
0x35: {  	_ =	swait.ge [sflag:s5], $0x2710  }
0x36: {  	[sflag:s5] =	ssyncset.done $0x0  }
0x37: {  	[sflag:s5] =	ssyncadd.s32 $0xFFFFD8F0  }
0x38: {  	[bflag:$0x0] =	sbarrier.arrive $0xFFFF  }
0x39: {  	[tilespmem:s10], [sflag:$0x1] =	stream.indirect.gather [spmem:s4], $0x80, s31, s8, $0xb8;
	v63 =	vld [tilespmem:$0x0]  }
0x3a: {  	s9 =	rddreg [dreg:$0x9]  }
0x3b: {  	[tilespmem:s11], [sflag:$0x4] =	stream.linear.gather [hbm4b:s9+s26], $0x1400, $0x38;
	v63 =	vld [tilespmem:$0x0]  }
0x3c: {  	s28 =	simm.s32 $0x138A8  }
0x3d: {  	[tilespmem:s12], [sflag:$0x2] =	stream.indirect.gather [spmem:s4], $0x80, s28, s8, $0xb8;
	v63 =	vld [tilespmem:$0x0]  }
0x3e: {  	s29 =	rddreg [dreg:$0xa]  }
0x3f: {  	[tilespmem:s13], [sflag:$0x5] =	stream.linear.gather [hbm4b:s29+s26], $0x1400, $0x38;
	v63 =	vld [tilespmem:$0x0]  }
0x40: {  	s30 =	simm.s32 $0x138D0  }
0x41: {  	[tilespmem:s14], [sflag:$0x3] =	stream.indirect.gather [spmem:s4], $0x80, s30, s8, $0xb8;
	v63 =	vld [tilespmem:$0x0]  }
0x42: {  	s31 =	rddreg [dreg:$0xb]  }
0x43: {  	[tilespmem:s15], [sflag:$0x6] =	stream.linear.gather [hbm4b:s31+s26], $0x1400, $0x38;
	v63 =	vld [tilespmem:$0x0]  }
0x44: {  	_ =	swait.ge [sflag:s16], $0x1400  }
0x45: {  	[sflag:s16] =	ssyncset.done $0x0  }
0x46: {  	[sflag:s16] =	ssyncadd.s32 $0xFFFFEC00  }
0x47: {  	_ =	swait.ge [sflag:s17], $0x1400  }
0x48: {  	[sflag:s17] =	ssyncset.done $0x0  }
0x49: {  	s0 =	simm.s32 $0x0;
	[sflag:s17] =	ssyncadd.s32 $0xFFFFEC00  }
0x4a: {  	v0 =	vld [tilespmem:s0+$0x16070]  }
0x4b: {  	v1 =	vld [tilespmem:s0+$0x19C70]  }
0x4c: {  	v2 =	vld [tilespmem:s0+$0x16000]  }
0x4d: {  	v3 =	vld [tilespmem:s0+$0x19C00]  }
0x4e: {  	v4 =	vld [tilespmem:s0+$0x16010]  }
0x4f: {  	v5 =	vld [tilespmem:s0+$0x19C10]  }
0x50: {  	v6 =	vld [tilespmem:s0+$0x16020]  }
0x51: {  	v7 =	vld [tilespmem:s0+$0x16030]  }
0x52: {  	v0 =	vmul.f32 v1, v0;
	v1 =	vld [tilespmem:s0+$0x19C20]  }
0x53: {  	v8 =	vld [tilespmem:s0+$0x19C30]  }
0x54: {  	v9 =	vld [tilespmem:s0+$0x19C40];
	v2 =	vmul.f32 v3, v2  }
0x55: {  	[tilespmem:s0+$0x1D870] =	vst v0;
	v0 =	vmul.f32 v5, v4;
	v5 =	vld [tilespmem:s0+$0x16040]  }
0x56: {  	v3 =	vld [tilespmem:s0+$0x19C50];
	[tilespmem:s0+$0x1D800] =	vst v2  }
0x57: {  	v2 =	vld [tilespmem:s0+$0x16050];
	[tilespmem:s0+$0x1D810] =	vst v0;
	v0 =	vmul.f32 v1, v6  }
0x58: {  	v4 =	vld [tilespmem:s0+$0x19C60];
	v6 =	vmul.f32 v8, v7  }
0x59: {  	s2 =	simm.s32 $0x80;
	[tilespmem:s0+$0x1D820] =	vst v0;
	v0 =	vld [tilespmem:s0+$0x16060]  }
0x5a: {  	s9 =	simm.s32 $0x400;
	v5 =	vmul.f32 v9, v5;
	v1 =	vld [tilespmem:s2+$0x16070];
	[tilespmem:s0+$0x1D830] =	vst v6  }
.LBB2_2:
0x5b: {  	p1 =	sne.s32 s9, $0x4E00;
	v6 =	vld [tilespmem:s2+$0x19C70]  }
0x5c: {  	v7 =	vld [tilespmem:s2+$0x16000];
	[tilespmem:s0+$0x1D840] =	vst v5;
	v2 =	vmul.f32 v3, v2  }
0x5d: {  	v3 =	vld [tilespmem:s2+$0x19C00]  }
0x5e: {  	v5 =	vld [tilespmem:s2+$0x16010];
	[tilespmem:s0+$0x1D850] =	vst v2;
	v0 =	vmul.f32 v4, v0  }
0x5f: {  	v2 =	vld [tilespmem:s2+$0x19C10]  }
0x60: {  	v4 =	vld [tilespmem:s2+$0x16020];
	v1 =	vmul.f32 v6, v1;
	[tilespmem:s0+$0x1D860] =	vst v0;
	s0 =	smov.u32 s2  }
0x61: {  	v0 =	vld [tilespmem:s0+$0x19C20]  }
0x62: {  	v3 =	vmul.f32 v3, v7;
	v6 =	vld [tilespmem:s0+$0x16030];
	[tilespmem:s0+$0x1D870] =	vst v1  }
0x63: {  	v1 =	vld [tilespmem:s0+$0x19C30]  }
0x64: {  	[tilespmem:s0+$0x1D800] =	vst v3;
	v2 =	vmul.f32 v2, v5;
	v5 =	vld [tilespmem:s0+$0x16040]  }
0x65: {  	v7 =	vld [tilespmem:s0+$0x19C40]  }
.Ltmp0:
0x66: {  	[tilespmem:s0+$0x1D810] =	vst v2;
	v0 =	vmul.f32 v0, v4;
	v2 =	vld [tilespmem:s0+$0x16050];
	(pc) =	sbr.rel @p1 .LBB2_2-.Ltmp0, $4  }
0x67: {  	v3 =	vld [tilespmem:s0+$0x19C50]  }
0x68: {  	[tilespmem:s0+$0x1D820] =	vst v0;
	v6 =	vmul.f32 v1, v6;
	v0 =	vld [tilespmem:s0+$0x16060]  }
0x69: {  	s2 =	sshra.s32 s9, $0x2;
	v4 =	vld [tilespmem:s0+$0x19C60]  }
0x6a: {  	s9 =	sadd.s32 $0x200, s9;
	v1 =	vld [tilespmem:s2+$0x16070];
	[tilespmem:s0+$0x1D830] =	vst v6;
	v5 =	vmul.f32 v7, v5  }
0x6b: {  	v6 =	vld [tilespmem:s2+$0x19C70]  }
0x6c: {  	v7 =	vld [tilespmem:s2+$0x16000];
	[tilespmem:s0+$0x1D840] =	vst v5;
	v2 =	vmul.f32 v3, v2  }
0x6d: {  	v3 =	vld [tilespmem:s2+$0x19C00]  }
0x6e: {  	v5 =	vld [tilespmem:s2+$0x16010];
	[tilespmem:s0+$0x1D850] =	vst v2;
	v0 =	vmul.f32 v4, v0  }
0x6f: {  	v2 =	vld [tilespmem:s2+$0x19C10]  }
0x70: {  	v4 =	vld [tilespmem:s2+$0x16020];
	[tilespmem:s0+$0x1D860] =	vst v0  }
0x71: {  	v0 =	vmul.f32 v6, v1;
	v1 =	vld [tilespmem:s2+$0x19C20]  }
0x72: {  	v6 =	vld [tilespmem:s2+$0x16030]  }
0x73: {  	v3 =	vmul.f32 v3, v7;
	[tilespmem:s2+$0x1D870] =	vst v0;
	v0 =	vld [tilespmem:s2+$0x19C30]  }
0x74: {  	v7 =	vld [tilespmem:s2+$0x19C60]  }
0x75: {  	[tilespmem:s2+$0x1D800] =	vst v3;
	v2 =	vmul.f32 v2, v5;
	v3 =	vld [tilespmem:s2+$0x16040]  }
0x76: {  	v5 =	vld [tilespmem:s2+$0x19C40]  }
0x77: {  	[tilespmem:s2+$0x1D810] =	vst v2;
	v1 =	vmul.f32 v1, v4;
	v2 =	vld [tilespmem:s2+$0x16050]  }
0x78: {  	v4 =	vld [tilespmem:s2+$0x19C50]  }
0x79: {  	[tilespmem:s2+$0x1D820] =	vst v1;
	v1 =	vld [tilespmem:s2+$0x16060];
	_ =	sdelay $0x1  }
0x7a: {  	v0 =	vmul.f32 v0, v6  }
0x7b: {  	v3 =	vmul.f32 v5, v3  }
0x7c: {  	[tilespmem:s2+$0x1D830] =	vst v0;
	v0 =	vmul.f32 v4, v2  }
0x7d: {  	[tilespmem:s2+$0x1D840] =	vst v3;
	v1 =	vmul.f32 v7, v1  }
0x7e: {  	[tilespmem:s2+$0x1D850] =	vst v0  }
0x7f: {  	s28 =	simm.s32 $0x0;
	s29 =	rddreg [dreg:$0xc];
	[tilespmem:s2+$0x1D860] =	vst v1  }
0x80: {  	[hbm4b:s29+s28] =	stream.linear.scatter [tilespmem:s18], [sflag:$0x7], $0x1400, $0x38;
	v63 =	vld [tilespmem:$0x0]  }
0x81: {  	s30 =	simm.s32 $0x138F8  }
0x82: {  	[tilespmem:s10], [sflag:$0x1] =	stream.indirect.gather [spmem:s4], $0x80, s30, s8, $0xb8;
	v63 =	vld [tilespmem:$0x0]  }
0x83: {  	s31 =	rddreg [dreg:$0xd]  }
0x84: {  	[tilespmem:s11], [sflag:$0x4] =	stream.linear.gather [hbm4b:s31+s28], $0x1400, $0x38;
	v63 =	vld [tilespmem:$0x0]  }
0x85: {  	_ =	swait.ge [sflag:s19], $0x1400  }
0x86: {  	[sflag:s19] =	ssyncset.done $0x0  }
0x87: {  	[sflag:s19] =	ssyncadd.s32 $0xFFFFEC00  }
0x88: {  	_ =	swait.ge [sflag:s20], $0x1400  }
0x89: {  	[sflag:s20] =	ssyncset.done $0x0  }
0x8a: {  	s0 =	simm.s32 $0x0;
	[sflag:s20] =	ssyncadd.s32 $0xFFFFEC00  }
0x8b: {  	v0 =	vld [tilespmem:s0+$0x17470]  }
0x8c: {  	v1 =	vld [tilespmem:s0+$0x1B070]  }
0x8d: {  	v2 =	vld [tilespmem:s0+$0x17400]  }
0x8e: {  	v3 =	vld [tilespmem:s0+$0x1B000]  }
0x8f: {  	v4 =	vld [tilespmem:s0+$0x17410]  }
0x90: {  	v5 =	vld [tilespmem:s0+$0x1B010]  }
0x91: {  	v6 =	vld [tilespmem:s0+$0x17420]  }
0x92: {  	v7 =	vld [tilespmem:s0+$0x17430]  }
0x93: {  	v0 =	vmul.f32 v1, v0;
	v1 =	vld [tilespmem:s0+$0x1B020]  }
0x94: {  	v8 =	vld [tilespmem:s0+$0x1B030]  }
0x95: {  	v9 =	vld [tilespmem:s0+$0x1B040];
	v2 =	vmul.f32 v3, v2  }
0x96: {  	[tilespmem:s0+$0x1EC70] =	vst v0;
	v0 =	vmul.f32 v5, v4;
	v5 =	vld [tilespmem:s0+$0x17440]  }
0x97: {  	v3 =	vld [tilespmem:s0+$0x1B050];
	[tilespmem:s0+$0x1EC00] =	vst v2  }
0x98: {  	v2 =	vld [tilespmem:s0+$0x17450];
	[tilespmem:s0+$0x1EC10] =	vst v0;
	v0 =	vmul.f32 v1, v6  }
0x99: {  	v4 =	vld [tilespmem:s0+$0x1B060];
	v6 =	vmul.f32 v8, v7  }
0x9a: {  	s2 =	simm.s32 $0x80;
	[tilespmem:s0+$0x1EC20] =	vst v0;
	v0 =	vld [tilespmem:s0+$0x17460]  }
0x9b: {  	s9 =	simm.s32 $0x400;
	v5 =	vmul.f32 v9, v5;
	v1 =	vld [tilespmem:s2+$0x17470];
	[tilespmem:s0+$0x1EC30] =	vst v6  }
.LBB2_4:
0x9c: {  	p1 =	sne.s32 s9, $0x4E00;
	v6 =	vld [tilespmem:s2+$0x1B070]  }
0x9d: {  	v7 =	vld [tilespmem:s2+$0x17400];
	[tilespmem:s0+$0x1EC40] =	vst v5;
	v2 =	vmul.f32 v3, v2  }
0x9e: {  	v3 =	vld [tilespmem:s2+$0x1B000]  }
0x9f: {  	v5 =	vld [tilespmem:s2+$0x17410];
	[tilespmem:s0+$0x1EC50] =	vst v2;
	v0 =	vmul.f32 v4, v0  }
0xa0: {  	v2 =	vld [tilespmem:s2+$0x1B010]  }
0xa1: {  	v4 =	vld [tilespmem:s2+$0x17420];
	v1 =	vmul.f32 v6, v1;
	[tilespmem:s0+$0x1EC60] =	vst v0;
	s0 =	smov.u32 s2  }
0xa2: {  	v0 =	vld [tilespmem:s0+$0x1B020]  }
0xa3: {  	v3 =	vmul.f32 v3, v7;
	v6 =	vld [tilespmem:s0+$0x17430];
	[tilespmem:s0+$0x1EC70] =	vst v1  }
0xa4: {  	v1 =	vld [tilespmem:s0+$0x1B030]  }
0xa5: {  	[tilespmem:s0+$0x1EC00] =	vst v3;
	v2 =	vmul.f32 v2, v5;
	v5 =	vld [tilespmem:s0+$0x17440]  }
0xa6: {  	v7 =	vld [tilespmem:s0+$0x1B040]  }
.Ltmp1:
0xa7: {  	[tilespmem:s0+$0x1EC10] =	vst v2;
	v0 =	vmul.f32 v0, v4;
	v2 =	vld [tilespmem:s0+$0x17450];
	(pc) =	sbr.rel @p1 .LBB2_4-.Ltmp1, $4  }
0xa8: {  	v3 =	vld [tilespmem:s0+$0x1B050]  }
0xa9: {  	[tilespmem:s0+$0x1EC20] =	vst v0;
	v6 =	vmul.f32 v1, v6;
	v0 =	vld [tilespmem:s0+$0x17460]  }
0xaa: {  	s2 =	sshra.s32 s9, $0x2;
	v4 =	vld [tilespmem:s0+$0x1B060]  }
0xab: {  	s9 =	sadd.s32 $0x200, s9;
	v1 =	vld [tilespmem:s2+$0x17470];
	[tilespmem:s0+$0x1EC30] =	vst v6;
	v5 =	vmul.f32 v7, v5  }
0xac: {  	v6 =	vld [tilespmem:s2+$0x1B070]  }
0xad: {  	v7 =	vld [tilespmem:s2+$0x17400];
	[tilespmem:s0+$0x1EC40] =	vst v5;
	v2 =	vmul.f32 v3, v2  }
0xae: {  	v3 =	vld [tilespmem:s2+$0x1B000]  }
0xaf: {  	v5 =	vld [tilespmem:s2+$0x17410];
	[tilespmem:s0+$0x1EC50] =	vst v2;
	v0 =	vmul.f32 v4, v0  }
0xb0: {  	v2 =	vld [tilespmem:s2+$0x1B010]  }
0xb1: {  	v4 =	vld [tilespmem:s2+$0x17420];
	[tilespmem:s0+$0x1EC60] =	vst v0  }
0xb2: {  	v0 =	vmul.f32 v6, v1;
	v1 =	vld [tilespmem:s2+$0x1B020]  }
0xb3: {  	v6 =	vld [tilespmem:s2+$0x17430]  }
0xb4: {  	v3 =	vmul.f32 v3, v7;
	[tilespmem:s2+$0x1EC70] =	vst v0;
	v0 =	vld [tilespmem:s2+$0x1B030]  }
0xb5: {  	v7 =	vld [tilespmem:s2+$0x1B060]  }
0xb6: {  	[tilespmem:s2+$0x1EC00] =	vst v3;
	v2 =	vmul.f32 v2, v5;
	v3 =	vld [tilespmem:s2+$0x17440]  }
0xb7: {  	v5 =	vld [tilespmem:s2+$0x1B040]  }
0xb8: {  	[tilespmem:s2+$0x1EC10] =	vst v2;
	v1 =	vmul.f32 v1, v4;
	v2 =	vld [tilespmem:s2+$0x17450]  }
0xb9: {  	v4 =	vld [tilespmem:s2+$0x1B050]  }
0xba: {  	[tilespmem:s2+$0x1EC20] =	vst v1;
	v1 =	vld [tilespmem:s2+$0x17460];
	_ =	sdelay $0x1  }
0xbb: {  	v0 =	vmul.f32 v0, v6  }
0xbc: {  	v3 =	vmul.f32 v5, v3  }
0xbd: {  	[tilespmem:s2+$0x1EC30] =	vst v0;
	v0 =	vmul.f32 v4, v2  }
0xbe: {  	[tilespmem:s2+$0x1EC40] =	vst v3;
	v1 =	vmul.f32 v7, v1  }
0xbf: {  	[tilespmem:s2+$0x1EC50] =	vst v0  }
0xc0: {  	s28 =	simm.s32 $0x0;
	s29 =	rddreg [dreg:$0xe];
	[tilespmem:s2+$0x1EC60] =	vst v1  }
0xc1: {  	[hbm4b:s29+s28] =	stream.linear.scatter [tilespmem:s21], [sflag:$0x8], $0x1400, $0x38;
	v63 =	vld [tilespmem:$0x0]  }
0xc2: {  	s30 =	simm.s32 $0x13920  }
0xc3: {  	[tilespmem:s12], [sflag:$0x2] =	stream.indirect.gather [spmem:s4], $0x80, s30, s8, $0xb8;
	v63 =	vld [tilespmem:$0x0]  }
0xc4: {  	s31 =	rddreg [dreg:$0xf]  }
0xc5: {  	[tilespmem:s13], [sflag:$0x5] =	stream.linear.gather [hbm4b:s31+s28], $0x1400, $0x38;
	v63 =	vld [tilespmem:$0x0]  }
0xc6: {  	_ =	swait.ge [sflag:s22], $0x1400  }
0xc7: {  	[sflag:s22] =	ssyncset.done $0x0  }
0xc8: {  	[sflag:s22] =	ssyncadd.s32 $0xFFFFEC00  }
0xc9: {  	_ =	swait.ge [sflag:s23], $0x1400  }
0xca: {  	[sflag:s23] =	ssyncset.done $0x0  }
0xcb: {  	[sflag:s23] =	ssyncadd.s32 $0xFFFFEC00  }
0xcc: {  	_ =	swait.ge [sflag:s24], $0x1400  }
0xcd: {  	[sflag:s24] =	ssyncset.done $0x0  }
0xce: {  	s0 =	simm.s32 $0x0;
	[sflag:s24] =	ssyncadd.s32 $0xFFFFEC00  }
0xcf: {  	v0 =	vld [tilespmem:s0+$0x18870]  }
0xd0: {  	v1 =	vld [tilespmem:s0+$0x1C470]  }
0xd1: {  	v2 =	vld [tilespmem:s0+$0x18800]  }
0xd2: {  	v3 =	vld [tilespmem:s0+$0x1C400]  }
0xd3: {  	v4 =	vld [tilespmem:s0+$0x18810]  }
0xd4: {  	v5 =	vld [tilespmem:s0+$0x1C410]  }
0xd5: {  	v6 =	vld [tilespmem:s0+$0x18820]  }
0xd6: {  	v7 =	vld [tilespmem:s0+$0x18830]  }
0xd7: {  	v0 =	vmul.f32 v1, v0;
	v1 =	vld [tilespmem:s0+$0x1C420]  }
0xd8: {  	v8 =	vld [tilespmem:s0+$0x1C430]  }
0xd9: {  	v9 =	vld [tilespmem:s0+$0x1C440];
	v2 =	vmul.f32 v3, v2  }
0xda: {  	[tilespmem:s0+$0x1D870] =	vst v0;
	v0 =	vmul.f32 v5, v4;
	v5 =	vld [tilespmem:s0+$0x18840]  }
0xdb: {  	v3 =	vld [tilespmem:s0+$0x1C450];
	[tilespmem:s0+$0x1D800] =	vst v2  }
0xdc: {  	v2 =	vld [tilespmem:s0+$0x18850];
	[tilespmem:s0+$0x1D810] =	vst v0;
	v0 =	vmul.f32 v1, v6  }
0xdd: {  	v4 =	vld [tilespmem:s0+$0x1C460];
	v6 =	vmul.f32 v8, v7  }
0xde: {  	s2 =	simm.s32 $0x80;
	[tilespmem:s0+$0x1D820] =	vst v0;
	v0 =	vld [tilespmem:s0+$0x18860]  }
0xdf: {  	s9 =	simm.s32 $0x400;
	v5 =	vmul.f32 v9, v5;
	v1 =	vld [tilespmem:s2+$0x18870];
	[tilespmem:s0+$0x1D830] =	vst v6  }
.LBB2_6:
0xe0: {  	p1 =	sne.s32 s9, $0x4E00;
	v6 =	vld [tilespmem:s2+$0x1C470]  }
0xe1: {  	v7 =	vld [tilespmem:s2+$0x18800];
	[tilespmem:s0+$0x1D840] =	vst v5;
	v2 =	vmul.f32 v3, v2  }
0xe2: {  	v3 =	vld [tilespmem:s2+$0x1C400]  }
0xe3: {  	v5 =	vld [tilespmem:s2+$0x18810];
	[tilespmem:s0+$0x1D850] =	vst v2;
	v0 =	vmul.f32 v4, v0  }
0xe4: {  	v2 =	vld [tilespmem:s2+$0x1C410]  }
0xe5: {  	v4 =	vld [tilespmem:s2+$0x18820];
	v1 =	vmul.f32 v6, v1;
	[tilespmem:s0+$0x1D860] =	vst v0;
	s0 =	smov.u32 s2  }
0xe6: {  	v0 =	vld [tilespmem:s0+$0x1C420]  }
0xe7: {  	v3 =	vmul.f32 v3, v7;
	v6 =	vld [tilespmem:s0+$0x18830];
	[tilespmem:s0+$0x1D870] =	vst v1  }
0xe8: {  	v1 =	vld [tilespmem:s0+$0x1C430]  }
0xe9: {  	[tilespmem:s0+$0x1D800] =	vst v3;
	v2 =	vmul.f32 v2, v5;
	v5 =	vld [tilespmem:s0+$0x18840]  }
0xea: {  	v7 =	vld [tilespmem:s0+$0x1C440]  }
.Ltmp2:
0xeb: {  	[tilespmem:s0+$0x1D810] =	vst v2;
	v0 =	vmul.f32 v0, v4;
	v2 =	vld [tilespmem:s0+$0x18850];
	(pc) =	sbr.rel @p1 .LBB2_6-.Ltmp2, $4  }
0xec: {  	v3 =	vld [tilespmem:s0+$0x1C450]  }
0xed: {  	[tilespmem:s0+$0x1D820] =	vst v0;
	v6 =	vmul.f32 v1, v6;
	v0 =	vld [tilespmem:s0+$0x18860]  }
0xee: {  	s2 =	sshra.s32 s9, $0x2;
	v4 =	vld [tilespmem:s0+$0x1C460]  }
0xef: {  	s9 =	sadd.s32 $0x200, s9;
	v1 =	vld [tilespmem:s2+$0x18870];
	[tilespmem:s0+$0x1D830] =	vst v6;
	v5 =	vmul.f32 v7, v5  }
0xf0: {  	v6 =	vld [tilespmem:s2+$0x1C470]  }
0xf1: {  	v7 =	vld [tilespmem:s2+$0x18800];
	[tilespmem:s0+$0x1D840] =	vst v5;
	v2 =	vmul.f32 v3, v2  }
0xf2: {  	v3 =	vld [tilespmem:s2+$0x1C400]  }
0xf3: {  	v5 =	vld [tilespmem:s2+$0x18810];
	[tilespmem:s0+$0x1D850] =	vst v2;
	v0 =	vmul.f32 v4, v0  }
0xf4: {  	v2 =	vld [tilespmem:s2+$0x1C410]  }
0xf5: {  	v4 =	vld [tilespmem:s2+$0x18820];
	[tilespmem:s0+$0x1D860] =	vst v0  }
0xf6: {  	v0 =	vmul.f32 v6, v1;
	v1 =	vld [tilespmem:s2+$0x1C420]  }
0xf7: {  	v6 =	vld [tilespmem:s2+$0x18830]  }
0xf8: {  	v3 =	vmul.f32 v3, v7;
	[tilespmem:s2+$0x1D870] =	vst v0;
	v0 =	vld [tilespmem:s2+$0x1C430]  }
0xf9: {  	v7 =	vld [tilespmem:s2+$0x1C460]  }
0xfa: {  	[tilespmem:s2+$0x1D800] =	vst v3;
	v2 =	vmul.f32 v2, v5;
	v3 =	vld [tilespmem:s2+$0x18840]  }
0xfb: {  	v5 =	vld [tilespmem:s2+$0x1C440]  }
0xfc: {  	[tilespmem:s2+$0x1D810] =	vst v2;
	v1 =	vmul.f32 v1, v4;
	v2 =	vld [tilespmem:s2+$0x18850]  }
0xfd: {  	v4 =	vld [tilespmem:s2+$0x1C450]  }
0xfe: {  	[tilespmem:s2+$0x1D820] =	vst v1;
	v1 =	vld [tilespmem:s2+$0x18860];
	_ =	sdelay $0x1  }
0xff: {  	v0 =	vmul.f32 v0, v6  }
0x100: {  	v3 =	vmul.f32 v5, v3  }
0x101: {  	[tilespmem:s2+$0x1D830] =	vst v0;
	v0 =	vmul.f32 v4, v2  }
0x102: {  	[tilespmem:s2+$0x1D840] =	vst v3;
	v1 =	vmul.f32 v7, v1  }
0x103: {  	[tilespmem:s2+$0x1D850] =	vst v0  }
0x104: {  	s28 =	simm.s32 $0x0;
	s29 =	rddreg [dreg:$0x10];
	[tilespmem:s2+$0x1D860] =	vst v1  }
0x105: {  	[hbm4b:s29+s28] =	stream.linear.scatter [tilespmem:s18], [sflag:$0x7], $0x1400, $0x38;
	v63 =	vld [tilespmem:$0x0]  }
0x106: {  	s30 =	simm.s32 $0x13948  }
0x107: {  	[tilespmem:s14], [sflag:$0x3] =	stream.indirect.gather [spmem:s4], $0x80, s30, s8, $0xb8;
	v63 =	vld [tilespmem:$0x0]  }
0x108: {  	s31 =	rddreg [dreg:$0x15]  }
0x109: {  	[tilespmem:s15], [sflag:$0x6] =	stream.linear.gather [hbm4b:s31+s28], $0x1400, $0x38;
	v63 =	vld [tilespmem:$0x0]  }
0x10a: {  	_ =	swait.ge [sflag:s16], $0x1400  }
0x10b: {  	[sflag:s16] =	ssyncset.done $0x0  }
0x10c: {  	[sflag:s16] =	ssyncadd.s32 $0xFFFFEC00  }
0x10d: {  	_ =	swait.ge [sflag:s17], $0x1400  }
0x10e: {  	[sflag:s17] =	ssyncset.done $0x0  }
0x10f: {  	[sflag:s17] =	ssyncadd.s32 $0xFFFFEC00  }
0x110: {  	_ =	swait.ge [sflag:s25], $0x1400  }
0x111: {  	[sflag:s25] =	ssyncset.done $0x0  }
0x112: {  	s0 =	simm.s32 $0x0;
	[sflag:s25] =	ssyncadd.s32 $0xFFFFEC00  }
0x113: {  	v0 =	vld [tilespmem:s0+$0x16070]  }
0x114: {  	v1 =	vld [tilespmem:s0+$0x19C70]  }
0x115: {  	v2 =	vld [tilespmem:s0+$0x16000]  }
0x116: {  	v3 =	vld [tilespmem:s0+$0x19C00]  }
0x117: {  	v4 =	vld [tilespmem:s0+$0x16010]  }
0x118: {  	v5 =	vld [tilespmem:s0+$0x19C10]  }
0x119: {  	v6 =	vld [tilespmem:s0+$0x16020]  }
0x11a: {  	v7 =	vld [tilespmem:s0+$0x16030]  }
0x11b: {  	v0 =	vmul.f32 v1, v0;
	v1 =	vld [tilespmem:s0+$0x19C20]  }
0x11c: {  	v8 =	vld [tilespmem:s0+$0x19C30]  }
0x11d: {  	v9 =	vld [tilespmem:s0+$0x19C40];
	v2 =	vmul.f32 v3, v2  }
0x11e: {  	[tilespmem:s0+$0x1EC70] =	vst v0;
	v0 =	vmul.f32 v5, v4;
	v5 =	vld [tilespmem:s0+$0x16040]  }
0x11f: {  	v3 =	vld [tilespmem:s0+$0x19C50];
	[tilespmem:s0+$0x1EC00] =	vst v2  }
0x120: {  	v2 =	vld [tilespmem:s0+$0x16050];
	[tilespmem:s0+$0x1EC10] =	vst v0;
	v0 =	vmul.f32 v1, v6  }
0x121: {  	v4 =	vld [tilespmem:s0+$0x19C60];
	v6 =	vmul.f32 v8, v7  }
0x122: {  	s2 =	simm.s32 $0x80;
	[tilespmem:s0+$0x1EC20] =	vst v0;
	v0 =	vld [tilespmem:s0+$0x16060]  }
0x123: {  	s9 =	simm.s32 $0x400;
	v5 =	vmul.f32 v9, v5;
	v1 =	vld [tilespmem:s2+$0x16070];
	[tilespmem:s0+$0x1EC30] =	vst v6  }
.LBB2_8:
0x124: {  	p1 =	sne.s32 s9, $0x4E00;
	v6 =	vld [tilespmem:s2+$0x19C70]  }
0x125: {  	v7 =	vld [tilespmem:s2+$0x16000];
	[tilespmem:s0+$0x1EC40] =	vst v5;
	v2 =	vmul.f32 v3, v2  }
0x126: {  	v3 =	vld [tilespmem:s2+$0x19C00]  }
0x127: {  	v5 =	vld [tilespmem:s2+$0x16010];
	[tilespmem:s0+$0x1EC50] =	vst v2;
	v0 =	vmul.f32 v4, v0  }
0x128: {  	v2 =	vld [tilespmem:s2+$0x19C10]  }
0x129: {  	v4 =	vld [tilespmem:s2+$0x16020];
	v1 =	vmul.f32 v6, v1;
	[tilespmem:s0+$0x1EC60] =	vst v0;
	s0 =	smov.u32 s2  }
0x12a: {  	v0 =	vld [tilespmem:s0+$0x19C20]  }
0x12b: {  	v3 =	vmul.f32 v3, v7;
	v6 =	vld [tilespmem:s0+$0x16030];
	[tilespmem:s0+$0x1EC70] =	vst v1  }
0x12c: {  	v1 =	vld [tilespmem:s0+$0x19C30]  }
0x12d: {  	[tilespmem:s0+$0x1EC00] =	vst v3;
	v2 =	vmul.f32 v2, v5;
	v5 =	vld [tilespmem:s0+$0x16040]  }
0x12e: {  	v7 =	vld [tilespmem:s0+$0x19C40]  }
.Ltmp3:
0x12f: {  	[tilespmem:s0+$0x1EC10] =	vst v2;
	v0 =	vmul.f32 v0, v4;
	v2 =	vld [tilespmem:s0+$0x16050];
	(pc) =	sbr.rel @p1 .LBB2_8-.Ltmp3, $4  }
0x130: {  	v3 =	vld [tilespmem:s0+$0x19C50]  }
0x131: {  	[tilespmem:s0+$0x1EC20] =	vst v0;
	v6 =	vmul.f32 v1, v6;
	v0 =	vld [tilespmem:s0+$0x16060]  }
0x132: {  	s2 =	sshra.s32 s9, $0x2;
	v4 =	vld [tilespmem:s0+$0x19C60]  }
0x133: {  	s9 =	sadd.s32 $0x200, s9;
	v1 =	vld [tilespmem:s2+$0x16070];
	[tilespmem:s0+$0x1EC30] =	vst v6;
	v5 =	vmul.f32 v7, v5  }
0x134: {  	v6 =	vld [tilespmem:s2+$0x19C70]  }
0x135: {  	v7 =	vld [tilespmem:s2+$0x16000];
	[tilespmem:s0+$0x1EC40] =	vst v5;
	v2 =	vmul.f32 v3, v2  }
0x136: {  	v3 =	vld [tilespmem:s2+$0x19C00]  }
0x137: {  	v5 =	vld [tilespmem:s2+$0x16010];
	[tilespmem:s0+$0x1EC50] =	vst v2;
	v0 =	vmul.f32 v4, v0  }
0x138: {  	v2 =	vld [tilespmem:s2+$0x19C10]  }
0x139: {  	v4 =	vld [tilespmem:s2+$0x16020];
	[tilespmem:s0+$0x1EC60] =	vst v0  }
0x13a: {  	v0 =	vmul.f32 v6, v1;
	v1 =	vld [tilespmem:s2+$0x19C20]  }
0x13b: {  	v6 =	vld [tilespmem:s2+$0x16030]  }
0x13c: {  	v3 =	vmul.f32 v3, v7;
	[tilespmem:s2+$0x1EC70] =	vst v0;
	v0 =	vld [tilespmem:s2+$0x19C30]  }
0x13d: {  	v7 =	vld [tilespmem:s2+$0x19C60]  }
0x13e: {  	[tilespmem:s2+$0x1EC00] =	vst v3;
	v2 =	vmul.f32 v2, v5;
	v3 =	vld [tilespmem:s2+$0x16040]  }
0x13f: {  	v5 =	vld [tilespmem:s2+$0x19C40]  }
0x140: {  	[tilespmem:s2+$0x1EC10] =	vst v2;
	v1 =	vmul.f32 v1, v4;
	v2 =	vld [tilespmem:s2+$0x16050]  }
0x141: {  	v4 =	vld [tilespmem:s2+$0x19C50]  }
0x142: {  	[tilespmem:s2+$0x1EC20] =	vst v1;
	v1 =	vld [tilespmem:s2+$0x16060];
	_ =	sdelay $0x1  }
0x143: {  	v0 =	vmul.f32 v0, v6  }
0x144: {  	v3 =	vmul.f32 v5, v3  }
0x145: {  	[tilespmem:s2+$0x1EC30] =	vst v0;
	v0 =	vmul.f32 v4, v2  }
0x146: {  	[tilespmem:s2+$0x1EC40] =	vst v3;
	v1 =	vmul.f32 v7, v1  }
0x147: {  	[tilespmem:s2+$0x1EC50] =	vst v0  }
0x148: {  	s28 =	simm.s32 $0x0;
	s29 =	rddreg [dreg:$0x11];
	[tilespmem:s2+$0x1EC60] =	vst v1  }
0x149: {  	[hbm4b:s29+s28] =	stream.linear.scatter [tilespmem:s21], [sflag:$0x8], $0x1400, $0x38;
	v63 =	vld [tilespmem:$0x0]  }
0x14a: {  	s30 =	simm.s32 $0x13970  }
0x14b: {  	[tilespmem:s10], [sflag:$0x1] =	stream.indirect.gather [spmem:s4], $0x80, s30, s8, $0xb8;
	v63 =	vld [tilespmem:$0x0]  }
0x14c: {  	s31 =	rddreg [dreg:$0x12]  }
0x14d: {  	[tilespmem:s11], [sflag:$0x4] =	stream.linear.gather [hbm4b:s31+s28], $0x1400, $0x38;
	v63 =	vld [tilespmem:$0x0]  }
0x14e: {  	_ =	swait.ge [sflag:s19], $0x1400  }
0x14f: {  	[sflag:s19] =	ssyncset.done $0x0  }
0x150: {  	[sflag:s19] =	ssyncadd.s32 $0xFFFFEC00  }
0x151: {  	_ =	swait.ge [sflag:s20], $0x1400  }
0x152: {  	[sflag:s20] =	ssyncset.done $0x0  }
0x153: {  	[sflag:s20] =	ssyncadd.s32 $0xFFFFEC00  }
0x154: {  	_ =	swait.ge [sflag:s24], $0x1400  }
0x155: {  	[sflag:s24] =	ssyncset.done $0x0  }
0x156: {  	s0 =	simm.s32 $0x0;
	[sflag:s24] =	ssyncadd.s32 $0xFFFFEC00  }
0x157: {  	v0 =	vld [tilespmem:s0+$0x17470]  }
0x158: {  	v1 =	vld [tilespmem:s0+$0x1B070]  }
0x159: {  	v2 =	vld [tilespmem:s0+$0x17400]  }
0x15a: {  	v3 =	vld [tilespmem:s0+$0x1B000]  }
0x15b: {  	v4 =	vld [tilespmem:s0+$0x17410]  }
0x15c: {  	v5 =	vld [tilespmem:s0+$0x1B010]  }
0x15d: {  	v6 =	vld [tilespmem:s0+$0x17420]  }
0x15e: {  	v7 =	vld [tilespmem:s0+$0x17430]  }
0x15f: {  	v0 =	vmul.f32 v1, v0;
	v1 =	vld [tilespmem:s0+$0x1B020]  }
0x160: {  	v8 =	vld [tilespmem:s0+$0x1B030]  }
0x161: {  	v9 =	vld [tilespmem:s0+$0x1B040];
	v2 =	vmul.f32 v3, v2  }
0x162: {  	[tilespmem:s0+$0x1D870] =	vst v0;
	v0 =	vmul.f32 v5, v4;
	v5 =	vld [tilespmem:s0+$0x17440]  }
0x163: {  	v3 =	vld [tilespmem:s0+$0x1B050];
	[tilespmem:s0+$0x1D800] =	vst v2  }
0x164: {  	v2 =	vld [tilespmem:s0+$0x17450];
	[tilespmem:s0+$0x1D810] =	vst v0;
	v0 =	vmul.f32 v1, v6  }
0x165: {  	v4 =	vld [tilespmem:s0+$0x1B060];
	v6 =	vmul.f32 v8, v7  }
0x166: {  	s2 =	simm.s32 $0x80;
	[tilespmem:s0+$0x1D820] =	vst v0;
	v0 =	vld [tilespmem:s0+$0x17460]  }
0x167: {  	s9 =	simm.s32 $0x400;
	v5 =	vmul.f32 v9, v5;
	v1 =	vld [tilespmem:s2+$0x17470];
	[tilespmem:s0+$0x1D830] =	vst v6  }
.LBB2_10:
0x168: {  	p1 =	sne.s32 s9, $0x4E00;
	v6 =	vld [tilespmem:s2+$0x1B070]  }
0x169: {  	v7 =	vld [tilespmem:s2+$0x17400];
	[tilespmem:s0+$0x1D840] =	vst v5;
	v2 =	vmul.f32 v3, v2  }
0x16a: {  	v3 =	vld [tilespmem:s2+$0x1B000]  }
0x16b: {  	v5 =	vld [tilespmem:s2+$0x17410];
	[tilespmem:s0+$0x1D850] =	vst v2;
	v0 =	vmul.f32 v4, v0  }
0x16c: {  	v2 =	vld [tilespmem:s2+$0x1B010]  }
0x16d: {  	v4 =	vld [tilespmem:s2+$0x17420];
	v1 =	vmul.f32 v6, v1;
	[tilespmem:s0+$0x1D860] =	vst v0;
	s0 =	smov.u32 s2  }
0x16e: {  	v0 =	vld [tilespmem:s0+$0x1B020]  }
0x16f: {  	v3 =	vmul.f32 v3, v7;
	v6 =	vld [tilespmem:s0+$0x17430];
	[tilespmem:s0+$0x1D870] =	vst v1  }
0x170: {  	v1 =	vld [tilespmem:s0+$0x1B030]  }
0x171: {  	[tilespmem:s0+$0x1D800] =	vst v3;
	v2 =	vmul.f32 v2, v5;
	v5 =	vld [tilespmem:s0+$0x17440]  }
0x172: {  	v7 =	vld [tilespmem:s0+$0x1B040]  }
.Ltmp4:
0x173: {  	[tilespmem:s0+$0x1D810] =	vst v2;
	v0 =	vmul.f32 v0, v4;
	v2 =	vld [tilespmem:s0+$0x17450];
	(pc) =	sbr.rel @p1 .LBB2_10-.Ltmp4, $4  }
0x174: {  	v3 =	vld [tilespmem:s0+$0x1B050]  }
0x175: {  	[tilespmem:s0+$0x1D820] =	vst v0;
	v6 =	vmul.f32 v1, v6;
	v0 =	vld [tilespmem:s0+$0x17460]  }
0x176: {  	s2 =	sshra.s32 s9, $0x2;
	v4 =	vld [tilespmem:s0+$0x1B060]  }
0x177: {  	s9 =	sadd.s32 $0x200, s9;
	v1 =	vld [tilespmem:s2+$0x17470];
	[tilespmem:s0+$0x1D830] =	vst v6;
	v5 =	vmul.f32 v7, v5  }
0x178: {  	v6 =	vld [tilespmem:s2+$0x1B070]  }
0x179: {  	v7 =	vld [tilespmem:s2+$0x17400];
	[tilespmem:s0+$0x1D840] =	vst v5;
	v2 =	vmul.f32 v3, v2  }
0x17a: {  	v3 =	vld [tilespmem:s2+$0x1B000]  }
0x17b: {  	v5 =	vld [tilespmem:s2+$0x17410];
	[tilespmem:s0+$0x1D850] =	vst v2;
	v0 =	vmul.f32 v4, v0  }
0x17c: {  	v2 =	vld [tilespmem:s2+$0x1B010]  }
0x17d: {  	v4 =	vld [tilespmem:s2+$0x17420];
	[tilespmem:s0+$0x1D860] =	vst v0  }
0x17e: {  	v0 =	vmul.f32 v6, v1;
	v1 =	vld [tilespmem:s2+$0x1B020]  }
0x17f: {  	v6 =	vld [tilespmem:s2+$0x17430]  }
0x180: {  	v3 =	vmul.f32 v3, v7;
	[tilespmem:s2+$0x1D870] =	vst v0;
	v0 =	vld [tilespmem:s2+$0x1B030]  }
0x181: {  	v7 =	vld [tilespmem:s2+$0x1B060]  }
0x182: {  	[tilespmem:s2+$0x1D800] =	vst v3;
	v2 =	vmul.f32 v2, v5;
	v3 =	vld [tilespmem:s2+$0x17440]  }
0x183: {  	v5 =	vld [tilespmem:s2+$0x1B040]  }
0x184: {  	[tilespmem:s2+$0x1D810] =	vst v2;
	v1 =	vmul.f32 v1, v4;
	v2 =	vld [tilespmem:s2+$0x17450]  }
0x185: {  	v4 =	vld [tilespmem:s2+$0x1B050]  }
0x186: {  	[tilespmem:s2+$0x1D820] =	vst v1;
	v1 =	vld [tilespmem:s2+$0x17460];
	_ =	sdelay $0x1  }
0x187: {  	v0 =	vmul.f32 v0, v6  }
0x188: {  	v3 =	vmul.f32 v5, v3  }
0x189: {  	[tilespmem:s2+$0x1D830] =	vst v0;
	v0 =	vmul.f32 v4, v2  }
0x18a: {  	[tilespmem:s2+$0x1D840] =	vst v3;
	v1 =	vmul.f32 v7, v1  }
0x18b: {  	[tilespmem:s2+$0x1D850] =	vst v0  }
0x18c: {  	s28 =	simm.s32 $0x0;
	s29 =	rddreg [dreg:$0x13];
	[tilespmem:s2+$0x1D860] =	vst v1  }
0x18d: {  	[hbm4b:s29+s28] =	stream.linear.scatter [tilespmem:s18], [sflag:$0x7], $0x1400, $0x38;
	v63 =	vld [tilespmem:$0x0]  }
0x18e: {  	s30 =	simm.s32 $0x13998  }
0x18f: {  	[tilespmem:s12], [sflag:$0x2] =	stream.indirect.gather [spmem:s4], $0x80, s30, s8, $0xb8;
	v63 =	vld [tilespmem:$0x0]  }
0x190: {  	s31 =	rddreg [dreg:$0x14]  }
0x191: {  	[tilespmem:s13], [sflag:$0x5] =	stream.linear.gather [hbm4b:s31+s28], $0x1400, $0x38;
	v63 =	vld [tilespmem:$0x0]  }
0x192: {  	_ =	swait.ge [sflag:s22], $0x1400  }
0x193: {  	[sflag:s22] =	ssyncset.done $0x0  }
0x194: {  	[sflag:s22] =	ssyncadd.s32 $0xFFFFEC00  }
0x195: {  	_ =	swait.ge [sflag:s23], $0x1400  }
0x196: {  	[sflag:s23] =	ssyncset.done $0x0  }
0x197: {  	[sflag:s23] =	ssyncadd.s32 $0xFFFFEC00  }
0x198: {  	_ =	swait.ge [sflag:s25], $0x1400  }
0x199: {  	[sflag:s25] =	ssyncset.done $0x0  }
0x19a: {  	s0 =	simm.s32 $0x0;
	[sflag:s25] =	ssyncadd.s32 $0xFFFFEC00  }
0x19b: {  	v0 =	vld [tilespmem:s0+$0x18870]  }
0x19c: {  	v1 =	vld [tilespmem:s0+$0x1C470]  }
0x19d: {  	v2 =	vld [tilespmem:s0+$0x18800]  }
0x19e: {  	v3 =	vld [tilespmem:s0+$0x1C400]  }
0x19f: {  	v4 =	vld [tilespmem:s0+$0x18810]  }
0x1a0: {  	v5 =	vld [tilespmem:s0+$0x1C410]  }
0x1a1: {  	v6 =	vld [tilespmem:s0+$0x18820]  }
0x1a2: {  	v7 =	vld [tilespmem:s0+$0x18830]  }
0x1a3: {  	v0 =	vmul.f32 v1, v0;
	v1 =	vld [tilespmem:s0+$0x1C420]  }
0x1a4: {  	v8 =	vld [tilespmem:s0+$0x1C430]  }
0x1a5: {  	v9 =	vld [tilespmem:s0+$0x1C440];
	v2 =	vmul.f32 v3, v2  }
0x1a6: {  	[tilespmem:s0+$0x1EC70] =	vst v0;
	v0 =	vmul.f32 v5, v4;
	v5 =	vld [tilespmem:s0+$0x18840]  }
0x1a7: {  	v3 =	vld [tilespmem:s0+$0x1C450];
	[tilespmem:s0+$0x1EC00] =	vst v2  }
0x1a8: {  	v2 =	vld [tilespmem:s0+$0x18850];
	[tilespmem:s0+$0x1EC10] =	vst v0;
	v0 =	vmul.f32 v1, v6  }
0x1a9: {  	v4 =	vld [tilespmem:s0+$0x1C460];
	v6 =	vmul.f32 v8, v7  }
0x1aa: {  	s2 =	simm.s32 $0x80;
	[tilespmem:s0+$0x1EC20] =	vst v0;
	v0 =	vld [tilespmem:s0+$0x18860]  }
0x1ab: {  	s9 =	simm.s32 $0x400;
	v5 =	vmul.f32 v9, v5;
	v1 =	vld [tilespmem:s2+$0x18870];
	[tilespmem:s0+$0x1EC30] =	vst v6  }
.LBB2_12:
0x1ac: {  	p1 =	sne.s32 s9, $0x4E00;
	v6 =	vld [tilespmem:s2+$0x1C470]  }
0x1ad: {  	v7 =	vld [tilespmem:s2+$0x18800];
	[tilespmem:s0+$0x1EC40] =	vst v5;
	v2 =	vmul.f32 v3, v2  }
0x1ae: {  	v3 =	vld [tilespmem:s2+$0x1C400]  }
0x1af: {  	v5 =	vld [tilespmem:s2+$0x18810];
	[tilespmem:s0+$0x1EC50] =	vst v2;
	v0 =	vmul.f32 v4, v0  }
0x1b0: {  	v2 =	vld [tilespmem:s2+$0x1C410]  }
0x1b1: {  	v4 =	vld [tilespmem:s2+$0x18820];
	v1 =	vmul.f32 v6, v1;
	[tilespmem:s0+$0x1EC60] =	vst v0;
	s0 =	smov.u32 s2  }
0x1b2: {  	v0 =	vld [tilespmem:s0+$0x1C420]  }
0x1b3: {  	v3 =	vmul.f32 v3, v7;
	v6 =	vld [tilespmem:s0+$0x18830];
	[tilespmem:s0+$0x1EC70] =	vst v1  }
0x1b4: {  	v1 =	vld [tilespmem:s0+$0x1C430]  }
0x1b5: {  	[tilespmem:s0+$0x1EC00] =	vst v3;
	v2 =	vmul.f32 v2, v5;
	v5 =	vld [tilespmem:s0+$0x18840]  }
0x1b6: {  	v7 =	vld [tilespmem:s0+$0x1C440]  }
.Ltmp5:
0x1b7: {  	[tilespmem:s0+$0x1EC10] =	vst v2;
	v0 =	vmul.f32 v0, v4;
	v2 =	vld [tilespmem:s0+$0x18850];
	(pc) =	sbr.rel @p1 .LBB2_12-.Ltmp5, $4  }
0x1b8: {  	v3 =	vld [tilespmem:s0+$0x1C450]  }
0x1b9: {  	[tilespmem:s0+$0x1EC20] =	vst v0;
	v6 =	vmul.f32 v1, v6;
	v0 =	vld [tilespmem:s0+$0x18860]  }
0x1ba: {  	s2 =	sshra.s32 s9, $0x2;
	v4 =	vld [tilespmem:s0+$0x1C460]  }
0x1bb: {  	s9 =	sadd.s32 $0x200, s9;
	v1 =	vld [tilespmem:s2+$0x18870];
	[tilespmem:s0+$0x1EC30] =	vst v6;
	v5 =	vmul.f32 v7, v5  }
0x1bc: {  	v6 =	vld [tilespmem:s2+$0x1C470]  }
0x1bd: {  	v7 =	vld [tilespmem:s2+$0x18800];
	[tilespmem:s0+$0x1EC40] =	vst v5;
	v2 =	vmul.f32 v3, v2  }
0x1be: {  	v50 =	vld [tilespmem:s2+$0x1C400]  }
0x1bf: {  	v5 =	vld [tilespmem:s2+$0x18810];
	[tilespmem:s0+$0x1EC50] =	vst v2;
	v0 =	vmul.f32 v4, v0  }
0x1c0: {  	v2 =	vld [tilespmem:s2+$0x1C410]  }
0x1c1: {  	v51 =	vld [tilespmem:s2+$0x18820];
	[tilespmem:s0+$0x1EC60] =	vst v0  }
0x1c2: {  	v53 =	vld [tilespmem:s2+$0x1C420]  }
0x1c3: {  	v54 =	vld [tilespmem:s2+$0x18830]  }
0x1c4: {  	v55 =	vld [tilespmem:s2+$0x1C430]  }
0x1c5: {  	v56 =	vld [tilespmem:s2+$0x18840]  }
0x1c6: {  	v57 =	vld [tilespmem:s2+$0x1C440]  }
0x1c7: {  	v58 =	vld [tilespmem:s2+$0x18850]  }
0x1c8: {  	v52 =	vmul.f32 v6, v1;
	v59 =	vld [tilespmem:s2+$0x1C450]  }
0x1c9: {  	v60 =	vld [tilespmem:s2+$0x18860];
	v3 =	vmul.f32 v50, v7  }
0x1ca: {  	v61 =	vld [tilespmem:s2+$0x1C460];
	[tilespmem:s2+$0x1EC70] =	vst v52;
	v2 =	vmul.f32 v2, v5  }
0x1cb: {  	[tilespmem:s2+$0x1EC00] =	vst v3;
	v1 =	vmul.f32 v53, v51  }
0x1cc: {  	[tilespmem:s2+$0x1EC10] =	vst v2;
	v0 =	vmul.f32 v55, v54  }
0x1cd: {  	v3 =	vmul.f32 v57, v56;
	[tilespmem:s2+$0x1EC20] =	vst v1  }
0x1ce: {  	v62 =	vmul.f32 v59, v58;
	[tilespmem:s2+$0x1EC30] =	vst v0  }
0x1cf: {  	[tilespmem:s2+$0x1EC40] =	vst v3;
	v1 =	vmul.f32 v61, v60  }
0x1d0: {  	[tilespmem:s2+$0x1EC50] =	vst v62  }
0x1d1: {  	s31 =	rddreg [dreg:$0x16];
	s28 =	simm.s32 $0x1;
	[tilespmem:s2+$0x1EC60] =	vst v1  }
0x1d2: {  	[hbm4b:s31+s26] =	stream.linear.scatter [tilespmem:s21], [sflag:$0x8], $0x1400, $0x38;
	v63 =	vld [tilespmem:$0x0]  }
.LBB2_14:
0x1d3: {  	s29 =	smul.u32 $0xF0, s28;
	_ =	sdelay $0x1  }
0x1d4: {  	s0 =	sadd.s32 s6, s29;
	s2 =	sadd.s32 $0x138D0, s29  }
0x1d5: {  	[tilespmem:s14], [sflag:$0x3] =	stream.indirect.gather [spmem:s4], $0x80, s2, s8, $0xb8;
	v63 =	vld [tilespmem:$0x0]  }
0x1d6: {  	s30 =	sshll.u32 s0, $0x4  }
0x1d7: {  	s31 =	sadd.s32 $0x500, s30  }
0x1d8: {  	s26 =	simm.s32 $0x0;
	s9 =	sadd.s32 s1, s31  }
0x1d9: {  	[tilespmem:s15], [sflag:$0x6] =	stream.linear.gather [hbm4b:s9+s26], $0x1400, $0x38;
	v63 =	vld [tilespmem:$0x0]  }
0x1da: {  	_ =	swait.ge [sflag:s16], $0x1400  }
0x1db: {  	[sflag:s16] =	ssyncset.done $0x0  }
0x1dc: {  	[sflag:s16] =	ssyncadd.s32 $0xFFFFEC00  }
0x1dd: {  	_ =	swait.ge [sflag:s17], $0x1400  }
0x1de: {  	[sflag:s17] =	ssyncset.done $0x0  }
0x1df: {  	[sflag:s17] =	ssyncadd.s32 $0xFFFFEC00  }
0x1e0: {  	_ =	swait.ge [sflag:s24], $0x1400  }
0x1e1: {  	[sflag:s24] =	ssyncset.done $0x0  }
0x1e2: {  	s0 =	simm.s32 $0x0;
	[sflag:s24] =	ssyncadd.s32 $0xFFFFEC00  }
0x1e3: {  	v0 =	vld [tilespmem:s0+$0x16070]  }
0x1e4: {  	v1 =	vld [tilespmem:s0+$0x19C70]  }
0x1e5: {  	v2 =	vld [tilespmem:s0+$0x16000]  }
0x1e6: {  	v3 =	vld [tilespmem:s0+$0x19C00]  }
0x1e7: {  	v4 =	vld [tilespmem:s0+$0x16010]  }
0x1e8: {  	v5 =	vld [tilespmem:s0+$0x19C10]  }
0x1e9: {  	v6 =	vld [tilespmem:s0+$0x16020]  }
0x1ea: {  	v7 =	vld [tilespmem:s0+$0x16030]  }
0x1eb: {  	v0 =	vmul.f32 v1, v0;
	v1 =	vld [tilespmem:s0+$0x19C20]  }
0x1ec: {  	v8 =	vld [tilespmem:s0+$0x19C30]  }
0x1ed: {  	v9 =	vld [tilespmem:s0+$0x19C40];
	v2 =	vmul.f32 v3, v2  }
0x1ee: {  	[tilespmem:s0+$0x1D870] =	vst v0;
	v0 =	vmul.f32 v5, v4;
	v5 =	vld [tilespmem:s0+$0x16040]  }
0x1ef: {  	v3 =	vld [tilespmem:s0+$0x19C50];
	[tilespmem:s0+$0x1D800] =	vst v2  }
0x1f0: {  	v2 =	vld [tilespmem:s0+$0x16050];
	[tilespmem:s0+$0x1D810] =	vst v0;
	v0 =	vmul.f32 v1, v6  }
0x1f1: {  	v4 =	vld [tilespmem:s0+$0x19C60];
	v6 =	vmul.f32 v8, v7  }
0x1f2: {  	s2 =	simm.s32 $0x80;
	[tilespmem:s0+$0x1D820] =	vst v0;
	v0 =	vld [tilespmem:s0+$0x16060]  }
0x1f3: {  	s9 =	simm.s32 $0x400;
	v5 =	vmul.f32 v9, v5;
	v1 =	vld [tilespmem:s2+$0x16070];
	[tilespmem:s0+$0x1D830] =	vst v6  }
.LBB2_15:
0x1f4: {  	p1 =	sne.s32 s9, $0x4E00;
	v6 =	vld [tilespmem:s2+$0x19C70]  }
0x1f5: {  	v7 =	vld [tilespmem:s2+$0x16000];
	[tilespmem:s0+$0x1D840] =	vst v5;
	v2 =	vmul.f32 v3, v2  }
0x1f6: {  	v3 =	vld [tilespmem:s2+$0x19C00]  }
0x1f7: {  	v5 =	vld [tilespmem:s2+$0x16010];
	[tilespmem:s0+$0x1D850] =	vst v2;
	v0 =	vmul.f32 v4, v0  }
0x1f8: {  	v2 =	vld [tilespmem:s2+$0x19C10]  }
0x1f9: {  	v4 =	vld [tilespmem:s2+$0x16020];
	v1 =	vmul.f32 v6, v1;
	[tilespmem:s0+$0x1D860] =	vst v0;
	s0 =	smov.u32 s2  }
0x1fa: {  	v0 =	vld [tilespmem:s0+$0x19C20]  }
0x1fb: {  	v3 =	vmul.f32 v3, v7;
	v6 =	vld [tilespmem:s0+$0x16030];
	[tilespmem:s0+$0x1D870] =	vst v1  }
0x1fc: {  	v1 =	vld [tilespmem:s0+$0x19C30]  }
0x1fd: {  	[tilespmem:s0+$0x1D800] =	vst v3;
	v2 =	vmul.f32 v2, v5;
	v5 =	vld [tilespmem:s0+$0x16040]  }
0x1fe: {  	v7 =	vld [tilespmem:s0+$0x19C40]  }
.Ltmp6:
0x1ff: {  	[tilespmem:s0+$0x1D810] =	vst v2;
	v0 =	vmul.f32 v0, v4;
	v2 =	vld [tilespmem:s0+$0x16050];
	(pc) =	sbr.rel @p1 .LBB2_15-.Ltmp6, $4  }
0x200: {  	v3 =	vld [tilespmem:s0+$0x19C50]  }
0x201: {  	[tilespmem:s0+$0x1D820] =	vst v0;
	v6 =	vmul.f32 v1, v6;
	v0 =	vld [tilespmem:s0+$0x16060]  }
0x202: {  	s2 =	sshra.s32 s9, $0x2;
	v4 =	vld [tilespmem:s0+$0x19C60]  }
0x203: {  	s9 =	sadd.s32 $0x200, s9;
	v1 =	vld [tilespmem:s2+$0x16070];
	[tilespmem:s0+$0x1D830] =	vst v6;
	v5 =	vmul.f32 v7, v5  }
0x204: {  	v6 =	vld [tilespmem:s2+$0x19C70]  }
0x205: {  	v7 =	vld [tilespmem:s2+$0x16000];
	[tilespmem:s0+$0x1D840] =	vst v5;
	v2 =	vmul.f32 v3, v2  }
0x206: {  	v3 =	vld [tilespmem:s2+$0x19C00]  }
0x207: {  	v5 =	vld [tilespmem:s2+$0x16010];
	[tilespmem:s0+$0x1D850] =	vst v2;
	v0 =	vmul.f32 v4, v0  }
0x208: {  	v2 =	vld [tilespmem:s2+$0x19C10]  }
0x209: {  	v4 =	vld [tilespmem:s2+$0x16020];
	[tilespmem:s0+$0x1D860] =	vst v0  }
0x20a: {  	v0 =	vmul.f32 v6, v1;
	v1 =	vld [tilespmem:s2+$0x19C20]  }
0x20b: {  	v6 =	vld [tilespmem:s2+$0x16030]  }
0x20c: {  	v3 =	vmul.f32 v3, v7;
	[tilespmem:s2+$0x1D870] =	vst v0;
	v0 =	vld [tilespmem:s2+$0x19C30]  }
0x20d: {  	v7 =	vld [tilespmem:s2+$0x19C60]  }
0x20e: {  	[tilespmem:s2+$0x1D800] =	vst v3;
	v2 =	vmul.f32 v2, v5;
	v3 =	vld [tilespmem:s2+$0x16040]  }
0x20f: {  	v5 =	vld [tilespmem:s2+$0x19C40]  }
0x210: {  	[tilespmem:s2+$0x1D810] =	vst v2;
	v1 =	vmul.f32 v1, v4;
	v2 =	vld [tilespmem:s2+$0x16050]  }
0x211: {  	v4 =	vld [tilespmem:s2+$0x19C50]  }
0x212: {  	[tilespmem:s2+$0x1D820] =	vst v1;
	v1 =	vld [tilespmem:s2+$0x16060];
	_ =	sdelay $0x1  }
0x213: {  	v0 =	vmul.f32 v0, v6  }
0x214: {  	v3 =	vmul.f32 v5, v3  }
0x215: {  	[tilespmem:s2+$0x1D830] =	vst v0;
	v0 =	vmul.f32 v4, v2  }
0x216: {  	[tilespmem:s2+$0x1D840] =	vst v3;
	v1 =	vmul.f32 v7, v1  }
0x217: {  	[tilespmem:s2+$0x1D850] =	vst v0  }
0x218: {  	s5 =	simm.s32 $0x0;
	[tilespmem:s2+$0x1D860] =	vst v1;
	s2 =	sadd.s32 s3, s30  }
0x219: {  	[hbm4b:s2+s5] =	stream.linear.scatter [tilespmem:s18], [sflag:$0x7], $0x1400, $0x38;
	v63 =	vld [tilespmem:$0x0]  }
0x21a: {  	s9 =	sadd.s32 $0x138F8, s29;
	s2 =	sadd.s32 $0x780, s30  }
0x21b: {  	[tilespmem:s10], [sflag:$0x1] =	stream.indirect.gather [spmem:s4], $0x80, s9, s8, $0xb8;
	v63 =	vld [tilespmem:$0x0]  }
0x21c: {  	s26 =	sadd.s32 s1, s2  }
0x21d: {  	[tilespmem:s11], [sflag:$0x4] =	stream.linear.gather [hbm4b:s26+s5], $0x1400, $0x38;
	v63 =	vld [tilespmem:$0x0]  }
0x21e: {  	_ =	swait.ge [sflag:s19], $0x1400  }
0x21f: {  	[sflag:s19] =	ssyncset.done $0x0  }
0x220: {  	[sflag:s19] =	ssyncadd.s32 $0xFFFFEC00  }
0x221: {  	_ =	swait.ge [sflag:s20], $0x1400  }
0x222: {  	[sflag:s20] =	ssyncset.done $0x0  }
0x223: {  	[sflag:s20] =	ssyncadd.s32 $0xFFFFEC00  }
0x224: {  	_ =	swait.ge [sflag:s25], $0x1400  }
0x225: {  	[sflag:s25] =	ssyncset.done $0x0  }
0x226: {  	s0 =	simm.s32 $0x0;
	[sflag:s25] =	ssyncadd.s32 $0xFFFFEC00  }
0x227: {  	v0 =	vld [tilespmem:s0+$0x17470]  }
0x228: {  	v1 =	vld [tilespmem:s0+$0x1B070]  }
0x229: {  	v2 =	vld [tilespmem:s0+$0x17400]  }
0x22a: {  	v3 =	vld [tilespmem:s0+$0x1B000]  }
0x22b: {  	v4 =	vld [tilespmem:s0+$0x17410]  }
0x22c: {  	v5 =	vld [tilespmem:s0+$0x1B010]  }
0x22d: {  	v6 =	vld [tilespmem:s0+$0x17420]  }
0x22e: {  	v7 =	vld [tilespmem:s0+$0x17430]  }
0x22f: {  	v0 =	vmul.f32 v1, v0;
	v1 =	vld [tilespmem:s0+$0x1B020]  }
0x230: {  	v8 =	vld [tilespmem:s0+$0x1B030]  }
0x231: {  	v9 =	vld [tilespmem:s0+$0x1B040];
	v2 =	vmul.f32 v3, v2  }
0x232: {  	[tilespmem:s0+$0x1EC70] =	vst v0;
	v0 =	vmul.f32 v5, v4;
	v5 =	vld [tilespmem:s0+$0x17440]  }
0x233: {  	v3 =	vld [tilespmem:s0+$0x1B050];
	[tilespmem:s0+$0x1EC00] =	vst v2  }
0x234: {  	v2 =	vld [tilespmem:s0+$0x17450];
	[tilespmem:s0+$0x1EC10] =	vst v0;
	v0 =	vmul.f32 v1, v6  }
0x235: {  	v4 =	vld [tilespmem:s0+$0x1B060];
	v6 =	vmul.f32 v8, v7  }
0x236: {  	s9 =	simm.s32 $0x80;
	[tilespmem:s0+$0x1EC20] =	vst v0;
	v0 =	vld [tilespmem:s0+$0x17460]  }
0x237: {  	s26 =	simm.s32 $0x400;
	v5 =	vmul.f32 v9, v5;
	v1 =	vld [tilespmem:s9+$0x17470];
	[tilespmem:s0+$0x1EC30] =	vst v6  }
.LBB2_17:
0x238: {  	p1 =	sne.s32 s26, $0x4E00;
	v6 =	vld [tilespmem:s9+$0x1B070]  }
0x239: {  	v7 =	vld [tilespmem:s9+$0x17400];
	[tilespmem:s0+$0x1EC40] =	vst v5;
	v2 =	vmul.f32 v3, v2  }
0x23a: {  	v3 =	vld [tilespmem:s9+$0x1B000]  }
0x23b: {  	v5 =	vld [tilespmem:s9+$0x17410];
	[tilespmem:s0+$0x1EC50] =	vst v2;
	v0 =	vmul.f32 v4, v0  }
0x23c: {  	v2 =	vld [tilespmem:s9+$0x1B010]  }
0x23d: {  	v4 =	vld [tilespmem:s9+$0x17420];
	v1 =	vmul.f32 v6, v1;
	[tilespmem:s0+$0x1EC60] =	vst v0;
	s0 =	smov.u32 s9  }
0x23e: {  	v0 =	vld [tilespmem:s0+$0x1B020]  }
0x23f: {  	v3 =	vmul.f32 v3, v7;
	v6 =	vld [tilespmem:s0+$0x17430];
	[tilespmem:s0+$0x1EC70] =	vst v1  }
0x240: {  	v1 =	vld [tilespmem:s0+$0x1B030]  }
0x241: {  	[tilespmem:s0+$0x1EC00] =	vst v3;
	v2 =	vmul.f32 v2, v5;
	v5 =	vld [tilespmem:s0+$0x17440]  }
0x242: {  	v7 =	vld [tilespmem:s0+$0x1B040]  }
.Ltmp7:
0x243: {  	[tilespmem:s0+$0x1EC10] =	vst v2;
	v0 =	vmul.f32 v0, v4;
	v2 =	vld [tilespmem:s0+$0x17450];
	(pc) =	sbr.rel @p1 .LBB2_17-.Ltmp7, $4  }
0x244: {  	v3 =	vld [tilespmem:s0+$0x1B050]  }
0x245: {  	[tilespmem:s0+$0x1EC20] =	vst v0;
	v6 =	vmul.f32 v1, v6;
	v0 =	vld [tilespmem:s0+$0x17460]  }
0x246: {  	s9 =	sshra.s32 s26, $0x2;
	v4 =	vld [tilespmem:s0+$0x1B060]  }
0x247: {  	s26 =	sadd.s32 $0x200, s26;
	v1 =	vld [tilespmem:s9+$0x17470];
	[tilespmem:s0+$0x1EC30] =	vst v6;
	v5 =	vmul.f32 v7, v5  }
0x248: {  	v6 =	vld [tilespmem:s9+$0x1B070]  }
0x249: {  	v7 =	vld [tilespmem:s9+$0x17400];
	[tilespmem:s0+$0x1EC40] =	vst v5;
	v2 =	vmul.f32 v3, v2  }
0x24a: {  	v3 =	vld [tilespmem:s9+$0x1B000]  }
0x24b: {  	v5 =	vld [tilespmem:s9+$0x17410];
	[tilespmem:s0+$0x1EC50] =	vst v2;
	v0 =	vmul.f32 v4, v0  }
0x24c: {  	v2 =	vld [tilespmem:s9+$0x1B010]  }
0x24d: {  	v4 =	vld [tilespmem:s9+$0x17420];
	[tilespmem:s0+$0x1EC60] =	vst v0  }
0x24e: {  	v0 =	vmul.f32 v6, v1;
	v1 =	vld [tilespmem:s9+$0x1B020]  }
0x24f: {  	v6 =	vld [tilespmem:s9+$0x17430]  }
0x250: {  	v3 =	vmul.f32 v3, v7;
	[tilespmem:s9+$0x1EC70] =	vst v0;
	v0 =	vld [tilespmem:s9+$0x1B030]  }
0x251: {  	v7 =	vld [tilespmem:s9+$0x1B060]  }
0x252: {  	[tilespmem:s9+$0x1EC00] =	vst v3;
	v2 =	vmul.f32 v2, v5;
	v3 =	vld [tilespmem:s9+$0x17440]  }
0x253: {  	v5 =	vld [tilespmem:s9+$0x1B040]  }
0x254: {  	[tilespmem:s9+$0x1EC10] =	vst v2;
	v1 =	vmul.f32 v1, v4;
	v2 =	vld [tilespmem:s9+$0x17450]  }
0x255: {  	v4 =	vld [tilespmem:s9+$0x1B050]  }
0x256: {  	[tilespmem:s9+$0x1EC20] =	vst v1;
	v1 =	vld [tilespmem:s9+$0x17460];
	_ =	sdelay $0x1  }
0x257: {  	v0 =	vmul.f32 v0, v6  }
0x258: {  	v3 =	vmul.f32 v5, v3  }
0x259: {  	[tilespmem:s9+$0x1EC30] =	vst v0;
	v0 =	vmul.f32 v4, v2  }
0x25a: {  	s5 =	sadd.s32 s29, s7;
	[tilespmem:s9+$0x1EC40] =	vst v3;
	v1 =	vmul.f32 v7, v1  }
0x25b: {  	s0 =	sshll.u32 s5, $0x4;
	[tilespmem:s9+$0x1EC50] =	vst v0  }
0x25c: {  	s5 =	simm.s32 $0x0;
	s0 =	sadd.s32 s3, s0;
	[tilespmem:s9+$0x1EC60] =	vst v1  }
0x25d: {  	[hbm4b:s0+s5] =	stream.linear.scatter [tilespmem:s21], [sflag:$0x8], $0x1400, $0x38;
	v63 =	vld [tilespmem:$0x0]  }
0x25e: {  	s9 =	sadd.s32 $0x13920, s29;
	s0 =	sadd.s32 $0xA00, s30  }
0x25f: {  	[tilespmem:s12], [sflag:$0x2] =	stream.indirect.gather [spmem:s4], $0x80, s9, s8, $0xb8;
	v63 =	vld [tilespmem:$0x0]  }
0x260: {  	s26 =	sadd.s32 s1, s0  }
0x261: {  	[tilespmem:s13], [sflag:$0x5] =	stream.linear.gather [hbm4b:s26+s5], $0x1400, $0x38;
	v63 =	vld [tilespmem:$0x0]  }
0x262: {  	_ =	swait.ge [sflag:s22], $0x1400  }
0x263: {  	[sflag:s22] =	ssyncset.done $0x0  }
0x264: {  	[sflag:s22] =	ssyncadd.s32 $0xFFFFEC00  }
0x265: {  	_ =	swait.ge [sflag:s23], $0x1400  }
0x266: {  	[sflag:s23] =	ssyncset.done $0x0  }
0x267: {  	[sflag:s23] =	ssyncadd.s32 $0xFFFFEC00  }
0x268: {  	_ =	swait.ge [sflag:s24], $0x1400  }
0x269: {  	[sflag:s24] =	ssyncset.done $0x0  }
0x26a: {  	s9 =	simm.s32 $0x0;
	[sflag:s24] =	ssyncadd.s32 $0xFFFFEC00  }
0x26b: {  	v0 =	vld [tilespmem:s9+$0x18870]  }
0x26c: {  	v1 =	vld [tilespmem:s9+$0x1C470]  }
0x26d: {  	v2 =	vld [tilespmem:s9+$0x18800]  }
0x26e: {  	v3 =	vld [tilespmem:s9+$0x1C400]  }
0x26f: {  	v4 =	vld [tilespmem:s9+$0x18810]  }
0x270: {  	v5 =	vld [tilespmem:s9+$0x1C410]  }
0x271: {  	v6 =	vld [tilespmem:s9+$0x18820]  }
0x272: {  	v7 =	vld [tilespmem:s9+$0x18830]  }
0x273: {  	v0 =	vmul.f32 v1, v0;
	v1 =	vld [tilespmem:s9+$0x1C420]  }
0x274: {  	v8 =	vld [tilespmem:s9+$0x1C430]  }
0x275: {  	v9 =	vld [tilespmem:s9+$0x1C440];
	v2 =	vmul.f32 v3, v2  }
0x276: {  	[tilespmem:s9+$0x1D870] =	vst v0;
	v0 =	vmul.f32 v5, v4;
	v5 =	vld [tilespmem:s9+$0x18840]  }
0x277: {  	v3 =	vld [tilespmem:s9+$0x1C450];
	[tilespmem:s9+$0x1D800] =	vst v2  }
0x278: {  	v2 =	vld [tilespmem:s9+$0x18850];
	[tilespmem:s9+$0x1D810] =	vst v0;
	v0 =	vmul.f32 v1, v6  }
0x279: {  	v4 =	vld [tilespmem:s9+$0x1C460];
	v6 =	vmul.f32 v8, v7  }
0x27a: {  	s26 =	simm.s32 $0x80;
	[tilespmem:s9+$0x1D820] =	vst v0;
	v0 =	vld [tilespmem:s9+$0x18860]  }
0x27b: {  	s5 =	simm.s32 $0x400;
	v5 =	vmul.f32 v9, v5;
	v1 =	vld [tilespmem:s26+$0x18870];
	[tilespmem:s9+$0x1D830] =	vst v6  }
.LBB2_19:
0x27c: {  	p1 =	sne.s32 s5, $0x4E00;
	v6 =	vld [tilespmem:s26+$0x1C470]  }
0x27d: {  	v7 =	vld [tilespmem:s26+$0x18800];
	[tilespmem:s9+$0x1D840] =	vst v5;
	v2 =	vmul.f32 v3, v2  }
0x27e: {  	v3 =	vld [tilespmem:s26+$0x1C400]  }
0x27f: {  	v5 =	vld [tilespmem:s26+$0x18810];
	[tilespmem:s9+$0x1D850] =	vst v2;
	v0 =	vmul.f32 v4, v0  }
0x280: {  	v2 =	vld [tilespmem:s26+$0x1C410]  }
0x281: {  	v4 =	vld [tilespmem:s26+$0x18820];
	v1 =	vmul.f32 v6, v1;
	[tilespmem:s9+$0x1D860] =	vst v0;
	s9 =	smov.u32 s26  }
0x282: {  	v0 =	vld [tilespmem:s9+$0x1C420]  }
0x283: {  	v3 =	vmul.f32 v3, v7;
	v6 =	vld [tilespmem:s9+$0x18830];
	[tilespmem:s9+$0x1D870] =	vst v1  }
0x284: {  	v1 =	vld [tilespmem:s9+$0x1C430]  }
0x285: {  	[tilespmem:s9+$0x1D800] =	vst v3;
	v2 =	vmul.f32 v2, v5;
	v5 =	vld [tilespmem:s9+$0x18840]  }
0x286: {  	v7 =	vld [tilespmem:s9+$0x1C440]  }
.Ltmp8:
0x287: {  	[tilespmem:s9+$0x1D810] =	vst v2;
	v0 =	vmul.f32 v0, v4;
	v2 =	vld [tilespmem:s9+$0x18850];
	(pc) =	sbr.rel @p1 .LBB2_19-.Ltmp8, $4  }
0x288: {  	v3 =	vld [tilespmem:s9+$0x1C450]  }
0x289: {  	[tilespmem:s9+$0x1D820] =	vst v0;
	v6 =	vmul.f32 v1, v6;
	v0 =	vld [tilespmem:s9+$0x18860]  }
0x28a: {  	s26 =	sshra.s32 s5, $0x2;
	v4 =	vld [tilespmem:s9+$0x1C460]  }
0x28b: {  	s5 =	sadd.s32 $0x200, s5;
	v1 =	vld [tilespmem:s26+$0x18870];
	[tilespmem:s9+$0x1D830] =	vst v6;
	v5 =	vmul.f32 v7, v5  }
0x28c: {  	v6 =	vld [tilespmem:s26+$0x1C470]  }
0x28d: {  	v7 =	vld [tilespmem:s26+$0x18800];
	[tilespmem:s9+$0x1D840] =	vst v5;
	v2 =	vmul.f32 v3, v2  }
0x28e: {  	v3 =	vld [tilespmem:s26+$0x1C400]  }
0x28f: {  	v5 =	vld [tilespmem:s26+$0x18810];
	[tilespmem:s9+$0x1D850] =	vst v2;
	v0 =	vmul.f32 v4, v0  }
0x290: {  	v2 =	vld [tilespmem:s26+$0x1C410]  }
0x291: {  	v4 =	vld [tilespmem:s26+$0x18820];
	[tilespmem:s9+$0x1D860] =	vst v0  }
0x292: {  	v0 =	vmul.f32 v6, v1;
	v1 =	vld [tilespmem:s26+$0x1C420]  }
0x293: {  	v6 =	vld [tilespmem:s26+$0x18830]  }
0x294: {  	v3 =	vmul.f32 v3, v7;
	[tilespmem:s26+$0x1D870] =	vst v0;
	v0 =	vld [tilespmem:s26+$0x1C430]  }
0x295: {  	v7 =	vld [tilespmem:s26+$0x1C460]  }
0x296: {  	[tilespmem:s26+$0x1D800] =	vst v3;
	v2 =	vmul.f32 v2, v5;
	v3 =	vld [tilespmem:s26+$0x18840]  }
0x297: {  	v5 =	vld [tilespmem:s26+$0x1C440]  }
0x298: {  	[tilespmem:s26+$0x1D810] =	vst v2;
	v1 =	vmul.f32 v1, v4;
	v2 =	vld [tilespmem:s26+$0x18850]  }
0x299: {  	v4 =	vld [tilespmem:s26+$0x1C450]  }
0x29a: {  	[tilespmem:s26+$0x1D820] =	vst v1;
	v1 =	vld [tilespmem:s26+$0x18860];
	_ =	sdelay $0x1  }
0x29b: {  	v0 =	vmul.f32 v0, v6  }
0x29c: {  	v3 =	vmul.f32 v5, v3  }
0x29d: {  	[tilespmem:s26+$0x1D830] =	vst v0;
	v0 =	vmul.f32 v4, v2  }
0x29e: {  	[tilespmem:s26+$0x1D840] =	vst v3;
	v1 =	vmul.f32 v7, v1  }
0x29f: {  	[tilespmem:s26+$0x1D850] =	vst v0  }
0x2a0: {  	s5 =	sadd.s32 s3, s31;
	s9 =	simm.s32 $0x0;
	[tilespmem:s26+$0x1D860] =	vst v1  }
0x2a1: {  	[hbm4b:s5+s9] =	stream.linear.scatter [tilespmem:s18], [sflag:$0x7], $0x1400, $0x38;
	v63 =	vld [tilespmem:$0x0]  }
0x2a2: {  	s31 =	sadd.s32 $0xC80, s30;
	s26 =	sadd.s32 $0x13948, s29  }
0x2a3: {  	[tilespmem:s14], [sflag:$0x3] =	stream.indirect.gather [spmem:s4], $0x80, s26, s8, $0xb8;
	v63 =	vld [tilespmem:$0x0]  }
0x2a4: {  	s26 =	sadd.s32 s1, s31  }
0x2a5: {  	[tilespmem:s15], [sflag:$0x6] =	stream.linear.gather [hbm4b:s26+s9], $0x1400, $0x38;
	v63 =	vld [tilespmem:$0x0]  }
0x2a6: {  	_ =	swait.ge [sflag:s16], $0x1400  }
0x2a7: {  	[sflag:s16] =	ssyncset.done $0x0  }
0x2a8: {  	[sflag:s16] =	ssyncadd.s32 $0xFFFFEC00  }
0x2a9: {  	_ =	swait.ge [sflag:s17], $0x1400  }
0x2aa: {  	[sflag:s17] =	ssyncset.done $0x0  }
0x2ab: {  	[sflag:s17] =	ssyncadd.s32 $0xFFFFEC00  }
0x2ac: {  	_ =	swait.ge [sflag:s25], $0x1400  }
0x2ad: {  	[sflag:s25] =	ssyncset.done $0x0  }
0x2ae: {  	s9 =	simm.s32 $0x0;
	[sflag:s25] =	ssyncadd.s32 $0xFFFFEC00  }
0x2af: {  	v0 =	vld [tilespmem:s9+$0x16070]  }
0x2b0: {  	v1 =	vld [tilespmem:s9+$0x19C70]  }
0x2b1: {  	v2 =	vld [tilespmem:s9+$0x16000]  }
0x2b2: {  	v3 =	vld [tilespmem:s9+$0x19C00]  }
0x2b3: {  	v4 =	vld [tilespmem:s9+$0x16010]  }
0x2b4: {  	v5 =	vld [tilespmem:s9+$0x19C10]  }
0x2b5: {  	v6 =	vld [tilespmem:s9+$0x16020]  }
0x2b6: {  	v7 =	vld [tilespmem:s9+$0x16030]  }
0x2b7: {  	v0 =	vmul.f32 v1, v0;
	v1 =	vld [tilespmem:s9+$0x19C20]  }
0x2b8: {  	v8 =	vld [tilespmem:s9+$0x19C30]  }
0x2b9: {  	v9 =	vld [tilespmem:s9+$0x19C40];
	v2 =	vmul.f32 v3, v2  }
0x2ba: {  	[tilespmem:s9+$0x1EC70] =	vst v0;
	v0 =	vmul.f32 v5, v4;
	v5 =	vld [tilespmem:s9+$0x16040]  }
0x2bb: {  	v3 =	vld [tilespmem:s9+$0x19C50];
	[tilespmem:s9+$0x1EC00] =	vst v2  }
0x2bc: {  	v2 =	vld [tilespmem:s9+$0x16050];
	[tilespmem:s9+$0x1EC10] =	vst v0;
	v0 =	vmul.f32 v1, v6  }
0x2bd: {  	v4 =	vld [tilespmem:s9+$0x19C60];
	v6 =	vmul.f32 v8, v7  }
0x2be: {  	s26 =	simm.s32 $0x80;
	[tilespmem:s9+$0x1EC20] =	vst v0;
	v0 =	vld [tilespmem:s9+$0x16060]  }
0x2bf: {  	s5 =	simm.s32 $0x400;
	v5 =	vmul.f32 v9, v5;
	v1 =	vld [tilespmem:s26+$0x16070];
	[tilespmem:s9+$0x1EC30] =	vst v6  }
.LBB2_21:
0x2c0: {  	p1 =	sne.s32 s5, $0x4E00;
	v6 =	vld [tilespmem:s26+$0x19C70]  }
0x2c1: {  	v7 =	vld [tilespmem:s26+$0x16000];
	[tilespmem:s9+$0x1EC40] =	vst v5;
	v2 =	vmul.f32 v3, v2  }
0x2c2: {  	v3 =	vld [tilespmem:s26+$0x19C00]  }
0x2c3: {  	v5 =	vld [tilespmem:s26+$0x16010];
	[tilespmem:s9+$0x1EC50] =	vst v2;
	v0 =	vmul.f32 v4, v0  }
0x2c4: {  	v2 =	vld [tilespmem:s26+$0x19C10]  }
0x2c5: {  	v4 =	vld [tilespmem:s26+$0x16020];
	v1 =	vmul.f32 v6, v1;
	[tilespmem:s9+$0x1EC60] =	vst v0;
	s9 =	smov.u32 s26  }
0x2c6: {  	v0 =	vld [tilespmem:s9+$0x19C20]  }
0x2c7: {  	v3 =	vmul.f32 v3, v7;
	v6 =	vld [tilespmem:s9+$0x16030];
	[tilespmem:s9+$0x1EC70] =	vst v1  }
0x2c8: {  	v1 =	vld [tilespmem:s9+$0x19C30]  }
0x2c9: {  	[tilespmem:s9+$0x1EC00] =	vst v3;
	v2 =	vmul.f32 v2, v5;
	v5 =	vld [tilespmem:s9+$0x16040]  }
0x2ca: {  	v7 =	vld [tilespmem:s9+$0x19C40]  }
.Ltmp9:
0x2cb: {  	[tilespmem:s9+$0x1EC10] =	vst v2;
	v0 =	vmul.f32 v0, v4;
	v2 =	vld [tilespmem:s9+$0x16050];
	(pc) =	sbr.rel @p1 .LBB2_21-.Ltmp9, $4  }
0x2cc: {  	v3 =	vld [tilespmem:s9+$0x19C50]  }
0x2cd: {  	[tilespmem:s9+$0x1EC20] =	vst v0;
	v6 =	vmul.f32 v1, v6;
	v0 =	vld [tilespmem:s9+$0x16060]  }
0x2ce: {  	s26 =	sshra.s32 s5, $0x2;
	v4 =	vld [tilespmem:s9+$0x19C60]  }
0x2cf: {  	s5 =	sadd.s32 $0x200, s5;
	v1 =	vld [tilespmem:s26+$0x16070];
	[tilespmem:s9+$0x1EC30] =	vst v6;
	v5 =	vmul.f32 v7, v5  }
0x2d0: {  	v6 =	vld [tilespmem:s26+$0x19C70]  }
0x2d1: {  	v7 =	vld [tilespmem:s26+$0x16000];
	[tilespmem:s9+$0x1EC40] =	vst v5;
	v2 =	vmul.f32 v3, v2  }
0x2d2: {  	v3 =	vld [tilespmem:s26+$0x19C00]  }
0x2d3: {  	v5 =	vld [tilespmem:s26+$0x16010];
	[tilespmem:s9+$0x1EC50] =	vst v2;
	v0 =	vmul.f32 v4, v0  }
0x2d4: {  	v2 =	vld [tilespmem:s26+$0x19C10]  }
0x2d5: {  	v4 =	vld [tilespmem:s26+$0x16020];
	[tilespmem:s9+$0x1EC60] =	vst v0  }
0x2d6: {  	v0 =	vmul.f32 v6, v1;
	v1 =	vld [tilespmem:s26+$0x19C20]  }
0x2d7: {  	v6 =	vld [tilespmem:s26+$0x16030]  }
0x2d8: {  	v3 =	vmul.f32 v3, v7;
	[tilespmem:s26+$0x1EC70] =	vst v0;
	v0 =	vld [tilespmem:s26+$0x19C30]  }
0x2d9: {  	v7 =	vld [tilespmem:s26+$0x19C60]  }
0x2da: {  	[tilespmem:s26+$0x1EC00] =	vst v3;
	v2 =	vmul.f32 v2, v5;
	v3 =	vld [tilespmem:s26+$0x16040]  }
0x2db: {  	v5 =	vld [tilespmem:s26+$0x19C40]  }
0x2dc: {  	[tilespmem:s26+$0x1EC10] =	vst v2;
	v1 =	vmul.f32 v1, v4;
	v2 =	vld [tilespmem:s26+$0x16050]  }
0x2dd: {  	v4 =	vld [tilespmem:s26+$0x19C50]  }
0x2de: {  	[tilespmem:s26+$0x1EC20] =	vst v1;
	v1 =	vld [tilespmem:s26+$0x16060];
	_ =	sdelay $0x1  }
0x2df: {  	v0 =	vmul.f32 v0, v6  }
0x2e0: {  	v3 =	vmul.f32 v5, v3  }
0x2e1: {  	[tilespmem:s26+$0x1EC30] =	vst v0;
	v0 =	vmul.f32 v4, v2  }
0x2e2: {  	[tilespmem:s26+$0x1EC40] =	vst v3;
	v1 =	vmul.f32 v7, v1  }
0x2e3: {  	[tilespmem:s26+$0x1EC50] =	vst v0  }
0x2e4: {  	s2 =	sadd.s32 s3, s2;
	s5 =	simm.s32 $0x0;
	[tilespmem:s26+$0x1EC60] =	vst v1  }
0x2e5: {  	[hbm4b:s2+s5] =	stream.linear.scatter [tilespmem:s21], [sflag:$0x8], $0x1400, $0x38;
	v63 =	vld [tilespmem:$0x0]  }
0x2e6: {  	s26 =	sadd.s32 $0x13970, s29;
	s2 =	sadd.s32 s1, s30  }
0x2e7: {  	[tilespmem:s10], [sflag:$0x1] =	stream.indirect.gather [spmem:s4], $0x80, s26, s8, $0xb8;
	v63 =	vld [tilespmem:$0x0]  }
0x2e8: {  	s30 =	sadd.s32 $0xF00, s2  }
0x2e9: {  	[tilespmem:s11], [sflag:$0x4] =	stream.linear.gather [hbm4b:s30+s5], $0x1400, $0x38;
	v63 =	vld [tilespmem:$0x0]  }
0x2ea: {  	_ =	swait.ge [sflag:s19], $0x1400  }
0x2eb: {  	[sflag:s19] =	ssyncset.done $0x0  }
0x2ec: {  	[sflag:s19] =	ssyncadd.s32 $0xFFFFEC00  }
0x2ed: {  	_ =	swait.ge [sflag:s20], $0x1400  }
0x2ee: {  	[sflag:s20] =	ssyncset.done $0x0  }
0x2ef: {  	[sflag:s20] =	ssyncadd.s32 $0xFFFFEC00  }
0x2f0: {  	_ =	swait.ge [sflag:s24], $0x1400  }
0x2f1: {  	[sflag:s24] =	ssyncset.done $0x0  }
0x2f2: {  	s9 =	simm.s32 $0x0;
	[sflag:s24] =	ssyncadd.s32 $0xFFFFEC00  }
0x2f3: {  	v0 =	vld [tilespmem:s9+$0x17470]  }
0x2f4: {  	v1 =	vld [tilespmem:s9+$0x1B070]  }
0x2f5: {  	v2 =	vld [tilespmem:s9+$0x17400]  }
0x2f6: {  	v3 =	vld [tilespmem:s9+$0x1B000]  }
0x2f7: {  	v4 =	vld [tilespmem:s9+$0x17410]  }
0x2f8: {  	v5 =	vld [tilespmem:s9+$0x1B010]  }
0x2f9: {  	v6 =	vld [tilespmem:s9+$0x17420]  }
0x2fa: {  	v7 =	vld [tilespmem:s9+$0x17430]  }
0x2fb: {  	v0 =	vmul.f32 v1, v0;
	v1 =	vld [tilespmem:s9+$0x1B020]  }
0x2fc: {  	v8 =	vld [tilespmem:s9+$0x1B030]  }
0x2fd: {  	v9 =	vld [tilespmem:s9+$0x1B040];
	v2 =	vmul.f32 v3, v2  }
0x2fe: {  	[tilespmem:s9+$0x1D870] =	vst v0;
	v0 =	vmul.f32 v5, v4;
	v5 =	vld [tilespmem:s9+$0x17440]  }
0x2ff: {  	v3 =	vld [tilespmem:s9+$0x1B050];
	[tilespmem:s9+$0x1D800] =	vst v2  }
0x300: {  	v2 =	vld [tilespmem:s9+$0x17450];
	[tilespmem:s9+$0x1D810] =	vst v0;
	v0 =	vmul.f32 v1, v6  }
0x301: {  	v4 =	vld [tilespmem:s9+$0x1B060];
	v6 =	vmul.f32 v8, v7  }
0x302: {  	s26 =	simm.s32 $0x80;
	[tilespmem:s9+$0x1D820] =	vst v0;
	v0 =	vld [tilespmem:s9+$0x17460]  }
0x303: {  	s5 =	simm.s32 $0x400;
	v5 =	vmul.f32 v9, v5;
	v1 =	vld [tilespmem:s26+$0x17470];
	[tilespmem:s9+$0x1D830] =	vst v6  }
.LBB2_23:
0x304: {  	p1 =	sne.s32 s5, $0x4E00;
	v6 =	vld [tilespmem:s26+$0x1B070]  }
0x305: {  	v7 =	vld [tilespmem:s26+$0x17400];
	[tilespmem:s9+$0x1D840] =	vst v5;
	v2 =	vmul.f32 v3, v2  }
0x306: {  	v3 =	vld [tilespmem:s26+$0x1B000]  }
0x307: {  	v5 =	vld [tilespmem:s26+$0x17410];
	[tilespmem:s9+$0x1D850] =	vst v2;
	v0 =	vmul.f32 v4, v0  }
0x308: {  	v2 =	vld [tilespmem:s26+$0x1B010]  }
0x309: {  	v4 =	vld [tilespmem:s26+$0x17420];
	v1 =	vmul.f32 v6, v1;
	[tilespmem:s9+$0x1D860] =	vst v0;
	s9 =	smov.u32 s26  }
0x30a: {  	v0 =	vld [tilespmem:s9+$0x1B020]  }
0x30b: {  	v3 =	vmul.f32 v3, v7;
	v6 =	vld [tilespmem:s9+$0x17430];
	[tilespmem:s9+$0x1D870] =	vst v1  }
0x30c: {  	v1 =	vld [tilespmem:s9+$0x1B030]  }
0x30d: {  	[tilespmem:s9+$0x1D800] =	vst v3;
	v2 =	vmul.f32 v2, v5;
	v5 =	vld [tilespmem:s9+$0x17440]  }
0x30e: {  	v7 =	vld [tilespmem:s9+$0x1B040]  }
.Ltmp10:
0x30f: {  	[tilespmem:s9+$0x1D810] =	vst v2;
	v0 =	vmul.f32 v0, v4;
	v2 =	vld [tilespmem:s9+$0x17450];
	(pc) =	sbr.rel @p1 .LBB2_23-.Ltmp10, $4  }
0x310: {  	v3 =	vld [tilespmem:s9+$0x1B050]  }
0x311: {  	[tilespmem:s9+$0x1D820] =	vst v0;
	v6 =	vmul.f32 v1, v6;
	v0 =	vld [tilespmem:s9+$0x17460]  }
0x312: {  	s26 =	sshra.s32 s5, $0x2;
	v4 =	vld [tilespmem:s9+$0x1B060]  }
0x313: {  	s5 =	sadd.s32 $0x200, s5;
	v1 =	vld [tilespmem:s26+$0x17470];
	[tilespmem:s9+$0x1D830] =	vst v6;
	v5 =	vmul.f32 v7, v5  }
0x314: {  	v6 =	vld [tilespmem:s26+$0x1B070]  }
0x315: {  	v7 =	vld [tilespmem:s26+$0x17400];
	[tilespmem:s9+$0x1D840] =	vst v5;
	v2 =	vmul.f32 v3, v2  }
0x316: {  	v3 =	vld [tilespmem:s26+$0x1B000]  }
0x317: {  	v5 =	vld [tilespmem:s26+$0x17410];
	[tilespmem:s9+$0x1D850] =	vst v2;
	v0 =	vmul.f32 v4, v0  }
0x318: {  	v2 =	vld [tilespmem:s26+$0x1B010]  }
0x319: {  	v4 =	vld [tilespmem:s26+$0x17420];
	[tilespmem:s9+$0x1D860] =	vst v0  }
0x31a: {  	v0 =	vmul.f32 v6, v1;
	v1 =	vld [tilespmem:s26+$0x1B020]  }
0x31b: {  	v6 =	vld [tilespmem:s26+$0x17430]  }
0x31c: {  	v3 =	vmul.f32 v3, v7;
	[tilespmem:s26+$0x1D870] =	vst v0;
	v0 =	vld [tilespmem:s26+$0x1B030]  }
0x31d: {  	v7 =	vld [tilespmem:s26+$0x1B060]  }
0x31e: {  	[tilespmem:s26+$0x1D800] =	vst v3;
	v2 =	vmul.f32 v2, v5;
	v3 =	vld [tilespmem:s26+$0x17440]  }
0x31f: {  	v5 =	vld [tilespmem:s26+$0x1B040]  }
0x320: {  	[tilespmem:s26+$0x1D810] =	vst v2;
	v1 =	vmul.f32 v1, v4;
	v2 =	vld [tilespmem:s26+$0x17450]  }
0x321: {  	v4 =	vld [tilespmem:s26+$0x1B050]  }
0x322: {  	[tilespmem:s26+$0x1D820] =	vst v1;
	v1 =	vld [tilespmem:s26+$0x17460];
	_ =	sdelay $0x1  }
0x323: {  	v0 =	vmul.f32 v0, v6  }
0x324: {  	v3 =	vmul.f32 v5, v3  }
0x325: {  	[tilespmem:s26+$0x1D830] =	vst v0;
	v0 =	vmul.f32 v4, v2  }
0x326: {  	[tilespmem:s26+$0x1D840] =	vst v3;
	v1 =	vmul.f32 v7, v1  }
0x327: {  	[tilespmem:s26+$0x1D850] =	vst v0  }
0x328: {  	s0 =	sadd.s32 s3, s0;
	s5 =	simm.s32 $0x0;
	[tilespmem:s26+$0x1D860] =	vst v1  }
0x329: {  	[hbm4b:s0+s5] =	stream.linear.scatter [tilespmem:s18], [sflag:$0x7], $0x1400, $0x38;
	v63 =	vld [tilespmem:$0x0]  }
0x32a: {  	s29 =	sadd.s32 $0x13998, s29  }
0x32b: {  	[tilespmem:s12], [sflag:$0x2] =	stream.indirect.gather [spmem:s4], $0x80, s29, s8, $0xb8;
	v63 =	vld [tilespmem:$0x0]  }
0x32c: {  	s30 =	sadd.s32 $0x1180, s2  }
0x32d: {  	[tilespmem:s13], [sflag:$0x5] =	stream.linear.gather [hbm4b:s30+s5], $0x1400, $0x38;
	v63 =	vld [tilespmem:$0x0]  }
0x32e: {  	_ =	swait.ge [sflag:s22], $0x1400  }
0x32f: {  	[sflag:s22] =	ssyncset.done $0x0  }
0x330: {  	[sflag:s22] =	ssyncadd.s32 $0xFFFFEC00  }
0x331: {  	_ =	swait.ge [sflag:s23], $0x1400  }
0x332: {  	[sflag:s23] =	ssyncset.done $0x0  }
0x333: {  	[sflag:s23] =	ssyncadd.s32 $0xFFFFEC00  }
0x334: {  	_ =	swait.ge [sflag:s25], $0x1400  }
0x335: {  	[sflag:s25] =	ssyncset.done $0x0  }
0x336: {  	s0 =	simm.s32 $0x0;
	[sflag:s25] =	ssyncadd.s32 $0xFFFFEC00  }
0x337: {  	v0 =	vld [tilespmem:s0+$0x18870]  }
0x338: {  	v1 =	vld [tilespmem:s0+$0x1C470]  }
0x339: {  	v2 =	vld [tilespmem:s0+$0x18800]  }
0x33a: {  	v3 =	vld [tilespmem:s0+$0x1C400]  }
0x33b: {  	v4 =	vld [tilespmem:s0+$0x18810]  }
0x33c: {  	v5 =	vld [tilespmem:s0+$0x1C410]  }
0x33d: {  	v6 =	vld [tilespmem:s0+$0x18820]  }
0x33e: {  	v7 =	vld [tilespmem:s0+$0x18830]  }
0x33f: {  	v0 =	vmul.f32 v1, v0;
	v1 =	vld [tilespmem:s0+$0x1C420]  }
0x340: {  	v8 =	vld [tilespmem:s0+$0x1C430]  }
0x341: {  	v9 =	vld [tilespmem:s0+$0x1C440];
	v2 =	vmul.f32 v3, v2  }
0x342: {  	[tilespmem:s0+$0x1EC70] =	vst v0;
	v0 =	vmul.f32 v5, v4;
	v5 =	vld [tilespmem:s0+$0x18840]  }
0x343: {  	v3 =	vld [tilespmem:s0+$0x1C450];
	[tilespmem:s0+$0x1EC00] =	vst v2  }
0x344: {  	v2 =	vld [tilespmem:s0+$0x18850];
	[tilespmem:s0+$0x1EC10] =	vst v0;
	v0 =	vmul.f32 v1, v6  }
0x345: {  	v4 =	vld [tilespmem:s0+$0x1C460];
	v6 =	vmul.f32 v8, v7  }
0x346: {  	s2 =	simm.s32 $0x80;
	[tilespmem:s0+$0x1EC20] =	vst v0;
	v0 =	vld [tilespmem:s0+$0x18860]  }
0x347: {  	s5 =	simm.s32 $0x400;
	v5 =	vmul.f32 v9, v5;
	v1 =	vld [tilespmem:s2+$0x18870];
	[tilespmem:s0+$0x1EC30] =	vst v6  }
.LBB2_25:
0x348: {  	p1 =	sne.s32 s5, $0x4E00;
	v6 =	vld [tilespmem:s2+$0x1C470]  }
0x349: {  	v7 =	vld [tilespmem:s2+$0x18800];
	[tilespmem:s0+$0x1EC40] =	vst v5;
	v2 =	vmul.f32 v3, v2  }
0x34a: {  	v3 =	vld [tilespmem:s2+$0x1C400]  }
0x34b: {  	v5 =	vld [tilespmem:s2+$0x18810];
	[tilespmem:s0+$0x1EC50] =	vst v2;
	v0 =	vmul.f32 v4, v0  }
0x34c: {  	v2 =	vld [tilespmem:s2+$0x1C410]  }
0x34d: {  	v4 =	vld [tilespmem:s2+$0x18820];
	v1 =	vmul.f32 v6, v1;
	[tilespmem:s0+$0x1EC60] =	vst v0;
	s0 =	smov.u32 s2  }
0x34e: {  	v0 =	vld [tilespmem:s0+$0x1C420]  }
0x34f: {  	v3 =	vmul.f32 v3, v7;
	v6 =	vld [tilespmem:s0+$0x18830];
	[tilespmem:s0+$0x1EC70] =	vst v1  }
0x350: {  	v1 =	vld [tilespmem:s0+$0x1C430]  }
0x351: {  	[tilespmem:s0+$0x1EC00] =	vst v3;
	v2 =	vmul.f32 v2, v5;
	v5 =	vld [tilespmem:s0+$0x18840]  }
0x352: {  	v7 =	vld [tilespmem:s0+$0x1C440]  }
.Ltmp11:
0x353: {  	[tilespmem:s0+$0x1EC10] =	vst v2;
	v0 =	vmul.f32 v0, v4;
	v2 =	vld [tilespmem:s0+$0x18850];
	(pc) =	sbr.rel @p1 .LBB2_25-.Ltmp11, $4  }
0x354: {  	v3 =	vld [tilespmem:s0+$0x1C450]  }
0x355: {  	[tilespmem:s0+$0x1EC20] =	vst v0;
	v6 =	vmul.f32 v1, v6;
	v0 =	vld [tilespmem:s0+$0x18860]  }
0x356: {  	s2 =	sshra.s32 s5, $0x2;
	v4 =	vld [tilespmem:s0+$0x1C460]  }
0x357: {  	s5 =	sadd.s32 $0x200, s5;
	v1 =	vld [tilespmem:s2+$0x18870];
	[tilespmem:s0+$0x1EC30] =	vst v6;
	v5 =	vmul.f32 v7, v5  }
0x358: {  	v6 =	vld [tilespmem:s2+$0x1C470]  }
0x359: {  	v7 =	vld [tilespmem:s2+$0x18800];
	[tilespmem:s0+$0x1EC40] =	vst v5;
	v2 =	vmul.f32 v3, v2  }
0x35a: {  	v50 =	vld [tilespmem:s2+$0x1C400]  }
0x35b: {  	v5 =	vld [tilespmem:s2+$0x18810];
	[tilespmem:s0+$0x1EC50] =	vst v2;
	v0 =	vmul.f32 v4, v0  }
0x35c: {  	v2 =	vld [tilespmem:s2+$0x1C410]  }
0x35d: {  	v51 =	vld [tilespmem:s2+$0x18820];
	[tilespmem:s0+$0x1EC60] =	vst v0  }
0x35e: {  	v53 =	vld [tilespmem:s2+$0x1C420]  }
0x35f: {  	v54 =	vld [tilespmem:s2+$0x18830]  }
0x360: {  	v55 =	vld [tilespmem:s2+$0x1C430]  }
0x361: {  	v56 =	vld [tilespmem:s2+$0x18840]  }
0x362: {  	v57 =	vld [tilespmem:s2+$0x1C440]  }
0x363: {  	v58 =	vld [tilespmem:s2+$0x18850]  }
0x364: {  	v52 =	vmul.f32 v6, v1;
	v59 =	vld [tilespmem:s2+$0x1C450]  }
0x365: {  	v60 =	vld [tilespmem:s2+$0x18860];
	v3 =	vmul.f32 v50, v7  }
0x366: {  	v61 =	vld [tilespmem:s2+$0x1C460];
	[tilespmem:s2+$0x1EC70] =	vst v52;
	v2 =	vmul.f32 v2, v5  }
0x367: {  	[tilespmem:s2+$0x1EC00] =	vst v3;
	v1 =	vmul.f32 v53, v51  }
0x368: {  	s28 =	sadd.s32 $0x1, s28;
	[tilespmem:s2+$0x1EC10] =	vst v2;
	v0 =	vmul.f32 v55, v54  }
0x369: {  	p1 =	sne.s32 s28, $0x29;
	v3 =	vmul.f32 v57, v56;
	[tilespmem:s2+$0x1EC20] =	vst v1  }
.Ltmp12:
0x36a: {  	v62 =	vmul.f32 v59, v58;
	[tilespmem:s2+$0x1EC30] =	vst v0;
	(pc) =	sbr.rel @p1 .LBB2_14-.Ltmp12, $4  }
0x36b: {  	[tilespmem:s2+$0x1EC40] =	vst v3;
	v1 =	vmul.f32 v61, v60  }
0x36c: {  	[tilespmem:s2+$0x1EC50] =	vst v62  }
0x36d: {  	s31 =	sadd.s32 s3, s31;
	s26 =	simm.s32 $0x0;
	[tilespmem:s2+$0x1EC60] =	vst v1  }
0x36e: {  	[hbm4b:s31+s26] =	stream.linear.scatter [tilespmem:s21], [sflag:$0x8], $0x1400, $0x38;
	v63 =	vld [tilespmem:$0x0]  }
0x36f: {  	s0 =	simm.s32 $0x15F40  }
0x370: {  	[tilespmem:s14], [sflag:$0x3] =	stream.indirect.gather [spmem:s4], $0x80, s0, s8, $0xb8;
	v63 =	vld [tilespmem:$0x0]  }
0x371: {  	s31 =	simm.s32 $0x0;
	s2 =	rddreg [dreg:$0x19]  }
0x372: {  	[tilespmem:s15], [sflag:$0x6] =	stream.linear.gather [hbm4b:s2+s31], $0x1400, $0x38;
	v63 =	vld [tilespmem:$0x0]  }
0x373: {  	_ =	swait.ge [sflag:s16], $0x1400  }
0x374: {  	[sflag:s16] =	ssyncset.done $0x0  }
0x375: {  	[sflag:s16] =	ssyncadd.s32 $0xFFFFEC00  }
0x376: {  	_ =	swait.ge [sflag:s17], $0x1400  }
0x377: {  	[sflag:s17] =	ssyncset.done $0x0  }
0x378: {  	[sflag:s17] =	ssyncadd.s32 $0xFFFFEC00  }
0x379: {  	_ =	swait.ge [sflag:s24], $0x1400  }
0x37a: {  	[sflag:s24] =	ssyncset.done $0x0  }
0x37b: {  	s0 =	simm.s32 $0x0;
	[sflag:s24] =	ssyncadd.s32 $0xFFFFEC00  }
0x37c: {  	v0 =	vld [tilespmem:s0+$0x16070]  }
0x37d: {  	v1 =	vld [tilespmem:s0+$0x19C70]  }
0x37e: {  	v2 =	vld [tilespmem:s0+$0x16000]  }
0x37f: {  	v3 =	vld [tilespmem:s0+$0x19C00]  }
0x380: {  	v4 =	vld [tilespmem:s0+$0x16010]  }
0x381: {  	v5 =	vld [tilespmem:s0+$0x19C10]  }
0x382: {  	v6 =	vld [tilespmem:s0+$0x16020]  }
0x383: {  	v7 =	vld [tilespmem:s0+$0x16030]  }
0x384: {  	v0 =	vmul.f32 v1, v0;
	v1 =	vld [tilespmem:s0+$0x19C20]  }
0x385: {  	v8 =	vld [tilespmem:s0+$0x19C30]  }
0x386: {  	v9 =	vld [tilespmem:s0+$0x19C40];
	v2 =	vmul.f32 v3, v2  }
0x387: {  	[tilespmem:s0+$0x1D870] =	vst v0;
	v0 =	vmul.f32 v5, v4;
	v5 =	vld [tilespmem:s0+$0x16040]  }
0x388: {  	v3 =	vld [tilespmem:s0+$0x19C50];
	[tilespmem:s0+$0x1D800] =	vst v2  }
0x389: {  	v2 =	vld [tilespmem:s0+$0x16050];
	[tilespmem:s0+$0x1D810] =	vst v0;
	v0 =	vmul.f32 v1, v6  }
0x38a: {  	v4 =	vld [tilespmem:s0+$0x19C60];
	v6 =	vmul.f32 v8, v7  }
0x38b: {  	s2 =	simm.s32 $0x80;
	[tilespmem:s0+$0x1D820] =	vst v0;
	v0 =	vld [tilespmem:s0+$0x16060]  }
0x38c: {  	s5 =	simm.s32 $0x400;
	v5 =	vmul.f32 v9, v5;
	v1 =	vld [tilespmem:s2+$0x16070];
	[tilespmem:s0+$0x1D830] =	vst v6  }
.LBB2_28:
0x38d: {  	p1 =	sne.s32 s5, $0x4E00;
	v6 =	vld [tilespmem:s2+$0x19C70]  }
0x38e: {  	v7 =	vld [tilespmem:s2+$0x16000];
	[tilespmem:s0+$0x1D840] =	vst v5;
	v2 =	vmul.f32 v3, v2  }
0x38f: {  	v3 =	vld [tilespmem:s2+$0x19C00]  }
0x390: {  	v5 =	vld [tilespmem:s2+$0x16010];
	[tilespmem:s0+$0x1D850] =	vst v2;
	v0 =	vmul.f32 v4, v0  }
0x391: {  	v2 =	vld [tilespmem:s2+$0x19C10]  }
0x392: {  	v4 =	vld [tilespmem:s2+$0x16020];
	v1 =	vmul.f32 v6, v1;
	[tilespmem:s0+$0x1D860] =	vst v0;
	s0 =	smov.u32 s2  }
0x393: {  	v0 =	vld [tilespmem:s0+$0x19C20]  }
0x394: {  	v3 =	vmul.f32 v3, v7;
	v6 =	vld [tilespmem:s0+$0x16030];
	[tilespmem:s0+$0x1D870] =	vst v1  }
0x395: {  	v1 =	vld [tilespmem:s0+$0x19C30]  }
0x396: {  	[tilespmem:s0+$0x1D800] =	vst v3;
	v2 =	vmul.f32 v2, v5;
	v5 =	vld [tilespmem:s0+$0x16040]  }
0x397: {  	v7 =	vld [tilespmem:s0+$0x19C40]  }
.Ltmp13:
0x398: {  	[tilespmem:s0+$0x1D810] =	vst v2;
	v0 =	vmul.f32 v0, v4;
	v2 =	vld [tilespmem:s0+$0x16050];
	(pc) =	sbr.rel @p1 .LBB2_28-.Ltmp13, $4  }
0x399: {  	v3 =	vld [tilespmem:s0+$0x19C50]  }
0x39a: {  	[tilespmem:s0+$0x1D820] =	vst v0;
	v6 =	vmul.f32 v1, v6;
	v0 =	vld [tilespmem:s0+$0x16060]  }
0x39b: {  	s2 =	sshra.s32 s5, $0x2;
	v4 =	vld [tilespmem:s0+$0x19C60]  }
0x39c: {  	s5 =	sadd.s32 $0x200, s5;
	v1 =	vld [tilespmem:s2+$0x16070];
	[tilespmem:s0+$0x1D830] =	vst v6;
	v5 =	vmul.f32 v7, v5  }
0x39d: {  	v6 =	vld [tilespmem:s2+$0x19C70]  }
0x39e: {  	v7 =	vld [tilespmem:s2+$0x16000];
	[tilespmem:s0+$0x1D840] =	vst v5;
	v2 =	vmul.f32 v3, v2  }
0x39f: {  	v3 =	vld [tilespmem:s2+$0x19C00]  }
0x3a0: {  	v5 =	vld [tilespmem:s2+$0x16010];
	[tilespmem:s0+$0x1D850] =	vst v2;
	v0 =	vmul.f32 v4, v0  }
0x3a1: {  	v2 =	vld [tilespmem:s2+$0x19C10]  }
0x3a2: {  	v4 =	vld [tilespmem:s2+$0x16020];
	[tilespmem:s0+$0x1D860] =	vst v0  }
0x3a3: {  	v0 =	vmul.f32 v6, v1;
	v1 =	vld [tilespmem:s2+$0x19C20]  }
0x3a4: {  	v6 =	vld [tilespmem:s2+$0x16030]  }
0x3a5: {  	v3 =	vmul.f32 v3, v7;
	[tilespmem:s2+$0x1D870] =	vst v0;
	v0 =	vld [tilespmem:s2+$0x19C30]  }
0x3a6: {  	v7 =	vld [tilespmem:s2+$0x19C60]  }
0x3a7: {  	[tilespmem:s2+$0x1D800] =	vst v3;
	v2 =	vmul.f32 v2, v5;
	v3 =	vld [tilespmem:s2+$0x16040]  }
0x3a8: {  	v5 =	vld [tilespmem:s2+$0x19C40]  }
0x3a9: {  	[tilespmem:s2+$0x1D810] =	vst v2;
	v1 =	vmul.f32 v1, v4;
	v2 =	vld [tilespmem:s2+$0x16050]  }
0x3aa: {  	v4 =	vld [tilespmem:s2+$0x19C50]  }
0x3ab: {  	[tilespmem:s2+$0x1D820] =	vst v1;
	v1 =	vld [tilespmem:s2+$0x16060];
	_ =	sdelay $0x1  }
0x3ac: {  	v0 =	vmul.f32 v0, v6  }
0x3ad: {  	v3 =	vmul.f32 v5, v3  }
0x3ae: {  	[tilespmem:s2+$0x1D830] =	vst v0;
	v0 =	vmul.f32 v4, v2  }
0x3af: {  	[tilespmem:s2+$0x1D840] =	vst v3;
	v1 =	vmul.f32 v7, v1  }
0x3b0: {  	[tilespmem:s2+$0x1D850] =	vst v0  }
0x3b1: {  	s28 =	simm.s32 $0x0;
	s29 =	rddreg [dreg:$0x17];
	[tilespmem:s2+$0x1D860] =	vst v1  }
0x3b2: {  	[hbm4b:s29+s28] =	stream.linear.scatter [tilespmem:s18], [sflag:$0x7], $0x1400, $0x38;
	v63 =	vld [tilespmem:$0x0]  }
0x3b3: {  	s30 =	simm.s32 $0x15F68  }
0x3b4: {  	[tilespmem:s10], [sflag:$0x1] =	stream.indirect.gather [spmem:s4], $0x80, s30, s8, $0xb8;
	v63 =	vld [tilespmem:$0x0]  }
0x3b5: {  	s31 =	rddreg [dreg:$0x1b]  }
0x3b6: {  	[tilespmem:s11], [sflag:$0x4] =	stream.linear.gather [hbm4b:s31+s28], $0x1400, $0x38;
	v63 =	vld [tilespmem:$0x0]  }
0x3b7: {  	_ =	swait.ge [sflag:s19], $0x1400  }
0x3b8: {  	[sflag:s19] =	ssyncset.done $0x0  }
0x3b9: {  	[sflag:s19] =	ssyncadd.s32 $0xFFFFEC00  }
0x3ba: {  	_ =	swait.ge [sflag:s20], $0x1400  }
0x3bb: {  	[sflag:s20] =	ssyncset.done $0x0  }
0x3bc: {  	[sflag:s20] =	ssyncadd.s32 $0xFFFFEC00  }
0x3bd: {  	_ =	swait.ge [sflag:s25], $0x1400  }
0x3be: {  	[sflag:s25] =	ssyncset.done $0x0  }
0x3bf: {  	s0 =	simm.s32 $0x0;
	[sflag:s25] =	ssyncadd.s32 $0xFFFFEC00  }
0x3c0: {  	v0 =	vld [tilespmem:s0+$0x17470]  }
0x3c1: {  	v1 =	vld [tilespmem:s0+$0x1B070]  }
0x3c2: {  	v2 =	vld [tilespmem:s0+$0x17400]  }
0x3c3: {  	v3 =	vld [tilespmem:s0+$0x1B000]  }
0x3c4: {  	v4 =	vld [tilespmem:s0+$0x17410]  }
0x3c5: {  	v5 =	vld [tilespmem:s0+$0x1B010]  }
0x3c6: {  	v6 =	vld [tilespmem:s0+$0x17420]  }
0x3c7: {  	v7 =	vld [tilespmem:s0+$0x17430]  }
0x3c8: {  	v0 =	vmul.f32 v1, v0;
	v1 =	vld [tilespmem:s0+$0x1B020]  }
0x3c9: {  	v8 =	vld [tilespmem:s0+$0x1B030]  }
0x3ca: {  	v9 =	vld [tilespmem:s0+$0x1B040];
	v2 =	vmul.f32 v3, v2  }
0x3cb: {  	[tilespmem:s0+$0x1EC70] =	vst v0;
	v0 =	vmul.f32 v5, v4;
	v5 =	vld [tilespmem:s0+$0x17440]  }
0x3cc: {  	v3 =	vld [tilespmem:s0+$0x1B050];
	[tilespmem:s0+$0x1EC00] =	vst v2  }
0x3cd: {  	v2 =	vld [tilespmem:s0+$0x17450];
	[tilespmem:s0+$0x1EC10] =	vst v0;
	v0 =	vmul.f32 v1, v6  }
0x3ce: {  	v4 =	vld [tilespmem:s0+$0x1B060];
	v6 =	vmul.f32 v8, v7  }
0x3cf: {  	s2 =	simm.s32 $0x80;
	[tilespmem:s0+$0x1EC20] =	vst v0;
	v0 =	vld [tilespmem:s0+$0x17460]  }
0x3d0: {  	s5 =	simm.s32 $0x400;
	v5 =	vmul.f32 v9, v5;
	v1 =	vld [tilespmem:s2+$0x17470];
	[tilespmem:s0+$0x1EC30] =	vst v6  }
.LBB2_30:
0x3d1: {  	p1 =	sne.s32 s5, $0x4E00;
	v6 =	vld [tilespmem:s2+$0x1B070]  }
0x3d2: {  	v7 =	vld [tilespmem:s2+$0x17400];
	[tilespmem:s0+$0x1EC40] =	vst v5;
	v2 =	vmul.f32 v3, v2  }
0x3d3: {  	v3 =	vld [tilespmem:s2+$0x1B000]  }
0x3d4: {  	v5 =	vld [tilespmem:s2+$0x17410];
	[tilespmem:s0+$0x1EC50] =	vst v2;
	v0 =	vmul.f32 v4, v0  }
0x3d5: {  	v2 =	vld [tilespmem:s2+$0x1B010]  }
0x3d6: {  	v4 =	vld [tilespmem:s2+$0x17420];
	v1 =	vmul.f32 v6, v1;
	[tilespmem:s0+$0x1EC60] =	vst v0;
	s0 =	smov.u32 s2  }
0x3d7: {  	v0 =	vld [tilespmem:s0+$0x1B020]  }
0x3d8: {  	v3 =	vmul.f32 v3, v7;
	v6 =	vld [tilespmem:s0+$0x17430];
	[tilespmem:s0+$0x1EC70] =	vst v1  }
0x3d9: {  	v1 =	vld [tilespmem:s0+$0x1B030]  }
0x3da: {  	[tilespmem:s0+$0x1EC00] =	vst v3;
	v2 =	vmul.f32 v2, v5;
	v5 =	vld [tilespmem:s0+$0x17440]  }
0x3db: {  	v7 =	vld [tilespmem:s0+$0x1B040]  }
.Ltmp14:
0x3dc: {  	[tilespmem:s0+$0x1EC10] =	vst v2;
	v0 =	vmul.f32 v0, v4;
	v2 =	vld [tilespmem:s0+$0x17450];
	(pc) =	sbr.rel @p1 .LBB2_30-.Ltmp14, $4  }
0x3dd: {  	v3 =	vld [tilespmem:s0+$0x1B050]  }
0x3de: {  	[tilespmem:s0+$0x1EC20] =	vst v0;
	v6 =	vmul.f32 v1, v6;
	v0 =	vld [tilespmem:s0+$0x17460]  }
0x3df: {  	s2 =	sshra.s32 s5, $0x2;
	v4 =	vld [tilespmem:s0+$0x1B060]  }
0x3e0: {  	s5 =	sadd.s32 $0x200, s5;
	v1 =	vld [tilespmem:s2+$0x17470];
	[tilespmem:s0+$0x1EC30] =	vst v6;
	v5 =	vmul.f32 v7, v5  }
0x3e1: {  	v6 =	vld [tilespmem:s2+$0x1B070]  }
0x3e2: {  	v7 =	vld [tilespmem:s2+$0x17400];
	[tilespmem:s0+$0x1EC40] =	vst v5;
	v2 =	vmul.f32 v3, v2  }
0x3e3: {  	v3 =	vld [tilespmem:s2+$0x1B000]  }
0x3e4: {  	v5 =	vld [tilespmem:s2+$0x17410];
	[tilespmem:s0+$0x1EC50] =	vst v2;
	v0 =	vmul.f32 v4, v0  }
0x3e5: {  	v2 =	vld [tilespmem:s2+$0x1B010]  }
0x3e6: {  	v4 =	vld [tilespmem:s2+$0x17420];
	[tilespmem:s0+$0x1EC60] =	vst v0  }
0x3e7: {  	v0 =	vmul.f32 v6, v1;
	v1 =	vld [tilespmem:s2+$0x1B020]  }
0x3e8: {  	v6 =	vld [tilespmem:s2+$0x17430]  }
0x3e9: {  	v3 =	vmul.f32 v3, v7;
	[tilespmem:s2+$0x1EC70] =	vst v0;
	v0 =	vld [tilespmem:s2+$0x1B030]  }
0x3ea: {  	v7 =	vld [tilespmem:s2+$0x1B060]  }
0x3eb: {  	[tilespmem:s2+$0x1EC00] =	vst v3;
	v2 =	vmul.f32 v2, v5;
	v3 =	vld [tilespmem:s2+$0x17440]  }
0x3ec: {  	v5 =	vld [tilespmem:s2+$0x1B040]  }
0x3ed: {  	[tilespmem:s2+$0x1EC10] =	vst v2;
	v1 =	vmul.f32 v1, v4;
	v2 =	vld [tilespmem:s2+$0x17450]  }
0x3ee: {  	v4 =	vld [tilespmem:s2+$0x1B050]  }
0x3ef: {  	[tilespmem:s2+$0x1EC20] =	vst v1;
	v1 =	vld [tilespmem:s2+$0x17460];
	_ =	sdelay $0x1  }
0x3f0: {  	v0 =	vmul.f32 v0, v6  }
0x3f1: {  	v3 =	vmul.f32 v5, v3  }
0x3f2: {  	[tilespmem:s2+$0x1EC30] =	vst v0;
	v0 =	vmul.f32 v4, v2  }
0x3f3: {  	[tilespmem:s2+$0x1EC40] =	vst v3;
	v1 =	vmul.f32 v7, v1  }
0x3f4: {  	[tilespmem:s2+$0x1EC50] =	vst v0  }
0x3f5: {  	s30 =	simm.s32 $0x0;
	s31 =	rddreg [dreg:$0x18];
	[tilespmem:s2+$0x1EC60] =	vst v1  }
0x3f6: {  	[hbm4b:s31+s30] =	stream.linear.scatter [tilespmem:s21], [sflag:$0x8], $0x1400, $0x38;
	v63 =	vld [tilespmem:$0x0]  }
0x3f7: {  	_ =	swait.ge [sflag:s22], $0x1400  }
0x3f8: {  	[sflag:s22] =	ssyncset.done $0x0  }
0x3f9: {  	[sflag:s22] =	ssyncadd.s32 $0xFFFFEC00  }
0x3fa: {  	_ =	swait.ge [sflag:s23], $0x1400  }
0x3fb: {  	[sflag:s23] =	ssyncset.done $0x0  }
0x3fc: {  	[sflag:s23] =	ssyncadd.s32 $0xFFFFEC00  }
0x3fd: {  	_ =	swait.ge [sflag:s24], $0x1400  }
0x3fe: {  	[sflag:s24] =	ssyncset.done $0x0  }
0x3ff: {  	s0 =	simm.s32 $0x0;
	[sflag:s24] =	ssyncadd.s32 $0xFFFFEC00  }
0x400: {  	v0 =	vld [tilespmem:s0+$0x18870]  }
0x401: {  	v1 =	vld [tilespmem:s0+$0x1C470]  }
0x402: {  	v2 =	vld [tilespmem:s0+$0x18800]  }
0x403: {  	v3 =	vld [tilespmem:s0+$0x1C400]  }
0x404: {  	v4 =	vld [tilespmem:s0+$0x18810]  }
0x405: {  	v5 =	vld [tilespmem:s0+$0x1C410]  }
0x406: {  	v6 =	vld [tilespmem:s0+$0x18820]  }
0x407: {  	v7 =	vld [tilespmem:s0+$0x18830]  }
0x408: {  	v0 =	vmul.f32 v1, v0;
	v1 =	vld [tilespmem:s0+$0x1C420]  }
0x409: {  	v8 =	vld [tilespmem:s0+$0x1C430]  }
0x40a: {  	v9 =	vld [tilespmem:s0+$0x1C440];
	v2 =	vmul.f32 v3, v2  }
0x40b: {  	[tilespmem:s0+$0x1D870] =	vst v0;
	v0 =	vmul.f32 v5, v4;
	v5 =	vld [tilespmem:s0+$0x18840]  }
0x40c: {  	v3 =	vld [tilespmem:s0+$0x1C450];
	[tilespmem:s0+$0x1D800] =	vst v2  }
0x40d: {  	v2 =	vld [tilespmem:s0+$0x18850];
	[tilespmem:s0+$0x1D810] =	vst v0;
	v0 =	vmul.f32 v1, v6  }
0x40e: {  	v4 =	vld [tilespmem:s0+$0x1C460];
	v6 =	vmul.f32 v8, v7  }
0x40f: {  	s2 =	simm.s32 $0x80;
	[tilespmem:s0+$0x1D820] =	vst v0;
	v0 =	vld [tilespmem:s0+$0x18860]  }
0x410: {  	s5 =	simm.s32 $0x400;
	v5 =	vmul.f32 v9, v5;
	v1 =	vld [tilespmem:s2+$0x18870];
	[tilespmem:s0+$0x1D830] =	vst v6  }
.LBB2_32:
0x411: {  	p1 =	sne.s32 s5, $0x4E00;
	v6 =	vld [tilespmem:s2+$0x1C470]  }
0x412: {  	v7 =	vld [tilespmem:s2+$0x18800];
	[tilespmem:s0+$0x1D840] =	vst v5;
	v2 =	vmul.f32 v3, v2  }
0x413: {  	v3 =	vld [tilespmem:s2+$0x1C400]  }
0x414: {  	v5 =	vld [tilespmem:s2+$0x18810];
	[tilespmem:s0+$0x1D850] =	vst v2;
	v0 =	vmul.f32 v4, v0  }
0x415: {  	v2 =	vld [tilespmem:s2+$0x1C410]  }
0x416: {  	v4 =	vld [tilespmem:s2+$0x18820];
	v1 =	vmul.f32 v6, v1;
	[tilespmem:s0+$0x1D860] =	vst v0;
	s0 =	smov.u32 s2  }
0x417: {  	v0 =	vld [tilespmem:s0+$0x1C420]  }
0x418: {  	v3 =	vmul.f32 v3, v7;
	v6 =	vld [tilespmem:s0+$0x18830];
	[tilespmem:s0+$0x1D870] =	vst v1  }
0x419: {  	v1 =	vld [tilespmem:s0+$0x1C430]  }
0x41a: {  	[tilespmem:s0+$0x1D800] =	vst v3;
	v2 =	vmul.f32 v2, v5;
	v5 =	vld [tilespmem:s0+$0x18840]  }
0x41b: {  	v7 =	vld [tilespmem:s0+$0x1C440]  }
.Ltmp15:
0x41c: {  	[tilespmem:s0+$0x1D810] =	vst v2;
	v0 =	vmul.f32 v0, v4;
	v2 =	vld [tilespmem:s0+$0x18850];
	(pc) =	sbr.rel @p1 .LBB2_32-.Ltmp15, $4  }
0x41d: {  	v3 =	vld [tilespmem:s0+$0x1C450]  }
0x41e: {  	[tilespmem:s0+$0x1D820] =	vst v0;
	v6 =	vmul.f32 v1, v6;
	v0 =	vld [tilespmem:s0+$0x18860]  }
0x41f: {  	s2 =	sshra.s32 s5, $0x2;
	v4 =	vld [tilespmem:s0+$0x1C460]  }
0x420: {  	s5 =	sadd.s32 $0x200, s5;
	v1 =	vld [tilespmem:s2+$0x18870];
	[tilespmem:s0+$0x1D830] =	vst v6;
	v5 =	vmul.f32 v7, v5  }
0x421: {  	v6 =	vld [tilespmem:s2+$0x1C470]  }
0x422: {  	v7 =	vld [tilespmem:s2+$0x18800];
	[tilespmem:s0+$0x1D840] =	vst v5;
	v2 =	vmul.f32 v3, v2  }
0x423: {  	v3 =	vld [tilespmem:s2+$0x1C400]  }
0x424: {  	v5 =	vld [tilespmem:s2+$0x18810];
	[tilespmem:s0+$0x1D850] =	vst v2;
	v0 =	vmul.f32 v4, v0  }
0x425: {  	v2 =	vld [tilespmem:s2+$0x1C410]  }
0x426: {  	v4 =	vld [tilespmem:s2+$0x18820];
	[tilespmem:s0+$0x1D860] =	vst v0  }
0x427: {  	v0 =	vmul.f32 v6, v1;
	v1 =	vld [tilespmem:s2+$0x1C420]  }
0x428: {  	v6 =	vld [tilespmem:s2+$0x18830]  }
0x429: {  	v3 =	vmul.f32 v3, v7;
	[tilespmem:s2+$0x1D870] =	vst v0;
	v0 =	vld [tilespmem:s2+$0x1C430]  }
0x42a: {  	v7 =	vld [tilespmem:s2+$0x1C460]  }
0x42b: {  	[tilespmem:s2+$0x1D800] =	vst v3;
	v2 =	vmul.f32 v2, v5;
	v3 =	vld [tilespmem:s2+$0x18840]  }
0x42c: {  	v5 =	vld [tilespmem:s2+$0x1C440]  }
0x42d: {  	[tilespmem:s2+$0x1D810] =	vst v2;
	v1 =	vmul.f32 v1, v4;
	v2 =	vld [tilespmem:s2+$0x18850]  }
0x42e: {  	v4 =	vld [tilespmem:s2+$0x1C450]  }
0x42f: {  	[tilespmem:s2+$0x1D820] =	vst v1;
	v1 =	vld [tilespmem:s2+$0x18860];
	_ =	sdelay $0x1  }
0x430: {  	v0 =	vmul.f32 v0, v6  }
0x431: {  	v3 =	vmul.f32 v5, v3  }
0x432: {  	[tilespmem:s2+$0x1D830] =	vst v0;
	v0 =	vmul.f32 v4, v2  }
0x433: {  	[tilespmem:s2+$0x1D840] =	vst v3;
	v1 =	vmul.f32 v7, v1  }
0x434: {  	[tilespmem:s2+$0x1D850] =	vst v0  }
0x435: {  	s30 =	simm.s32 $0x0;
	s31 =	rddreg [dreg:$0x1a];
	[tilespmem:s2+$0x1D860] =	vst v1  }
0x436: {  	[hbm4b:s31+s30] =	stream.linear.scatter [tilespmem:s18], [sflag:$0x7], $0x1400, $0x38;
	v63 =	vld [tilespmem:$0x0]  }
0x437: {  	_ =	swait.ge [sflag:s16], $0x1400  }
0x438: {  	[sflag:s16] =	ssyncset.done $0x0  }
0x439: {  	[sflag:s16] =	ssyncadd.s32 $0xFFFFEC00  }
0x43a: {  	_ =	swait.ge [sflag:s17], $0x1400  }
0x43b: {  	[sflag:s17] =	ssyncset.done $0x0  }
0x43c: {  	[sflag:s17] =	ssyncadd.s32 $0xFFFFEC00  }
0x43d: {  	_ =	swait.ge [sflag:s25], $0x1400  }
0x43e: {  	[sflag:s25] =	ssyncset.done $0x0  }
0x43f: {  	s0 =	simm.s32 $0x0;
	[sflag:s25] =	ssyncadd.s32 $0xFFFFEC00  }
0x440: {  	v0 =	vld [tilespmem:s0+$0x16070]  }
0x441: {  	v1 =	vld [tilespmem:s0+$0x19C70]  }
0x442: {  	v2 =	vld [tilespmem:s0+$0x16000]  }
0x443: {  	v3 =	vld [tilespmem:s0+$0x19C00]  }
0x444: {  	v4 =	vld [tilespmem:s0+$0x16010]  }
0x445: {  	v5 =	vld [tilespmem:s0+$0x19C10]  }
0x446: {  	v6 =	vld [tilespmem:s0+$0x16020]  }
0x447: {  	v7 =	vld [tilespmem:s0+$0x16030]  }
0x448: {  	v0 =	vmul.f32 v1, v0;
	v1 =	vld [tilespmem:s0+$0x19C20]  }
0x449: {  	v8 =	vld [tilespmem:s0+$0x19C30]  }
0x44a: {  	v9 =	vld [tilespmem:s0+$0x19C40];
	v2 =	vmul.f32 v3, v2  }
0x44b: {  	[tilespmem:s0+$0x1EC70] =	vst v0;
	v0 =	vmul.f32 v5, v4;
	v5 =	vld [tilespmem:s0+$0x16040]  }
0x44c: {  	v3 =	vld [tilespmem:s0+$0x19C50];
	[tilespmem:s0+$0x1EC00] =	vst v2  }
0x44d: {  	v2 =	vld [tilespmem:s0+$0x16050];
	[tilespmem:s0+$0x1EC10] =	vst v0;
	v0 =	vmul.f32 v1, v6  }
0x44e: {  	v4 =	vld [tilespmem:s0+$0x19C60];
	v6 =	vmul.f32 v8, v7  }
0x44f: {  	s2 =	simm.s32 $0x80;
	[tilespmem:s0+$0x1EC20] =	vst v0;
	v0 =	vld [tilespmem:s0+$0x16060]  }
0x450: {  	s5 =	simm.s32 $0x400;
	v5 =	vmul.f32 v9, v5;
	v1 =	vld [tilespmem:s2+$0x16070];
	[tilespmem:s0+$0x1EC30] =	vst v6  }
.LBB2_34:
0x451: {  	p1 =	sne.s32 s5, $0x4E00;
	v6 =	vld [tilespmem:s2+$0x19C70]  }
0x452: {  	v7 =	vld [tilespmem:s2+$0x16000];
	[tilespmem:s0+$0x1EC40] =	vst v5;
	v2 =	vmul.f32 v3, v2  }
0x453: {  	v3 =	vld [tilespmem:s2+$0x19C00]  }
0x454: {  	v5 =	vld [tilespmem:s2+$0x16010];
	[tilespmem:s0+$0x1EC50] =	vst v2;
	v0 =	vmul.f32 v4, v0  }
0x455: {  	v2 =	vld [tilespmem:s2+$0x19C10]  }
0x456: {  	v4 =	vld [tilespmem:s2+$0x16020];
	v1 =	vmul.f32 v6, v1;
	[tilespmem:s0+$0x1EC60] =	vst v0;
	s0 =	smov.u32 s2  }
0x457: {  	v0 =	vld [tilespmem:s0+$0x19C20]  }
0x458: {  	v3 =	vmul.f32 v3, v7;
	v6 =	vld [tilespmem:s0+$0x16030];
	[tilespmem:s0+$0x1EC70] =	vst v1  }
0x459: {  	v1 =	vld [tilespmem:s0+$0x19C30]  }
0x45a: {  	[tilespmem:s0+$0x1EC00] =	vst v3;
	v2 =	vmul.f32 v2, v5;
	v5 =	vld [tilespmem:s0+$0x16040]  }
0x45b: {  	v7 =	vld [tilespmem:s0+$0x19C40]  }
.Ltmp16:
0x45c: {  	[tilespmem:s0+$0x1EC10] =	vst v2;
	v0 =	vmul.f32 v0, v4;
	v2 =	vld [tilespmem:s0+$0x16050];
	(pc) =	sbr.rel @p1 .LBB2_34-.Ltmp16, $4  }
0x45d: {  	v3 =	vld [tilespmem:s0+$0x19C50]  }
0x45e: {  	[tilespmem:s0+$0x1EC20] =	vst v0;
	v6 =	vmul.f32 v1, v6;
	v0 =	vld [tilespmem:s0+$0x16060]  }
0x45f: {  	s2 =	sshra.s32 s5, $0x2;
	v4 =	vld [tilespmem:s0+$0x19C60]  }
0x460: {  	s5 =	sadd.s32 $0x200, s5;
	v1 =	vld [tilespmem:s2+$0x16070];
	[tilespmem:s0+$0x1EC30] =	vst v6;
	v5 =	vmul.f32 v7, v5  }
0x461: {  	v6 =	vld [tilespmem:s2+$0x19C70]  }
0x462: {  	v7 =	vld [tilespmem:s2+$0x16000];
	[tilespmem:s0+$0x1EC40] =	vst v5;
	v2 =	vmul.f32 v3, v2  }
0x463: {  	v50 =	vld [tilespmem:s2+$0x19C00]  }
0x464: {  	v5 =	vld [tilespmem:s2+$0x16010];
	[tilespmem:s0+$0x1EC50] =	vst v2;
	v0 =	vmul.f32 v4, v0  }
0x465: {  	v2 =	vld [tilespmem:s2+$0x19C10]  }
0x466: {  	v51 =	vld [tilespmem:s2+$0x16020];
	[tilespmem:s0+$0x1EC60] =	vst v0  }
0x467: {  	v53 =	vld [tilespmem:s2+$0x19C20]  }
0x468: {  	v54 =	vld [tilespmem:s2+$0x16030]  }
0x469: {  	v55 =	vld [tilespmem:s2+$0x19C30]  }
0x46a: {  	v56 =	vld [tilespmem:s2+$0x16040]  }
0x46b: {  	v57 =	vld [tilespmem:s2+$0x19C40]  }
0x46c: {  	v58 =	vld [tilespmem:s2+$0x16050]  }
0x46d: {  	v52 =	vmul.f32 v6, v1;
	v59 =	vld [tilespmem:s2+$0x19C50]  }
0x46e: {  	v60 =	vld [tilespmem:s2+$0x16060];
	v3 =	vmul.f32 v50, v7  }
0x46f: {  	v61 =	vld [tilespmem:s2+$0x19C60];
	[tilespmem:s2+$0x1EC70] =	vst v52;
	v2 =	vmul.f32 v2, v5  }
0x470: {  	[tilespmem:s2+$0x1EC00] =	vst v3;
	v1 =	vmul.f32 v53, v51  }
0x471: {  	[tilespmem:s2+$0x1EC10] =	vst v2;
	v0 =	vmul.f32 v55, v54  }
0x472: {  	v3 =	vmul.f32 v57, v56;
	[tilespmem:s2+$0x1EC20] =	vst v1  }
0x473: {  	v62 =	vmul.f32 v59, v58;
	[tilespmem:s2+$0x1EC30] =	vst v0  }
0x474: {  	[tilespmem:s2+$0x1EC40] =	vst v3;
	v1 =	vmul.f32 v61, v60  }
0x475: {  	[tilespmem:s2+$0x1EC50] =	vst v62  }
0x476: {  	s29 =	rddreg [dreg:$0x1c];
	[tilespmem:s2+$0x1EC60] =	vst v1  }
0x477: {  	[hbm4b:s29+s26] =	stream.linear.scatter [tilespmem:s21], [sflag:$0x8], $0x1400, $0x38;
	v63 =	vld [tilespmem:$0x0]  }
0x478: {  	_ =	swait.ge [sflag:s24], $0x1400  }
0x479: {  	[sflag:s24] =	ssyncset.done $0x0  }
0x47a: {  	[sflag:s24] =	ssyncadd.s32 $0xFFFFEC00  }
0x47b: {  	_ =	swait.ge [sflag:s25], $0x1400  }
0x47c: {  	s30 =	sld [smem:$0x7FD];
	_ =	sdelay $0x2  }
0x47d: {  	s31 =	rddreg [dreg:$0x1d];
	s2 =	sadd.s32 $0x1, s30  }
0x47e: {  	p1 =	sne.s32 s2, s31  }
.Ltmp17:
0x47f: {  	_ = 	snop;
	(pc) =	sbr.rel @p1 .LBB2_1-.Ltmp17, $3  }
0x480: {  	_ =	sdelay $0x1  }
0x481: {  	[sflag:s25] =	ssyncset.done $0x0  }
0x482: {  	[sflag:s25] =	ssyncadd.s32 $0xFFFFEC00  }
0x483: {  	_ =	sfence.sel $0x180000  }
0x484: {  	[bflag:$0x0] =	sbarrier.arrive $0xFFFF  }
0x485: {  	_ =	strace $0x90000047  }
0x486: {  	s0 =	stileid.u32;
	[bflag:$0x2] =	sbarrier.arrive $0xFFFF  }
0x487: {  	p0 =	sne.s32 s0, $0x0;
	s0 =	rddreg [dreg:$0x5]  }
0x488: {  	s0 =	sadd.s32 @!p0 $0x100000, s0  }
0x489: {  	[sflag:s0] =	ssyncadd.tile.s32 @!p0 $0x1;
	_ =	shalt  }
.Lfunc_end2:
_tile_overlayer_lowered:
.L_overlay_start_2:
0x48a: {  	(tag) =	ssettag $0x2  }
0x48b: {  	s0 =	rddreg [dreg:$0x0];
	s2 =	stileid.u32  }
0x48c: {  	s1 =	rddreg [dreg:$0x1];
	p0 =	sne.s32 s2, $0x0  }
0x48d: {  	s3 =	rddreg [dreg:$0x2];
	[bflag:$0x3] =	sbarrier.arrive $0xFFFF;
	s2 =	simm.s32 @!p0 $0x1C09  }
0x48e: {  	[timem:s3], [sflag:s2] =	dma.local @!p0 [hbm:s0], s1  }
0x48f: {  	s0 =	simm.s32 @!p0 $0x9  }
0x490: {  	_ =	swait.ge @!p0 [sflag:s0], s1  }
0x491: {  	s1 =	ssub.s32 @!p0 $0x0, s1;
	[sflag:s0] =	ssyncset.done @!p0 $0x0  }
0x492: {  	[sflag:s0] =	ssyncadd.s32 @!p0 s1  }
0x493: {  	[bflag:$0x3] =	sbarrier.arrive $0xFFFF  }
0x494: {  	_ =	shalt  }

</sc_bundles>
